<compile_context>
chip_gen: v7x
topology: tpu7x:2x2x1
jax: 0.10.2.dev20260603
libtpu: 0.0.44.dev20260713+nightly
codegen_flags: <defaults>
</compile_context>

<pallas_src>
import functools

import jax
import jax.numpy as jnp
from jax import lax
from jax.experimental import pallas as pl
from jax.experimental.pallas import tpu as pltpu
from jax.experimental.pallas import tpu_sc as plsc

_NC = 2
_NS = 16
_K = 80



@functools.lru_cache(maxsize=None)
def _make_deg_kernel(npad: int, e: int, k: int):
    ept = e // (_NC * _NS)
    nbatch = ept // k
    rpt = npad // _NS
    mesh = plsc.VectorSubcoreMesh(core_axis_name="c", subcore_axis_name="s")

    @functools.partial(
        pl.kernel,
        mesh=mesh,
        out_type=jax.ShapeDtypeStruct((_NC * npad,), jnp.float32),
        scratch_types=[
            pltpu.VMEM((_NB, k), jnp.int32),
            pltpu.VMEM((k,), jnp.float32),
            pltpu.VMEM_SHARED((npad,), jnp.float32),
        ] + [pltpu.SemaphoreType.DMA] * _NB,
    )
    def deg_k(dst_hbm, ones_hbm, zero_hbm, out_hbm, dstv, onesv, degs, *isem):
        cid = lax.axis_index("c")
        sid = lax.axis_index("s")
        r0 = sid * rpt
        pltpu.sync_copy(zero_hbm, degs.at[pl.ds(r0, rpt)])
        pltpu.sync_copy(ones_hbm, onesv)
        plsc.subcore_barrier()
        ebase = cid * (e // _NC) + sid * ept

        def start_idx(b, slot):
            off = pl.multiple_of(ebase + b * k, 8)
            pltpu.async_copy(dst_hbm.at[pl.ds(off, k)], dstv.at[slot],
                             isem[slot])

        def wait_idx(slot):
            pltpu.make_async_copy(dst_hbm.at[pl.ds(ebase, k)],
                                  dstv.at[slot], isem[slot]).wait()

        for b in range(_NB - 1):
            start_idx(b, b)

        def round_body(i, carry):
            b0 = i * _NB
            for s in range(_NB):
                start_idx(b0 + s + _NB - 1, (s + _NB - 1) % _NB)
                wait_idx(s)
                pltpu.sync_copy(onesv, degs.at[dstv.at[s]], add=True)
            return carry

        nround = (nbatch - (_NB - 1)) // _NB
        lax.fori_loop(0, nround, round_body, 0)
        for b in range(nround * _NB, nbatch):
            s = b % _NB
            if b + _NB - 1 < nbatch:
                start_idx(b + _NB - 1, (s + _NB - 1) % _NB)
            wait_idx(s)
            pltpu.sync_copy(onesv, degs.at[dstv.at[s]], add=True)

        plsc.subcore_barrier()
        pltpu.sync_copy(
            degs.at[pl.ds(r0, rpt)],
            out_hbm.at[pl.ds(cid * npad + r0, rpt)],
        )

    return deg_k


_NB = 4


@functools.lru_cache(maxsize=None)
def _make_edge_kernel(npad: int, e: int, h: int, k: int):
    ept = e // (_NC * _NS)
    rpt = npad // _NS
    nbatch = ept // k
    mesh = plsc.VectorSubcoreMesh(core_axis_name="c", subcore_axis_name="s")

    @functools.partial(
        pl.kernel,
        mesh=mesh,
        out_type=jax.ShapeDtypeStruct((_NC * npad, h), jnp.float32),
        scratch_types=[
            pltpu.VMEM((_NB, k), jnp.int32),
            pltpu.VMEM((_NB, k), jnp.int32),
            pltpu.VMEM((_NB, k, h), jnp.float32),
            pltpu.VMEM_SHARED((npad, h), jnp.float32),
        ] + [pltpu.SemaphoreType.DMA] * (3 * _NB),
    )
    def edge_k(g_hbm, src_hbm, dst_hbm, zero_hbm, out_hbm,
               srcv, dstv, rows, aggs, *sems):
        gsem = sems[:_NB]
        isem = sems[_NB:2 * _NB]
        ssem = sems[2 * _NB:]
        cid = lax.axis_index("c")
        sid = lax.axis_index("s")
        r0 = sid * rpt
        pltpu.sync_copy(zero_hbm, aggs.at[pl.ds(r0, rpt)])
        plsc.subcore_barrier()
        ebase = cid * (e // _NC) + sid * ept

        def start_idx(b, slot):
            off = pl.multiple_of(ebase + b * k, 8)
            pltpu.async_copy(src_hbm.at[pl.ds(off, k)], srcv.at[slot],
                             isem[slot])
            pltpu.async_copy(dst_hbm.at[pl.ds(off, k)], dstv.at[slot],
                             isem[slot])

        def wait_idx(slot):
            pltpu.make_async_copy(src_hbm.at[pl.ds(ebase, k)],
                                  srcv.at[slot], isem[slot]).wait()
            pltpu.make_async_copy(dst_hbm.at[pl.ds(ebase, k)],
                                  dstv.at[slot], isem[slot]).wait()

        def start_gather(slot):
            pltpu.async_copy(g_hbm.at[srcv.at[slot]], rows.at[slot],
                             gsem[slot])

        def wait_gather(slot):
            pltpu.make_async_copy(g_hbm.at[srcv.at[slot]], rows.at[slot],
                                  gsem[slot]).wait()

        def start_scatter(slot):
            pltpu.async_copy(rows.at[slot], aggs.at[dstv.at[slot]],
                             ssem[slot], add=True)

        def wait_scatter(slot):
            pltpu.make_async_copy(rows.at[slot], aggs.at[dstv.at[slot]],
                                  ssem[slot]).wait()

        start_idx(0, 0)
        start_idx(1, 1)
        wait_idx(0)
        start_gather(0)
        for b in (0, 1):
            start_idx(b + 2, b + 2)
            wait_idx(b + 1)
            start_gather(b + 1)
            wait_gather(b)
            start_scatter(b)

        def step(b, s):
            wait_scatter((s + 2) % _NB)
            start_idx(b + 2, (s + 2) % _NB)
            wait_idx((s + 1) % _NB)
            start_gather((s + 1) % _NB)
            wait_gather(s)
            start_scatter(s)

        nround = (nbatch - 2 - 3) // _NB
        def round_body(i, carry):
            b0 = 2 + i * _NB
            for s in range(_NB):
                step(b0 + s, (2 + s) % _NB)
            return carry

        lax.fori_loop(0, nround, round_body, 0)

        for b in range(2 + nround * _NB, nbatch):
            s = b % _NB
            wait_scatter((s + 2) % _NB)
            if b + 2 < nbatch:
                start_idx(b + 2, (s + 2) % _NB)
            if b + 1 < nbatch:
                wait_idx((s + 1) % _NB)
                start_gather((s + 1) % _NB)
            wait_gather(s)
            start_scatter(s)
        wait_scatter((nbatch - 2) % _NB)
        wait_scatter((nbatch - 1) % _NB)

        plsc.subcore_barrier()
        pltpu.sync_copy(
            aggs.at[pl.ds(r0, rpt)],
            out_hbm.at[pl.ds(cid * npad + r0, rpt)],
        )

    return edge_k



def _tc1a_body(x_ref, w_ref, h_ref):
    h_ref[...] = jnp.dot(x_ref[...], w_ref[...],
                         preferred_element_type=jnp.float32)


def _tc1b_body(d0_ref, d1_ref, h_ref, dis_ref, g_ref):
    deg = d0_ref[...] + d1_ref[...] + 1.0
    dis = lax.rsqrt(deg)
    dis_ref[...] = dis
    g_ref[...] = h_ref[...] * dis


def _tc2_body(p0_ref, p1_ref, g_ref, dis_ref, b_ref, w_ref, out_ref):
    agg = p0_ref[...] + p1_ref[...] + g_ref[...]
    z = jnp.maximum(agg * dis_ref[...] + b_ref[...], 0.0)
    out_ref[...] = (
        jnp.dot(z, w_ref[...], preferred_element_type=jnp.float32)
        * dis_ref[...]
    )


def _tc3_body(p0_ref, p1_ref, g_ref, dis_ref, b_ref, wf_ref, bf_ref, out_ref):
    agg = p0_ref[...] + p1_ref[...] + g_ref[...]
    z = jnp.maximum(agg * dis_ref[...] + b_ref[...], 0.0)
    logits = (
        jnp.dot(z, wf_ref[...], preferred_element_type=jnp.float32)
        + bf_ref[...]
    )
    m = jnp.max(logits, axis=1, keepdims=True)
    s = logits - m
    out_ref[...] = s - jnp.log(jnp.sum(jnp.exp(s), axis=1, keepdims=True))


def _row_block(n):
    for b in (5000, 2000, 1000, 500, 250, 200, 128, 100, 50, 40, 8):
        if n % b == 0 and b % 8 == 0:
            return b
    return n


def kernel(x, edge_index, W1, b1, W2, b2, Wf, bf):
    n, d = x.shape
    h = W1.shape[1]
    c = Wf.shape[1]
    e = edge_index.shape[1]
    src = edge_index[0]
    dst = edge_index[1]

    npad = -(-n // 2048) * 2048
    napad = -(-n // 128) * 128
    if napad == n:
        napad = n + 128
    ep = -(-e // (_NC * _NS * _K)) * (_NC * _NS * _K)
    if ep > e:
        pad = ep - e
        pad_src = (jnp.arange(pad, dtype=jnp.int32)) % n
        pad_dst = n + (jnp.arange(pad, dtype=jnp.int32)) % (napad - n)
        src = jnp.concatenate([src, pad_src])
        dst = jnp.concatenate([dst, pad_dst])

    b = _row_block(n)
    grid = (n // b,)

    ones_k = jnp.ones((_K,), jnp.float32)
    zero1 = jnp.zeros((npad // _NS,), jnp.float32)
    zero2 = jnp.zeros((napad // _NS, h), jnp.float32)

    degf = _make_deg_kernel(npad, ep, _K)(dst, ones_k, zero1)
    d0 = degf[:n].reshape(n, 1)
    d1 = degf[npad:npad + n].reshape(n, 1)

    h1 = pl.pallas_call(
        _tc1a_body,
        grid=grid,
        in_specs=[
            pl.BlockSpec((b, d), lambda i: (i, 0)),
            pl.BlockSpec((d, h), lambda i: (0, 0)),
        ],
        out_specs=pl.BlockSpec((b, h), lambda i: (i, 0)),
        out_shape=jax.ShapeDtypeStruct((n, h), jnp.float32),
    )(x, W1)

    dis, g1 = pl.pallas_call(
        _tc1b_body,
        grid=grid,
        in_specs=[
            pl.BlockSpec((b, 1), lambda i: (i, 0)),
            pl.BlockSpec((b, 1), lambda i: (i, 0)),
            pl.BlockSpec((b, h), lambda i: (i, 0)),
        ],
        out_specs=[
            pl.BlockSpec((b, 1), lambda i: (i, 0)),
            pl.BlockSpec((b, h), lambda i: (i, 0)),
        ],
        out_shape=[
            jax.ShapeDtypeStruct((n, 1), jnp.float32),
            jax.ShapeDtypeStruct((n, h), jnp.float32),
        ],
    )(d0, d1, h1)

    edge_k = _make_edge_kernel(napad, ep, h, _K)

    p = edge_k(g1, src, dst, zero2)

    g2 = pl.pallas_call(
        _tc2_body,
        grid=grid,
        in_specs=[
            pl.BlockSpec((b, h), lambda i: (i, 0)),
            pl.BlockSpec((b, h), lambda i: (i, 0)),
            pl.BlockSpec((b, h), lambda i: (i, 0)),
            pl.BlockSpec((b, 1), lambda i: (i, 0)),
            pl.BlockSpec((1, h), lambda i: (0, 0)),
            pl.BlockSpec((h, h), lambda i: (0, 0)),
        ],
        out_specs=pl.BlockSpec((b, h), lambda i: (i, 0)),
        out_shape=jax.ShapeDtypeStruct((n, h), jnp.float32),
    )(p[:n], p[napad:napad + n], g1, dis, b1.reshape(1, h), W2)

    p2 = edge_k(g2, src, dst, zero2)

    out = pl.pallas_call(
        _tc3_body,
        grid=grid,
        in_specs=[
            pl.BlockSpec((b, h), lambda i: (i, 0)),
            pl.BlockSpec((b, h), lambda i: (i, 0)),
            pl.BlockSpec((b, h), lambda i: (i, 0)),
            pl.BlockSpec((b, 1), lambda i: (i, 0)),
            pl.BlockSpec((1, h), lambda i: (0, 0)),
            pl.BlockSpec((d, c), lambda i: (0, 0)),
            pl.BlockSpec((1, c), lambda i: (0, 0)),
        ],
        out_specs=pl.BlockSpec((b, c), lambda i: (i, 0)),
        out_shape=jax.ShapeDtypeStruct((n, c), jnp.float32),
    )(p2[:n], p2[napad:napad + n], g2, dis, b2.reshape(1, h), Wf, bf.reshape(1, c))

    return out

# --- scband reference (transcript-rebuilt; emitter-appended) ---
"""Pipeline reference for scband-gcn-2l-26740466385303 (READ-ONLY COPY).

The authoritative reference and input builder live on the scoring server;
editing this copy changes nothing except your own understanding.
"""

import jax, jax.numpy as jnp
import numpy as np

N = 10000
E = 320000
D = 128
H = 128
C = 40


def setup_inputs(seed: int = 0) -> dict:
    key = jax.random.key(seed)
    ks = jax.random.split(key, 8)
    x = jax.random.normal(ks[0], (N, D), dtype=jnp.float32)
    edge_index = jax.random.randint(ks[1], (2, E), 0, N, dtype=jnp.int32)
    W1 = jax.random.normal(ks[2], (D, H), dtype=jnp.float32) * (1.0 / np.sqrt(D))
    b1 = jnp.zeros((H,), dtype=jnp.float32)
    W2 = jax.random.normal(ks[3], (H, H), dtype=jnp.float32) * (1.0 / np.sqrt(H))
    b2 = jnp.zeros((H,), dtype=jnp.float32)
    Wf = jax.random.normal(ks[4], (H, C), dtype=jnp.float32) * (1.0 / np.sqrt(H))
    bf = jnp.zeros((C,), dtype=jnp.float32)
    return {"x": x, "edge_index": edge_index, "W1": W1, "b1": b1, "W2": W2, "b2": b2, "Wf": Wf, "bf": bf}


def _gcn_layer(x, src, dst, W, b):
    # gcn_norm with add_self_loops=True, improved=False
    loop = jnp.arange(N, dtype=src.dtype)
    src2 = jnp.concatenate([src, loop])
    dst2 = jnp.concatenate([dst, loop])
    ones = jnp.ones(src2.shape[0], dtype=jnp.float32)
    deg = jax.ops.segment_sum(ones, dst2, num_segments=N)
    dis = jnp.where(deg > 0, jax.lax.rsqrt(jnp.maximum(deg, 1e-12)), 0.0)
    norm = dis[src2] * dis[dst2]
    h = x @ W
    msg = h[src2] * norm[:, None]
    out = jax.ops.segment_sum(msg, dst2, num_segments=N)
    return out + b


def reference(x, edge_index, W1, b1, W2, b2, Wf, bf):
    src = edge_index[0]
    dst = edge_index[1]
    h = jax.nn.relu(_gcn_layer(x, src, dst, W1, b1))
    h = jax.nn.relu(_gcn_layer(h, src, dst, W2, b2))
    # model_level == 'node' -> IdenticalPool readout
    out = h @ Wf + bf
    return jax.nn.log_softmax(out, axis=1)

if __name__ == "__main__":
    import jax
    _d = setup_inputs()
    print(jax.jit(kernel)(*tuple(_d.values())))

</pallas_src>

<mosaic_0001>
#map = affine_map<(d0, d1) -> (0, 0)>
#map1 = affine_map<(d0, d1) -> (0)>
module attributes {stable_mosaic.version = 14 : i64} {
  func.func @edge_k(%arg0: i32, %arg1: i32, %arg2: memref<10000x128xf32, #tpu.memory_space<hbm>>, %arg3: memref<320000xi32, #tpu.memory_space<hbm>>, %arg4: memref<320000xi32, #tpu.memory_space<hbm>>, %arg5: memref<632x128xf32, #tpu.memory_space<hbm>>, %arg6: memref<20224x128xf32, #tpu.memory_space<hbm>>, %arg7: memref<4x80xi32, #tpu.memory_space<vmem>>, %arg8: memref<4x80xi32, #tpu.memory_space<vmem>>, %arg9: memref<4x80x128xf32, #tpu.memory_space<vmem>>, %arg10: memref<10112x128xf32, #tpu.memory_space<vmem_shared>>, %arg11: memref<!tpu.dma_semaphore, #tpu.memory_space<semaphore_mem>>, %arg12: memref<!tpu.dma_semaphore, #tpu.memory_space<semaphore_mem>>, %arg13: memref<!tpu.dma_semaphore, #tpu.memory_space<semaphore_mem>>, %arg14: memref<!tpu.dma_semaphore, #tpu.memory_space<semaphore_mem>>, %arg15: memref<!tpu.dma_semaphore, #tpu.memory_space<semaphore_mem>>, %arg16: memref<!tpu.dma_semaphore, #tpu.memory_space<semaphore_mem>>, %arg17: memref<!tpu.dma_semaphore, #tpu.memory_space<semaphore_mem>>, %arg18: memref<!tpu.dma_semaphore, #tpu.memory_space<semaphore_mem>>, %arg19: memref<!tpu.dma_semaphore, #tpu.memory_space<semaphore_mem>>, %arg20: memref<!tpu.dma_semaphore, #tpu.memory_space<semaphore_mem>>, %arg21: memref<!tpu.dma_semaphore, #tpu.memory_space<semaphore_mem>>, %arg22: memref<!tpu.dma_semaphore, #tpu.memory_space<semaphore_mem>>) attributes {dimension_semantics = [#tpu.dimension_semantics<core_parallel>, #tpu.dimension_semantics<subcore_parallel>], iteration_bounds = array<i64: 2, 16>, scalar_prefetch = 0 : i64, scratch_operands = 16 : i64, tpu.core_type = #tpu.core_type<sc_vector_subcore>, window_params = [{transform_indices = #map}, {transform_indices = #map1}, {transform_indices = #map1}, {transform_indices = #map}, {transform_indices = #map}]} {
    %mul3A = arith.constant 632 : i32
    %mul3A_0 = arith.muli %arg1, %mul3A : i32
    "tpu.region"() ({
      %run_scoped3A = tpu.sem_alloc : memref<!tpu.dma_semaphore, #tpu.memory_space<semaphore_mem>>
      %dma_start3A_446 = arith.constant 0 : i32
      %dma_start3A_447 = tpu.memref_slice %arg10[%mul3A_0, %dma_start3A_446] : memref<10112x128xf32, #tpu.memory_space<vmem_shared>> -> memref<632x128xf32, #tpu.memory_space<vmem_shared>>
      tpu.enqueue_dma source(%arg5 : memref<632x128xf32, #tpu.memory_space<hbm>>) target(%dma_start3A_447 : memref<632x128xf32, #tpu.memory_space<vmem_shared>>) target_semaphore(%run_scoped3A : memref<!tpu.dma_semaphore, #tpu.memory_space<semaphore_mem>>)
      %dma_wait3A_448 = arith.constant 0 : i32
      %dma_wait3A_449 = tpu.memref_slice %arg10[%mul3A_0, %dma_wait3A_448] : memref<10112x128xf32, #tpu.memory_space<vmem_shared>> -> memref<632x128xf32, #tpu.memory_space<vmem_shared>>
      tpu.wait_dma2 semaphore(%run_scoped3A : memref<!tpu.dma_semaphore, #tpu.memory_space<semaphore_mem>>) src(%arg5 : memref<632x128xf32, #tpu.memory_space<hbm>>) dst(%dma_wait3A_449 : memref<632x128xf32, #tpu.memory_space<vmem_shared>>)
      tpu.yield
    }) : () -> ()
    %barrier3A = arith.constant 0 : index
    tpu.barrier barrier_id(%barrier3A)
    %mul3A_1 = arith.constant 160000 : i32
    %mul3A_2 = arith.muli %arg0, %mul3A_1 : i32
    %mul3A_3 = arith.constant 10000 : i32
    %mul3A_4 = arith.muli %arg1, %mul3A_3 : i32
    %add3A = arith.addi %mul3A_2, %mul3A_4 : i32
    %add3A_5 = arith.constant 0 : i32
    %add3A_6 = arith.addi %add3A, %add3A_5 : i32
    %multiple_of3A = tpu.assume_multiple %add3A_6, 8 : i32
    %dma_start3A = arith.constant 0 : i32
    %dma_start3A_7 = arith.constant 0 : i32
    %dma_start3A_8 = tpu.memref_slice %arg7[%dma_start3A, %dma_start3A_7] : memref<4x80xi32, #tpu.memory_space<vmem>> -> memref<1x80xi32, #tpu.memory_space<vmem>>
    %dma_start3A_9 = tpu.memref_squeeze %dma_start3A_8 : memref<1x80xi32, #tpu.memory_space<vmem>> -> memref<80xi32, #tpu.memory_space<vmem>>
    %dma_start3A_10 = tpu.memref_slice %arg3[%multiple_of3A] : memref<320000xi32, #tpu.memory_space<hbm>> -> memref<80xi32, #tpu.memory_space<hbm>>
    %dma_start3A_11 = arith.constant 0 : i32
    %dma_start3A_12 = tpu.memref_slice %arg7[%dma_start3A, %dma_start3A_11] : memref<4x80xi32, #tpu.memory_space<vmem>> -> memref<1x80xi32, #tpu.memory_space<vmem>>
    %dma_start3A_13 = tpu.memref_squeeze %dma_start3A_12 : memref<1x80xi32, #tpu.memory_space<vmem>> -> memref<80xi32, #tpu.memory_space<vmem>>
    %dma_start3A_14 = tpu.memref_slice %arg3[%multiple_of3A] : memref<320000xi32, #tpu.memory_space<hbm>> -> memref<80xi32, #tpu.memory_space<hbm>>
    tpu.enqueue_dma source(%dma_start3A_14 : memref<80xi32, #tpu.memory_space<hbm>>) target(%dma_start3A_13 : memref<80xi32, #tpu.memory_space<vmem>>) target_semaphore(%arg15 : memref<!tpu.dma_semaphore, #tpu.memory_space<semaphore_mem>>)
    %dma_start3A_15 = arith.constant 0 : i32
    %dma_start3A_16 = arith.constant 0 : i32
    %dma_start3A_17 = tpu.memref_slice %arg8[%dma_start3A_15, %dma_start3A_16] : memref<4x80xi32, #tpu.memory_space<vmem>> -> memref<1x80xi32, #tpu.memory_space<vmem>>
    %dma_start3A_18 = tpu.memref_squeeze %dma_start3A_17 : memref<1x80xi32, #tpu.memory_space<vmem>> -> memref<80xi32, #tpu.memory_space<vmem>>
    %dma_start3A_19 = tpu.memref_slice %arg4[%multiple_of3A] : memref<320000xi32, #tpu.memory_space<hbm>> -> memref<80xi32, #tpu.memory_space<hbm>>
    %dma_start3A_20 = arith.constant 0 : i32
    %dma_start3A_21 = tpu.memref_slice %arg8[%dma_start3A_15, %dma_start3A_20] : memref<4x80xi32, #tpu.memory_space<vmem>> -> memref<1x80xi32, #tpu.memory_space<vmem>>
    %dma_start3A_22 = tpu.memref_squeeze %dma_start3A_21 : memref<1x80xi32, #tpu.memory_space<vmem>> -> memref<80xi32, #tpu.memory_space<vmem>>
    %dma_start3A_23 = tpu.memref_slice %arg4[%multiple_of3A] : memref<320000xi32, #tpu.memory_space<hbm>> -> memref<80xi32, #tpu.memory_space<hbm>>
    tpu.enqueue_dma source(%dma_start3A_23 : memref<80xi32, #tpu.memory_space<hbm>>) target(%dma_start3A_22 : memref<80xi32, #tpu.memory_space<vmem>>) target_semaphore(%arg15 : memref<!tpu.dma_semaphore, #tpu.memory_space<semaphore_mem>>)
    %add3A_24 = arith.constant 80 : i32
    %add3A_25 = arith.addi %add3A, %add3A_24 : i32
    %multiple_of3A_26 = tpu.assume_multiple %add3A_25, 8 : i32
    %dma_start3A_27 = arith.constant 1 : i32
    %dma_start3A_28 = arith.constant 0 : i32
    %dma_start3A_29 = tpu.memref_slice %arg7[%dma_start3A_27, %dma_start3A_28] : memref<4x80xi32, #tpu.memory_space<vmem>> -> memref<1x80xi32, #tpu.memory_space<vmem>>
    %dma_start3A_30 = tpu.memref_squeeze %dma_start3A_29 : memref<1x80xi32, #tpu.memory_space<vmem>> -> memref<80xi32, #tpu.memory_space<vmem>>
    %dma_start3A_31 = tpu.memref_slice %arg3[%multiple_of3A_26] : memref<320000xi32, #tpu.memory_space<hbm>> -> memref<80xi32, #tpu.memory_space<hbm>>
    %dma_start3A_32 = arith.constant 0 : i32
    %dma_start3A_33 = tpu.memref_slice %arg7[%dma_start3A_27, %dma_start3A_32] : memref<4x80xi32, #tpu.memory_space<vmem>> -> memref<1x80xi32, #tpu.memory_space<vmem>>
    %dma_start3A_34 = tpu.memref_squeeze %dma_start3A_33 : memref<1x80xi32, #tpu.memory_space<vmem>> -> memref<80xi32, #tpu.memory_space<vmem>>
    %dma_start3A_35 = tpu.memref_slice %arg3[%multiple_of3A_26] : memref<320000xi32, #tpu.memory_space<hbm>> -> memref<80xi32, #tpu.memory_space<hbm>>
    tpu.enqueue_dma source(%dma_start3A_35 : memref<80xi32, #tpu.memory_space<hbm>>) target(%dma_start3A_34 : memref<80xi32, #tpu.memory_space<vmem>>) target_semaphore(%arg16 : memref<!tpu.dma_semaphore, #tpu.memory_space<semaphore_mem>>)
    %dma_start3A_36 = arith.constant 1 : i32
    %dma_start3A_37 = arith.constant 0 : i32
    %dma_start3A_38 = tpu.memref_slice %arg8[%dma_start3A_36, %dma_start3A_37] : memref<4x80xi32, #tpu.memory_space<vmem>> -> memref<1x80xi32, #tpu.memory_space<vmem>>
    %dma_start3A_39 = tpu.memref_squeeze %dma_start3A_38 : memref<1x80xi32, #tpu.memory_space<vmem>> -> memref<80xi32, #tpu.memory_space<vmem>>
    %dma_start3A_40 = tpu.memref_slice %arg4[%multiple_of3A_26] : memref<320000xi32, #tpu.memory_space<hbm>> -> memref<80xi32, #tpu.memory_space<hbm>>
    %dma_start3A_41 = arith.constant 0 : i32
    %dma_start3A_42 = tpu.memref_slice %arg8[%dma_start3A_36, %dma_start3A_41] : memref<4x80xi32, #tpu.memory_space<vmem>> -> memref<1x80xi32, #tpu.memory_space<vmem>>
    %dma_start3A_43 = tpu.memref_squeeze %dma_start3A_42 : memref<1x80xi32, #tpu.memory_space<vmem>> -> memref<80xi32, #tpu.memory_space<vmem>>
    %dma_start3A_44 = tpu.memref_slice %arg4[%multiple_of3A_26] : memref<320000xi32, #tpu.memory_space<hbm>> -> memref<80xi32, #tpu.memory_space<hbm>>
    tpu.enqueue_dma source(%dma_start3A_44 : memref<80xi32, #tpu.memory_space<hbm>>) target(%dma_start3A_43 : memref<80xi32, #tpu.memory_space<vmem>>) target_semaphore(%arg16 : memref<!tpu.dma_semaphore, #tpu.memory_space<semaphore_mem>>)
    %dma_wait3A = arith.constant 0 : i32
    %dma_wait3A_45 = arith.constant 0 : i32
    %dma_wait3A_46 = tpu.memref_slice %arg7[%dma_wait3A, %dma_wait3A_45] : memref<4x80xi32, #tpu.memory_space<vmem>> -> memref<1x80xi32, #tpu.memory_space<vmem>>
    %dma_wait3A_47 = tpu.memref_squeeze %dma_wait3A_46 : memref<1x80xi32, #tpu.memory_space<vmem>> -> memref<80xi32, #tpu.memory_space<vmem>>
    %dma_wait3A_48 = tpu.memref_slice %arg3[%add3A] : memref<320000xi32, #tpu.memory_space<hbm>> -> memref<80xi32, #tpu.memory_space<hbm>>
    %dma_wait3A_49 = arith.constant 0 : i32
    %dma_wait3A_50 = tpu.memref_slice %arg7[%dma_wait3A, %dma_wait3A_49] : memref<4x80xi32, #tpu.memory_space<vmem>> -> memref<1x80xi32, #tpu.memory_space<vmem>>
    %dma_wait3A_51 = tpu.memref_squeeze %dma_wait3A_50 : memref<1x80xi32, #tpu.memory_space<vmem>> -> memref<80xi32, #tpu.memory_space<vmem>>
    %dma_wait3A_52 = tpu.memref_slice %arg3[%add3A] : memref<320000xi32, #tpu.memory_space<hbm>> -> memref<80xi32, #tpu.memory_space<hbm>>
    tpu.wait_dma2 semaphore(%arg15 : memref<!tpu.dma_semaphore, #tpu.memory_space<semaphore_mem>>) src(%dma_wait3A_52 : memref<80xi32, #tpu.memory_space<hbm>>) dst(%dma_wait3A_51 : memref<80xi32, #tpu.memory_space<vmem>>)
    %dma_wait3A_53 = arith.constant 0 : i32
    %dma_wait3A_54 = arith.constant 0 : i32
    %dma_wait3A_55 = tpu.memref_slice %arg8[%dma_wait3A_53, %dma_wait3A_54] : memref<4x80xi32, #tpu.memory_space<vmem>> -> memref<1x80xi32, #tpu.memory_space<vmem>>
    %dma_wait3A_56 = tpu.memref_squeeze %dma_wait3A_55 : memref<1x80xi32, #tpu.memory_space<vmem>> -> memref<80xi32, #tpu.memory_space<vmem>>
    %dma_wait3A_57 = tpu.memref_slice %arg4[%add3A] : memref<320000xi32, #tpu.memory_space<hbm>> -> memref<80xi32, #tpu.memory_space<hbm>>
    %dma_wait3A_58 = arith.constant 0 : i32
    %dma_wait3A_59 = tpu.memref_slice %arg8[%dma_wait3A_53, %dma_wait3A_58] : memref<4x80xi32, #tpu.memory_space<vmem>> -> memref<1x80xi32, #tpu.memory_space<vmem>>
    %dma_wait3A_60 = tpu.memref_squeeze %dma_wait3A_59 : memref<1x80xi32, #tpu.memory_space<vmem>> -> memref<80xi32, #tpu.memory_space<vmem>>
    %dma_wait3A_61 = tpu.memref_slice %arg4[%add3A] : memref<320000xi32, #tpu.memory_space<hbm>> -> memref<80xi32, #tpu.memory_space<hbm>>
    tpu.wait_dma2 semaphore(%arg15 : memref<!tpu.dma_semaphore, #tpu.memory_space<semaphore_mem>>) src(%dma_wait3A_61 : memref<80xi32, #tpu.memory_space<hbm>>) dst(%dma_wait3A_60 : memref<80xi32, #tpu.memory_space<vmem>>)
    %dma_start3A_62 = arith.constant 0 : i32
    %dma_start3A_63 = arith.constant 0 : i32
    %dma_start3A_64 = arith.constant 0 : i32
    %dma_start3A_65 = arith.constant 0 : i32
    %dma_start3A_66 = tpu.memref_slice %arg9[%dma_start3A_63, %dma_start3A_64, %dma_start3A_65] : memref<4x80x128xf32, #tpu.memory_space<vmem>> -> memref<1x80x128xf32, #tpu.memory_space<vmem>>
    %dma_start3A_67 = tpu.memref_squeeze %dma_start3A_66 : memref<1x80x128xf32, #tpu.memory_space<vmem>> -> memref<80x128xf32, #tpu.memory_space<vmem>>
    %dma_start3A_68 = arith.constant 0 : i32
    %dma_start3A_69 = tpu.memref_slice %arg7[%dma_start3A_62, %dma_start3A_68] : memref<4x80xi32, #tpu.memory_space<vmem>> -> memref<1x80xi32, #tpu.memory_space<vmem>>
    %dma_start3A_70 = tpu.memref_squeeze %dma_start3A_69 : memref<1x80xi32, #tpu.memory_space<vmem>> -> memref<80xi32, #tpu.memory_space<vmem>>
    %dma_start3A_71 = arith.constant 0 : i32
    %dma_start3A_72 = arith.constant 0 : i32
    %dma_start3A_73 = tpu.memref_slice %arg2[%dma_start3A_71, %dma_start3A_72] : memref<10000x128xf32, #tpu.memory_space<hbm>> -> memref<10000x128xf32, #tpu.memory_space<hbm>>
    tpu.enqueue_indirect_dma source(%dma_start3A_73 : memref<10000x128xf32, #tpu.memory_space<hbm>>) target(%dma_start3A_67 : memref<80x128xf32, #tpu.memory_space<vmem>>) offsets(%dma_start3A_70 : memref<80xi32, #tpu.memory_space<vmem>>) semaphore(%arg11 : memref<!tpu.dma_semaphore, #tpu.memory_space<semaphore_mem>>)
    %add3A_74 = arith.constant 160 : i32
    %add3A_75 = arith.addi %add3A, %add3A_74 : i32
    %multiple_of3A_76 = tpu.assume_multiple %add3A_75, 8 : i32
    %dma_start3A_77 = arith.constant 2 : i32
    %dma_start3A_78 = arith.constant 0 : i32
    %dma_start3A_79 = tpu.memref_slice %arg7[%dma_start3A_77, %dma_start3A_78] : memref<4x80xi32, #tpu.memory_space<vmem>> -> memref<1x80xi32, #tpu.memory_space<vmem>>
    %dma_start3A_80 = tpu.memref_squeeze %dma_start3A_79 : memref<1x80xi32, #tpu.memory_space<vmem>> -> memref<80xi32, #tpu.memory_space<vmem>>
    %dma_start3A_81 = tpu.memref_slice %arg3[%multiple_of3A_76] : memref<320000xi32, #tpu.memory_space<hbm>> -> memref<80xi32, #tpu.memory_space<hbm>>
    %dma_start3A_82 = arith.constant 0 : i32
    %dma_start3A_83 = tpu.memref_slice %arg7[%dma_start3A_77, %dma_start3A_82] : memref<4x80xi32, #tpu.memory_space<vmem>> -> memref<1x80xi32, #tpu.memory_space<vmem>>
    %dma_start3A_84 = tpu.memref_squeeze %dma_start3A_83 : memref<1x80xi32, #tpu.memory_space<vmem>> -> memref<80xi32, #tpu.memory_space<vmem>>
    %dma_start3A_85 = tpu.memref_slice %arg3[%multiple_of3A_76] : memref<320000xi32, #tpu.memory_space<hbm>> -> memref<80xi32, #tpu.memory_space<hbm>>
    tpu.enqueue_dma source(%dma_start3A_85 : memref<80xi32, #tpu.memory_space<hbm>>) target(%dma_start3A_84 : memref<80xi32, #tpu.memory_space<vmem>>) target_semaphore(%arg17 : memref<!tpu.dma_semaphore, #tpu.memory_space<semaphore_mem>>)
    %dma_start3A_86 = arith.constant 2 : i32
    %dma_start3A_87 = arith.constant 0 : i32
    %dma_start3A_88 = tpu.memref_slice %arg8[%dma_start3A_86, %dma_start3A_87] : memref<4x80xi32, #tpu.memory_space<vmem>> -> memref<1x80xi32, #tpu.memory_space<vmem>>
    %dma_start3A_89 = tpu.memref_squeeze %dma_start3A_88 : memref<1x80xi32, #tpu.memory_space<vmem>> -> memref<80xi32, #tpu.memory_space<vmem>>
    %dma_start3A_90 = tpu.memref_slice %arg4[%multiple_of3A_76] : memref<320000xi32, #tpu.memory_space<hbm>> -> memref<80xi32, #tpu.memory_space<hbm>>
    %dma_start3A_91 = arith.constant 0 : i32
    %dma_start3A_92 = tpu.memref_slice %arg8[%dma_start3A_86, %dma_start3A_91] : memref<4x80xi32, #tpu.memory_space<vmem>> -> memref<1x80xi32, #tpu.memory_space<vmem>>
    %dma_start3A_93 = tpu.memref_squeeze %dma_start3A_92 : memref<1x80xi32, #tpu.memory_space<vmem>> -> memref<80xi32, #tpu.memory_space<vmem>>
    %dma_start3A_94 = tpu.memref_slice %arg4[%multiple_of3A_76] : memref<320000xi32, #tpu.memory_space<hbm>> -> memref<80xi32, #tpu.memory_space<hbm>>
    tpu.enqueue_dma source(%dma_start3A_94 : memref<80xi32, #tpu.memory_space<hbm>>) target(%dma_start3A_93 : memref<80xi32, #tpu.memory_space<vmem>>) target_semaphore(%arg17 : memref<!tpu.dma_semaphore, #tpu.memory_space<semaphore_mem>>)
    %dma_wait3A_95 = arith.constant 1 : i32
    %dma_wait3A_96 = arith.constant 0 : i32
    %dma_wait3A_97 = tpu.memref_slice %arg7[%dma_wait3A_95, %dma_wait3A_96] : memref<4x80xi32, #tpu.memory_space<vmem>> -> memref<1x80xi32, #tpu.memory_space<vmem>>
    %dma_wait3A_98 = tpu.memref_squeeze %dma_wait3A_97 : memref<1x80xi32, #tpu.memory_space<vmem>> -> memref<80xi32, #tpu.memory_space<vmem>>
    %dma_wait3A_99 = tpu.memref_slice %arg3[%add3A] : memref<320000xi32, #tpu.memory_space<hbm>> -> memref<80xi32, #tpu.memory_space<hbm>>
    %dma_wait3A_100 = arith.constant 0 : i32
    %dma_wait3A_101 = tpu.memref_slice %arg7[%dma_wait3A_95, %dma_wait3A_100] : memref<4x80xi32, #tpu.memory_space<vmem>> -> memref<1x80xi32, #tpu.memory_space<vmem>>
    %dma_wait3A_102 = tpu.memref_squeeze %dma_wait3A_101 : memref<1x80xi32, #tpu.memory_space<vmem>> -> memref<80xi32, #tpu.memory_space<vmem>>
    %dma_wait3A_103 = tpu.memref_slice %arg3[%add3A] : memref<320000xi32, #tpu.memory_space<hbm>> -> memref<80xi32, #tpu.memory_space<hbm>>
    tpu.wait_dma2 semaphore(%arg16 : memref<!tpu.dma_semaphore, #tpu.memory_space<semaphore_mem>>) src(%dma_wait3A_103 : memref<80xi32, #tpu.memory_space<hbm>>) dst(%dma_wait3A_102 : memref<80xi32, #tpu.memory_space<vmem>>)
    %dma_wait3A_104 = arith.constant 1 : i32
    %dma_wait3A_105 = arith.constant 0 : i32
    %dma_wait3A_106 = tpu.memref_slice %arg8[%dma_wait3A_104, %dma_wait3A_105] : memref<4x80xi32, #tpu.memory_space<vmem>> -> memref<1x80xi32, #tpu.memory_space<vmem>>
    %dma_wait3A_107 = tpu.memref_squeeze %dma_wait3A_106 : memref<1x80xi32, #tpu.memory_space<vmem>> -> memref<80xi32, #tpu.memory_space<vmem>>
    %dma_wait3A_108 = tpu.memref_slice %arg4[%add3A] : memref<320000xi32, #tpu.memory_space<hbm>> -> memref<80xi32, #tpu.memory_space<hbm>>
    %dma_wait3A_109 = arith.constant 0 : i32
    %dma_wait3A_110 = tpu.memref_slice %arg8[%dma_wait3A_104, %dma_wait3A_109] : memref<4x80xi32, #tpu.memory_space<vmem>> -> memref<1x80xi32, #tpu.memory_space<vmem>>
    %dma_wait3A_111 = tpu.memref_squeeze %dma_wait3A_110 : memref<1x80xi32, #tpu.memory_space<vmem>> -> memref<80xi32, #tpu.memory_space<vmem>>
    %dma_wait3A_112 = tpu.memref_slice %arg4[%add3A] : memref<320000xi32, #tpu.memory_space<hbm>> -> memref<80xi32, #tpu.memory_space<hbm>>
    tpu.wait_dma2 semaphore(%arg16 : memref<!tpu.dma_semaphore, #tpu.memory_space<semaphore_mem>>) src(%dma_wait3A_112 : memref<80xi32, #tpu.memory_space<hbm>>) dst(%dma_wait3A_111 : memref<80xi32, #tpu.memory_space<vmem>>)
    %dma_start3A_113 = arith.constant 1 : i32
    %dma_start3A_114 = arith.constant 1 : i32
    %dma_start3A_115 = arith.constant 0 : i32
    %dma_start3A_116 = arith.constant 0 : i32
    %dma_start3A_117 = tpu.memref_slice %arg9[%dma_start3A_114, %dma_start3A_115, %dma_start3A_116] : memref<4x80x128xf32, #tpu.memory_space<vmem>> -> memref<1x80x128xf32, #tpu.memory_space<vmem>>
    %dma_start3A_118 = tpu.memref_squeeze %dma_start3A_117 : memref<1x80x128xf32, #tpu.memory_space<vmem>> -> memref<80x128xf32, #tpu.memory_space<vmem>>
    %dma_start3A_119 = arith.constant 0 : i32
    %dma_start3A_120 = tpu.memref_slice %arg7[%dma_start3A_113, %dma_start3A_119] : memref<4x80xi32, #tpu.memory_space<vmem>> -> memref<1x80xi32, #tpu.memory_space<vmem>>
    %dma_start3A_121 = tpu.memref_squeeze %dma_start3A_120 : memref<1x80xi32, #tpu.memory_space<vmem>> -> memref<80xi32, #tpu.memory_space<vmem>>
    %dma_start3A_122 = arith.constant 0 : i32
    %dma_start3A_123 = arith.constant 0 : i32
    %dma_start3A_124 = tpu.memref_slice %arg2[%dma_start3A_122, %dma_start3A_123] : memref<10000x128xf32, #tpu.memory_space<hbm>> -> memref<10000x128xf32, #tpu.memory_space<hbm>>
    tpu.enqueue_indirect_dma source(%dma_start3A_124 : memref<10000x128xf32, #tpu.memory_space<hbm>>) target(%dma_start3A_118 : memref<80x128xf32, #tpu.memory_space<vmem>>) offsets(%dma_start3A_121 : memref<80xi32, #tpu.memory_space<vmem>>) semaphore(%arg12 : memref<!tpu.dma_semaphore, #tpu.memory_space<semaphore_mem>>)
    %dma_wait3A_125 = arith.constant 0 : i32
    %dma_wait3A_126 = arith.constant 0 : i32
    %dma_wait3A_127 = arith.constant 0 : i32
    %dma_wait3A_128 = arith.constant 0 : i32
    %dma_wait3A_129 = tpu.memref_slice %arg9[%dma_wait3A_126, %dma_wait3A_127, %dma_wait3A_128] : memref<4x80x128xf32, #tpu.memory_space<vmem>> -> memref<1x80x128xf32, #tpu.memory_space<vmem>>
    %dma_wait3A_130 = tpu.memref_squeeze %dma_wait3A_129 : memref<1x80x128xf32, #tpu.memory_space<vmem>> -> memref<80x128xf32, #tpu.memory_space<vmem>>
    %dma_wait3A_131 = arith.constant 0 : i32
    %dma_wait3A_132 = tpu.memref_slice %arg7[%dma_wait3A_125, %dma_wait3A_131] : memref<4x80xi32, #tpu.memory_space<vmem>> -> memref<1x80xi32, #tpu.memory_space<vmem>>
    %dma_wait3A_133 = tpu.memref_squeeze %dma_wait3A_132 : memref<1x80xi32, #tpu.memory_space<vmem>> -> memref<80xi32, #tpu.memory_space<vmem>>
    %dma_wait3A_134 = arith.constant 0 : i32
    %dma_wait3A_135 = arith.constant 0 : i32
    %dma_wait3A_136 = tpu.memref_slice %arg2[%dma_wait3A_134, %dma_wait3A_135] : memref<10000x128xf32, #tpu.memory_space<hbm>> -> memref<10000x128xf32, #tpu.memory_space<hbm>>
    tpu.wait_indirect_dma semaphore(%arg11 : memref<!tpu.dma_semaphore, #tpu.memory_space<semaphore_mem>>) src(%dma_wait3A_136 : memref<10000x128xf32, #tpu.memory_space<hbm>>) dst(%dma_wait3A_130 : memref<80x128xf32, #tpu.memory_space<vmem>>)
    %dma_start3A_137 = arith.constant 0 : i32
    %dma_start3A_138 = arith.constant 0 : i32
    %dma_start3A_139 = arith.constant 0 : i32
    %dma_start3A_140 = arith.constant 0 : i32
    %dma_start3A_141 = tpu.memref_slice %arg9[%dma_start3A_137, %dma_start3A_139, %dma_start3A_140] : memref<4x80x128xf32, #tpu.memory_space<vmem>> -> memref<1x80x128xf32, #tpu.memory_space<vmem>>
    %dma_start3A_142 = tpu.memref_squeeze %dma_start3A_141 : memref<1x80x128xf32, #tpu.memory_space<vmem>> -> memref<80x128xf32, #tpu.memory_space<vmem>>
    %dma_start3A_143 = arith.constant 0 : i32
    %dma_start3A_144 = tpu.memref_slice %arg8[%dma_start3A_138, %dma_start3A_143] : memref<4x80xi32, #tpu.memory_space<vmem>> -> memref<1x80xi32, #tpu.memory_space<vmem>>
    %dma_start3A_145 = tpu.memref_squeeze %dma_start3A_144 : memref<1x80xi32, #tpu.memory_space<vmem>> -> memref<80xi32, #tpu.memory_space<vmem>>
    %dma_start3A_146 = arith.constant 0 : i32
    %dma_start3A_147 = arith.constant 0 : i32
    %dma_start3A_148 = tpu.memref_slice %arg10[%dma_start3A_146, %dma_start3A_147] : memref<10112x128xf32, #tpu.memory_space<vmem_shared>> -> memref<10112x128xf32, #tpu.memory_space<vmem_shared>>
    tpu.enqueue_indirect_dma source(%dma_start3A_142 : memref<80x128xf32, #tpu.memory_space<vmem>>) target(%dma_start3A_148 : memref<10112x128xf32, #tpu.memory_space<vmem_shared>>) offsets(%dma_start3A_145 : memref<80xi32, #tpu.memory_space<vmem>>) semaphore(%arg19 : memref<!tpu.dma_semaphore, #tpu.memory_space<semaphore_mem>>) {add = true}
    %add3A_149 = arith.constant 240 : i32
    %add3A_150 = arith.addi %add3A, %add3A_149 : i32
    %multiple_of3A_151 = tpu.assume_multiple %add3A_150, 8 : i32
    %dma_start3A_152 = arith.constant 3 : i32
    %dma_start3A_153 = arith.constant 0 : i32
    %dma_start3A_154 = tpu.memref_slice %arg7[%dma_start3A_152, %dma_start3A_153] : memref<4x80xi32, #tpu.memory_space<vmem>> -> memref<1x80xi32, #tpu.memory_space<vmem>>
    %dma_start3A_155 = tpu.memref_squeeze %dma_start3A_154 : memref<1x80xi32, #tpu.memory_space<vmem>> -> memref<80xi32, #tpu.memory_space<vmem>>
    %dma_start3A_156 = tpu.memref_slice %arg3[%multiple_of3A_151] : memref<320000xi32, #tpu.memory_space<hbm>> -> memref<80xi32, #tpu.memory_space<hbm>>
    %dma_start3A_157 = arith.constant 0 : i32
    %dma_start3A_158 = tpu.memref_slice %arg7[%dma_start3A_152, %dma_start3A_157] : memref<4x80xi32, #tpu.memory_space<vmem>> -> memref<1x80xi32, #tpu.memory_space<vmem>>
    %dma_start3A_159 = tpu.memref_squeeze %dma_start3A_158 : memref<1x80xi32, #tpu.memory_space<vmem>> -> memref<80xi32, #tpu.memory_space<vmem>>
    %dma_start3A_160 = tpu.memref_slice %arg3[%multiple_of3A_151] : memref<320000xi32, #tpu.memory_space<hbm>> -> memref<80xi32, #tpu.memory_space<hbm>>
    tpu.enqueue_dma source(%dma_start3A_160 : memref<80xi32, #tpu.memory_space<hbm>>) target(%dma_start3A_159 : memref<80xi32, #tpu.memory_space<vmem>>) target_semaphore(%arg18 : memref<!tpu.dma_semaphore, #tpu.memory_space<semaphore_mem>>)
    %dma_start3A_161 = arith.constant 3 : i32
    %dma_start3A_162 = arith.constant 0 : i32
    %dma_start3A_163 = tpu.memref_slice %arg8[%dma_start3A_161, %dma_start3A_162] : memref<4x80xi32, #tpu.memory_space<vmem>> -> memref<1x80xi32, #tpu.memory_space<vmem>>
    %dma_start3A_164 = tpu.memref_squeeze %dma_start3A_163 : memref<1x80xi32, #tpu.memory_space<vmem>> -> memref<80xi32, #tpu.memory_space<vmem>>
    %dma_start3A_165 = tpu.memref_slice %arg4[%multiple_of3A_151] : memref<320000xi32, #tpu.memory_space<hbm>> -> memref<80xi32, #tpu.memory_space<hbm>>
    %dma_start3A_166 = arith.constant 0 : i32
    %dma_start3A_167 = tpu.memref_slice %arg8[%dma_start3A_161, %dma_start3A_166] : memref<4x80xi32, #tpu.memory_space<vmem>> -> memref<1x80xi32, #tpu.memory_space<vmem>>
    %dma_start3A_168 = tpu.memref_squeeze %dma_start3A_167 : memref<1x80xi32, #tpu.memory_space<vmem>> -> memref<80xi32, #tpu.memory_space<vmem>>
    %dma_start3A_169 = tpu.memref_slice %arg4[%multiple_of3A_151] : memref<320000xi32, #tpu.memory_space<hbm>> -> memref<80xi32, #tpu.memory_space<hbm>>
    tpu.enqueue_dma source(%dma_start3A_169 : memref<80xi32, #tpu.memory_space<hbm>>) target(%dma_start3A_168 : memref<80xi32, #tpu.memory_space<vmem>>) target_semaphore(%arg18 : memref<!tpu.dma_semaphore, #tpu.memory_space<semaphore_mem>>)
    %dma_wait3A_170 = arith.constant 2 : i32
    %dma_wait3A_171 = arith.constant 0 : i32
    %dma_wait3A_172 = tpu.memref_slice %arg7[%dma_wait3A_170, %dma_wait3A_171] : memref<4x80xi32, #tpu.memory_space<vmem>> -> memref<1x80xi32, #tpu.memory_space<vmem>>
    %dma_wait3A_173 = tpu.memref_squeeze %dma_wait3A_172 : memref<1x80xi32, #tpu.memory_space<vmem>> -> memref<80xi32, #tpu.memory_space<vmem>>
    %dma_wait3A_174 = tpu.memref_slice %arg3[%add3A] : memref<320000xi32, #tpu.memory_space<hbm>> -> memref<80xi32, #tpu.memory_space<hbm>>
    %dma_wait3A_175 = arith.constant 0 : i32
    %dma_wait3A_176 = tpu.memref_slice %arg7[%dma_wait3A_170, %dma_wait3A_175] : memref<4x80xi32, #tpu.memory_space<vmem>> -> memref<1x80xi32, #tpu.memory_space<vmem>>
    %dma_wait3A_177 = tpu.memref_squeeze %dma_wait3A_176 : memref<1x80xi32, #tpu.memory_space<vmem>> -> memref<80xi32, #tpu.memory_space<vmem>>
    %dma_wait3A_178 = tpu.memref_slice %arg3[%add3A] : memref<320000xi32, #tpu.memory_space<hbm>> -> memref<80xi32, #tpu.memory_space<hbm>>
    tpu.wait_dma2 semaphore(%arg17 : memref<!tpu.dma_semaphore, #tpu.memory_space<semaphore_mem>>) src(%dma_wait3A_178 : memref<80xi32, #tpu.memory_space<hbm>>) dst(%dma_wait3A_177 : memref<80xi32, #tpu.memory_space<vmem>>)
    %dma_wait3A_179 = arith.constant 2 : i32
    %dma_wait3A_180 = arith.constant 0 : i32
    %dma_wait3A_181 = tpu.memref_slice %arg8[%dma_wait3A_179, %dma_wait3A_180] : memref<4x80xi32, #tpu.memory_space<vmem>> -> memref<1x80xi32, #tpu.memory_space<vmem>>
    %dma_wait3A_182 = tpu.memref_squeeze %dma_wait3A_181 : memref<1x80xi32, #tpu.memory_space<vmem>> -> memref<80xi32, #tpu.memory_space<vmem>>
    %dma_wait3A_183 = tpu.memref_slice %arg4[%add3A] : memref<320000xi32, #tpu.memory_space<hbm>> -> memref<80xi32, #tpu.memory_space<hbm>>
    %dma_wait3A_184 = arith.constant 0 : i32
    %dma_wait3A_185 = tpu.memref_slice %arg8[%dma_wait3A_179, %dma_wait3A_184] : memref<4x80xi32, #tpu.memory_space<vmem>> -> memref<1x80xi32, #tpu.memory_space<vmem>>
    %dma_wait3A_186 = tpu.memref_squeeze %dma_wait3A_185 : memref<1x80xi32, #tpu.memory_space<vmem>> -> memref<80xi32, #tpu.memory_space<vmem>>
    %dma_wait3A_187 = tpu.memref_slice %arg4[%add3A] : memref<320000xi32, #tpu.memory_space<hbm>> -> memref<80xi32, #tpu.memory_space<hbm>>
    tpu.wait_dma2 semaphore(%arg17 : memref<!tpu.dma_semaphore, #tpu.memory_space<semaphore_mem>>) src(%dma_wait3A_187 : memref<80xi32, #tpu.memory_space<hbm>>) dst(%dma_wait3A_186 : memref<80xi32, #tpu.memory_space<vmem>>)
    %dma_start3A_188 = arith.constant 2 : i32
    %dma_start3A_189 = arith.constant 2 : i32
    %dma_start3A_190 = arith.constant 0 : i32
    %dma_start3A_191 = arith.constant 0 : i32
    %dma_start3A_192 = tpu.memref_slice %arg9[%dma_start3A_189, %dma_start3A_190, %dma_start3A_191] : memref<4x80x128xf32, #tpu.memory_space<vmem>> -> memref<1x80x128xf32, #tpu.memory_space<vmem>>
    %dma_start3A_193 = tpu.memref_squeeze %dma_start3A_192 : memref<1x80x128xf32, #tpu.memory_space<vmem>> -> memref<80x128xf32, #tpu.memory_space<vmem>>
    %dma_start3A_194 = arith.constant 0 : i32
    %dma_start3A_195 = tpu.memref_slice %arg7[%dma_start3A_188, %dma_start3A_194] : memref<4x80xi32, #tpu.memory_space<vmem>> -> memref<1x80xi32, #tpu.memory_space<vmem>>
    %dma_start3A_196 = tpu.memref_squeeze %dma_start3A_195 : memref<1x80xi32, #tpu.memory_space<vmem>> -> memref<80xi32, #tpu.memory_space<vmem>>
    %dma_start3A_197 = arith.constant 0 : i32
    %dma_start3A_198 = arith.constant 0 : i32
    %dma_start3A_199 = tpu.memref_slice %arg2[%dma_start3A_197, %dma_start3A_198] : memref<10000x128xf32, #tpu.memory_space<hbm>> -> memref<10000x128xf32, #tpu.memory_space<hbm>>
    tpu.enqueue_indirect_dma source(%dma_start3A_199 : memref<10000x128xf32, #tpu.memory_space<hbm>>) target(%dma_start3A_193 : memref<80x128xf32, #tpu.memory_space<vmem>>) offsets(%dma_start3A_196 : memref<80xi32, #tpu.memory_space<vmem>>) semaphore(%arg13 : memref<!tpu.dma_semaphore, #tpu.memory_space<semaphore_mem>>)
    %dma_wait3A_200 = arith.constant 1 : i32
    %dma_wait3A_201 = arith.constant 1 : i32
    %dma_wait3A_202 = arith.constant 0 : i32
    %dma_wait3A_203 = arith.constant 0 : i32
    %dma_wait3A_204 = tpu.memref_slice %arg9[%dma_wait3A_201, %dma_wait3A_202, %dma_wait3A_203] : memref<4x80x128xf32, #tpu.memory_space<vmem>> -> memref<1x80x128xf32, #tpu.memory_space<vmem>>
    %dma_wait3A_205 = tpu.memref_squeeze %dma_wait3A_204 : memref<1x80x128xf32, #tpu.memory_space<vmem>> -> memref<80x128xf32, #tpu.memory_space<vmem>>
    %dma_wait3A_206 = arith.constant 0 : i32
    %dma_wait3A_207 = tpu.memref_slice %arg7[%dma_wait3A_200, %dma_wait3A_206] : memref<4x80xi32, #tpu.memory_space<vmem>> -> memref<1x80xi32, #tpu.memory_space<vmem>>
    %dma_wait3A_208 = tpu.memref_squeeze %dma_wait3A_207 : memref<1x80xi32, #tpu.memory_space<vmem>> -> memref<80xi32, #tpu.memory_space<vmem>>
    %dma_wait3A_209 = arith.constant 0 : i32
    %dma_wait3A_210 = arith.constant 0 : i32
    %dma_wait3A_211 = tpu.memref_slice %arg2[%dma_wait3A_209, %dma_wait3A_210] : memref<10000x128xf32, #tpu.memory_space<hbm>> -> memref<10000x128xf32, #tpu.memory_space<hbm>>
    tpu.wait_indirect_dma semaphore(%arg12 : memref<!tpu.dma_semaphore, #tpu.memory_space<semaphore_mem>>) src(%dma_wait3A_211 : memref<10000x128xf32, #tpu.memory_space<hbm>>) dst(%dma_wait3A_205 : memref<80x128xf32, #tpu.memory_space<vmem>>)
    %dma_start3A_212 = arith.constant 1 : i32
    %dma_start3A_213 = arith.constant 1 : i32
    %dma_start3A_214 = arith.constant 0 : i32
    %dma_start3A_215 = arith.constant 0 : i32
    %dma_start3A_216 = tpu.memref_slice %arg9[%dma_start3A_212, %dma_start3A_214, %dma_start3A_215] : memref<4x80x128xf32, #tpu.memory_space<vmem>> -> memref<1x80x128xf32, #tpu.memory_space<vmem>>
    %dma_start3A_217 = tpu.memref_squeeze %dma_start3A_216 : memref<1x80x128xf32, #tpu.memory_space<vmem>> -> memref<80x128xf32, #tpu.memory_space<vmem>>
    %dma_start3A_218 = arith.constant 0 : i32
    %dma_start3A_219 = tpu.memref_slice %arg8[%dma_start3A_213, %dma_start3A_218] : memref<4x80xi32, #tpu.memory_space<vmem>> -> memref<1x80xi32, #tpu.memory_space<vmem>>
    %dma_start3A_220 = tpu.memref_squeeze %dma_start3A_219 : memref<1x80xi32, #tpu.memory_space<vmem>> -> memref<80xi32, #tpu.memory_space<vmem>>
    %dma_start3A_221 = arith.constant 0 : i32
    %dma_start3A_222 = arith.constant 0 : i32
    %dma_start3A_223 = tpu.memref_slice %arg10[%dma_start3A_221, %dma_start3A_222] : memref<10112x128xf32, #tpu.memory_space<vmem_shared>> -> memref<10112x128xf32, #tpu.memory_space<vmem_shared>>
    tpu.enqueue_indirect_dma source(%dma_start3A_217 : memref<80x128xf32, #tpu.memory_space<vmem>>) target(%dma_start3A_223 : memref<10112x128xf32, #tpu.memory_space<vmem_shared>>) offsets(%dma_start3A_220 : memref<80xi32, #tpu.memory_space<vmem>>) semaphore(%arg20 : memref<!tpu.dma_semaphore, #tpu.memory_space<semaphore_mem>>) {add = true}
    %scan3A = arith.constant 0 : i32
    %scan3A_224 = arith.constant 0 : i32
    %scan3A_225 = arith.constant 30 : i32
    %scan3A_226 = arith.addi %scan3A_224, %scan3A_225 : i32
    %scan3A_227 = arith.constant 1 : i32
    scf.for %scan3A_446 = %scan3A_224 to %scan3A_226 step %scan3A_227  : i32 {
      %mul3A_447 = arith.constant 4 : i32
      %mul3A_448 = arith.muli %scan3A_446, %mul3A_447 : i32
      %add3A_449 = arith.constant 2 : i32
      %add3A_450 = arith.addi %add3A_449, %mul3A_448 : i32
      %add3A_451 = arith.constant 0 : i32
      %add3A_452 = arith.addi %add3A_450, %add3A_451 : i32
      %dma_wait3A_453 = arith.constant 0 : i32
      %dma_wait3A_454 = arith.constant 0 : i32
      %dma_wait3A_455 = arith.constant 0 : i32
      %dma_wait3A_456 = arith.constant 0 : i32
      %dma_wait3A_457 = tpu.memref_slice %arg9[%dma_wait3A_453, %dma_wait3A_455, %dma_wait3A_456] : memref<4x80x128xf32, #tpu.memory_space<vmem>> -> memref<1x80x128xf32, #tpu.memory_space<vmem>>
      %dma_wait3A_458 = tpu.memref_squeeze %dma_wait3A_457 : memref<1x80x128xf32, #tpu.memory_space<vmem>> -> memref<80x128xf32, #tpu.memory_space<vmem>>
      %dma_wait3A_459 = arith.constant 0 : i32
      %dma_wait3A_460 = tpu.memref_slice %arg8[%dma_wait3A_454, %dma_wait3A_459] : memref<4x80xi32, #tpu.memory_space<vmem>> -> memref<1x80xi32, #tpu.memory_space<vmem>>
      %dma_wait3A_461 = tpu.memref_squeeze %dma_wait3A_460 : memref<1x80xi32, #tpu.memory_space<vmem>> -> memref<80xi32, #tpu.memory_space<vmem>>
      %dma_wait3A_462 = arith.constant 0 : i32
      %dma_wait3A_463 = arith.constant 0 : i32
      %dma_wait3A_464 = tpu.memref_slice %arg10[%dma_wait3A_462, %dma_wait3A_463] : memref<10112x128xf32, #tpu.memory_space<vmem_shared>> -> memref<10112x128xf32, #tpu.memory_space<vmem_shared>>
      tpu.wait_indirect_dma semaphore(%arg19 : memref<!tpu.dma_semaphore, #tpu.memory_space<semaphore_mem>>) src(%dma_wait3A_458 : memref<80x128xf32, #tpu.memory_space<vmem>>) dst(%dma_wait3A_464 : memref<10112x128xf32, #tpu.memory_space<vmem_shared>>)
      %add3A_465 = arith.constant 2 : i32
      %add3A_466 = arith.addi %add3A_452, %add3A_465 : i32
      %mul3A_467 = arith.constant 80 : i32
      %mul3A_468 = arith.muli %add3A_466, %mul3A_467 : i32
      %add3A_469 = arith.addi %add3A, %mul3A_468 : i32
      %multiple_of3A_470 = tpu.assume_multiple %add3A_469, 8 : i32
      %dma_start3A_471 = arith.constant 0 : i32
      %dma_start3A_472 = arith.constant 0 : i32
      %dma_start3A_473 = tpu.memref_slice %arg7[%dma_start3A_471, %dma_start3A_472] : memref<4x80xi32, #tpu.memory_space<vmem>> -> memref<1x80xi32, #tpu.memory_space<vmem>>
      %dma_start3A_474 = tpu.memref_squeeze %dma_start3A_473 : memref<1x80xi32, #tpu.memory_space<vmem>> -> memref<80xi32, #tpu.memory_space<vmem>>
      %dma_start3A_475 = tpu.memref_slice %arg3[%multiple_of3A_470] : memref<320000xi32, #tpu.memory_space<hbm>> -> memref<80xi32, #tpu.memory_space<hbm>>
      %dma_start3A_476 = arith.constant 0 : i32
      %dma_start3A_477 = tpu.memref_slice %arg7[%dma_start3A_471, %dma_start3A_476] : memref<4x80xi32, #tpu.memory_space<vmem>> -> memref<1x80xi32, #tpu.memory_space<vmem>>
      %dma_start3A_478 = tpu.memref_squeeze %dma_start3A_477 : memref<1x80xi32, #tpu.memory_space<vmem>> -> memref<80xi32, #tpu.memory_space<vmem>>
      %dma_start3A_479 = tpu.memref_slice %arg3[%multiple_of3A_470] : memref<320000xi32, #tpu.memory_space<hbm>> -> memref<80xi32, #tpu.memory_space<hbm>>
      tpu.enqueue_dma source(%dma_start3A_479 : memref<80xi32, #tpu.memory_space<hbm>>) target(%dma_start3A_478 : memref<80xi32, #tpu.memory_space<vmem>>) target_semaphore(%arg15 : memref<!tpu.dma_semaphore, #tpu.memory_space<semaphore_mem>>)
      %dma_start3A_480 = arith.constant 0 : i32
      %dma_start3A_481 = arith.constant 0 : i32
      %dma_start3A_482 = tpu.memref_slice %arg8[%dma_start3A_480, %dma_start3A_481] : memref<4x80xi32, #tpu.memory_space<vmem>> -> memref<1x80xi32, #tpu.memory_space<vmem>>
      %dma_start3A_483 = tpu.memref_squeeze %dma_start3A_482 : memref<1x80xi32, #tpu.memory_space<vmem>> -> memref<80xi32, #tpu.memory_space<vmem>>
      %dma_start3A_484 = tpu.memref_slice %arg4[%multiple_of3A_470] : memref<320000xi32, #tpu.memory_space<hbm>> -> memref<80xi32, #tpu.memory_space<hbm>>
      %dma_start3A_485 = arith.constant 0 : i32
      %dma_start3A_486 = tpu.memref_slice %arg8[%dma_start3A_480, %dma_start3A_485] : memref<4x80xi32, #tpu.memory_space<vmem>> -> memref<1x80xi32, #tpu.memory_space<vmem>>
      %dma_start3A_487 = tpu.memref_squeeze %dma_start3A_486 : memref<1x80xi32, #tpu.memory_space<vmem>> -> memref<80xi32, #tpu.memory_space<vmem>>
      %dma_start3A_488 = tpu.memref_slice %arg4[%multiple_of3A_470] : memref<320000xi32, #tpu.memory_space<hbm>> -> memref<80xi32, #tpu.memory_space<hbm>>
      tpu.enqueue_dma source(%dma_start3A_488 : memref<80xi32, #tpu.memory_space<hbm>>) target(%dma_start3A_487 : memref<80xi32, #tpu.memory_space<vmem>>) target_semaphore(%arg15 : memref<!tpu.dma_semaphore, #tpu.memory_space<semaphore_mem>>)
      %dma_wait3A_489 = arith.constant 3 : i32
      %dma_wait3A_490 = arith.constant 0 : i32
      %dma_wait3A_491 = tpu.memref_slice %arg7[%dma_wait3A_489, %dma_wait3A_490] : memref<4x80xi32, #tpu.memory_space<vmem>> -> memref<1x80xi32, #tpu.memory_space<vmem>>
      %dma_wait3A_492 = tpu.memref_squeeze %dma_wait3A_491 : memref<1x80xi32, #tpu.memory_space<vmem>> -> memref<80xi32, #tpu.memory_space<vmem>>
      %dma_wait3A_493 = tpu.memref_slice %arg3[%add3A] : memref<320000xi32, #tpu.memory_space<hbm>> -> memref<80xi32, #tpu.memory_space<hbm>>
      %dma_wait3A_494 = arith.constant 0 : i32
      %dma_wait3A_495 = tpu.memref_slice %arg7[%dma_wait3A_489, %dma_wait3A_494] : memref<4x80xi32, #tpu.memory_space<vmem>> -> memref<1x80xi32, #tpu.memory_space<vmem>>
      %dma_wait3A_496 = tpu.memref_squeeze %dma_wait3A_495 : memref<1x80xi32, #tpu.memory_space<vmem>> -> memref<80xi32, #tpu.memory_space<vmem>>
      %dma_wait3A_497 = tpu.memref_slice %arg3[%add3A] : memref<320000xi32, #tpu.memory_space<hbm>> -> memref<80xi32, #tpu.memory_space<hbm>>
      tpu.wait_dma2 semaphore(%arg18 : memref<!tpu.dma_semaphore, #tpu.memory_space<semaphore_mem>>) src(%dma_wait3A_497 : memref<80xi32, #tpu.memory_space<hbm>>) dst(%dma_wait3A_496 : memref<80xi32, #tpu.memory_space<vmem>>)
      %dma_wait3A_498 = arith.constant 3 : i32
      %dma_wait3A_499 = arith.constant 0 : i32
      %dma_wait3A_500 = tpu.memref_slice %arg8[%dma_wait3A_498, %dma_wait3A_499] : memref<4x80xi32, #tpu.memory_space<vmem>> -> memref<1x80xi32, #tpu.memory_space<vmem>>
      %dma_wait3A_501 = tpu.memref_squeeze %dma_wait3A_500 : memref<1x80xi32, #tpu.memory_space<vmem>> -> memref<80xi32, #tpu.memory_space<vmem>>
      %dma_wait3A_502 = tpu.memref_slice %arg4[%add3A] : memref<320000xi32, #tpu.memory_space<hbm>> -> memref<80xi32, #tpu.memory_space<hbm>>
      %dma_wait3A_503 = arith.constant 0 : i32
      %dma_wait3A_504 = tpu.memref_slice %arg8[%dma_wait3A_498, %dma_wait3A_503] : memref<4x80xi32, #tpu.memory_space<vmem>> -> memref<1x80xi32, #tpu.memory_space<vmem>>
      %dma_wait3A_505 = tpu.memref_squeeze %dma_wait3A_504 : memref<1x80xi32, #tpu.memory_space<vmem>> -> memref<80xi32, #tpu.memory_space<vmem>>
      %dma_wait3A_506 = tpu.memref_slice %arg4[%add3A] : memref<320000xi32, #tpu.memory_space<hbm>> -> memref<80xi32, #tpu.memory_space<hbm>>
      tpu.wait_dma2 semaphore(%arg18 : memref<!tpu.dma_semaphore, #tpu.memory_space<semaphore_mem>>) src(%dma_wait3A_506 : memref<80xi32, #tpu.memory_space<hbm>>) dst(%dma_wait3A_505 : memref<80xi32, #tpu.memory_space<vmem>>)
      %dma_start3A_507 = arith.constant 3 : i32
      %dma_start3A_508 = arith.constant 3 : i32
      %dma_start3A_509 = arith.constant 0 : i32
      %dma_start3A_510 = arith.constant 0 : i32
      %dma_start3A_511 = tpu.memref_slice %arg9[%dma_start3A_508, %dma_start3A_509, %dma_start3A_510] : memref<4x80x128xf32, #tpu.memory_space<vmem>> -> memref<1x80x128xf32, #tpu.memory_space<vmem>>
      %dma_start3A_512 = tpu.memref_squeeze %dma_start3A_511 : memref<1x80x128xf32, #tpu.memory_space<vmem>> -> memref<80x128xf32, #tpu.memory_space<vmem>>
      %dma_start3A_513 = arith.constant 0 : i32
      %dma_start3A_514 = tpu.memref_slice %arg7[%dma_start3A_507, %dma_start3A_513] : memref<4x80xi32, #tpu.memory_space<vmem>> -> memref<1x80xi32, #tpu.memory_space<vmem>>
      %dma_start3A_515 = tpu.memref_squeeze %dma_start3A_514 : memref<1x80xi32, #tpu.memory_space<vmem>> -> memref<80xi32, #tpu.memory_space<vmem>>
      %dma_start3A_516 = arith.constant 0 : i32
      %dma_start3A_517 = arith.constant 0 : i32
      %dma_start3A_518 = tpu.memref_slice %arg2[%dma_start3A_516, %dma_start3A_517] : memref<10000x128xf32, #tpu.memory_space<hbm>> -> memref<10000x128xf32, #tpu.memory_space<hbm>>
      tpu.enqueue_indirect_dma source(%dma_start3A_518 : memref<10000x128xf32, #tpu.memory_space<hbm>>) target(%dma_start3A_512 : memref<80x128xf32, #tpu.memory_space<vmem>>) offsets(%dma_start3A_515 : memref<80xi32, #tpu.memory_space<vmem>>) semaphore(%arg14 : memref<!tpu.dma_semaphore, #tpu.memory_space<semaphore_mem>>)
      %dma_wait3A_519 = arith.constant 2 : i32
      %dma_wait3A_520 = arith.constant 2 : i32
      %dma_wait3A_521 = arith.constant 0 : i32
      %dma_wait3A_522 = arith.constant 0 : i32
      %dma_wait3A_523 = tpu.memref_slice %arg9[%dma_wait3A_520, %dma_wait3A_521, %dma_wait3A_522] : memref<4x80x128xf32, #tpu.memory_space<vmem>> -> memref<1x80x128xf32, #tpu.memory_space<vmem>>
      %dma_wait3A_524 = tpu.memref_squeeze %dma_wait3A_523 : memref<1x80x128xf32, #tpu.memory_space<vmem>> -> memref<80x128xf32, #tpu.memory_space<vmem>>
      %dma_wait3A_525 = arith.constant 0 : i32
      %dma_wait3A_526 = tpu.memref_slice %arg7[%dma_wait3A_519, %dma_wait3A_525] : memref<4x80xi32, #tpu.memory_space<vmem>> -> memref<1x80xi32, #tpu.memory_space<vmem>>
      %dma_wait3A_527 = tpu.memref_squeeze %dma_wait3A_526 : memref<1x80xi32, #tpu.memory_space<vmem>> -> memref<80xi32, #tpu.memory_space<vmem>>
      %dma_wait3A_528 = arith.constant 0 : i32
      %dma_wait3A_529 = arith.constant 0 : i32
      %dma_wait3A_530 = tpu.memref_slice %arg2[%dma_wait3A_528, %dma_wait3A_529] : memref<10000x128xf32, #tpu.memory_space<hbm>> -> memref<10000x128xf32, #tpu.memory_space<hbm>>
      tpu.wait_indirect_dma semaphore(%arg13 : memref<!tpu.dma_semaphore, #tpu.memory_space<semaphore_mem>>) src(%dma_wait3A_530 : memref<10000x128xf32, #tpu.memory_space<hbm>>) dst(%dma_wait3A_524 : memref<80x128xf32, #tpu.memory_space<vmem>>)
      %dma_start3A_531 = arith.constant 2 : i32
      %dma_start3A_532 = arith.constant 2 : i32
      %dma_start3A_533 = arith.constant 0 : i32
      %dma_start3A_534 = arith.constant 0 : i32
      %dma_start3A_535 = tpu.memref_slice %arg9[%dma_start3A_531, %dma_start3A_533, %dma_start3A_534] : memref<4x80x128xf32, #tpu.memory_space<vmem>> -> memref<1x80x128xf32, #tpu.memory_space<vmem>>
      %dma_start3A_536 = tpu.memref_squeeze %dma_start3A_535 : memref<1x80x128xf32, #tpu.memory_space<vmem>> -> memref<80x128xf32, #tpu.memory_space<vmem>>
      %dma_start3A_537 = arith.constant 0 : i32
      %dma_start3A_538 = tpu.memref_slice %arg8[%dma_start3A_532, %dma_start3A_537] : memref<4x80xi32, #tpu.memory_space<vmem>> -> memref<1x80xi32, #tpu.memory_space<vmem>>
      %dma_start3A_539 = tpu.memref_squeeze %dma_start3A_538 : memref<1x80xi32, #tpu.memory_space<vmem>> -> memref<80xi32, #tpu.memory_space<vmem>>
      %dma_start3A_540 = arith.constant 0 : i32
      %dma_start3A_541 = arith.constant 0 : i32
      %dma_start3A_542 = tpu.memref_slice %arg10[%dma_start3A_540, %dma_start3A_541] : memref<10112x128xf32, #tpu.memory_space<vmem_shared>> -> memref<10112x128xf32, #tpu.memory_space<vmem_shared>>
      tpu.enqueue_indirect_dma source(%dma_start3A_536 : memref<80x128xf32, #tpu.memory_space<vmem>>) target(%dma_start3A_542 : memref<10112x128xf32, #tpu.memory_space<vmem_shared>>) offsets(%dma_start3A_539 : memref<80xi32, #tpu.memory_space<vmem>>) semaphore(%arg21 : memref<!tpu.dma_semaphore, #tpu.memory_space<semaphore_mem>>) {add = true}
      %add3A_543 = arith.constant 1 : i32
      %add3A_544 = arith.addi %add3A_450, %add3A_543 : i32
      %dma_wait3A_545 = arith.constant 1 : i32
      %dma_wait3A_546 = arith.constant 1 : i32
      %dma_wait3A_547 = arith.constant 0 : i32
      %dma_wait3A_548 = arith.constant 0 : i32
      %dma_wait3A_549 = tpu.memref_slice %arg9[%dma_wait3A_545, %dma_wait3A_547, %dma_wait3A_548] : memref<4x80x128xf32, #tpu.memory_space<vmem>> -> memref<1x80x128xf32, #tpu.memory_space<vmem>>
      %dma_wait3A_550 = tpu.memref_squeeze %dma_wait3A_549 : memref<1x80x128xf32, #tpu.memory_space<vmem>> -> memref<80x128xf32, #tpu.memory_space<vmem>>
      %dma_wait3A_551 = arith.constant 0 : i32
      %dma_wait3A_552 = tpu.memref_slice %arg8[%dma_wait3A_546, %dma_wait3A_551] : memref<4x80xi32, #tpu.memory_space<vmem>> -> memref<1x80xi32, #tpu.memory_space<vmem>>
      %dma_wait3A_553 = tpu.memref_squeeze %dma_wait3A_552 : memref<1x80xi32, #tpu.memory_space<vmem>> -> memref<80xi32, #tpu.memory_space<vmem>>
      %dma_wait3A_554 = arith.constant 0 : i32
      %dma_wait3A_555 = arith.constant 0 : i32
      %dma_wait3A_556 = tpu.memref_slice %arg10[%dma_wait3A_554, %dma_wait3A_555] : memref<10112x128xf32, #tpu.memory_space<vmem_shared>> -> memref<10112x128xf32, #tpu.memory_space<vmem_shared>>
      tpu.wait_indirect_dma semaphore(%arg20 : memref<!tpu.dma_semaphore, #tpu.memory_space<semaphore_mem>>) src(%dma_wait3A_550 : memref<80x128xf32, #tpu.memory_space<vmem>>) dst(%dma_wait3A_556 : memref<10112x128xf32, #tpu.memory_space<vmem_shared>>)
      %add3A_557 = arith.constant 2 : i32
      %add3A_558 = arith.addi %add3A_544, %add3A_557 : i32
      %mul3A_559 = arith.constant 80 : i32
      %mul3A_560 = arith.muli %add3A_558, %mul3A_559 : i32
      %add3A_561 = arith.addi %add3A, %mul3A_560 : i32
      %multiple_of3A_562 = tpu.assume_multiple %add3A_561, 8 : i32
      %dma_start3A_563 = arith.constant 1 : i32
      %dma_start3A_564 = arith.constant 0 : i32
      %dma_start3A_565 = tpu.memref_slice %arg7[%dma_start3A_563, %dma_start3A_564] : memref<4x80xi32, #tpu.memory_space<vmem>> -> memref<1x80xi32, #tpu.memory_space<vmem>>
      %dma_start3A_566 = tpu.memref_squeeze %dma_start3A_565 : memref<1x80xi32, #tpu.memory_space<vmem>> -> memref<80xi32, #tpu.memory_space<vmem>>
      %dma_start3A_567 = tpu.memref_slice %arg3[%multiple_of3A_562] : memref<320000xi32, #tpu.memory_space<hbm>> -> memref<80xi32, #tpu.memory_space<hbm>>
      %dma_start3A_568 = arith.constant 0 : i32
      %dma_start3A_569 = tpu.memref_slice %arg7[%dma_start3A_563, %dma_start3A_568] : memref<4x80xi32, #tpu.memory_space<vmem>> -> memref<1x80xi32, #tpu.memory_space<vmem>>
      %dma_start3A_570 = tpu.memref_squeeze %dma_start3A_569 : memref<1x80xi32, #tpu.memory_space<vmem>> -> memref<80xi32, #tpu.memory_space<vmem>>
      %dma_start3A_571 = tpu.memref_slice %arg3[%multiple_of3A_562] : memref<320000xi32, #tpu.memory_space<hbm>> -> memref<80xi32, #tpu.memory_space<hbm>>
      tpu.enqueue_dma source(%dma_start3A_571 : memref<80xi32, #tpu.memory_space<hbm>>) target(%dma_start3A_570 : memref<80xi32, #tpu.memory_space<vmem>>) target_semaphore(%arg16 : memref<!tpu.dma_semaphore, #tpu.memory_space<semaphore_mem>>)
      %dma_start3A_572 = arith.constant 1 : i32
      %dma_start3A_573 = arith.constant 0 : i32
      %dma_start3A_574 = tpu.memref_slice %arg8[%dma_start3A_572, %dma_start3A_573] : memref<4x80xi32, #tpu.memory_space<vmem>> -> memref<1x80xi32, #tpu.memory_space<vmem>>
      %dma_start3A_575 = tpu.memref_squeeze %dma_start3A_574 : memref<1x80xi32, #tpu.memory_space<vmem>> -> memref<80xi32, #tpu.memory_space<vmem>>
      %dma_start3A_576 = tpu.memref_slice %arg4[%multiple_of3A_562] : memref<320000xi32, #tpu.memory_space<hbm>> -> memref<80xi32, #tpu.memory_space<hbm>>
      %dma_start3A_577 = arith.constant 0 : i32
      %dma_start3A_578 = tpu.memref_slice %arg8[%dma_start3A_572, %dma_start3A_577] : memref<4x80xi32, #tpu.memory_space<vmem>> -> memref<1x80xi32, #tpu.memory_space<vmem>>
      %dma_start3A_579 = tpu.memref_squeeze %dma_start3A_578 : memref<1x80xi32, #tpu.memory_space<vmem>> -> memref<80xi32, #tpu.memory_space<vmem>>
      %dma_start3A_580 = tpu.memref_slice %arg4[%multiple_of3A_562] : memref<320000xi32, #tpu.memory_space<hbm>> -> memref<80xi32, #tpu.memory_space<hbm>>
      tpu.enqueue_dma source(%dma_start3A_580 : memref<80xi32, #tpu.memory_space<hbm>>) target(%dma_start3A_579 : memref<80xi32, #tpu.memory_space<vmem>>) target_semaphore(%arg16 : memref<!tpu.dma_semaphore, #tpu.memory_space<semaphore_mem>>)
      %dma_wait3A_581 = arith.constant 0 : i32
      %dma_wait3A_582 = arith.constant 0 : i32
      %dma_wait3A_583 = tpu.memref_slice %arg7[%dma_wait3A_581, %dma_wait3A_582] : memref<4x80xi32, #tpu.memory_space<vmem>> -> memref<1x80xi32, #tpu.memory_space<vmem>>
      %dma_wait3A_584 = tpu.memref_squeeze %dma_wait3A_583 : memref<1x80xi32, #tpu.memory_space<vmem>> -> memref<80xi32, #tpu.memory_space<vmem>>
      %dma_wait3A_585 = tpu.memref_slice %arg3[%add3A] : memref<320000xi32, #tpu.memory_space<hbm>> -> memref<80xi32, #tpu.memory_space<hbm>>
      %dma_wait3A_586 = arith.constant 0 : i32
      %dma_wait3A_587 = tpu.memref_slice %arg7[%dma_wait3A_581, %dma_wait3A_586] : memref<4x80xi32, #tpu.memory_space<vmem>> -> memref<1x80xi32, #tpu.memory_space<vmem>>
      %dma_wait3A_588 = tpu.memref_squeeze %dma_wait3A_587 : memref<1x80xi32, #tpu.memory_space<vmem>> -> memref<80xi32, #tpu.memory_space<vmem>>
      %dma_wait3A_589 = tpu.memref_slice %arg3[%add3A] : memref<320000xi32, #tpu.memory_space<hbm>> -> memref<80xi32, #tpu.memory_space<hbm>>
      tpu.wait_dma2 semaphore(%arg15 : memref<!tpu.dma_semaphore, #tpu.memory_space<semaphore_mem>>) src(%dma_wait3A_589 : memref<80xi32, #tpu.memory_space<hbm>>) dst(%dma_wait3A_588 : memref<80xi32, #tpu.memory_space<vmem>>)
      %dma_wait3A_590 = arith.constant 0 : i32
      %dma_wait3A_591 = arith.constant 0 : i32
      %dma_wait3A_592 = tpu.memref_slice %arg8[%dma_wait3A_590, %dma_wait3A_591] : memref<4x80xi32, #tpu.memory_space<vmem>> -> memref<1x80xi32, #tpu.memory_space<vmem>>
      %dma_wait3A_593 = tpu.memref_squeeze %dma_wait3A_592 : memref<1x80xi32, #tpu.memory_space<vmem>> -> memref<80xi32, #tpu.memory_space<vmem>>
      %dma_wait3A_594 = tpu.memref_slice %arg4[%add3A] : memref<320000xi32, #tpu.memory_space<hbm>> -> memref<80xi32, #tpu.memory_space<hbm>>
      %dma_wait3A_595 = arith.constant 0 : i32
      %dma_wait3A_596 = tpu.memref_slice %arg8[%dma_wait3A_590, %dma_wait3A_595] : memref<4x80xi32, #tpu.memory_space<vmem>> -> memref<1x80xi32, #tpu.memory_space<vmem>>
      %dma_wait3A_597 = tpu.memref_squeeze %dma_wait3A_596 : memref<1x80xi32, #tpu.memory_space<vmem>> -> memref<80xi32, #tpu.memory_space<vmem>>
      %dma_wait3A_598 = tpu.memref_slice %arg4[%add3A] : memref<320000xi32, #tpu.memory_space<hbm>> -> memref<80xi32, #tpu.memory_space<hbm>>
      tpu.wait_dma2 semaphore(%arg15 : memref<!tpu.dma_semaphore, #tpu.memory_space<semaphore_mem>>) src(%dma_wait3A_598 : memref<80xi32, #tpu.memory_space<hbm>>) dst(%dma_wait3A_597 : memref<80xi32, #tpu.memory_space<vmem>>)
      %dma_start3A_599 = arith.constant 0 : i32
      %dma_start3A_600 = arith.constant 0 : i32
      %dma_start3A_601 = arith.constant 0 : i32
      %dma_start3A_602 = arith.constant 0 : i32
      %dma_start3A_603 = tpu.memref_slice %arg9[%dma_start3A_600, %dma_start3A_601, %dma_start3A_602] : memref<4x80x128xf32, #tpu.memory_space<vmem>> -> memref<1x80x128xf32, #tpu.memory_space<vmem>>
      %dma_start3A_604 = tpu.memref_squeeze %dma_start3A_603 : memref<1x80x128xf32, #tpu.memory_space<vmem>> -> memref<80x128xf32, #tpu.memory_space<vmem>>
      %dma_start3A_605 = arith.constant 0 : i32
      %dma_start3A_606 = tpu.memref_slice %arg7[%dma_start3A_599, %dma_start3A_605] : memref<4x80xi32, #tpu.memory_space<vmem>> -> memref<1x80xi32, #tpu.memory_space<vmem>>
      %dma_start3A_607 = tpu.memref_squeeze %dma_start3A_606 : memref<1x80xi32, #tpu.memory_space<vmem>> -> memref<80xi32, #tpu.memory_space<vmem>>
      %dma_start3A_608 = arith.constant 0 : i32
      %dma_start3A_609 = arith.constant 0 : i32
      %dma_start3A_610 = tpu.memref_slice %arg2[%dma_start3A_608, %dma_start3A_609] : memref<10000x128xf32, #tpu.memory_space<hbm>> -> memref<10000x128xf32, #tpu.memory_space<hbm>>
      tpu.enqueue_indirect_dma source(%dma_start3A_610 : memref<10000x128xf32, #tpu.memory_space<hbm>>) target(%dma_start3A_604 : memref<80x128xf32, #tpu.memory_space<vmem>>) offsets(%dma_start3A_607 : memref<80xi32, #tpu.memory_space<vmem>>) semaphore(%arg11 : memref<!tpu.dma_semaphore, #tpu.memory_space<semaphore_mem>>)
      %dma_wait3A_611 = arith.constant 3 : i32
      %dma_wait3A_612 = arith.constant 3 : i32
      %dma_wait3A_613 = arith.constant 0 : i32
      %dma_wait3A_614 = arith.constant 0 : i32
      %dma_wait3A_615 = tpu.memref_slice %arg9[%dma_wait3A_612, %dma_wait3A_613, %dma_wait3A_614] : memref<4x80x128xf32, #tpu.memory_space<vmem>> -> memref<1x80x128xf32, #tpu.memory_space<vmem>>
      %dma_wait3A_616 = tpu.memref_squeeze %dma_wait3A_615 : memref<1x80x128xf32, #tpu.memory_space<vmem>> -> memref<80x128xf32, #tpu.memory_space<vmem>>
      %dma_wait3A_617 = arith.constant 0 : i32
      %dma_wait3A_618 = tpu.memref_slice %arg7[%dma_wait3A_611, %dma_wait3A_617] : memref<4x80xi32, #tpu.memory_space<vmem>> -> memref<1x80xi32, #tpu.memory_space<vmem>>
      %dma_wait3A_619 = tpu.memref_squeeze %dma_wait3A_618 : memref<1x80xi32, #tpu.memory_space<vmem>> -> memref<80xi32, #tpu.memory_space<vmem>>
      %dma_wait3A_620 = arith.constant 0 : i32
      %dma_wait3A_621 = arith.constant 0 : i32
      %dma_wait3A_622 = tpu.memref_slice %arg2[%dma_wait3A_620, %dma_wait3A_621] : memref<10000x128xf32, #tpu.memory_space<hbm>> -> memref<10000x128xf32, #tpu.memory_space<hbm>>
      tpu.wait_indirect_dma semaphore(%arg14 : memref<!tpu.dma_semaphore, #tpu.memory_space<semaphore_mem>>) src(%dma_wait3A_622 : memref<10000x128xf32, #tpu.memory_space<hbm>>) dst(%dma_wait3A_616 : memref<80x128xf32, #tpu.memory_space<vmem>>)
      %dma_start3A_623 = arith.constant 3 : i32
      %dma_start3A_624 = arith.constant 3 : i32
      %dma_start3A_625 = arith.constant 0 : i32
      %dma_start3A_626 = arith.constant 0 : i32
      %dma_start3A_627 = tpu.memref_slice %arg9[%dma_start3A_623, %dma_start3A_625, %dma_start3A_626] : memref<4x80x128xf32, #tpu.memory_space<vmem>> -> memref<1x80x128xf32, #tpu.memory_space<vmem>>
      %dma_start3A_628 = tpu.memref_squeeze %dma_start3A_627 : memref<1x80x128xf32, #tpu.memory_space<vmem>> -> memref<80x128xf32, #tpu.memory_space<vmem>>
      %dma_start3A_629 = arith.constant 0 : i32
      %dma_start3A_630 = tpu.memref_slice %arg8[%dma_start3A_624, %dma_start3A_629] : memref<4x80xi32, #tpu.memory_space<vmem>> -> memref<1x80xi32, #tpu.memory_space<vmem>>
      %dma_start3A_631 = tpu.memref_squeeze %dma_start3A_630 : memref<1x80xi32, #tpu.memory_space<vmem>> -> memref<80xi32, #tpu.memory_space<vmem>>
      %dma_start3A_632 = arith.constant 0 : i32
      %dma_start3A_633 = arith.constant 0 : i32
      %dma_start3A_634 = tpu.memref_slice %arg10[%dma_start3A_632, %dma_start3A_633] : memref<10112x128xf32, #tpu.memory_space<vmem_shared>> -> memref<10112x128xf32, #tpu.memory_space<vmem_shared>>
      tpu.enqueue_indirect_dma source(%dma_start3A_628 : memref<80x128xf32, #tpu.memory_space<vmem>>) target(%dma_start3A_634 : memref<10112x128xf32, #tpu.memory_space<vmem_shared>>) offsets(%dma_start3A_631 : memref<80xi32, #tpu.memory_space<vmem>>) semaphore(%arg22 : memref<!tpu.dma_semaphore, #tpu.memory_space<semaphore_mem>>) {add = true}
      %add3A_635 = arith.constant 2 : i32
      %add3A_636 = arith.addi %add3A_450, %add3A_635 : i32
      %dma_wait3A_637 = arith.constant 2 : i32
      %dma_wait3A_638 = arith.constant 2 : i32
      %dma_wait3A_639 = arith.constant 0 : i32
      %dma_wait3A_640 = arith.constant 0 : i32
      %dma_wait3A_641 = tpu.memref_slice %arg9[%dma_wait3A_637, %dma_wait3A_639, %dma_wait3A_640] : memref<4x80x128xf32, #tpu.memory_space<vmem>> -> memref<1x80x128xf32, #tpu.memory_space<vmem>>
      %dma_wait3A_642 = tpu.memref_squeeze %dma_wait3A_641 : memref<1x80x128xf32, #tpu.memory_space<vmem>> -> memref<80x128xf32, #tpu.memory_space<vmem>>
      %dma_wait3A_643 = arith.constant 0 : i32
      %dma_wait3A_644 = tpu.memref_slice %arg8[%dma_wait3A_638, %dma_wait3A_643] : memref<4x80xi32, #tpu.memory_space<vmem>> -> memref<1x80xi32, #tpu.memory_space<vmem>>
      %dma_wait3A_645 = tpu.memref_squeeze %dma_wait3A_644 : memref<1x80xi32, #tpu.memory_space<vmem>> -> memref<80xi32, #tpu.memory_space<vmem>>
      %dma_wait3A_646 = arith.constant 0 : i32
      %dma_wait3A_647 = arith.constant 0 : i32
      %dma_wait3A_648 = tpu.memref_slice %arg10[%dma_wait3A_646, %dma_wait3A_647] : memref<10112x128xf32, #tpu.memory_space<vmem_shared>> -> memref<10112x128xf32, #tpu.memory_space<vmem_shared>>
      tpu.wait_indirect_dma semaphore(%arg21 : memref<!tpu.dma_semaphore, #tpu.memory_space<semaphore_mem>>) src(%dma_wait3A_642 : memref<80x128xf32, #tpu.memory_space<vmem>>) dst(%dma_wait3A_648 : memref<10112x128xf32, #tpu.memory_space<vmem_shared>>)
      %add3A_649 = arith.constant 2 : i32
      %add3A_650 = arith.addi %add3A_636, %add3A_649 : i32
      %mul3A_651 = arith.constant 80 : i32
      %mul3A_652 = arith.muli %add3A_650, %mul3A_651 : i32
      %add3A_653 = arith.addi %add3A, %mul3A_652 : i32
      %multiple_of3A_654 = tpu.assume_multiple %add3A_653, 8 : i32
      %dma_start3A_655 = arith.constant 2 : i32
      %dma_start3A_656 = arith.constant 0 : i32
      %dma_start3A_657 = tpu.memref_slice %arg7[%dma_start3A_655, %dma_start3A_656] : memref<4x80xi32, #tpu.memory_space<vmem>> -> memref<1x80xi32, #tpu.memory_space<vmem>>
      %dma_start3A_658 = tpu.memref_squeeze %dma_start3A_657 : memref<1x80xi32, #tpu.memory_space<vmem>> -> memref<80xi32, #tpu.memory_space<vmem>>
      %dma_start3A_659 = tpu.memref_slice %arg3[%multiple_of3A_654] : memref<320000xi32, #tpu.memory_space<hbm>> -> memref<80xi32, #tpu.memory_space<hbm>>
      %dma_start3A_660 = arith.constant 0 : i32
      %dma_start3A_661 = tpu.memref_slice %arg7[%dma_start3A_655, %dma_start3A_660] : memref<4x80xi32, #tpu.memory_space<vmem>> -> memref<1x80xi32, #tpu.memory_space<vmem>>
      %dma_start3A_662 = tpu.memref_squeeze %dma_start3A_661 : memref<1x80xi32, #tpu.memory_space<vmem>> -> memref<80xi32, #tpu.memory_space<vmem>>
      %dma_start3A_663 = tpu.memref_slice %arg3[%multiple_of3A_654] : memref<320000xi32, #tpu.memory_space<hbm>> -> memref<80xi32, #tpu.memory_space<hbm>>
      tpu.enqueue_dma source(%dma_start3A_663 : memref<80xi32, #tpu.memory_space<hbm>>) target(%dma_start3A_662 : memref<80xi32, #tpu.memory_space<vmem>>) target_semaphore(%arg17 : memref<!tpu.dma_semaphore, #tpu.memory_space<semaphore_mem>>)
      %dma_start3A_664 = arith.constant 2 : i32
      %dma_start3A_665 = arith.constant 0 : i32
      %dma_start3A_666 = tpu.memref_slice %arg8[%dma_start3A_664, %dma_start3A_665] : memref<4x80xi32, #tpu.memory_space<vmem>> -> memref<1x80xi32, #tpu.memory_space<vmem>>
      %dma_start3A_667 = tpu.memref_squeeze %dma_start3A_666 : memref<1x80xi32, #tpu.memory_space<vmem>> -> memref<80xi32, #tpu.memory_space<vmem>>
      %dma_start3A_668 = tpu.memref_slice %arg4[%multiple_of3A_654] : memref<320000xi32, #tpu.memory_space<hbm>> -> memref<80xi32, #tpu.memory_space<hbm>>
      %dma_start3A_669 = arith.constant 0 : i32
      %dma_start3A_670 = tpu.memref_slice %arg8[%dma_start3A_664, %dma_start3A_669] : memref<4x80xi32, #tpu.memory_space<vmem>> -> memref<1x80xi32, #tpu.memory_space<vmem>>
      %dma_start3A_671 = tpu.memref_squeeze %dma_start3A_670 : memref<1x80xi32, #tpu.memory_space<vmem>> -> memref<80xi32, #tpu.memory_space<vmem>>
      %dma_start3A_672 = tpu.memref_slice %arg4[%multiple_of3A_654] : memref<320000xi32, #tpu.memory_space<hbm>> -> memref<80xi32, #tpu.memory_space<hbm>>
      tpu.enqueue_dma source(%dma_start3A_672 : memref<80xi32, #tpu.memory_space<hbm>>) target(%dma_start3A_671 : memref<80xi32, #tpu.memory_space<vmem>>) target_semaphore(%arg17 : memref<!tpu.dma_semaphore, #tpu.memory_space<semaphore_mem>>)
      %dma_wait3A_673 = arith.constant 1 : i32
      %dma_wait3A_674 = arith.constant 0 : i32
      %dma_wait3A_675 = tpu.memref_slice %arg7[%dma_wait3A_673, %dma_wait3A_674] : memref<4x80xi32, #tpu.memory_space<vmem>> -> memref<1x80xi32, #tpu.memory_space<vmem>>
      %dma_wait3A_676 = tpu.memref_squeeze %dma_wait3A_675 : memref<1x80xi32, #tpu.memory_space<vmem>> -> memref<80xi32, #tpu.memory_space<vmem>>
      %dma_wait3A_677 = tpu.memref_slice %arg3[%add3A] : memref<320000xi32, #tpu.memory_space<hbm>> -> memref<80xi32, #tpu.memory_space<hbm>>
      %dma_wait3A_678 = arith.constant 0 : i32
      %dma_wait3A_679 = tpu.memref_slice %arg7[%dma_wait3A_673, %dma_wait3A_678] : memref<4x80xi32, #tpu.memory_space<vmem>> -> memref<1x80xi32, #tpu.memory_space<vmem>>
      %dma_wait3A_680 = tpu.memref_squeeze %dma_wait3A_679 : memref<1x80xi32, #tpu.memory_space<vmem>> -> memref<80xi32, #tpu.memory_space<vmem>>
      %dma_wait3A_681 = tpu.memref_slice %arg3[%add3A] : memref<320000xi32, #tpu.memory_space<hbm>> -> memref<80xi32, #tpu.memory_space<hbm>>
      tpu.wait_dma2 semaphore(%arg16 : memref<!tpu.dma_semaphore, #tpu.memory_space<semaphore_mem>>) src(%dma_wait3A_681 : memref<80xi32, #tpu.memory_space<hbm>>) dst(%dma_wait3A_680 : memref<80xi32, #tpu.memory_space<vmem>>)
      %dma_wait3A_682 = arith.constant 1 : i32
      %dma_wait3A_683 = arith.constant 0 : i32
      %dma_wait3A_684 = tpu.memref_slice %arg8[%dma_wait3A_682, %dma_wait3A_683] : memref<4x80xi32, #tpu.memory_space<vmem>> -> memref<1x80xi32, #tpu.memory_space<vmem>>
      %dma_wait3A_685 = tpu.memref_squeeze %dma_wait3A_684 : memref<1x80xi32, #tpu.memory_space<vmem>> -> memref<80xi32, #tpu.memory_space<vmem>>
      %dma_wait3A_686 = tpu.memref_slice %arg4[%add3A] : memref<320000xi32, #tpu.memory_space<hbm>> -> memref<80xi32, #tpu.memory_space<hbm>>
      %dma_wait3A_687 = arith.constant 0 : i32
      %dma_wait3A_688 = tpu.memref_slice %arg8[%dma_wait3A_682, %dma_wait3A_687] : memref<4x80xi32, #tpu.memory_space<vmem>> -> memref<1x80xi32, #tpu.memory_space<vmem>>
      %dma_wait3A_689 = tpu.memref_squeeze %dma_wait3A_688 : memref<1x80xi32, #tpu.memory_space<vmem>> -> memref<80xi32, #tpu.memory_space<vmem>>
      %dma_wait3A_690 = tpu.memref_slice %arg4[%add3A] : memref<320000xi32, #tpu.memory_space<hbm>> -> memref<80xi32, #tpu.memory_space<hbm>>
      tpu.wait_dma2 semaphore(%arg16 : memref<!tpu.dma_semaphore, #tpu.memory_space<semaphore_mem>>) src(%dma_wait3A_690 : memref<80xi32, #tpu.memory_space<hbm>>) dst(%dma_wait3A_689 : memref<80xi32, #tpu.memory_space<vmem>>)
      %dma_start3A_691 = arith.constant 1 : i32
      %dma_start3A_692 = arith.constant 1 : i32
      %dma_start3A_693 = arith.constant 0 : i32
      %dma_start3A_694 = arith.constant 0 : i32
      %dma_start3A_695 = tpu.memref_slice %arg9[%dma_start3A_692, %dma_start3A_693, %dma_start3A_694] : memref<4x80x128xf32, #tpu.memory_space<vmem>> -> memref<1x80x128xf32, #tpu.memory_space<vmem>>
      %dma_start3A_696 = tpu.memref_squeeze %dma_start3A_695 : memref<1x80x128xf32, #tpu.memory_space<vmem>> -> memref<80x128xf32, #tpu.memory_space<vmem>>
      %dma_start3A_697 = arith.constant 0 : i32
      %dma_start3A_698 = tpu.memref_slice %arg7[%dma_start3A_691, %dma_start3A_697] : memref<4x80xi32, #tpu.memory_space<vmem>> -> memref<1x80xi32, #tpu.memory_space<vmem>>
      %dma_start3A_699 = tpu.memref_squeeze %dma_start3A_698 : memref<1x80xi32, #tpu.memory_space<vmem>> -> memref<80xi32, #tpu.memory_space<vmem>>
      %dma_start3A_700 = arith.constant 0 : i32
      %dma_start3A_701 = arith.constant 0 : i32
      %dma_start3A_702 = tpu.memref_slice %arg2[%dma_start3A_700, %dma_start3A_701] : memref<10000x128xf32, #tpu.memory_space<hbm>> -> memref<10000x128xf32, #tpu.memory_space<hbm>>
      tpu.enqueue_indirect_dma source(%dma_start3A_702 : memref<10000x128xf32, #tpu.memory_space<hbm>>) target(%dma_start3A_696 : memref<80x128xf32, #tpu.memory_space<vmem>>) offsets(%dma_start3A_699 : memref<80xi32, #tpu.memory_space<vmem>>) semaphore(%arg12 : memref<!tpu.dma_semaphore, #tpu.memory_space<semaphore_mem>>)
      %dma_wait3A_703 = arith.constant 0 : i32
      %dma_wait3A_704 = arith.constant 0 : i32
      %dma_wait3A_705 = arith.constant 0 : i32
      %dma_wait3A_706 = arith.constant 0 : i32
      %dma_wait3A_707 = tpu.memref_slice %arg9[%dma_wait3A_704, %dma_wait3A_705, %dma_wait3A_706] : memref<4x80x128xf32, #tpu.memory_space<vmem>> -> memref<1x80x128xf32, #tpu.memory_space<vmem>>
      %dma_wait3A_708 = tpu.memref_squeeze %dma_wait3A_707 : memref<1x80x128xf32, #tpu.memory_space<vmem>> -> memref<80x128xf32, #tpu.memory_space<vmem>>
      %dma_wait3A_709 = arith.constant 0 : i32
      %dma_wait3A_710 = tpu.memref_slice %arg7[%dma_wait3A_703, %dma_wait3A_709] : memref<4x80xi32, #tpu.memory_space<vmem>> -> memref<1x80xi32, #tpu.memory_space<vmem>>
      %dma_wait3A_711 = tpu.memref_squeeze %dma_wait3A_710 : memref<1x80xi32, #tpu.memory_space<vmem>> -> memref<80xi32, #tpu.memory_space<vmem>>
      %dma_wait3A_712 = arith.constant 0 : i32
      %dma_wait3A_713 = arith.constant 0 : i32
      %dma_wait3A_714 = tpu.memref_slice %arg2[%dma_wait3A_712, %dma_wait3A_713] : memref<10000x128xf32, #tpu.memory_space<hbm>> -> memref<10000x128xf32, #tpu.memory_space<hbm>>
      tpu.wait_indirect_dma semaphore(%arg11 : memref<!tpu.dma_semaphore, #tpu.memory_space<semaphore_mem>>) src(%dma_wait3A_714 : memref<10000x128xf32, #tpu.memory_space<hbm>>) dst(%dma_wait3A_708 : memref<80x128xf32, #tpu.memory_space<vmem>>)
      %dma_start3A_715 = arith.constant 0 : i32
      %dma_start3A_716 = arith.constant 0 : i32
      %dma_start3A_717 = arith.constant 0 : i32
      %dma_start3A_718 = arith.constant 0 : i32
      %dma_start3A_719 = tpu.memref_slice %arg9[%dma_start3A_715, %dma_start3A_717, %dma_start3A_718] : memref<4x80x128xf32, #tpu.memory_space<vmem>> -> memref<1x80x128xf32, #tpu.memory_space<vmem>>
      %dma_start3A_720 = tpu.memref_squeeze %dma_start3A_719 : memref<1x80x128xf32, #tpu.memory_space<vmem>> -> memref<80x128xf32, #tpu.memory_space<vmem>>
      %dma_start3A_721 = arith.constant 0 : i32
      %dma_start3A_722 = tpu.memref_slice %arg8[%dma_start3A_716, %dma_start3A_721] : memref<4x80xi32, #tpu.memory_space<vmem>> -> memref<1x80xi32, #tpu.memory_space<vmem>>
      %dma_start3A_723 = tpu.memref_squeeze %dma_start3A_722 : memref<1x80xi32, #tpu.memory_space<vmem>> -> memref<80xi32, #tpu.memory_space<vmem>>
      %dma_start3A_724 = arith.constant 0 : i32
      %dma_start3A_725 = arith.constant 0 : i32
      %dma_start3A_726 = tpu.memref_slice %arg10[%dma_start3A_724, %dma_start3A_725] : memref<10112x128xf32, #tpu.memory_space<vmem_shared>> -> memref<10112x128xf32, #tpu.memory_space<vmem_shared>>
      tpu.enqueue_indirect_dma source(%dma_start3A_720 : memref<80x128xf32, #tpu.memory_space<vmem>>) target(%dma_start3A_726 : memref<10112x128xf32, #tpu.memory_space<vmem_shared>>) offsets(%dma_start3A_723 : memref<80xi32, #tpu.memory_space<vmem>>) semaphore(%arg19 : memref<!tpu.dma_semaphore, #tpu.memory_space<semaphore_mem>>) {add = true}
      %add3A_727 = arith.constant 3 : i32
      %add3A_728 = arith.addi %add3A_450, %add3A_727 : i32
      %dma_wait3A_729 = arith.constant 3 : i32
      %dma_wait3A_730 = arith.constant 3 : i32
      %dma_wait3A_731 = arith.constant 0 : i32
      %dma_wait3A_732 = arith.constant 0 : i32
      %dma_wait3A_733 = tpu.memref_slice %arg9[%dma_wait3A_729, %dma_wait3A_731, %dma_wait3A_732] : memref<4x80x128xf32, #tpu.memory_space<vmem>> -> memref<1x80x128xf32, #tpu.memory_space<vmem>>
      %dma_wait3A_734 = tpu.memref_squeeze %dma_wait3A_733 : memref<1x80x128xf32, #tpu.memory_space<vmem>> -> memref<80x128xf32, #tpu.memory_space<vmem>>
      %dma_wait3A_735 = arith.constant 0 : i32
      %dma_wait3A_736 = tpu.memref_slice %arg8[%dma_wait3A_730, %dma_wait3A_735] : memref<4x80xi32, #tpu.memory_space<vmem>> -> memref<1x80xi32, #tpu.memory_space<vmem>>
      %dma_wait3A_737 = tpu.memref_squeeze %dma_wait3A_736 : memref<1x80xi32, #tpu.memory_space<vmem>> -> memref<80xi32, #tpu.memory_space<vmem>>
      %dma_wait3A_738 = arith.constant 0 : i32
      %dma_wait3A_739 = arith.constant 0 : i32
      %dma_wait3A_740 = tpu.memref_slice %arg10[%dma_wait3A_738, %dma_wait3A_739] : memref<10112x128xf32, #tpu.memory_space<vmem_shared>> -> memref<10112x128xf32, #tpu.memory_space<vmem_shared>>
      tpu.wait_indirect_dma semaphore(%arg22 : memref<!tpu.dma_semaphore, #tpu.memory_space<semaphore_mem>>) src(%dma_wait3A_734 : memref<80x128xf32, #tpu.memory_space<vmem>>) dst(%dma_wait3A_740 : memref<10112x128xf32, #tpu.memory_space<vmem_shared>>)
      %add3A_741 = arith.constant 2 : i32
      %add3A_742 = arith.addi %add3A_728, %add3A_741 : i32
      %mul3A_743 = arith.constant 80 : i32
      %mul3A_744 = arith.muli %add3A_742, %mul3A_743 : i32
      %add3A_745 = arith.addi %add3A, %mul3A_744 : i32
      %multiple_of3A_746 = tpu.assume_multiple %add3A_745, 8 : i32
      %dma_start3A_747 = arith.constant 3 : i32
      %dma_start3A_748 = arith.constant 0 : i32
      %dma_start3A_749 = tpu.memref_slice %arg7[%dma_start3A_747, %dma_start3A_748] : memref<4x80xi32, #tpu.memory_space<vmem>> -> memref<1x80xi32, #tpu.memory_space<vmem>>
      %dma_start3A_750 = tpu.memref_squeeze %dma_start3A_749 : memref<1x80xi32, #tpu.memory_space<vmem>> -> memref<80xi32, #tpu.memory_space<vmem>>
      %dma_start3A_751 = tpu.memref_slice %arg3[%multiple_of3A_746] : memref<320000xi32, #tpu.memory_space<hbm>> -> memref<80xi32, #tpu.memory_space<hbm>>
      %dma_start3A_752 = arith.constant 0 : i32
      %dma_start3A_753 = tpu.memref_slice %arg7[%dma_start3A_747, %dma_start3A_752] : memref<4x80xi32, #tpu.memory_space<vmem>> -> memref<1x80xi32, #tpu.memory_space<vmem>>
      %dma_start3A_754 = tpu.memref_squeeze %dma_start3A_753 : memref<1x80xi32, #tpu.memory_space<vmem>> -> memref<80xi32, #tpu.memory_space<vmem>>
      %dma_start3A_755 = tpu.memref_slice %arg3[%multiple_of3A_746] : memref<320000xi32, #tpu.memory_space<hbm>> -> memref<80xi32, #tpu.memory_space<hbm>>
      tpu.enqueue_dma source(%dma_start3A_755 : memref<80xi32, #tpu.memory_space<hbm>>) target(%dma_start3A_754 : memref<80xi32, #tpu.memory_space<vmem>>) target_semaphore(%arg18 : memref<!tpu.dma_semaphore, #tpu.memory_space<semaphore_mem>>)
      %dma_start3A_756 = arith.constant 3 : i32
      %dma_start3A_757 = arith.constant 0 : i32
      %dma_start3A_758 = tpu.memref_slice %arg8[%dma_start3A_756, %dma_start3A_757] : memref<4x80xi32, #tpu.memory_space<vmem>> -> memref<1x80xi32, #tpu.memory_space<vmem>>
      %dma_start3A_759 = tpu.memref_squeeze %dma_start3A_758 : memref<1x80xi32, #tpu.memory_space<vmem>> -> memref<80xi32, #tpu.memory_space<vmem>>
      %dma_start3A_760 = tpu.memref_slice %arg4[%multiple_of3A_746] : memref<320000xi32, #tpu.memory_space<hbm>> -> memref<80xi32, #tpu.memory_space<hbm>>
      %dma_start3A_761 = arith.constant 0 : i32
      %dma_start3A_762 = tpu.memref_slice %arg8[%dma_start3A_756, %dma_start3A_761] : memref<4x80xi32, #tpu.memory_space<vmem>> -> memref<1x80xi32, #tpu.memory_space<vmem>>
      %dma_start3A_763 = tpu.memref_squeeze %dma_start3A_762 : memref<1x80xi32, #tpu.memory_space<vmem>> -> memref<80xi32, #tpu.memory_space<vmem>>
      %dma_start3A_764 = tpu.memref_slice %arg4[%multiple_of3A_746] : memref<320000xi32, #tpu.memory_space<hbm>> -> memref<80xi32, #tpu.memory_space<hbm>>
      tpu.enqueue_dma source(%dma_start3A_764 : memref<80xi32, #tpu.memory_space<hbm>>) target(%dma_start3A_763 : memref<80xi32, #tpu.memory_space<vmem>>) target_semaphore(%arg18 : memref<!tpu.dma_semaphore, #tpu.memory_space<semaphore_mem>>)
      %dma_wait3A_765 = arith.constant 2 : i32
      %dma_wait3A_766 = arith.constant 0 : i32
      %dma_wait3A_767 = tpu.memref_slice %arg7[%dma_wait3A_765, %dma_wait3A_766] : memref<4x80xi32, #tpu.memory_space<vmem>> -> memref<1x80xi32, #tpu.memory_space<vmem>>
      %dma_wait3A_768 = tpu.memref_squeeze %dma_wait3A_767 : memref<1x80xi32, #tpu.memory_space<vmem>> -> memref<80xi32, #tpu.memory_space<vmem>>
      %dma_wait3A_769 = tpu.memref_slice %arg3[%add3A] : memref<320000xi32, #tpu.memory_space<hbm>> -> memref<80xi32, #tpu.memory_space<hbm>>
      %dma_wait3A_770 = arith.constant 0 : i32
      %dma_wait3A_771 = tpu.memref_slice %arg7[%dma_wait3A_765, %dma_wait3A_770] : memref<4x80xi32, #tpu.memory_space<vmem>> -> memref<1x80xi32, #tpu.memory_space<vmem>>
      %dma_wait3A_772 = tpu.memref_squeeze %dma_wait3A_771 : memref<1x80xi32, #tpu.memory_space<vmem>> -> memref<80xi32, #tpu.memory_space<vmem>>
      %dma_wait3A_773 = tpu.memref_slice %arg3[%add3A] : memref<320000xi32, #tpu.memory_space<hbm>> -> memref<80xi32, #tpu.memory_space<hbm>>
      tpu.wait_dma2 semaphore(%arg17 : memref<!tpu.dma_semaphore, #tpu.memory_space<semaphore_mem>>) src(%dma_wait3A_773 : memref<80xi32, #tpu.memory_space<hbm>>) dst(%dma_wait3A_772 : memref<80xi32, #tpu.memory_space<vmem>>)
      %dma_wait3A_774 = arith.constant 2 : i32
      %dma_wait3A_775 = arith.constant 0 : i32
      %dma_wait3A_776 = tpu.memref_slice %arg8[%dma_wait3A_774, %dma_wait3A_775] : memref<4x80xi32, #tpu.memory_space<vmem>> -> memref<1x80xi32, #tpu.memory_space<vmem>>
      %dma_wait3A_777 = tpu.memref_squeeze %dma_wait3A_776 : memref<1x80xi32, #tpu.memory_space<vmem>> -> memref<80xi32, #tpu.memory_space<vmem>>
      %dma_wait3A_778 = tpu.memref_slice %arg4[%add3A] : memref<320000xi32, #tpu.memory_space<hbm>> -> memref<80xi32, #tpu.memory_space<hbm>>
      %dma_wait3A_779 = arith.constant 0 : i32
      %dma_wait3A_780 = tpu.memref_slice %arg8[%dma_wait3A_774, %dma_wait3A_779] : memref<4x80xi32, #tpu.memory_space<vmem>> -> memref<1x80xi32, #tpu.memory_space<vmem>>
      %dma_wait3A_781 = tpu.memref_squeeze %dma_wait3A_780 : memref<1x80xi32, #tpu.memory_space<vmem>> -> memref<80xi32, #tpu.memory_space<vmem>>
      %dma_wait3A_782 = tpu.memref_slice %arg4[%add3A] : memref<320000xi32, #tpu.memory_space<hbm>> -> memref<80xi32, #tpu.memory_space<hbm>>
      tpu.wait_dma2 semaphore(%arg17 : memref<!tpu.dma_semaphore, #tpu.memory_space<semaphore_mem>>) src(%dma_wait3A_782 : memref<80xi32, #tpu.memory_space<hbm>>) dst(%dma_wait3A_781 : memref<80xi32, #tpu.memory_space<vmem>>)
      %dma_start3A_783 = arith.constant 2 : i32
      %dma_start3A_784 = arith.constant 2 : i32
      %dma_start3A_785 = arith.constant 0 : i32
      %dma_start3A_786 = arith.constant 0 : i32
      %dma_start3A_787 = tpu.memref_slice %arg9[%dma_start3A_784, %dma_start3A_785, %dma_start3A_786] : memref<4x80x128xf32, #tpu.memory_space<vmem>> -> memref<1x80x128xf32, #tpu.memory_space<vmem>>
      %dma_start3A_788 = tpu.memref_squeeze %dma_start3A_787 : memref<1x80x128xf32, #tpu.memory_space<vmem>> -> memref<80x128xf32, #tpu.memory_space<vmem>>
      %dma_start3A_789 = arith.constant 0 : i32
      %dma_start3A_790 = tpu.memref_slice %arg7[%dma_start3A_783, %dma_start3A_789] : memref<4x80xi32, #tpu.memory_space<vmem>> -> memref<1x80xi32, #tpu.memory_space<vmem>>
      %dma_start3A_791 = tpu.memref_squeeze %dma_start3A_790 : memref<1x80xi32, #tpu.memory_space<vmem>> -> memref<80xi32, #tpu.memory_space<vmem>>
      %dma_start3A_792 = arith.constant 0 : i32
      %dma_start3A_793 = arith.constant 0 : i32
      %dma_start3A_794 = tpu.memref_slice %arg2[%dma_start3A_792, %dma_start3A_793] : memref<10000x128xf32, #tpu.memory_space<hbm>> -> memref<10000x128xf32, #tpu.memory_space<hbm>>
      tpu.enqueue_indirect_dma source(%dma_start3A_794 : memref<10000x128xf32, #tpu.memory_space<hbm>>) target(%dma_start3A_788 : memref<80x128xf32, #tpu.memory_space<vmem>>) offsets(%dma_start3A_791 : memref<80xi32, #tpu.memory_space<vmem>>) semaphore(%arg13 : memref<!tpu.dma_semaphore, #tpu.memory_space<semaphore_mem>>)
      %dma_wait3A_795 = arith.constant 1 : i32
      %dma_wait3A_796 = arith.constant 1 : i32
      %dma_wait3A_797 = arith.constant 0 : i32
      %dma_wait3A_798 = arith.constant 0 : i32
      %dma_wait3A_799 = tpu.memref_slice %arg9[%dma_wait3A_796, %dma_wait3A_797, %dma_wait3A_798] : memref<4x80x128xf32, #tpu.memory_space<vmem>> -> memref<1x80x128xf32, #tpu.memory_space<vmem>>
      %dma_wait3A_800 = tpu.memref_squeeze %dma_wait3A_799 : memref<1x80x128xf32, #tpu.memory_space<vmem>> -> memref<80x128xf32, #tpu.memory_space<vmem>>
      %dma_wait3A_801 = arith.constant 0 : i32
      %dma_wait3A_802 = tpu.memref_slice %arg7[%dma_wait3A_795, %dma_wait3A_801] : memref<4x80xi32, #tpu.memory_space<vmem>> -> memref<1x80xi32, #tpu.memory_space<vmem>>
      %dma_wait3A_803 = tpu.memref_squeeze %dma_wait3A_802 : memref<1x80xi32, #tpu.memory_space<vmem>> -> memref<80xi32, #tpu.memory_space<vmem>>
      %dma_wait3A_804 = arith.constant 0 : i32
      %dma_wait3A_805 = arith.constant 0 : i32
      %dma_wait3A_806 = tpu.memref_slice %arg2[%dma_wait3A_804, %dma_wait3A_805] : memref<10000x128xf32, #tpu.memory_space<hbm>> -> memref<10000x128xf32, #tpu.memory_space<hbm>>
      tpu.wait_indirect_dma semaphore(%arg12 : memref<!tpu.dma_semaphore, #tpu.memory_space<semaphore_mem>>) src(%dma_wait3A_806 : memref<10000x128xf32, #tpu.memory_space<hbm>>) dst(%dma_wait3A_800 : memref<80x128xf32, #tpu.memory_space<vmem>>)
      %dma_start3A_807 = arith.constant 1 : i32
      %dma_start3A_808 = arith.constant 1 : i32
      %dma_start3A_809 = arith.constant 0 : i32
      %dma_start3A_810 = arith.constant 0 : i32
      %dma_start3A_811 = tpu.memref_slice %arg9[%dma_start3A_807, %dma_start3A_809, %dma_start3A_810] : memref<4x80x128xf32, #tpu.memory_space<vmem>> -> memref<1x80x128xf32, #tpu.memory_space<vmem>>
      %dma_start3A_812 = tpu.memref_squeeze %dma_start3A_811 : memref<1x80x128xf32, #tpu.memory_space<vmem>> -> memref<80x128xf32, #tpu.memory_space<vmem>>
      %dma_start3A_813 = arith.constant 0 : i32
      %dma_start3A_814 = tpu.memref_slice %arg8[%dma_start3A_808, %dma_start3A_813] : memref<4x80xi32, #tpu.memory_space<vmem>> -> memref<1x80xi32, #tpu.memory_space<vmem>>
      %dma_start3A_815 = tpu.memref_squeeze %dma_start3A_814 : memref<1x80xi32, #tpu.memory_space<vmem>> -> memref<80xi32, #tpu.memory_space<vmem>>
      %dma_start3A_816 = arith.constant 0 : i32
      %dma_start3A_817 = arith.constant 0 : i32
      %dma_start3A_818 = tpu.memref_slice %arg10[%dma_start3A_816, %dma_start3A_817] : memref<10112x128xf32, #tpu.memory_space<vmem_shared>> -> memref<10112x128xf32, #tpu.memory_space<vmem_shared>>
      tpu.enqueue_indirect_dma source(%dma_start3A_812 : memref<80x128xf32, #tpu.memory_space<vmem>>) target(%dma_start3A_818 : memref<10112x128xf32, #tpu.memory_space<vmem_shared>>) offsets(%dma_start3A_815 : memref<80xi32, #tpu.memory_space<vmem>>) semaphore(%arg20 : memref<!tpu.dma_semaphore, #tpu.memory_space<semaphore_mem>>) {add = true}
    }
    %scan3A_228 = arith.constant 30 : i32
    %dma_wait3A_229 = arith.constant 0 : i32
    %dma_wait3A_230 = arith.constant 0 : i32
    %dma_wait3A_231 = arith.constant 0 : i32
    %dma_wait3A_232 = arith.constant 0 : i32
    %dma_wait3A_233 = tpu.memref_slice %arg9[%dma_wait3A_229, %dma_wait3A_231, %dma_wait3A_232] : memref<4x80x128xf32, #tpu.memory_space<vmem>> -> memref<1x80x128xf32, #tpu.memory_space<vmem>>
    %dma_wait3A_234 = tpu.memref_squeeze %dma_wait3A_233 : memref<1x80x128xf32, #tpu.memory_space<vmem>> -> memref<80x128xf32, #tpu.memory_space<vmem>>
    %dma_wait3A_235 = arith.constant 0 : i32
    %dma_wait3A_236 = tpu.memref_slice %arg8[%dma_wait3A_230, %dma_wait3A_235] : memref<4x80xi32, #tpu.memory_space<vmem>> -> memref<1x80xi32, #tpu.memory_space<vmem>>
    %dma_wait3A_237 = tpu.memref_squeeze %dma_wait3A_236 : memref<1x80xi32, #tpu.memory_space<vmem>> -> memref<80xi32, #tpu.memory_space<vmem>>
    %dma_wait3A_238 = arith.constant 0 : i32
    %dma_wait3A_239 = arith.constant 0 : i32
    %dma_wait3A_240 = tpu.memref_slice %arg10[%dma_wait3A_238, %dma_wait3A_239] : memref<10112x128xf32, #tpu.memory_space<vmem_shared>> -> memref<10112x128xf32, #tpu.memory_space<vmem_shared>>
    tpu.wait_indirect_dma semaphore(%arg19 : memref<!tpu.dma_semaphore, #tpu.memory_space<semaphore_mem>>) src(%dma_wait3A_234 : memref<80x128xf32, #tpu.memory_space<vmem>>) dst(%dma_wait3A_240 : memref<10112x128xf32, #tpu.memory_space<vmem_shared>>)
    %add3A_241 = arith.constant 9920 : i32
    %add3A_242 = arith.addi %add3A, %add3A_241 : i32
    %multiple_of3A_243 = tpu.assume_multiple %add3A_242, 8 : i32
    %dma_start3A_244 = arith.constant 0 : i32
    %dma_start3A_245 = arith.constant 0 : i32
    %dma_start3A_246 = tpu.memref_slice %arg7[%dma_start3A_244, %dma_start3A_245] : memref<4x80xi32, #tpu.memory_space<vmem>> -> memref<1x80xi32, #tpu.memory_space<vmem>>
    %dma_start3A_247 = tpu.memref_squeeze %dma_start3A_246 : memref<1x80xi32, #tpu.memory_space<vmem>> -> memref<80xi32, #tpu.memory_space<vmem>>
    %dma_start3A_248 = tpu.memref_slice %arg3[%multiple_of3A_243] : memref<320000xi32, #tpu.memory_space<hbm>> -> memref<80xi32, #tpu.memory_space<hbm>>
    %dma_start3A_249 = arith.constant 0 : i32
    %dma_start3A_250 = tpu.memref_slice %arg7[%dma_start3A_244, %dma_start3A_249] : memref<4x80xi32, #tpu.memory_space<vmem>> -> memref<1x80xi32, #tpu.memory_space<vmem>>
    %dma_start3A_251 = tpu.memref_squeeze %dma_start3A_250 : memref<1x80xi32, #tpu.memory_space<vmem>> -> memref<80xi32, #tpu.memory_space<vmem>>
    %dma_start3A_252 = tpu.memref_slice %arg3[%multiple_of3A_243] : memref<320000xi32, #tpu.memory_space<hbm>> -> memref<80xi32, #tpu.memory_space<hbm>>
    tpu.enqueue_dma source(%dma_start3A_252 : memref<80xi32, #tpu.memory_space<hbm>>) target(%dma_start3A_251 : memref<80xi32, #tpu.memory_space<vmem>>) target_semaphore(%arg15 : memref<!tpu.dma_semaphore, #tpu.memory_space<semaphore_mem>>)
    %dma_start3A_253 = arith.constant 0 : i32
    %dma_start3A_254 = arith.constant 0 : i32
    %dma_start3A_255 = tpu.memref_slice %arg8[%dma_start3A_253, %dma_start3A_254] : memref<4x80xi32, #tpu.memory_space<vmem>> -> memref<1x80xi32, #tpu.memory_space<vmem>>
    %dma_start3A_256 = tpu.memref_squeeze %dma_start3A_255 : memref<1x80xi32, #tpu.memory_space<vmem>> -> memref<80xi32, #tpu.memory_space<vmem>>
    %dma_start3A_257 = tpu.memref_slice %arg4[%multiple_of3A_243] : memref<320000xi32, #tpu.memory_space<hbm>> -> memref<80xi32, #tpu.memory_space<hbm>>
    %dma_start3A_258 = arith.constant 0 : i32
    %dma_start3A_259 = tpu.memref_slice %arg8[%dma_start3A_253, %dma_start3A_258] : memref<4x80xi32, #tpu.memory_space<vmem>> -> memref<1x80xi32, #tpu.memory_space<vmem>>
    %dma_start3A_260 = tpu.memref_squeeze %dma_start3A_259 : memref<1x80xi32, #tpu.memory_space<vmem>> -> memref<80xi32, #tpu.memory_space<vmem>>
    %dma_start3A_261 = tpu.memref_slice %arg4[%multiple_of3A_243] : memref<320000xi32, #tpu.memory_space<hbm>> -> memref<80xi32, #tpu.memory_space<hbm>>
    tpu.enqueue_dma source(%dma_start3A_261 : memref<80xi32, #tpu.memory_space<hbm>>) target(%dma_start3A_260 : memref<80xi32, #tpu.memory_space<vmem>>) target_semaphore(%arg15 : memref<!tpu.dma_semaphore, #tpu.memory_space<semaphore_mem>>)
    %dma_wait3A_262 = arith.constant 3 : i32
    %dma_wait3A_263 = arith.constant 0 : i32
    %dma_wait3A_264 = tpu.memref_slice %arg7[%dma_wait3A_262, %dma_wait3A_263] : memref<4x80xi32, #tpu.memory_space<vmem>> -> memref<1x80xi32, #tpu.memory_space<vmem>>
    %dma_wait3A_265 = tpu.memref_squeeze %dma_wait3A_264 : memref<1x80xi32, #tpu.memory_space<vmem>> -> memref<80xi32, #tpu.memory_space<vmem>>
    %dma_wait3A_266 = tpu.memref_slice %arg3[%add3A] : memref<320000xi32, #tpu.memory_space<hbm>> -> memref<80xi32, #tpu.memory_space<hbm>>
    %dma_wait3A_267 = arith.constant 0 : i32
    %dma_wait3A_268 = tpu.memref_slice %arg7[%dma_wait3A_262, %dma_wait3A_267] : memref<4x80xi32, #tpu.memory_space<vmem>> -> memref<1x80xi32, #tpu.memory_space<vmem>>
    %dma_wait3A_269 = tpu.memref_squeeze %dma_wait3A_268 : memref<1x80xi32, #tpu.memory_space<vmem>> -> memref<80xi32, #tpu.memory_space<vmem>>
    %dma_wait3A_270 = tpu.memref_slice %arg3[%add3A] : memref<320000xi32, #tpu.memory_space<hbm>> -> memref<80xi32, #tpu.memory_space<hbm>>
    tpu.wait_dma2 semaphore(%arg18 : memref<!tpu.dma_semaphore, #tpu.memory_space<semaphore_mem>>) src(%dma_wait3A_270 : memref<80xi32, #tpu.memory_space<hbm>>) dst(%dma_wait3A_269 : memref<80xi32, #tpu.memory_space<vmem>>)
    %dma_wait3A_271 = arith.constant 3 : i32
    %dma_wait3A_272 = arith.constant 0 : i32
    %dma_wait3A_273 = tpu.memref_slice %arg8[%dma_wait3A_271, %dma_wait3A_272] : memref<4x80xi32, #tpu.memory_space<vmem>> -> memref<1x80xi32, #tpu.memory_space<vmem>>
    %dma_wait3A_274 = tpu.memref_squeeze %dma_wait3A_273 : memref<1x80xi32, #tpu.memory_space<vmem>> -> memref<80xi32, #tpu.memory_space<vmem>>
    %dma_wait3A_275 = tpu.memref_slice %arg4[%add3A] : memref<320000xi32, #tpu.memory_space<hbm>> -> memref<80xi32, #tpu.memory_space<hbm>>
    %dma_wait3A_276 = arith.constant 0 : i32
    %dma_wait3A_277 = tpu.memref_slice %arg8[%dma_wait3A_271, %dma_wait3A_276] : memref<4x80xi32, #tpu.memory_space<vmem>> -> memref<1x80xi32, #tpu.memory_space<vmem>>
    %dma_wait3A_278 = tpu.memref_squeeze %dma_wait3A_277 : memref<1x80xi32, #tpu.memory_space<vmem>> -> memref<80xi32, #tpu.memory_space<vmem>>
    %dma_wait3A_279 = tpu.memref_slice %arg4[%add3A] : memref<320000xi32, #tpu.memory_space<hbm>> -> memref<80xi32, #tpu.memory_space<hbm>>
    tpu.wait_dma2 semaphore(%arg18 : memref<!tpu.dma_semaphore, #tpu.memory_space<semaphore_mem>>) src(%dma_wait3A_279 : memref<80xi32, #tpu.memory_space<hbm>>) dst(%dma_wait3A_278 : memref<80xi32, #tpu.memory_space<vmem>>)
    %dma_start3A_280 = arith.constant 3 : i32
    %dma_start3A_281 = arith.constant 3 : i32
    %dma_start3A_282 = arith.constant 0 : i32
    %dma_start3A_283 = arith.constant 0 : i32
    %dma_start3A_284 = tpu.memref_slice %arg9[%dma_start3A_281, %dma_start3A_282, %dma_start3A_283] : memref<4x80x128xf32, #tpu.memory_space<vmem>> -> memref<1x80x128xf32, #tpu.memory_space<vmem>>
    %dma_start3A_285 = tpu.memref_squeeze %dma_start3A_284 : memref<1x80x128xf32, #tpu.memory_space<vmem>> -> memref<80x128xf32, #tpu.memory_space<vmem>>
    %dma_start3A_286 = arith.constant 0 : i32
    %dma_start3A_287 = tpu.memref_slice %arg7[%dma_start3A_280, %dma_start3A_286] : memref<4x80xi32, #tpu.memory_space<vmem>> -> memref<1x80xi32, #tpu.memory_space<vmem>>
    %dma_start3A_288 = tpu.memref_squeeze %dma_start3A_287 : memref<1x80xi32, #tpu.memory_space<vmem>> -> memref<80xi32, #tpu.memory_space<vmem>>
    %dma_start3A_289 = arith.constant 0 : i32
    %dma_start3A_290 = arith.constant 0 : i32
    %dma_start3A_291 = tpu.memref_slice %arg2[%dma_start3A_289, %dma_start3A_290] : memref<10000x128xf32, #tpu.memory_space<hbm>> -> memref<10000x128xf32, #tpu.memory_space<hbm>>
    tpu.enqueue_indirect_dma source(%dma_start3A_291 : memref<10000x128xf32, #tpu.memory_space<hbm>>) target(%dma_start3A_285 : memref<80x128xf32, #tpu.memory_space<vmem>>) offsets(%dma_start3A_288 : memref<80xi32, #tpu.memory_space<vmem>>) semaphore(%arg14 : memref<!tpu.dma_semaphore, #tpu.memory_space<semaphore_mem>>)
    %dma_wait3A_292 = arith.constant 2 : i32
    %dma_wait3A_293 = arith.constant 2 : i32
    %dma_wait3A_294 = arith.constant 0 : i32
    %dma_wait3A_295 = arith.constant 0 : i32
    %dma_wait3A_296 = tpu.memref_slice %arg9[%dma_wait3A_293, %dma_wait3A_294, %dma_wait3A_295] : memref<4x80x128xf32, #tpu.memory_space<vmem>> -> memref<1x80x128xf32, #tpu.memory_space<vmem>>
    %dma_wait3A_297 = tpu.memref_squeeze %dma_wait3A_296 : memref<1x80x128xf32, #tpu.memory_space<vmem>> -> memref<80x128xf32, #tpu.memory_space<vmem>>
    %dma_wait3A_298 = arith.constant 0 : i32
    %dma_wait3A_299 = tpu.memref_slice %arg7[%dma_wait3A_292, %dma_wait3A_298] : memref<4x80xi32, #tpu.memory_space<vmem>> -> memref<1x80xi32, #tpu.memory_space<vmem>>
    %dma_wait3A_300 = tpu.memref_squeeze %dma_wait3A_299 : memref<1x80xi32, #tpu.memory_space<vmem>> -> memref<80xi32, #tpu.memory_space<vmem>>
    %dma_wait3A_301 = arith.constant 0 : i32
    %dma_wait3A_302 = arith.constant 0 : i32
    %dma_wait3A_303 = tpu.memref_slice %arg2[%dma_wait3A_301, %dma_wait3A_302] : memref<10000x128xf32, #tpu.memory_space<hbm>> -> memref<10000x128xf32, #tpu.memory_space<hbm>>
    tpu.wait_indirect_dma semaphore(%arg13 : memref<!tpu.dma_semaphore, #tpu.memory_space<semaphore_mem>>) src(%dma_wait3A_303 : memref<10000x128xf32, #tpu.memory_space<hbm>>) dst(%dma_wait3A_297 : memref<80x128xf32, #tpu.memory_space<vmem>>)
    %dma_start3A_304 = arith.constant 2 : i32
    %dma_start3A_305 = arith.constant 2 : i32
    %dma_start3A_306 = arith.constant 0 : i32
    %dma_start3A_307 = arith.constant 0 : i32
    %dma_start3A_308 = tpu.memref_slice %arg9[%dma_start3A_304, %dma_start3A_306, %dma_start3A_307] : memref<4x80x128xf32, #tpu.memory_space<vmem>> -> memref<1x80x128xf32, #tpu.memory_space<vmem>>
    %dma_start3A_309 = tpu.memref_squeeze %dma_start3A_308 : memref<1x80x128xf32, #tpu.memory_space<vmem>> -> memref<80x128xf32, #tpu.memory_space<vmem>>
    %dma_start3A_310 = arith.constant 0 : i32
    %dma_start3A_311 = tpu.memref_slice %arg8[%dma_start3A_305, %dma_start3A_310] : memref<4x80xi32, #tpu.memory_space<vmem>> -> memref<1x80xi32, #tpu.memory_space<vmem>>
    %dma_start3A_312 = tpu.memref_squeeze %dma_start3A_311 : memref<1x80xi32, #tpu.memory_space<vmem>> -> memref<80xi32, #tpu.memory_space<vmem>>
    %dma_start3A_313 = arith.constant 0 : i32
    %dma_start3A_314 = arith.constant 0 : i32
    %dma_start3A_315 = tpu.memref_slice %arg10[%dma_start3A_313, %dma_start3A_314] : memref<10112x128xf32, #tpu.memory_space<vmem_shared>> -> memref<10112x128xf32, #tpu.memory_space<vmem_shared>>
    tpu.enqueue_indirect_dma source(%dma_start3A_309 : memref<80x128xf32, #tpu.memory_space<vmem>>) target(%dma_start3A_315 : memref<10112x128xf32, #tpu.memory_space<vmem_shared>>) offsets(%dma_start3A_312 : memref<80xi32, #tpu.memory_space<vmem>>) semaphore(%arg21 : memref<!tpu.dma_semaphore, #tpu.memory_space<semaphore_mem>>) {add = true}
    %dma_wait3A_316 = arith.constant 1 : i32
    %dma_wait3A_317 = arith.constant 1 : i32
    %dma_wait3A_318 = arith.constant 0 : i32
    %dma_wait3A_319 = arith.constant 0 : i32
    %dma_wait3A_320 = tpu.memref_slice %arg9[%dma_wait3A_316, %dma_wait3A_318, %dma_wait3A_319] : memref<4x80x128xf32, #tpu.memory_space<vmem>> -> memref<1x80x128xf32, #tpu.memory_space<vmem>>
    %dma_wait3A_321 = tpu.memref_squeeze %dma_wait3A_320 : memref<1x80x128xf32, #tpu.memory_space<vmem>> -> memref<80x128xf32, #tpu.memory_space<vmem>>
    %dma_wait3A_322 = arith.constant 0 : i32
    %dma_wait3A_323 = tpu.memref_slice %arg8[%dma_wait3A_317, %dma_wait3A_322] : memref<4x80xi32, #tpu.memory_space<vmem>> -> memref<1x80xi32, #tpu.memory_space<vmem>>
    %dma_wait3A_324 = tpu.memref_squeeze %dma_wait3A_323 : memref<1x80xi32, #tpu.memory_space<vmem>> -> memref<80xi32, #tpu.memory_space<vmem>>
    %dma_wait3A_325 = arith.constant 0 : i32
    %dma_wait3A_326 = arith.constant 0 : i32
    %dma_wait3A_327 = tpu.memref_slice %arg10[%dma_wait3A_325, %dma_wait3A_326] : memref<10112x128xf32, #tpu.memory_space<vmem_shared>> -> memref<10112x128xf32, #tpu.memory_space<vmem_shared>>
    tpu.wait_indirect_dma semaphore(%arg20 : memref<!tpu.dma_semaphore, #tpu.memory_space<semaphore_mem>>) src(%dma_wait3A_321 : memref<80x128xf32, #tpu.memory_space<vmem>>) dst(%dma_wait3A_327 : memref<10112x128xf32, #tpu.memory_space<vmem_shared>>)
    %dma_wait3A_328 = arith.constant 0 : i32
    %dma_wait3A_329 = arith.constant 0 : i32
    %dma_wait3A_330 = tpu.memref_slice %arg7[%dma_wait3A_328, %dma_wait3A_329] : memref<4x80xi32, #tpu.memory_space<vmem>> -> memref<1x80xi32, #tpu.memory_space<vmem>>
    %dma_wait3A_331 = tpu.memref_squeeze %dma_wait3A_330 : memref<1x80xi32, #tpu.memory_space<vmem>> -> memref<80xi32, #tpu.memory_space<vmem>>
    %dma_wait3A_332 = tpu.memref_slice %arg3[%add3A] : memref<320000xi32, #tpu.memory_space<hbm>> -> memref<80xi32, #tpu.memory_space<hbm>>
    %dma_wait3A_333 = arith.constant 0 : i32
    %dma_wait3A_334 = tpu.memref_slice %arg7[%dma_wait3A_328, %dma_wait3A_333] : memref<4x80xi32, #tpu.memory_space<vmem>> -> memref<1x80xi32, #tpu.memory_space<vmem>>
    %dma_wait3A_335 = tpu.memref_squeeze %dma_wait3A_334 : memref<1x80xi32, #tpu.memory_space<vmem>> -> memref<80xi32, #tpu.memory_space<vmem>>
    %dma_wait3A_336 = tpu.memref_slice %arg3[%add3A] : memref<320000xi32, #tpu.memory_space<hbm>> -> memref<80xi32, #tpu.memory_space<hbm>>
    tpu.wait_dma2 semaphore(%arg15 : memref<!tpu.dma_semaphore, #tpu.memory_space<semaphore_mem>>) src(%dma_wait3A_336 : memref<80xi32, #tpu.memory_space<hbm>>) dst(%dma_wait3A_335 : memref<80xi32, #tpu.memory_space<vmem>>)
    %dma_wait3A_337 = arith.constant 0 : i32
    %dma_wait3A_338 = arith.constant 0 : i32
    %dma_wait3A_339 = tpu.memref_slice %arg8[%dma_wait3A_337, %dma_wait3A_338] : memref<4x80xi32, #tpu.memory_space<vmem>> -> memref<1x80xi32, #tpu.memory_space<vmem>>
    %dma_wait3A_340 = tpu.memref_squeeze %dma_wait3A_339 : memref<1x80xi32, #tpu.memory_space<vmem>> -> memref<80xi32, #tpu.memory_space<vmem>>
    %dma_wait3A_341 = tpu.memref_slice %arg4[%add3A] : memref<320000xi32, #tpu.memory_space<hbm>> -> memref<80xi32, #tpu.memory_space<hbm>>
    %dma_wait3A_342 = arith.constant 0 : i32
    %dma_wait3A_343 = tpu.memref_slice %arg8[%dma_wait3A_337, %dma_wait3A_342] : memref<4x80xi32, #tpu.memory_space<vmem>> -> memref<1x80xi32, #tpu.memory_space<vmem>>
    %dma_wait3A_344 = tpu.memref_squeeze %dma_wait3A_343 : memref<1x80xi32, #tpu.memory_space<vmem>> -> memref<80xi32, #tpu.memory_space<vmem>>
    %dma_wait3A_345 = tpu.memref_slice %arg4[%add3A] : memref<320000xi32, #tpu.memory_space<hbm>> -> memref<80xi32, #tpu.memory_space<hbm>>
    tpu.wait_dma2 semaphore(%arg15 : memref<!tpu.dma_semaphore, #tpu.memory_space<semaphore_mem>>) src(%dma_wait3A_345 : memref<80xi32, #tpu.memory_space<hbm>>) dst(%dma_wait3A_344 : memref<80xi32, #tpu.memory_space<vmem>>)
    %dma_start3A_346 = arith.constant 0 : i32
    %dma_start3A_347 = arith.constant 0 : i32
    %dma_start3A_348 = arith.constant 0 : i32
    %dma_start3A_349 = arith.constant 0 : i32
    %dma_start3A_350 = tpu.memref_slice %arg9[%dma_start3A_347, %dma_start3A_348, %dma_start3A_349] : memref<4x80x128xf32, #tpu.memory_space<vmem>> -> memref<1x80x128xf32, #tpu.memory_space<vmem>>
    %dma_start3A_351 = tpu.memref_squeeze %dma_start3A_350 : memref<1x80x128xf32, #tpu.memory_space<vmem>> -> memref<80x128xf32, #tpu.memory_space<vmem>>
    %dma_start3A_352 = arith.constant 0 : i32
    %dma_start3A_353 = tpu.memref_slice %arg7[%dma_start3A_346, %dma_start3A_352] : memref<4x80xi32, #tpu.memory_space<vmem>> -> memref<1x80xi32, #tpu.memory_space<vmem>>
    %dma_start3A_354 = tpu.memref_squeeze %dma_start3A_353 : memref<1x80xi32, #tpu.memory_space<vmem>> -> memref<80xi32, #tpu.memory_space<vmem>>
    %dma_start3A_355 = arith.constant 0 : i32
    %dma_start3A_356 = arith.constant 0 : i32
    %dma_start3A_357 = tpu.memref_slice %arg2[%dma_start3A_355, %dma_start3A_356] : memref<10000x128xf32, #tpu.memory_space<hbm>> -> memref<10000x128xf32, #tpu.memory_space<hbm>>
    tpu.enqueue_indirect_dma source(%dma_start3A_357 : memref<10000x128xf32, #tpu.memory_space<hbm>>) target(%dma_start3A_351 : memref<80x128xf32, #tpu.memory_space<vmem>>) offsets(%dma_start3A_354 : memref<80xi32, #tpu.memory_space<vmem>>) semaphore(%arg11 : memref<!tpu.dma_semaphore, #tpu.memory_space<semaphore_mem>>)
    %dma_wait3A_358 = arith.constant 3 : i32
    %dma_wait3A_359 = arith.constant 3 : i32
    %dma_wait3A_360 = arith.constant 0 : i32
    %dma_wait3A_361 = arith.constant 0 : i32
    %dma_wait3A_362 = tpu.memref_slice %arg9[%dma_wait3A_359, %dma_wait3A_360, %dma_wait3A_361] : memref<4x80x128xf32, #tpu.memory_space<vmem>> -> memref<1x80x128xf32, #tpu.memory_space<vmem>>
    %dma_wait3A_363 = tpu.memref_squeeze %dma_wait3A_362 : memref<1x80x128xf32, #tpu.memory_space<vmem>> -> memref<80x128xf32, #tpu.memory_space<vmem>>
    %dma_wait3A_364 = arith.constant 0 : i32
    %dma_wait3A_365 = tpu.memref_slice %arg7[%dma_wait3A_358, %dma_wait3A_364] : memref<4x80xi32, #tpu.memory_space<vmem>> -> memref<1x80xi32, #tpu.memory_space<vmem>>
    %dma_wait3A_366 = tpu.memref_squeeze %dma_wait3A_365 : memref<1x80xi32, #tpu.memory_space<vmem>> -> memref<80xi32, #tpu.memory_space<vmem>>
    %dma_wait3A_367 = arith.constant 0 : i32
    %dma_wait3A_368 = arith.constant 0 : i32
    %dma_wait3A_369 = tpu.memref_slice %arg2[%dma_wait3A_367, %dma_wait3A_368] : memref<10000x128xf32, #tpu.memory_space<hbm>> -> memref<10000x128xf32, #tpu.memory_space<hbm>>
    tpu.wait_indirect_dma semaphore(%arg14 : memref<!tpu.dma_semaphore, #tpu.memory_space<semaphore_mem>>) src(%dma_wait3A_369 : memref<10000x128xf32, #tpu.memory_space<hbm>>) dst(%dma_wait3A_363 : memref<80x128xf32, #tpu.memory_space<vmem>>)
    %dma_start3A_370 = arith.constant 3 : i32
    %dma_start3A_371 = arith.constant 3 : i32
    %dma_start3A_372 = arith.constant 0 : i32
    %dma_start3A_373 = arith.constant 0 : i32
    %dma_start3A_374 = tpu.memref_slice %arg9[%dma_start3A_370, %dma_start3A_372, %dma_start3A_373] : memref<4x80x128xf32, #tpu.memory_space<vmem>> -> memref<1x80x128xf32, #tpu.memory_space<vmem>>
    %dma_start3A_375 = tpu.memref_squeeze %dma_start3A_374 : memref<1x80x128xf32, #tpu.memory_space<vmem>> -> memref<80x128xf32, #tpu.memory_space<vmem>>
    %dma_start3A_376 = arith.constant 0 : i32
    %dma_start3A_377 = tpu.memref_slice %arg8[%dma_start3A_371, %dma_start3A_376] : memref<4x80xi32, #tpu.memory_space<vmem>> -> memref<1x80xi32, #tpu.memory_space<vmem>>
    %dma_start3A_378 = tpu.memref_squeeze %dma_start3A_377 : memref<1x80xi32, #tpu.memory_space<vmem>> -> memref<80xi32, #tpu.memory_space<vmem>>
    %dma_start3A_379 = arith.constant 0 : i32
    %dma_start3A_380 = arith.constant 0 : i32
    %dma_start3A_381 = tpu.memref_slice %arg10[%dma_start3A_379, %dma_start3A_380] : memref<10112x128xf32, #tpu.memory_space<vmem_shared>> -> memref<10112x128xf32, #tpu.memory_space<vmem_shared>>
    tpu.enqueue_indirect_dma source(%dma_start3A_375 : memref<80x128xf32, #tpu.memory_space<vmem>>) target(%dma_start3A_381 : memref<10112x128xf32, #tpu.memory_space<vmem_shared>>) offsets(%dma_start3A_378 : memref<80xi32, #tpu.memory_space<vmem>>) semaphore(%arg22 : memref<!tpu.dma_semaphore, #tpu.memory_space<semaphore_mem>>) {add = true}
    %dma_wait3A_382 = arith.constant 2 : i32
    %dma_wait3A_383 = arith.constant 2 : i32
    %dma_wait3A_384 = arith.constant 0 : i32
    %dma_wait3A_385 = arith.constant 0 : i32
    %dma_wait3A_386 = tpu.memref_slice %arg9[%dma_wait3A_382, %dma_wait3A_384, %dma_wait3A_385] : memref<4x80x128xf32, #tpu.memory_space<vmem>> -> memref<1x80x128xf32, #tpu.memory_space<vmem>>
    %dma_wait3A_387 = tpu.memref_squeeze %dma_wait3A_386 : memref<1x80x128xf32, #tpu.memory_space<vmem>> -> memref<80x128xf32, #tpu.memory_space<vmem>>
    %dma_wait3A_388 = arith.constant 0 : i32
    %dma_wait3A_389 = tpu.memref_slice %arg8[%dma_wait3A_383, %dma_wait3A_388] : memref<4x80xi32, #tpu.memory_space<vmem>> -> memref<1x80xi32, #tpu.memory_space<vmem>>
    %dma_wait3A_390 = tpu.memref_squeeze %dma_wait3A_389 : memref<1x80xi32, #tpu.memory_space<vmem>> -> memref<80xi32, #tpu.memory_space<vmem>>
    %dma_wait3A_391 = arith.constant 0 : i32
    %dma_wait3A_392 = arith.constant 0 : i32
    %dma_wait3A_393 = tpu.memref_slice %arg10[%dma_wait3A_391, %dma_wait3A_392] : memref<10112x128xf32, #tpu.memory_space<vmem_shared>> -> memref<10112x128xf32, #tpu.memory_space<vmem_shared>>
    tpu.wait_indirect_dma semaphore(%arg21 : memref<!tpu.dma_semaphore, #tpu.memory_space<semaphore_mem>>) src(%dma_wait3A_387 : memref<80x128xf32, #tpu.memory_space<vmem>>) dst(%dma_wait3A_393 : memref<10112x128xf32, #tpu.memory_space<vmem_shared>>)
    %dma_wait3A_394 = arith.constant 0 : i32
    %dma_wait3A_395 = arith.constant 0 : i32
    %dma_wait3A_396 = arith.constant 0 : i32
    %dma_wait3A_397 = arith.constant 0 : i32
    %dma_wait3A_398 = tpu.memref_slice %arg9[%dma_wait3A_395, %dma_wait3A_396, %dma_wait3A_397] : memref<4x80x128xf32, #tpu.memory_space<vmem>> -> memref<1x80x128xf32, #tpu.memory_space<vmem>>
    %dma_wait3A_399 = tpu.memref_squeeze %dma_wait3A_398 : memref<1x80x128xf32, #tpu.memory_space<vmem>> -> memref<80x128xf32, #tpu.memory_space<vmem>>
    %dma_wait3A_400 = arith.constant 0 : i32
    %dma_wait3A_401 = tpu.memref_slice %arg7[%dma_wait3A_394, %dma_wait3A_400] : memref<4x80xi32, #tpu.memory_space<vmem>> -> memref<1x80xi32, #tpu.memory_space<vmem>>
    %dma_wait3A_402 = tpu.memref_squeeze %dma_wait3A_401 : memref<1x80xi32, #tpu.memory_space<vmem>> -> memref<80xi32, #tpu.memory_space<vmem>>
    %dma_wait3A_403 = arith.constant 0 : i32
    %dma_wait3A_404 = arith.constant 0 : i32
    %dma_wait3A_405 = tpu.memref_slice %arg2[%dma_wait3A_403, %dma_wait3A_404] : memref<10000x128xf32, #tpu.memory_space<hbm>> -> memref<10000x128xf32, #tpu.memory_space<hbm>>
    tpu.wait_indirect_dma semaphore(%arg11 : memref<!tpu.dma_semaphore, #tpu.memory_space<semaphore_mem>>) src(%dma_wait3A_405 : memref<10000x128xf32, #tpu.memory_space<hbm>>) dst(%dma_wait3A_399 : memref<80x128xf32, #tpu.memory_space<vmem>>)
    %dma_start3A_406 = arith.constant 0 : i32
    %dma_start3A_407 = arith.constant 0 : i32
    %dma_start3A_408 = arith.constant 0 : i32
    %dma_start3A_409 = arith.constant 0 : i32
    %dma_start3A_410 = tpu.memref_slice %arg9[%dma_start3A_406, %dma_start3A_408, %dma_start3A_409] : memref<4x80x128xf32, #tpu.memory_space<vmem>> -> memref<1x80x128xf32, #tpu.memory_space<vmem>>
    %dma_start3A_411 = tpu.memref_squeeze %dma_start3A_410 : memref<1x80x128xf32, #tpu.memory_space<vmem>> -> memref<80x128xf32, #tpu.memory_space<vmem>>
    %dma_start3A_412 = arith.constant 0 : i32
    %dma_start3A_413 = tpu.memref_slice %arg8[%dma_start3A_407, %dma_start3A_412] : memref<4x80xi32, #tpu.memory_space<vmem>> -> memref<1x80xi32, #tpu.memory_space<vmem>>
    %dma_start3A_414 = tpu.memref_squeeze %dma_start3A_413 : memref<1x80xi32, #tpu.memory_space<vmem>> -> memref<80xi32, #tpu.memory_space<vmem>>
    %dma_start3A_415 = arith.constant 0 : i32
    %dma_start3A_416 = arith.constant 0 : i32
    %dma_start3A_417 = tpu.memref_slice %arg10[%dma_start3A_415, %dma_start3A_416] : memref<10112x128xf32, #tpu.memory_space<vmem_shared>> -> memref<10112x128xf32, #tpu.memory_space<vmem_shared>>
    tpu.enqueue_indirect_dma source(%dma_start3A_411 : memref<80x128xf32, #tpu.memory_space<vmem>>) target(%dma_start3A_417 : memref<10112x128xf32, #tpu.memory_space<vmem_shared>>) offsets(%dma_start3A_414 : memref<80xi32, #tpu.memory_space<vmem>>) semaphore(%arg19 : memref<!tpu.dma_semaphore, #tpu.memory_space<semaphore_mem>>) {add = true}
    %dma_wait3A_418 = arith.constant 3 : i32
    %dma_wait3A_419 = arith.constant 3 : i32
    %dma_wait3A_420 = arith.constant 0 : i32
    %dma_wait3A_421 = arith.constant 0 : i32
    %dma_wait3A_422 = tpu.memref_slice %arg9[%dma_wait3A_418, %dma_wait3A_420, %dma_wait3A_421] : memref<4x80x128xf32, #tpu.memory_space<vmem>> -> memref<1x80x128xf32, #tpu.memory_space<vmem>>
    %dma_wait3A_423 = tpu.memref_squeeze %dma_wait3A_422 : memref<1x80x128xf32, #tpu.memory_space<vmem>> -> memref<80x128xf32, #tpu.memory_space<vmem>>
    %dma_wait3A_424 = arith.constant 0 : i32
    %dma_wait3A_425 = tpu.memref_slice %arg8[%dma_wait3A_419, %dma_wait3A_424] : memref<4x80xi32, #tpu.memory_space<vmem>> -> memref<1x80xi32, #tpu.memory_space<vmem>>
    %dma_wait3A_426 = tpu.memref_squeeze %dma_wait3A_425 : memref<1x80xi32, #tpu.memory_space<vmem>> -> memref<80xi32, #tpu.memory_space<vmem>>
    %dma_wait3A_427 = arith.constant 0 : i32
    %dma_wait3A_428 = arith.constant 0 : i32
    %dma_wait3A_429 = tpu.memref_slice %arg10[%dma_wait3A_427, %dma_wait3A_428] : memref<10112x128xf32, #tpu.memory_space<vmem_shared>> -> memref<10112x128xf32, #tpu.memory_space<vmem_shared>>
    tpu.wait_indirect_dma semaphore(%arg22 : memref<!tpu.dma_semaphore, #tpu.memory_space<semaphore_mem>>) src(%dma_wait3A_423 : memref<80x128xf32, #tpu.memory_space<vmem>>) dst(%dma_wait3A_429 : memref<10112x128xf32, #tpu.memory_space<vmem_shared>>)
    %dma_wait3A_430 = arith.constant 0 : i32
    %dma_wait3A_431 = arith.constant 0 : i32
    %dma_wait3A_432 = arith.constant 0 : i32
    %dma_wait3A_433 = arith.constant 0 : i32
    %dma_wait3A_434 = tpu.memref_slice %arg9[%dma_wait3A_430, %dma_wait3A_432, %dma_wait3A_433] : memref<4x80x128xf32, #tpu.memory_space<vmem>> -> memref<1x80x128xf32, #tpu.memory_space<vmem>>
    %dma_wait3A_435 = tpu.memref_squeeze %dma_wait3A_434 : memref<1x80x128xf32, #tpu.memory_space<vmem>> -> memref<80x128xf32, #tpu.memory_space<vmem>>
    %dma_wait3A_436 = arith.constant 0 : i32
    %dma_wait3A_437 = tpu.memref_slice %arg8[%dma_wait3A_431, %dma_wait3A_436] : memref<4x80xi32, #tpu.memory_space<vmem>> -> memref<1x80xi32, #tpu.memory_space<vmem>>
    %dma_wait3A_438 = tpu.memref_squeeze %dma_wait3A_437 : memref<1x80xi32, #tpu.memory_space<vmem>> -> memref<80xi32, #tpu.memory_space<vmem>>
    %dma_wait3A_439 = arith.constant 0 : i32
    %dma_wait3A_440 = arith.constant 0 : i32
    %dma_wait3A_441 = tpu.memref_slice %arg10[%dma_wait3A_439, %dma_wait3A_440] : memref<10112x128xf32, #tpu.memory_space<vmem_shared>> -> memref<10112x128xf32, #tpu.memory_space<vmem_shared>>
    tpu.wait_indirect_dma semaphore(%arg19 : memref<!tpu.dma_semaphore, #tpu.memory_space<semaphore_mem>>) src(%dma_wait3A_435 : memref<80x128xf32, #tpu.memory_space<vmem>>) dst(%dma_wait3A_441 : memref<10112x128xf32, #tpu.memory_space<vmem_shared>>)
    %barrier3A_442 = arith.constant 0 : index
    tpu.barrier barrier_id(%barrier3A_442)
    %mul3A_443 = arith.constant 10112 : i32
    %mul3A_444 = arith.muli %arg0, %mul3A_443 : i32
    %add3A_445 = arith.addi %mul3A_444, %mul3A_0 : i32
    "tpu.region"() ({
      %run_scoped3A = tpu.sem_alloc : memref<!tpu.dma_semaphore, #tpu.memory_space<semaphore_mem>>
      %dma_start3A_446 = arith.constant 0 : i32
      %dma_start3A_447 = tpu.memref_slice %arg6[%add3A_445, %dma_start3A_446] : memref<20224x128xf32, #tpu.memory_space<hbm>> -> memref<632x128xf32, #tpu.memory_space<hbm>>
      %dma_start3A_448 = arith.constant 0 : i32
      %dma_start3A_449 = tpu.memref_slice %arg10[%mul3A_0, %dma_start3A_448] : memref<10112x128xf32, #tpu.memory_space<vmem_shared>> -> memref<632x128xf32, #tpu.memory_space<vmem_shared>>
      tpu.enqueue_dma source(%dma_start3A_449 : memref<632x128xf32, #tpu.memory_space<vmem_shared>>) target(%dma_start3A_447 : memref<632x128xf32, #tpu.memory_space<hbm>>) target_semaphore(%run_scoped3A : memref<!tpu.dma_semaphore, #tpu.memory_space<semaphore_mem>>)
      %dma_wait3A_450 = arith.constant 0 : i32
      %dma_wait3A_451 = tpu.memref_slice %arg6[%add3A_445, %dma_wait3A_450] : memref<20224x128xf32, #tpu.memory_space<hbm>> -> memref<632x128xf32, #tpu.memory_space<hbm>>
      %dma_wait3A_452 = arith.constant 0 : i32
      %dma_wait3A_453 = tpu.memref_slice %arg10[%mul3A_0, %dma_wait3A_452] : memref<10112x128xf32, #tpu.memory_space<vmem_shared>> -> memref<632x128xf32, #tpu.memory_space<vmem_shared>>
      tpu.wait_dma2 semaphore(%run_scoped3A : memref<!tpu.dma_semaphore, #tpu.memory_space<semaphore_mem>>) src(%dma_wait3A_453 : memref<632x128xf32, #tpu.memory_space<vmem_shared>>) dst(%dma_wait3A_451 : memref<632x128xf32, #tpu.memory_space<hbm>>)
      tpu.yield
    }) : () -> ()
    return
  }
}

#map = affine_map<(d0, d1) -> (0)>
module attributes {stable_mosaic.version = 14 : i64} {
  func.func @deg_k(%arg0: i32, %arg1: i32, %arg2: memref<320000xi32, #tpu.memory_space<hbm>>, %arg3: memref<80xf32, #tpu.memory_space<hbm>>, %arg4: memref<640xf32, #tpu.memory_space<hbm>>, %arg5: memref<20480xf32, #tpu.memory_space<hbm>>, %arg6: memref<4x80xi32, #tpu.memory_space<vmem>>, %arg7: memref<80xf32, #tpu.memory_space<vmem>>, %arg8: memref<10240xf32, #tpu.memory_space<vmem_shared>>, %arg9: memref<!tpu.dma_semaphore, #tpu.memory_space<semaphore_mem>>, %arg10: memref<!tpu.dma_semaphore, #tpu.memory_space<semaphore_mem>>, %arg11: memref<!tpu.dma_semaphore, #tpu.memory_space<semaphore_mem>>, %arg12: memref<!tpu.dma_semaphore, #tpu.memory_space<semaphore_mem>>) attributes {dimension_semantics = [#tpu.dimension_semantics<core_parallel>, #tpu.dimension_semantics<subcore_parallel>], iteration_bounds = array<i64: 2, 16>, scalar_prefetch = 0 : i64, scratch_operands = 7 : i64, tpu.core_type = #tpu.core_type<sc_vector_subcore>, window_params = [{transform_indices = #map}, {transform_indices = #map}, {transform_indices = #map}, {transform_indices = #map}]} {
    %mul3A = arith.constant 640 : i32
    %mul3A_0 = arith.muli %arg1, %mul3A : i32
    "tpu.region"() ({
      %run_scoped3A_120 = tpu.sem_alloc : memref<!tpu.dma_semaphore, #tpu.memory_space<semaphore_mem>>
      %dma_start3A_121 = tpu.memref_slice %arg8[%mul3A_0] : memref<10240xf32, #tpu.memory_space<vmem_shared>> -> memref<640xf32, #tpu.memory_space<vmem_shared>>
      tpu.enqueue_dma source(%arg4 : memref<640xf32, #tpu.memory_space<hbm>>) target(%dma_start3A_121 : memref<640xf32, #tpu.memory_space<vmem_shared>>) target_semaphore(%run_scoped3A_120 : memref<!tpu.dma_semaphore, #tpu.memory_space<semaphore_mem>>)
      %dma_wait3A_122 = tpu.memref_slice %arg8[%mul3A_0] : memref<10240xf32, #tpu.memory_space<vmem_shared>> -> memref<640xf32, #tpu.memory_space<vmem_shared>>
      tpu.wait_dma2 semaphore(%run_scoped3A_120 : memref<!tpu.dma_semaphore, #tpu.memory_space<semaphore_mem>>) src(%arg4 : memref<640xf32, #tpu.memory_space<hbm>>) dst(%dma_wait3A_122 : memref<640xf32, #tpu.memory_space<vmem_shared>>)
      tpu.yield
    }) : () -> ()
    "tpu.region"() ({
      %run_scoped3A_120 = tpu.sem_alloc : memref<!tpu.dma_semaphore, #tpu.memory_space<semaphore_mem>>
      tpu.enqueue_dma source(%arg3 : memref<80xf32, #tpu.memory_space<hbm>>) target(%arg7 : memref<80xf32, #tpu.memory_space<vmem>>) target_semaphore(%run_scoped3A_120 : memref<!tpu.dma_semaphore, #tpu.memory_space<semaphore_mem>>)
      tpu.wait_dma2 semaphore(%run_scoped3A_120 : memref<!tpu.dma_semaphore, #tpu.memory_space<semaphore_mem>>) src(%arg3 : memref<80xf32, #tpu.memory_space<hbm>>) dst(%arg7 : memref<80xf32, #tpu.memory_space<vmem>>)
      tpu.yield
    }) : () -> ()
    %barrier3A = arith.constant 0 : index
    tpu.barrier barrier_id(%barrier3A)
    %mul3A_1 = arith.constant 160000 : i32
    %mul3A_2 = arith.muli %arg0, %mul3A_1 : i32
    %mul3A_3 = arith.constant 10000 : i32
    %mul3A_4 = arith.muli %arg1, %mul3A_3 : i32
    %add3A = arith.addi %mul3A_2, %mul3A_4 : i32
    %add3A_5 = arith.constant 0 : i32
    %add3A_6 = arith.addi %add3A, %add3A_5 : i32
    %multiple_of3A = tpu.assume_multiple %add3A_6, 8 : i32
    %dma_start3A = arith.constant 0 : i32
    %dma_start3A_7 = arith.constant 0 : i32
    %dma_start3A_8 = tpu.memref_slice %arg6[%dma_start3A, %dma_start3A_7] : memref<4x80xi32, #tpu.memory_space<vmem>> -> memref<1x80xi32, #tpu.memory_space<vmem>>
    %dma_start3A_9 = tpu.memref_squeeze %dma_start3A_8 : memref<1x80xi32, #tpu.memory_space<vmem>> -> memref<80xi32, #tpu.memory_space<vmem>>
    %dma_start3A_10 = tpu.memref_slice %arg2[%multiple_of3A] : memref<320000xi32, #tpu.memory_space<hbm>> -> memref<80xi32, #tpu.memory_space<hbm>>
    %dma_start3A_11 = arith.constant 0 : i32
    %dma_start3A_12 = tpu.memref_slice %arg6[%dma_start3A, %dma_start3A_11] : memref<4x80xi32, #tpu.memory_space<vmem>> -> memref<1x80xi32, #tpu.memory_space<vmem>>
    %dma_start3A_13 = tpu.memref_squeeze %dma_start3A_12 : memref<1x80xi32, #tpu.memory_space<vmem>> -> memref<80xi32, #tpu.memory_space<vmem>>
    %dma_start3A_14 = tpu.memref_slice %arg2[%multiple_of3A] : memref<320000xi32, #tpu.memory_space<hbm>> -> memref<80xi32, #tpu.memory_space<hbm>>
    tpu.enqueue_dma source(%dma_start3A_14 : memref<80xi32, #tpu.memory_space<hbm>>) target(%dma_start3A_13 : memref<80xi32, #tpu.memory_space<vmem>>) target_semaphore(%arg9 : memref<!tpu.dma_semaphore, #tpu.memory_space<semaphore_mem>>)
    %add3A_15 = arith.constant 80 : i32
    %add3A_16 = arith.addi %add3A, %add3A_15 : i32
    %multiple_of3A_17 = tpu.assume_multiple %add3A_16, 8 : i32
    %dma_start3A_18 = arith.constant 1 : i32
    %dma_start3A_19 = arith.constant 0 : i32
    %dma_start3A_20 = tpu.memref_slice %arg6[%dma_start3A_18, %dma_start3A_19] : memref<4x80xi32, #tpu.memory_space<vmem>> -> memref<1x80xi32, #tpu.memory_space<vmem>>
    %dma_start3A_21 = tpu.memref_squeeze %dma_start3A_20 : memref<1x80xi32, #tpu.memory_space<vmem>> -> memref<80xi32, #tpu.memory_space<vmem>>
    %dma_start3A_22 = tpu.memref_slice %arg2[%multiple_of3A_17] : memref<320000xi32, #tpu.memory_space<hbm>> -> memref<80xi32, #tpu.memory_space<hbm>>
    %dma_start3A_23 = arith.constant 0 : i32
    %dma_start3A_24 = tpu.memref_slice %arg6[%dma_start3A_18, %dma_start3A_23] : memref<4x80xi32, #tpu.memory_space<vmem>> -> memref<1x80xi32, #tpu.memory_space<vmem>>
    %dma_start3A_25 = tpu.memref_squeeze %dma_start3A_24 : memref<1x80xi32, #tpu.memory_space<vmem>> -> memref<80xi32, #tpu.memory_space<vmem>>
    %dma_start3A_26 = tpu.memref_slice %arg2[%multiple_of3A_17] : memref<320000xi32, #tpu.memory_space<hbm>> -> memref<80xi32, #tpu.memory_space<hbm>>
    tpu.enqueue_dma source(%dma_start3A_26 : memref<80xi32, #tpu.memory_space<hbm>>) target(%dma_start3A_25 : memref<80xi32, #tpu.memory_space<vmem>>) target_semaphore(%arg10 : memref<!tpu.dma_semaphore, #tpu.memory_space<semaphore_mem>>)
    %add3A_27 = arith.constant 160 : i32
    %add3A_28 = arith.addi %add3A, %add3A_27 : i32
    %multiple_of3A_29 = tpu.assume_multiple %add3A_28, 8 : i32
    %dma_start3A_30 = arith.constant 2 : i32
    %dma_start3A_31 = arith.constant 0 : i32
    %dma_start3A_32 = tpu.memref_slice %arg6[%dma_start3A_30, %dma_start3A_31] : memref<4x80xi32, #tpu.memory_space<vmem>> -> memref<1x80xi32, #tpu.memory_space<vmem>>
    %dma_start3A_33 = tpu.memref_squeeze %dma_start3A_32 : memref<1x80xi32, #tpu.memory_space<vmem>> -> memref<80xi32, #tpu.memory_space<vmem>>
    %dma_start3A_34 = tpu.memref_slice %arg2[%multiple_of3A_29] : memref<320000xi32, #tpu.memory_space<hbm>> -> memref<80xi32, #tpu.memory_space<hbm>>
    %dma_start3A_35 = arith.constant 0 : i32
    %dma_start3A_36 = tpu.memref_slice %arg6[%dma_start3A_30, %dma_start3A_35] : memref<4x80xi32, #tpu.memory_space<vmem>> -> memref<1x80xi32, #tpu.memory_space<vmem>>
    %dma_start3A_37 = tpu.memref_squeeze %dma_start3A_36 : memref<1x80xi32, #tpu.memory_space<vmem>> -> memref<80xi32, #tpu.memory_space<vmem>>
    %dma_start3A_38 = tpu.memref_slice %arg2[%multiple_of3A_29] : memref<320000xi32, #tpu.memory_space<hbm>> -> memref<80xi32, #tpu.memory_space<hbm>>
    tpu.enqueue_dma source(%dma_start3A_38 : memref<80xi32, #tpu.memory_space<hbm>>) target(%dma_start3A_37 : memref<80xi32, #tpu.memory_space<vmem>>) target_semaphore(%arg11 : memref<!tpu.dma_semaphore, #tpu.memory_space<semaphore_mem>>)
    %scan3A = arith.constant 0 : i32
    %scan3A_39 = arith.constant 0 : i32
    %scan3A_40 = arith.constant 30 : i32
    %scan3A_41 = arith.addi %scan3A_39, %scan3A_40 : i32
    %scan3A_42 = arith.constant 1 : i32
    scf.for %scan3A_120 = %scan3A_39 to %scan3A_41 step %scan3A_42  : i32 {
      %mul3A_121 = arith.constant 4 : i32
      %mul3A_122 = arith.muli %scan3A_120, %mul3A_121 : i32
      %add3A_123 = arith.constant 0 : i32
      %add3A_124 = arith.addi %mul3A_122, %add3A_123 : i32
      %add3A_125 = arith.constant 4 : i32
      %add3A_126 = arith.addi %add3A_124, %add3A_125 : i32
      %sub3A = arith.constant 1 : i32
      %sub3A_127 = arith.subi %add3A_126, %sub3A : i32
      %mul3A_128 = arith.constant 80 : i32
      %mul3A_129 = arith.muli %sub3A_127, %mul3A_128 : i32
      %add3A_130 = arith.addi %add3A, %mul3A_129 : i32
      %multiple_of3A_131 = tpu.assume_multiple %add3A_130, 8 : i32
      %dma_start3A_132 = arith.constant 3 : i32
      %dma_start3A_133 = arith.constant 0 : i32
      %dma_start3A_134 = tpu.memref_slice %arg6[%dma_start3A_132, %dma_start3A_133] : memref<4x80xi32, #tpu.memory_space<vmem>> -> memref<1x80xi32, #tpu.memory_space<vmem>>
      %dma_start3A_135 = tpu.memref_squeeze %dma_start3A_134 : memref<1x80xi32, #tpu.memory_space<vmem>> -> memref<80xi32, #tpu.memory_space<vmem>>
      %dma_start3A_136 = tpu.memref_slice %arg2[%multiple_of3A_131] : memref<320000xi32, #tpu.memory_space<hbm>> -> memref<80xi32, #tpu.memory_space<hbm>>
      %dma_start3A_137 = arith.constant 0 : i32
      %dma_start3A_138 = tpu.memref_slice %arg6[%dma_start3A_132, %dma_start3A_137] : memref<4x80xi32, #tpu.memory_space<vmem>> -> memref<1x80xi32, #tpu.memory_space<vmem>>
      %dma_start3A_139 = tpu.memref_squeeze %dma_start3A_138 : memref<1x80xi32, #tpu.memory_space<vmem>> -> memref<80xi32, #tpu.memory_space<vmem>>
      %dma_start3A_140 = tpu.memref_slice %arg2[%multiple_of3A_131] : memref<320000xi32, #tpu.memory_space<hbm>> -> memref<80xi32, #tpu.memory_space<hbm>>
      tpu.enqueue_dma source(%dma_start3A_140 : memref<80xi32, #tpu.memory_space<hbm>>) target(%dma_start3A_139 : memref<80xi32, #tpu.memory_space<vmem>>) target_semaphore(%arg12 : memref<!tpu.dma_semaphore, #tpu.memory_space<semaphore_mem>>)
      %dma_wait3A_141 = arith.constant 0 : i32
      %dma_wait3A_142 = arith.constant 0 : i32
      %dma_wait3A_143 = tpu.memref_slice %arg6[%dma_wait3A_141, %dma_wait3A_142] : memref<4x80xi32, #tpu.memory_space<vmem>> -> memref<1x80xi32, #tpu.memory_space<vmem>>
      %dma_wait3A_144 = tpu.memref_squeeze %dma_wait3A_143 : memref<1x80xi32, #tpu.memory_space<vmem>> -> memref<80xi32, #tpu.memory_space<vmem>>
      %dma_wait3A_145 = tpu.memref_slice %arg2[%add3A] : memref<320000xi32, #tpu.memory_space<hbm>> -> memref<80xi32, #tpu.memory_space<hbm>>
      %dma_wait3A_146 = arith.constant 0 : i32
      %dma_wait3A_147 = tpu.memref_slice %arg6[%dma_wait3A_141, %dma_wait3A_146] : memref<4x80xi32, #tpu.memory_space<vmem>> -> memref<1x80xi32, #tpu.memory_space<vmem>>
      %dma_wait3A_148 = tpu.memref_squeeze %dma_wait3A_147 : memref<1x80xi32, #tpu.memory_space<vmem>> -> memref<80xi32, #tpu.memory_space<vmem>>
      %dma_wait3A_149 = tpu.memref_slice %arg2[%add3A] : memref<320000xi32, #tpu.memory_space<hbm>> -> memref<80xi32, #tpu.memory_space<hbm>>
      tpu.wait_dma2 semaphore(%arg9 : memref<!tpu.dma_semaphore, #tpu.memory_space<semaphore_mem>>) src(%dma_wait3A_149 : memref<80xi32, #tpu.memory_space<hbm>>) dst(%dma_wait3A_148 : memref<80xi32, #tpu.memory_space<vmem>>)
      %run_scoped3A_150 = arith.constant 0 : i32
      "tpu.region"() ({
        %run_scoped3A_238 = tpu.sem_alloc : memref<!tpu.dma_semaphore, #tpu.memory_space<semaphore_mem>>
        %dma_start3A_239 = arith.constant 0 : i32
        %dma_start3A_240 = tpu.memref_slice %arg6[%run_scoped3A_150, %dma_start3A_239] : memref<4x80xi32, #tpu.memory_space<vmem>> -> memref<1x80xi32, #tpu.memory_space<vmem>>
        %dma_start3A_241 = tpu.memref_squeeze %dma_start3A_240 : memref<1x80xi32, #tpu.memory_space<vmem>> -> memref<80xi32, #tpu.memory_space<vmem>>
        %dma_start3A_242 = arith.constant 0 : i32
        %dma_start3A_243 = tpu.memref_slice %arg8[%dma_start3A_242] : memref<10240xf32, #tpu.memory_space<vmem_shared>> -> memref<10240xf32, #tpu.memory_space<vmem_shared>>
        tpu.enqueue_indirect_dma source(%arg7 : memref<80xf32, #tpu.memory_space<vmem>>) target(%dma_start3A_243 : memref<10240xf32, #tpu.memory_space<vmem_shared>>) offsets(%dma_start3A_241 : memref<80xi32, #tpu.memory_space<vmem>>) semaphore(%run_scoped3A_238 : memref<!tpu.dma_semaphore, #tpu.memory_space<semaphore_mem>>) {add = true}
        %dma_wait3A_244 = arith.constant 0 : i32
        %dma_wait3A_245 = tpu.memref_slice %arg6[%run_scoped3A_150, %dma_wait3A_244] : memref<4x80xi32, #tpu.memory_space<vmem>> -> memref<1x80xi32, #tpu.memory_space<vmem>>
        %dma_wait3A_246 = tpu.memref_squeeze %dma_wait3A_245 : memref<1x80xi32, #tpu.memory_space<vmem>> -> memref<80xi32, #tpu.memory_space<vmem>>
        %dma_wait3A_247 = arith.constant 0 : i32
        %dma_wait3A_248 = tpu.memref_slice %arg8[%dma_wait3A_247] : memref<10240xf32, #tpu.memory_space<vmem_shared>> -> memref<10240xf32, #tpu.memory_space<vmem_shared>>
        tpu.wait_indirect_dma semaphore(%run_scoped3A_238 : memref<!tpu.dma_semaphore, #tpu.memory_space<semaphore_mem>>) src(%arg7 : memref<80xf32, #tpu.memory_space<vmem>>) dst(%dma_wait3A_248 : memref<10240xf32, #tpu.memory_space<vmem_shared>>)
        tpu.yield
      }) : () -> ()
      %add3A_151 = arith.constant 1 : i32
      %add3A_152 = arith.addi %mul3A_122, %add3A_151 : i32
      %add3A_153 = arith.constant 4 : i32
      %add3A_154 = arith.addi %add3A_152, %add3A_153 : i32
      %sub3A_155 = arith.constant 1 : i32
      %sub3A_156 = arith.subi %add3A_154, %sub3A_155 : i32
      %mul3A_157 = arith.constant 80 : i32
      %mul3A_158 = arith.muli %sub3A_156, %mul3A_157 : i32
      %add3A_159 = arith.addi %add3A, %mul3A_158 : i32
      %multiple_of3A_160 = tpu.assume_multiple %add3A_159, 8 : i32
      %dma_start3A_161 = arith.constant 0 : i32
      %dma_start3A_162 = arith.constant 0 : i32
      %dma_start3A_163 = tpu.memref_slice %arg6[%dma_start3A_161, %dma_start3A_162] : memref<4x80xi32, #tpu.memory_space<vmem>> -> memref<1x80xi32, #tpu.memory_space<vmem>>
      %dma_start3A_164 = tpu.memref_squeeze %dma_start3A_163 : memref<1x80xi32, #tpu.memory_space<vmem>> -> memref<80xi32, #tpu.memory_space<vmem>>
      %dma_start3A_165 = tpu.memref_slice %arg2[%multiple_of3A_160] : memref<320000xi32, #tpu.memory_space<hbm>> -> memref<80xi32, #tpu.memory_space<hbm>>
      %dma_start3A_166 = arith.constant 0 : i32
      %dma_start3A_167 = tpu.memref_slice %arg6[%dma_start3A_161, %dma_start3A_166] : memref<4x80xi32, #tpu.memory_space<vmem>> -> memref<1x80xi32, #tpu.memory_space<vmem>>
      %dma_start3A_168 = tpu.memref_squeeze %dma_start3A_167 : memref<1x80xi32, #tpu.memory_space<vmem>> -> memref<80xi32, #tpu.memory_space<vmem>>
      %dma_start3A_169 = tpu.memref_slice %arg2[%multiple_of3A_160] : memref<320000xi32, #tpu.memory_space<hbm>> -> memref<80xi32, #tpu.memory_space<hbm>>
      tpu.enqueue_dma source(%dma_start3A_169 : memref<80xi32, #tpu.memory_space<hbm>>) target(%dma_start3A_168 : memref<80xi32, #tpu.memory_space<vmem>>) target_semaphore(%arg9 : memref<!tpu.dma_semaphore, #tpu.memory_space<semaphore_mem>>)
      %dma_wait3A_170 = arith.constant 1 : i32
      %dma_wait3A_171 = arith.constant 0 : i32
      %dma_wait3A_172 = tpu.memref_slice %arg6[%dma_wait3A_170, %dma_wait3A_171] : memref<4x80xi32, #tpu.memory_space<vmem>> -> memref<1x80xi32, #tpu.memory_space<vmem>>
      %dma_wait3A_173 = tpu.memref_squeeze %dma_wait3A_172 : memref<1x80xi32, #tpu.memory_space<vmem>> -> memref<80xi32, #tpu.memory_space<vmem>>
      %dma_wait3A_174 = tpu.memref_slice %arg2[%add3A] : memref<320000xi32, #tpu.memory_space<hbm>> -> memref<80xi32, #tpu.memory_space<hbm>>
      %dma_wait3A_175 = arith.constant 0 : i32
      %dma_wait3A_176 = tpu.memref_slice %arg6[%dma_wait3A_170, %dma_wait3A_175] : memref<4x80xi32, #tpu.memory_space<vmem>> -> memref<1x80xi32, #tpu.memory_space<vmem>>
      %dma_wait3A_177 = tpu.memref_squeeze %dma_wait3A_176 : memref<1x80xi32, #tpu.memory_space<vmem>> -> memref<80xi32, #tpu.memory_space<vmem>>
      %dma_wait3A_178 = tpu.memref_slice %arg2[%add3A] : memref<320000xi32, #tpu.memory_space<hbm>> -> memref<80xi32, #tpu.memory_space<hbm>>
      tpu.wait_dma2 semaphore(%arg10 : memref<!tpu.dma_semaphore, #tpu.memory_space<semaphore_mem>>) src(%dma_wait3A_178 : memref<80xi32, #tpu.memory_space<hbm>>) dst(%dma_wait3A_177 : memref<80xi32, #tpu.memory_space<vmem>>)
      %run_scoped3A_179 = arith.constant 1 : i32
      "tpu.region"() ({
        %run_scoped3A_238 = tpu.sem_alloc : memref<!tpu.dma_semaphore, #tpu.memory_space<semaphore_mem>>
        %dma_start3A_239 = arith.constant 0 : i32
        %dma_start3A_240 = tpu.memref_slice %arg6[%run_scoped3A_179, %dma_start3A_239] : memref<4x80xi32, #tpu.memory_space<vmem>> -> memref<1x80xi32, #tpu.memory_space<vmem>>
        %dma_start3A_241 = tpu.memref_squeeze %dma_start3A_240 : memref<1x80xi32, #tpu.memory_space<vmem>> -> memref<80xi32, #tpu.memory_space<vmem>>
        %dma_start3A_242 = arith.constant 0 : i32
        %dma_start3A_243 = tpu.memref_slice %arg8[%dma_start3A_242] : memref<10240xf32, #tpu.memory_space<vmem_shared>> -> memref<10240xf32, #tpu.memory_space<vmem_shared>>
        tpu.enqueue_indirect_dma source(%arg7 : memref<80xf32, #tpu.memory_space<vmem>>) target(%dma_start3A_243 : memref<10240xf32, #tpu.memory_space<vmem_shared>>) offsets(%dma_start3A_241 : memref<80xi32, #tpu.memory_space<vmem>>) semaphore(%run_scoped3A_238 : memref<!tpu.dma_semaphore, #tpu.memory_space<semaphore_mem>>) {add = true}
        %dma_wait3A_244 = arith.constant 0 : i32
        %dma_wait3A_245 = tpu.memref_slice %arg6[%run_scoped3A_179, %dma_wait3A_244] : memref<4x80xi32, #tpu.memory_space<vmem>> -> memref<1x80xi32, #tpu.memory_space<vmem>>
        %dma_wait3A_246 = tpu.memref_squeeze %dma_wait3A_245 : memref<1x80xi32, #tpu.memory_space<vmem>> -> memref<80xi32, #tpu.memory_space<vmem>>
        %dma_wait3A_247 = arith.constant 0 : i32
        %dma_wait3A_248 = tpu.memref_slice %arg8[%dma_wait3A_247] : memref<10240xf32, #tpu.memory_space<vmem_shared>> -> memref<10240xf32, #tpu.memory_space<vmem_shared>>
        tpu.wait_indirect_dma semaphore(%run_scoped3A_238 : memref<!tpu.dma_semaphore, #tpu.memory_space<semaphore_mem>>) src(%arg7 : memref<80xf32, #tpu.memory_space<vmem>>) dst(%dma_wait3A_248 : memref<10240xf32, #tpu.memory_space<vmem_shared>>)
        tpu.yield
      }) : () -> ()
      %add3A_180 = arith.constant 2 : i32
      %add3A_181 = arith.addi %mul3A_122, %add3A_180 : i32
      %add3A_182 = arith.constant 4 : i32
      %add3A_183 = arith.addi %add3A_181, %add3A_182 : i32
      %sub3A_184 = arith.constant 1 : i32
      %sub3A_185 = arith.subi %add3A_183, %sub3A_184 : i32
      %mul3A_186 = arith.constant 80 : i32
      %mul3A_187 = arith.muli %sub3A_185, %mul3A_186 : i32
      %add3A_188 = arith.addi %add3A, %mul3A_187 : i32
      %multiple_of3A_189 = tpu.assume_multiple %add3A_188, 8 : i32
      %dma_start3A_190 = arith.constant 1 : i32
      %dma_start3A_191 = arith.constant 0 : i32
      %dma_start3A_192 = tpu.memref_slice %arg6[%dma_start3A_190, %dma_start3A_191] : memref<4x80xi32, #tpu.memory_space<vmem>> -> memref<1x80xi32, #tpu.memory_space<vmem>>
      %dma_start3A_193 = tpu.memref_squeeze %dma_start3A_192 : memref<1x80xi32, #tpu.memory_space<vmem>> -> memref<80xi32, #tpu.memory_space<vmem>>
      %dma_start3A_194 = tpu.memref_slice %arg2[%multiple_of3A_189] : memref<320000xi32, #tpu.memory_space<hbm>> -> memref<80xi32, #tpu.memory_space<hbm>>
      %dma_start3A_195 = arith.constant 0 : i32
      %dma_start3A_196 = tpu.memref_slice %arg6[%dma_start3A_190, %dma_start3A_195] : memref<4x80xi32, #tpu.memory_space<vmem>> -> memref<1x80xi32, #tpu.memory_space<vmem>>
      %dma_start3A_197 = tpu.memref_squeeze %dma_start3A_196 : memref<1x80xi32, #tpu.memory_space<vmem>> -> memref<80xi32, #tpu.memory_space<vmem>>
      %dma_start3A_198 = tpu.memref_slice %arg2[%multiple_of3A_189] : memref<320000xi32, #tpu.memory_space<hbm>> -> memref<80xi32, #tpu.memory_space<hbm>>
      tpu.enqueue_dma source(%dma_start3A_198 : memref<80xi32, #tpu.memory_space<hbm>>) target(%dma_start3A_197 : memref<80xi32, #tpu.memory_space<vmem>>) target_semaphore(%arg10 : memref<!tpu.dma_semaphore, #tpu.memory_space<semaphore_mem>>)
      %dma_wait3A_199 = arith.constant 2 : i32
      %dma_wait3A_200 = arith.constant 0 : i32
      %dma_wait3A_201 = tpu.memref_slice %arg6[%dma_wait3A_199, %dma_wait3A_200] : memref<4x80xi32, #tpu.memory_space<vmem>> -> memref<1x80xi32, #tpu.memory_space<vmem>>
      %dma_wait3A_202 = tpu.memref_squeeze %dma_wait3A_201 : memref<1x80xi32, #tpu.memory_space<vmem>> -> memref<80xi32, #tpu.memory_space<vmem>>
      %dma_wait3A_203 = tpu.memref_slice %arg2[%add3A] : memref<320000xi32, #tpu.memory_space<hbm>> -> memref<80xi32, #tpu.memory_space<hbm>>
      %dma_wait3A_204 = arith.constant 0 : i32
      %dma_wait3A_205 = tpu.memref_slice %arg6[%dma_wait3A_199, %dma_wait3A_204] : memref<4x80xi32, #tpu.memory_space<vmem>> -> memref<1x80xi32, #tpu.memory_space<vmem>>
      %dma_wait3A_206 = tpu.memref_squeeze %dma_wait3A_205 : memref<1x80xi32, #tpu.memory_space<vmem>> -> memref<80xi32, #tpu.memory_space<vmem>>
      %dma_wait3A_207 = tpu.memref_slice %arg2[%add3A] : memref<320000xi32, #tpu.memory_space<hbm>> -> memref<80xi32, #tpu.memory_space<hbm>>
      tpu.wait_dma2 semaphore(%arg11 : memref<!tpu.dma_semaphore, #tpu.memory_space<semaphore_mem>>) src(%dma_wait3A_207 : memref<80xi32, #tpu.memory_space<hbm>>) dst(%dma_wait3A_206 : memref<80xi32, #tpu.memory_space<vmem>>)
      %run_scoped3A_208 = arith.constant 2 : i32
      "tpu.region"() ({
        %run_scoped3A_238 = tpu.sem_alloc : memref<!tpu.dma_semaphore, #tpu.memory_space<semaphore_mem>>
        %dma_start3A_239 = arith.constant 0 : i32
        %dma_start3A_240 = tpu.memref_slice %arg6[%run_scoped3A_208, %dma_start3A_239] : memref<4x80xi32, #tpu.memory_space<vmem>> -> memref<1x80xi32, #tpu.memory_space<vmem>>
        %dma_start3A_241 = tpu.memref_squeeze %dma_start3A_240 : memref<1x80xi32, #tpu.memory_space<vmem>> -> memref<80xi32, #tpu.memory_space<vmem>>
        %dma_start3A_242 = arith.constant 0 : i32
        %dma_start3A_243 = tpu.memref_slice %arg8[%dma_start3A_242] : memref<10240xf32, #tpu.memory_space<vmem_shared>> -> memref<10240xf32, #tpu.memory_space<vmem_shared>>
        tpu.enqueue_indirect_dma source(%arg7 : memref<80xf32, #tpu.memory_space<vmem>>) target(%dma_start3A_243 : memref<10240xf32, #tpu.memory_space<vmem_shared>>) offsets(%dma_start3A_241 : memref<80xi32, #tpu.memory_space<vmem>>) semaphore(%run_scoped3A_238 : memref<!tpu.dma_semaphore, #tpu.memory_space<semaphore_mem>>) {add = true}
        %dma_wait3A_244 = arith.constant 0 : i32
        %dma_wait3A_245 = tpu.memref_slice %arg6[%run_scoped3A_208, %dma_wait3A_244] : memref<4x80xi32, #tpu.memory_space<vmem>> -> memref<1x80xi32, #tpu.memory_space<vmem>>
        %dma_wait3A_246 = tpu.memref_squeeze %dma_wait3A_245 : memref<1x80xi32, #tpu.memory_space<vmem>> -> memref<80xi32, #tpu.memory_space<vmem>>
        %dma_wait3A_247 = arith.constant 0 : i32
        %dma_wait3A_248 = tpu.memref_slice %arg8[%dma_wait3A_247] : memref<10240xf32, #tpu.memory_space<vmem_shared>> -> memref<10240xf32, #tpu.memory_space<vmem_shared>>
        tpu.wait_indirect_dma semaphore(%run_scoped3A_238 : memref<!tpu.dma_semaphore, #tpu.memory_space<semaphore_mem>>) src(%arg7 : memref<80xf32, #tpu.memory_space<vmem>>) dst(%dma_wait3A_248 : memref<10240xf32, #tpu.memory_space<vmem_shared>>)
        tpu.yield
      }) : () -> ()
      %add3A_209 = arith.constant 3 : i32
      %add3A_210 = arith.addi %mul3A_122, %add3A_209 : i32
      %add3A_211 = arith.constant 4 : i32
      %add3A_212 = arith.addi %add3A_210, %add3A_211 : i32
      %sub3A_213 = arith.constant 1 : i32
      %sub3A_214 = arith.subi %add3A_212, %sub3A_213 : i32
      %mul3A_215 = arith.constant 80 : i32
      %mul3A_216 = arith.muli %sub3A_214, %mul3A_215 : i32
      %add3A_217 = arith.addi %add3A, %mul3A_216 : i32
      %multiple_of3A_218 = tpu.assume_multiple %add3A_217, 8 : i32
      %dma_start3A_219 = arith.constant 2 : i32
      %dma_start3A_220 = arith.constant 0 : i32
      %dma_start3A_221 = tpu.memref_slice %arg6[%dma_start3A_219, %dma_start3A_220] : memref<4x80xi32, #tpu.memory_space<vmem>> -> memref<1x80xi32, #tpu.memory_space<vmem>>
      %dma_start3A_222 = tpu.memref_squeeze %dma_start3A_221 : memref<1x80xi32, #tpu.memory_space<vmem>> -> memref<80xi32, #tpu.memory_space<vmem>>
      %dma_start3A_223 = tpu.memref_slice %arg2[%multiple_of3A_218] : memref<320000xi32, #tpu.memory_space<hbm>> -> memref<80xi32, #tpu.memory_space<hbm>>
      %dma_start3A_224 = arith.constant 0 : i32
      %dma_start3A_225 = tpu.memref_slice %arg6[%dma_start3A_219, %dma_start3A_224] : memref<4x80xi32, #tpu.memory_space<vmem>> -> memref<1x80xi32, #tpu.memory_space<vmem>>
      %dma_start3A_226 = tpu.memref_squeeze %dma_start3A_225 : memref<1x80xi32, #tpu.memory_space<vmem>> -> memref<80xi32, #tpu.memory_space<vmem>>
      %dma_start3A_227 = tpu.memref_slice %arg2[%multiple_of3A_218] : memref<320000xi32, #tpu.memory_space<hbm>> -> memref<80xi32, #tpu.memory_space<hbm>>
      tpu.enqueue_dma source(%dma_start3A_227 : memref<80xi32, #tpu.memory_space<hbm>>) target(%dma_start3A_226 : memref<80xi32, #tpu.memory_space<vmem>>) target_semaphore(%arg11 : memref<!tpu.dma_semaphore, #tpu.memory_space<semaphore_mem>>)
      %dma_wait3A_228 = arith.constant 3 : i32
      %dma_wait3A_229 = arith.constant 0 : i32
      %dma_wait3A_230 = tpu.memref_slice %arg6[%dma_wait3A_228, %dma_wait3A_229] : memref<4x80xi32, #tpu.memory_space<vmem>> -> memref<1x80xi32, #tpu.memory_space<vmem>>
      %dma_wait3A_231 = tpu.memref_squeeze %dma_wait3A_230 : memref<1x80xi32, #tpu.memory_space<vmem>> -> memref<80xi32, #tpu.memory_space<vmem>>
      %dma_wait3A_232 = tpu.memref_slice %arg2[%add3A] : memref<320000xi32, #tpu.memory_space<hbm>> -> memref<80xi32, #tpu.memory_space<hbm>>
      %dma_wait3A_233 = arith.constant 0 : i32
      %dma_wait3A_234 = tpu.memref_slice %arg6[%dma_wait3A_228, %dma_wait3A_233] : memref<4x80xi32, #tpu.memory_space<vmem>> -> memref<1x80xi32, #tpu.memory_space<vmem>>
      %dma_wait3A_235 = tpu.memref_squeeze %dma_wait3A_234 : memref<1x80xi32, #tpu.memory_space<vmem>> -> memref<80xi32, #tpu.memory_space<vmem>>
      %dma_wait3A_236 = tpu.memref_slice %arg2[%add3A] : memref<320000xi32, #tpu.memory_space<hbm>> -> memref<80xi32, #tpu.memory_space<hbm>>
      tpu.wait_dma2 semaphore(%arg12 : memref<!tpu.dma_semaphore, #tpu.memory_space<semaphore_mem>>) src(%dma_wait3A_236 : memref<80xi32, #tpu.memory_space<hbm>>) dst(%dma_wait3A_235 : memref<80xi32, #tpu.memory_space<vmem>>)
      %run_scoped3A_237 = arith.constant 3 : i32
      "tpu.region"() ({
        %run_scoped3A_238 = tpu.sem_alloc : memref<!tpu.dma_semaphore, #tpu.memory_space<semaphore_mem>>
        %dma_start3A_239 = arith.constant 0 : i32
        %dma_start3A_240 = tpu.memref_slice %arg6[%run_scoped3A_237, %dma_start3A_239] : memref<4x80xi32, #tpu.memory_space<vmem>> -> memref<1x80xi32, #tpu.memory_space<vmem>>
        %dma_start3A_241 = tpu.memref_squeeze %dma_start3A_240 : memref<1x80xi32, #tpu.memory_space<vmem>> -> memref<80xi32, #tpu.memory_space<vmem>>
        %dma_start3A_242 = arith.constant 0 : i32
        %dma_start3A_243 = tpu.memref_slice %arg8[%dma_start3A_242] : memref<10240xf32, #tpu.memory_space<vmem_shared>> -> memref<10240xf32, #tpu.memory_space<vmem_shared>>
        tpu.enqueue_indirect_dma source(%arg7 : memref<80xf32, #tpu.memory_space<vmem>>) target(%dma_start3A_243 : memref<10240xf32, #tpu.memory_space<vmem_shared>>) offsets(%dma_start3A_241 : memref<80xi32, #tpu.memory_space<vmem>>) semaphore(%run_scoped3A_238 : memref<!tpu.dma_semaphore, #tpu.memory_space<semaphore_mem>>) {add = true}
        %dma_wait3A_244 = arith.constant 0 : i32
        %dma_wait3A_245 = tpu.memref_slice %arg6[%run_scoped3A_237, %dma_wait3A_244] : memref<4x80xi32, #tpu.memory_space<vmem>> -> memref<1x80xi32, #tpu.memory_space<vmem>>
        %dma_wait3A_246 = tpu.memref_squeeze %dma_wait3A_245 : memref<1x80xi32, #tpu.memory_space<vmem>> -> memref<80xi32, #tpu.memory_space<vmem>>
        %dma_wait3A_247 = arith.constant 0 : i32
        %dma_wait3A_248 = tpu.memref_slice %arg8[%dma_wait3A_247] : memref<10240xf32, #tpu.memory_space<vmem_shared>> -> memref<10240xf32, #tpu.memory_space<vmem_shared>>
        tpu.wait_indirect_dma semaphore(%run_scoped3A_238 : memref<!tpu.dma_semaphore, #tpu.memory_space<semaphore_mem>>) src(%arg7 : memref<80xf32, #tpu.memory_space<vmem>>) dst(%dma_wait3A_248 : memref<10240xf32, #tpu.memory_space<vmem_shared>>)
        tpu.yield
      }) : () -> ()
    }
    %scan3A_43 = arith.constant 30 : i32
    %add3A_44 = arith.constant 9840 : i32
    %add3A_45 = arith.addi %add3A, %add3A_44 : i32
    %multiple_of3A_46 = tpu.assume_multiple %add3A_45, 8 : i32
    %dma_start3A_47 = arith.constant 3 : i32
    %dma_start3A_48 = arith.constant 0 : i32
    %dma_start3A_49 = tpu.memref_slice %arg6[%dma_start3A_47, %dma_start3A_48] : memref<4x80xi32, #tpu.memory_space<vmem>> -> memref<1x80xi32, #tpu.memory_space<vmem>>
    %dma_start3A_50 = tpu.memref_squeeze %dma_start3A_49 : memref<1x80xi32, #tpu.memory_space<vmem>> -> memref<80xi32, #tpu.memory_space<vmem>>
    %dma_start3A_51 = tpu.memref_slice %arg2[%multiple_of3A_46] : memref<320000xi32, #tpu.memory_space<hbm>> -> memref<80xi32, #tpu.memory_space<hbm>>
    %dma_start3A_52 = arith.constant 0 : i32
    %dma_start3A_53 = tpu.memref_slice %arg6[%dma_start3A_47, %dma_start3A_52] : memref<4x80xi32, #tpu.memory_space<vmem>> -> memref<1x80xi32, #tpu.memory_space<vmem>>
    %dma_start3A_54 = tpu.memref_squeeze %dma_start3A_53 : memref<1x80xi32, #tpu.memory_space<vmem>> -> memref<80xi32, #tpu.memory_space<vmem>>
    %dma_start3A_55 = tpu.memref_slice %arg2[%multiple_of3A_46] : memref<320000xi32, #tpu.memory_space<hbm>> -> memref<80xi32, #tpu.memory_space<hbm>>
    tpu.enqueue_dma source(%dma_start3A_55 : memref<80xi32, #tpu.memory_space<hbm>>) target(%dma_start3A_54 : memref<80xi32, #tpu.memory_space<vmem>>) target_semaphore(%arg12 : memref<!tpu.dma_semaphore, #tpu.memory_space<semaphore_mem>>)
    %dma_wait3A = arith.constant 0 : i32
    %dma_wait3A_56 = arith.constant 0 : i32
    %dma_wait3A_57 = tpu.memref_slice %arg6[%dma_wait3A, %dma_wait3A_56] : memref<4x80xi32, #tpu.memory_space<vmem>> -> memref<1x80xi32, #tpu.memory_space<vmem>>
    %dma_wait3A_58 = tpu.memref_squeeze %dma_wait3A_57 : memref<1x80xi32, #tpu.memory_space<vmem>> -> memref<80xi32, #tpu.memory_space<vmem>>
    %dma_wait3A_59 = tpu.memref_slice %arg2[%add3A] : memref<320000xi32, #tpu.memory_space<hbm>> -> memref<80xi32, #tpu.memory_space<hbm>>
    %dma_wait3A_60 = arith.constant 0 : i32
    %dma_wait3A_61 = tpu.memref_slice %arg6[%dma_wait3A, %dma_wait3A_60] : memref<4x80xi32, #tpu.memory_space<vmem>> -> memref<1x80xi32, #tpu.memory_space<vmem>>
    %dma_wait3A_62 = tpu.memref_squeeze %dma_wait3A_61 : memref<1x80xi32, #tpu.memory_space<vmem>> -> memref<80xi32, #tpu.memory_space<vmem>>
    %dma_wait3A_63 = tpu.memref_slice %arg2[%add3A] : memref<320000xi32, #tpu.memory_space<hbm>> -> memref<80xi32, #tpu.memory_space<hbm>>
    tpu.wait_dma2 semaphore(%arg9 : memref<!tpu.dma_semaphore, #tpu.memory_space<semaphore_mem>>) src(%dma_wait3A_63 : memref<80xi32, #tpu.memory_space<hbm>>) dst(%dma_wait3A_62 : memref<80xi32, #tpu.memory_space<vmem>>)
    %run_scoped3A = arith.constant 0 : i32
    "tpu.region"() ({
      %run_scoped3A_120 = tpu.sem_alloc : memref<!tpu.dma_semaphore, #tpu.memory_space<semaphore_mem>>
      %dma_start3A_121 = arith.constant 0 : i32
      %dma_start3A_122 = tpu.memref_slice %arg6[%run_scoped3A, %dma_start3A_121] : memref<4x80xi32, #tpu.memory_space<vmem>> -> memref<1x80xi32, #tpu.memory_space<vmem>>
      %dma_start3A_123 = tpu.memref_squeeze %dma_start3A_122 : memref<1x80xi32, #tpu.memory_space<vmem>> -> memref<80xi32, #tpu.memory_space<vmem>>
      %dma_start3A_124 = arith.constant 0 : i32
      %dma_start3A_125 = tpu.memref_slice %arg8[%dma_start3A_124] : memref<10240xf32, #tpu.memory_space<vmem_shared>> -> memref<10240xf32, #tpu.memory_space<vmem_shared>>
      tpu.enqueue_indirect_dma source(%arg7 : memref<80xf32, #tpu.memory_space<vmem>>) target(%dma_start3A_125 : memref<10240xf32, #tpu.memory_space<vmem_shared>>) offsets(%dma_start3A_123 : memref<80xi32, #tpu.memory_space<vmem>>) semaphore(%run_scoped3A_120 : memref<!tpu.dma_semaphore, #tpu.memory_space<semaphore_mem>>) {add = true}
      %dma_wait3A_126 = arith.constant 0 : i32
      %dma_wait3A_127 = tpu.memref_slice %arg6[%run_scoped3A, %dma_wait3A_126] : memref<4x80xi32, #tpu.memory_space<vmem>> -> memref<1x80xi32, #tpu.memory_space<vmem>>
      %dma_wait3A_128 = tpu.memref_squeeze %dma_wait3A_127 : memref<1x80xi32, #tpu.memory_space<vmem>> -> memref<80xi32, #tpu.memory_space<vmem>>
      %dma_wait3A_129 = arith.constant 0 : i32
      %dma_wait3A_130 = tpu.memref_slice %arg8[%dma_wait3A_129] : memref<10240xf32, #tpu.memory_space<vmem_shared>> -> memref<10240xf32, #tpu.memory_space<vmem_shared>>
      tpu.wait_indirect_dma semaphore(%run_scoped3A_120 : memref<!tpu.dma_semaphore, #tpu.memory_space<semaphore_mem>>) src(%arg7 : memref<80xf32, #tpu.memory_space<vmem>>) dst(%dma_wait3A_130 : memref<10240xf32, #tpu.memory_space<vmem_shared>>)
      tpu.yield
    }) : () -> ()
    %add3A_64 = arith.constant 9920 : i32
    %add3A_65 = arith.addi %add3A, %add3A_64 : i32
    %multiple_of3A_66 = tpu.assume_multiple %add3A_65, 8 : i32
    %dma_start3A_67 = arith.constant 0 : i32
    %dma_start3A_68 = arith.constant 0 : i32
    %dma_start3A_69 = tpu.memref_slice %arg6[%dma_start3A_67, %dma_start3A_68] : memref<4x80xi32, #tpu.memory_space<vmem>> -> memref<1x80xi32, #tpu.memory_space<vmem>>
    %dma_start3A_70 = tpu.memref_squeeze %dma_start3A_69 : memref<1x80xi32, #tpu.memory_space<vmem>> -> memref<80xi32, #tpu.memory_space<vmem>>
    %dma_start3A_71 = tpu.memref_slice %arg2[%multiple_of3A_66] : memref<320000xi32, #tpu.memory_space<hbm>> -> memref<80xi32, #tpu.memory_space<hbm>>
    %dma_start3A_72 = arith.constant 0 : i32
    %dma_start3A_73 = tpu.memref_slice %arg6[%dma_start3A_67, %dma_start3A_72] : memref<4x80xi32, #tpu.memory_space<vmem>> -> memref<1x80xi32, #tpu.memory_space<vmem>>
    %dma_start3A_74 = tpu.memref_squeeze %dma_start3A_73 : memref<1x80xi32, #tpu.memory_space<vmem>> -> memref<80xi32, #tpu.memory_space<vmem>>
    %dma_start3A_75 = tpu.memref_slice %arg2[%multiple_of3A_66] : memref<320000xi32, #tpu.memory_space<hbm>> -> memref<80xi32, #tpu.memory_space<hbm>>
    tpu.enqueue_dma source(%dma_start3A_75 : memref<80xi32, #tpu.memory_space<hbm>>) target(%dma_start3A_74 : memref<80xi32, #tpu.memory_space<vmem>>) target_semaphore(%arg9 : memref<!tpu.dma_semaphore, #tpu.memory_space<semaphore_mem>>)
    %dma_wait3A_76 = arith.constant 1 : i32
    %dma_wait3A_77 = arith.constant 0 : i32
    %dma_wait3A_78 = tpu.memref_slice %arg6[%dma_wait3A_76, %dma_wait3A_77] : memref<4x80xi32, #tpu.memory_space<vmem>> -> memref<1x80xi32, #tpu.memory_space<vmem>>
    %dma_wait3A_79 = tpu.memref_squeeze %dma_wait3A_78 : memref<1x80xi32, #tpu.memory_space<vmem>> -> memref<80xi32, #tpu.memory_space<vmem>>
    %dma_wait3A_80 = tpu.memref_slice %arg2[%add3A] : memref<320000xi32, #tpu.memory_space<hbm>> -> memref<80xi32, #tpu.memory_space<hbm>>
    %dma_wait3A_81 = arith.constant 0 : i32
    %dma_wait3A_82 = tpu.memref_slice %arg6[%dma_wait3A_76, %dma_wait3A_81] : memref<4x80xi32, #tpu.memory_space<vmem>> -> memref<1x80xi32, #tpu.memory_space<vmem>>
    %dma_wait3A_83 = tpu.memref_squeeze %dma_wait3A_82 : memref<1x80xi32, #tpu.memory_space<vmem>> -> memref<80xi32, #tpu.memory_space<vmem>>
    %dma_wait3A_84 = tpu.memref_slice %arg2[%add3A] : memref<320000xi32, #tpu.memory_space<hbm>> -> memref<80xi32, #tpu.memory_space<hbm>>
    tpu.wait_dma2 semaphore(%arg10 : memref<!tpu.dma_semaphore, #tpu.memory_space<semaphore_mem>>) src(%dma_wait3A_84 : memref<80xi32, #tpu.memory_space<hbm>>) dst(%dma_wait3A_83 : memref<80xi32, #tpu.memory_space<vmem>>)
    %run_scoped3A_85 = arith.constant 1 : i32
    "tpu.region"() ({
      %run_scoped3A_120 = tpu.sem_alloc : memref<!tpu.dma_semaphore, #tpu.memory_space<semaphore_mem>>
      %dma_start3A_121 = arith.constant 0 : i32
      %dma_start3A_122 = tpu.memref_slice %arg6[%run_scoped3A_85, %dma_start3A_121] : memref<4x80xi32, #tpu.memory_space<vmem>> -> memref<1x80xi32, #tpu.memory_space<vmem>>
      %dma_start3A_123 = tpu.memref_squeeze %dma_start3A_122 : memref<1x80xi32, #tpu.memory_space<vmem>> -> memref<80xi32, #tpu.memory_space<vmem>>
      %dma_start3A_124 = arith.constant 0 : i32
      %dma_start3A_125 = tpu.memref_slice %arg8[%dma_start3A_124] : memref<10240xf32, #tpu.memory_space<vmem_shared>> -> memref<10240xf32, #tpu.memory_space<vmem_shared>>
      tpu.enqueue_indirect_dma source(%arg7 : memref<80xf32, #tpu.memory_space<vmem>>) target(%dma_start3A_125 : memref<10240xf32, #tpu.memory_space<vmem_shared>>) offsets(%dma_start3A_123 : memref<80xi32, #tpu.memory_space<vmem>>) semaphore(%run_scoped3A_120 : memref<!tpu.dma_semaphore, #tpu.memory_space<semaphore_mem>>) {add = true}
      %dma_wait3A_126 = arith.constant 0 : i32
      %dma_wait3A_127 = tpu.memref_slice %arg6[%run_scoped3A_85, %dma_wait3A_126] : memref<4x80xi32, #tpu.memory_space<vmem>> -> memref<1x80xi32, #tpu.memory_space<vmem>>
      %dma_wait3A_128 = tpu.memref_squeeze %dma_wait3A_127 : memref<1x80xi32, #tpu.memory_space<vmem>> -> memref<80xi32, #tpu.memory_space<vmem>>
      %dma_wait3A_129 = arith.constant 0 : i32
      %dma_wait3A_130 = tpu.memref_slice %arg8[%dma_wait3A_129] : memref<10240xf32, #tpu.memory_space<vmem_shared>> -> memref<10240xf32, #tpu.memory_space<vmem_shared>>
      tpu.wait_indirect_dma semaphore(%run_scoped3A_120 : memref<!tpu.dma_semaphore, #tpu.memory_space<semaphore_mem>>) src(%arg7 : memref<80xf32, #tpu.memory_space<vmem>>) dst(%dma_wait3A_130 : memref<10240xf32, #tpu.memory_space<vmem_shared>>)
      tpu.yield
    }) : () -> ()
    %dma_wait3A_86 = arith.constant 2 : i32
    %dma_wait3A_87 = arith.constant 0 : i32
    %dma_wait3A_88 = tpu.memref_slice %arg6[%dma_wait3A_86, %dma_wait3A_87] : memref<4x80xi32, #tpu.memory_space<vmem>> -> memref<1x80xi32, #tpu.memory_space<vmem>>
    %dma_wait3A_89 = tpu.memref_squeeze %dma_wait3A_88 : memref<1x80xi32, #tpu.memory_space<vmem>> -> memref<80xi32, #tpu.memory_space<vmem>>
    %dma_wait3A_90 = tpu.memref_slice %arg2[%add3A] : memref<320000xi32, #tpu.memory_space<hbm>> -> memref<80xi32, #tpu.memory_space<hbm>>
    %dma_wait3A_91 = arith.constant 0 : i32
    %dma_wait3A_92 = tpu.memref_slice %arg6[%dma_wait3A_86, %dma_wait3A_91] : memref<4x80xi32, #tpu.memory_space<vmem>> -> memref<1x80xi32, #tpu.memory_space<vmem>>
    %dma_wait3A_93 = tpu.memref_squeeze %dma_wait3A_92 : memref<1x80xi32, #tpu.memory_space<vmem>> -> memref<80xi32, #tpu.memory_space<vmem>>
    %dma_wait3A_94 = tpu.memref_slice %arg2[%add3A] : memref<320000xi32, #tpu.memory_space<hbm>> -> memref<80xi32, #tpu.memory_space<hbm>>
    tpu.wait_dma2 semaphore(%arg11 : memref<!tpu.dma_semaphore, #tpu.memory_space<semaphore_mem>>) src(%dma_wait3A_94 : memref<80xi32, #tpu.memory_space<hbm>>) dst(%dma_wait3A_93 : memref<80xi32, #tpu.memory_space<vmem>>)
    %run_scoped3A_95 = arith.constant 2 : i32
    "tpu.region"() ({
      %run_scoped3A_120 = tpu.sem_alloc : memref<!tpu.dma_semaphore, #tpu.memory_space<semaphore_mem>>
      %dma_start3A_121 = arith.constant 0 : i32
      %dma_start3A_122 = tpu.memref_slice %arg6[%run_scoped3A_95, %dma_start3A_121] : memref<4x80xi32, #tpu.memory_space<vmem>> -> memref<1x80xi32, #tpu.memory_space<vmem>>
      %dma_start3A_123 = tpu.memref_squeeze %dma_start3A_122 : memref<1x80xi32, #tpu.memory_space<vmem>> -> memref<80xi32, #tpu.memory_space<vmem>>
      %dma_start3A_124 = arith.constant 0 : i32
      %dma_start3A_125 = tpu.memref_slice %arg8[%dma_start3A_124] : memref<10240xf32, #tpu.memory_space<vmem_shared>> -> memref<10240xf32, #tpu.memory_space<vmem_shared>>
      tpu.enqueue_indirect_dma source(%arg7 : memref<80xf32, #tpu.memory_space<vmem>>) target(%dma_start3A_125 : memref<10240xf32, #tpu.memory_space<vmem_shared>>) offsets(%dma_start3A_123 : memref<80xi32, #tpu.memory_space<vmem>>) semaphore(%run_scoped3A_120 : memref<!tpu.dma_semaphore, #tpu.memory_space<semaphore_mem>>) {add = true}
      %dma_wait3A_126 = arith.constant 0 : i32
      %dma_wait3A_127 = tpu.memref_slice %arg6[%run_scoped3A_95, %dma_wait3A_126] : memref<4x80xi32, #tpu.memory_space<vmem>> -> memref<1x80xi32, #tpu.memory_space<vmem>>
      %dma_wait3A_128 = tpu.memref_squeeze %dma_wait3A_127 : memref<1x80xi32, #tpu.memory_space<vmem>> -> memref<80xi32, #tpu.memory_space<vmem>>
      %dma_wait3A_129 = arith.constant 0 : i32
      %dma_wait3A_130 = tpu.memref_slice %arg8[%dma_wait3A_129] : memref<10240xf32, #tpu.memory_space<vmem_shared>> -> memref<10240xf32, #tpu.memory_space<vmem_shared>>
      tpu.wait_indirect_dma semaphore(%run_scoped3A_120 : memref<!tpu.dma_semaphore, #tpu.memory_space<semaphore_mem>>) src(%arg7 : memref<80xf32, #tpu.memory_space<vmem>>) dst(%dma_wait3A_130 : memref<10240xf32, #tpu.memory_space<vmem_shared>>)
      tpu.yield
    }) : () -> ()
    %dma_wait3A_96 = arith.constant 3 : i32
    %dma_wait3A_97 = arith.constant 0 : i32
    %dma_wait3A_98 = tpu.memref_slice %arg6[%dma_wait3A_96, %dma_wait3A_97] : memref<4x80xi32, #tpu.memory_space<vmem>> -> memref<1x80xi32, #tpu.memory_space<vmem>>
    %dma_wait3A_99 = tpu.memref_squeeze %dma_wait3A_98 : memref<1x80xi32, #tpu.memory_space<vmem>> -> memref<80xi32, #tpu.memory_space<vmem>>
    %dma_wait3A_100 = tpu.memref_slice %arg2[%add3A] : memref<320000xi32, #tpu.memory_space<hbm>> -> memref<80xi32, #tpu.memory_space<hbm>>
    %dma_wait3A_101 = arith.constant 0 : i32
    %dma_wait3A_102 = tpu.memref_slice %arg6[%dma_wait3A_96, %dma_wait3A_101] : memref<4x80xi32, #tpu.memory_space<vmem>> -> memref<1x80xi32, #tpu.memory_space<vmem>>
    %dma_wait3A_103 = tpu.memref_squeeze %dma_wait3A_102 : memref<1x80xi32, #tpu.memory_space<vmem>> -> memref<80xi32, #tpu.memory_space<vmem>>
    %dma_wait3A_104 = tpu.memref_slice %arg2[%add3A] : memref<320000xi32, #tpu.memory_space<hbm>> -> memref<80xi32, #tpu.memory_space<hbm>>
    tpu.wait_dma2 semaphore(%arg12 : memref<!tpu.dma_semaphore, #tpu.memory_space<semaphore_mem>>) src(%dma_wait3A_104 : memref<80xi32, #tpu.memory_space<hbm>>) dst(%dma_wait3A_103 : memref<80xi32, #tpu.memory_space<vmem>>)
    %run_scoped3A_105 = arith.constant 3 : i32
    "tpu.region"() ({
      %run_scoped3A_120 = tpu.sem_alloc : memref<!tpu.dma_semaphore, #tpu.memory_space<semaphore_mem>>
      %dma_start3A_121 = arith.constant 0 : i32
      %dma_start3A_122 = tpu.memref_slice %arg6[%run_scoped3A_105, %dma_start3A_121] : memref<4x80xi32, #tpu.memory_space<vmem>> -> memref<1x80xi32, #tpu.memory_space<vmem>>
      %dma_start3A_123 = tpu.memref_squeeze %dma_start3A_122 : memref<1x80xi32, #tpu.memory_space<vmem>> -> memref<80xi32, #tpu.memory_space<vmem>>
      %dma_start3A_124 = arith.constant 0 : i32
      %dma_start3A_125 = tpu.memref_slice %arg8[%dma_start3A_124] : memref<10240xf32, #tpu.memory_space<vmem_shared>> -> memref<10240xf32, #tpu.memory_space<vmem_shared>>
      tpu.enqueue_indirect_dma source(%arg7 : memref<80xf32, #tpu.memory_space<vmem>>) target(%dma_start3A_125 : memref<10240xf32, #tpu.memory_space<vmem_shared>>) offsets(%dma_start3A_123 : memref<80xi32, #tpu.memory_space<vmem>>) semaphore(%run_scoped3A_120 : memref<!tpu.dma_semaphore, #tpu.memory_space<semaphore_mem>>) {add = true}
      %dma_wait3A_126 = arith.constant 0 : i32
      %dma_wait3A_127 = tpu.memref_slice %arg6[%run_scoped3A_105, %dma_wait3A_126] : memref<4x80xi32, #tpu.memory_space<vmem>> -> memref<1x80xi32, #tpu.memory_space<vmem>>
      %dma_wait3A_128 = tpu.memref_squeeze %dma_wait3A_127 : memref<1x80xi32, #tpu.memory_space<vmem>> -> memref<80xi32, #tpu.memory_space<vmem>>
      %dma_wait3A_129 = arith.constant 0 : i32
      %dma_wait3A_130 = tpu.memref_slice %arg8[%dma_wait3A_129] : memref<10240xf32, #tpu.memory_space<vmem_shared>> -> memref<10240xf32, #tpu.memory_space<vmem_shared>>
      tpu.wait_indirect_dma semaphore(%run_scoped3A_120 : memref<!tpu.dma_semaphore, #tpu.memory_space<semaphore_mem>>) src(%arg7 : memref<80xf32, #tpu.memory_space<vmem>>) dst(%dma_wait3A_130 : memref<10240xf32, #tpu.memory_space<vmem_shared>>)
      tpu.yield
    }) : () -> ()
    %dma_wait3A_106 = arith.constant 0 : i32
    %dma_wait3A_107 = arith.constant 0 : i32
    %dma_wait3A_108 = tpu.memref_slice %arg6[%dma_wait3A_106, %dma_wait3A_107] : memref<4x80xi32, #tpu.memory_space<vmem>> -> memref<1x80xi32, #tpu.memory_space<vmem>>
    %dma_wait3A_109 = tpu.memref_squeeze %dma_wait3A_108 : memref<1x80xi32, #tpu.memory_space<vmem>> -> memref<80xi32, #tpu.memory_space<vmem>>
    %dma_wait3A_110 = tpu.memref_slice %arg2[%add3A] : memref<320000xi32, #tpu.memory_space<hbm>> -> memref<80xi32, #tpu.memory_space<hbm>>
    %dma_wait3A_111 = arith.constant 0 : i32
    %dma_wait3A_112 = tpu.memref_slice %arg6[%dma_wait3A_106, %dma_wait3A_111] : memref<4x80xi32, #tpu.memory_space<vmem>> -> memref<1x80xi32, #tpu.memory_space<vmem>>
    %dma_wait3A_113 = tpu.memref_squeeze %dma_wait3A_112 : memref<1x80xi32, #tpu.memory_space<vmem>> -> memref<80xi32, #tpu.memory_space<vmem>>
    %dma_wait3A_114 = tpu.memref_slice %arg2[%add3A] : memref<320000xi32, #tpu.memory_space<hbm>> -> memref<80xi32, #tpu.memory_space<hbm>>
    tpu.wait_dma2 semaphore(%arg9 : memref<!tpu.dma_semaphore, #tpu.memory_space<semaphore_mem>>) src(%dma_wait3A_114 : memref<80xi32, #tpu.memory_space<hbm>>) dst(%dma_wait3A_113 : memref<80xi32, #tpu.memory_space<vmem>>)
    %run_scoped3A_115 = arith.constant 0 : i32
    "tpu.region"() ({
      %run_scoped3A_120 = tpu.sem_alloc : memref<!tpu.dma_semaphore, #tpu.memory_space<semaphore_mem>>
      %dma_start3A_121 = arith.constant 0 : i32
      %dma_start3A_122 = tpu.memref_slice %arg6[%run_scoped3A_115, %dma_start3A_121] : memref<4x80xi32, #tpu.memory_space<vmem>> -> memref<1x80xi32, #tpu.memory_space<vmem>>
      %dma_start3A_123 = tpu.memref_squeeze %dma_start3A_122 : memref<1x80xi32, #tpu.memory_space<vmem>> -> memref<80xi32, #tpu.memory_space<vmem>>
      %dma_start3A_124 = arith.constant 0 : i32
      %dma_start3A_125 = tpu.memref_slice %arg8[%dma_start3A_124] : memref<10240xf32, #tpu.memory_space<vmem_shared>> -> memref<10240xf32, #tpu.memory_space<vmem_shared>>
      tpu.enqueue_indirect_dma source(%arg7 : memref<80xf32, #tpu.memory_space<vmem>>) target(%dma_start3A_125 : memref<10240xf32, #tpu.memory_space<vmem_shared>>) offsets(%dma_start3A_123 : memref<80xi32, #tpu.memory_space<vmem>>) semaphore(%run_scoped3A_120 : memref<!tpu.dma_semaphore, #tpu.memory_space<semaphore_mem>>) {add = true}
      %dma_wait3A_126 = arith.constant 0 : i32
      %dma_wait3A_127 = tpu.memref_slice %arg6[%run_scoped3A_115, %dma_wait3A_126] : memref<4x80xi32, #tpu.memory_space<vmem>> -> memref<1x80xi32, #tpu.memory_space<vmem>>
      %dma_wait3A_128 = tpu.memref_squeeze %dma_wait3A_127 : memref<1x80xi32, #tpu.memory_space<vmem>> -> memref<80xi32, #tpu.memory_space<vmem>>
      %dma_wait3A_129 = arith.constant 0 : i32
      %dma_wait3A_130 = tpu.memref_slice %arg8[%dma_wait3A_129] : memref<10240xf32, #tpu.memory_space<vmem_shared>> -> memref<10240xf32, #tpu.memory_space<vmem_shared>>
      tpu.wait_indirect_dma semaphore(%run_scoped3A_120 : memref<!tpu.dma_semaphore, #tpu.memory_space<semaphore_mem>>) src(%arg7 : memref<80xf32, #tpu.memory_space<vmem>>) dst(%dma_wait3A_130 : memref<10240xf32, #tpu.memory_space<vmem_shared>>)
      tpu.yield
    }) : () -> ()
    %barrier3A_116 = arith.constant 0 : index
    tpu.barrier barrier_id(%barrier3A_116)
    %mul3A_117 = arith.constant 10240 : i32
    %mul3A_118 = arith.muli %arg0, %mul3A_117 : i32
    %add3A_119 = arith.addi %mul3A_118, %mul3A_0 : i32
    "tpu.region"() ({
      %run_scoped3A_120 = tpu.sem_alloc : memref<!tpu.dma_semaphore, #tpu.memory_space<semaphore_mem>>
      %dma_start3A_121 = tpu.memref_slice %arg5[%add3A_119] : memref<20480xf32, #tpu.memory_space<hbm>> -> memref<640xf32, #tpu.memory_space<hbm>>
      %dma_start3A_122 = tpu.memref_slice %arg8[%mul3A_0] : memref<10240xf32, #tpu.memory_space<vmem_shared>> -> memref<640xf32, #tpu.memory_space<vmem_shared>>
      tpu.enqueue_dma source(%dma_start3A_122 : memref<640xf32, #tpu.memory_space<vmem_shared>>) target(%dma_start3A_121 : memref<640xf32, #tpu.memory_space<hbm>>) target_semaphore(%run_scoped3A_120 : memref<!tpu.dma_semaphore, #tpu.memory_space<semaphore_mem>>)
      %dma_wait3A_123 = tpu.memref_slice %arg5[%add3A_119] : memref<20480xf32, #tpu.memory_space<hbm>> -> memref<640xf32, #tpu.memory_space<hbm>>
      %dma_wait3A_124 = tpu.memref_slice %arg8[%mul3A_0] : memref<10240xf32, #tpu.memory_space<vmem_shared>> -> memref<640xf32, #tpu.memory_space<vmem_shared>>
      tpu.wait_dma2 semaphore(%run_scoped3A_120 : memref<!tpu.dma_semaphore, #tpu.memory_space<semaphore_mem>>) src(%dma_wait3A_124 : memref<640xf32, #tpu.memory_space<vmem_shared>>) dst(%dma_wait3A_123 : memref<640xf32, #tpu.memory_space<hbm>>)
      tpu.yield
    }) : () -> ()
    return
  }
}

#map = affine_map<(d0, d1) -> (0, 0)>
#map1 = affine_map<(d0, d1) -> (0)>
module attributes {stable_mosaic.version = 14 : i64} {
  func.func @edge_k(%arg0: i32, %arg1: i32, %arg2: memref<10000x128xf32, #tpu.memory_space<hbm>>, %arg3: memref<320000xi32, #tpu.memory_space<hbm>>, %arg4: memref<320000xi32, #tpu.memory_space<hbm>>, %arg5: memref<632x128xf32, #tpu.memory_space<hbm>>, %arg6: memref<20224x128xf32, #tpu.memory_space<hbm>>, %arg7: memref<4x80xi32, #tpu.memory_space<vmem>>, %arg8: memref<4x80xi32, #tpu.memory_space<vmem>>, %arg9: memref<4x80x128xf32, #tpu.memory_space<vmem>>, %arg10: memref<10112x128xf32, #tpu.memory_space<vmem_shared>>, %arg11: memref<!tpu.dma_semaphore, #tpu.memory_space<semaphore_mem>>, %arg12: memref<!tpu.dma_semaphore, #tpu.memory_space<semaphore_mem>>, %arg13: memref<!tpu.dma_semaphore, #tpu.memory_space<semaphore_mem>>, %arg14: memref<!tpu.dma_semaphore, #tpu.memory_space<semaphore_mem>>, %arg15: memref<!tpu.dma_semaphore, #tpu.memory_space<semaphore_mem>>, %arg16: memref<!tpu.dma_semaphore, #tpu.memory_space<semaphore_mem>>, %arg17: memref<!tpu.dma_semaphore, #tpu.memory_space<semaphore_mem>>, %arg18: memref<!tpu.dma_semaphore, #tpu.memory_space<semaphore_mem>>, %arg19: memref<!tpu.dma_semaphore, #tpu.memory_space<semaphore_mem>>, %arg20: memref<!tpu.dma_semaphore, #tpu.memory_space<semaphore_mem>>, %arg21: memref<!tpu.dma_semaphore, #tpu.memory_space<semaphore_mem>>, %arg22: memref<!tpu.dma_semaphore, #tpu.memory_space<semaphore_mem>>) attributes {dimension_semantics = [#tpu.dimension_semantics<core_parallel>, #tpu.dimension_semantics<subcore_parallel>], iteration_bounds = array<i64: 2, 16>, scalar_prefetch = 0 : i64, scratch_operands = 16 : i64, tpu.core_type = #tpu.core_type<sc_vector_subcore>, window_params = [{transform_indices = #map}, {transform_indices = #map1}, {transform_indices = #map1}, {transform_indices = #map}, {transform_indices = #map}]} {
    %mul3A = arith.constant 632 : i32
    %mul3A_0 = arith.muli %arg1, %mul3A : i32
    "tpu.region"() ({
      %run_scoped3A = tpu.sem_alloc : memref<!tpu.dma_semaphore, #tpu.memory_space<semaphore_mem>>
      %dma_start3A_446 = arith.constant 0 : i32
      %dma_start3A_447 = tpu.memref_slice %arg10[%mul3A_0, %dma_start3A_446] : memref<10112x128xf32, #tpu.memory_space<vmem_shared>> -> memref<632x128xf32, #tpu.memory_space<vmem_shared>>
      tpu.enqueue_dma source(%arg5 : memref<632x128xf32, #tpu.memory_space<hbm>>) target(%dma_start3A_447 : memref<632x128xf32, #tpu.memory_space<vmem_shared>>) target_semaphore(%run_scoped3A : memref<!tpu.dma_semaphore, #tpu.memory_space<semaphore_mem>>)
      %dma_wait3A_448 = arith.constant 0 : i32
      %dma_wait3A_449 = tpu.memref_slice %arg10[%mul3A_0, %dma_wait3A_448] : memref<10112x128xf32, #tpu.memory_space<vmem_shared>> -> memref<632x128xf32, #tpu.memory_space<vmem_shared>>
      tpu.wait_dma2 semaphore(%run_scoped3A : memref<!tpu.dma_semaphore, #tpu.memory_space<semaphore_mem>>) src(%arg5 : memref<632x128xf32, #tpu.memory_space<hbm>>) dst(%dma_wait3A_449 : memref<632x128xf32, #tpu.memory_space<vmem_shared>>)
      tpu.yield
    }) : () -> ()
    %barrier3A = arith.constant 0 : index
    tpu.barrier barrier_id(%barrier3A)
    %mul3A_1 = arith.constant 160000 : i32
    %mul3A_2 = arith.muli %arg0, %mul3A_1 : i32
    %mul3A_3 = arith.constant 10000 : i32
    %mul3A_4 = arith.muli %arg1, %mul3A_3 : i32
    %add3A = arith.addi %mul3A_2, %mul3A_4 : i32
    %add3A_5 = arith.constant 0 : i32
    %add3A_6 = arith.addi %add3A, %add3A_5 : i32
    %multiple_of3A = tpu.assume_multiple %add3A_6, 8 : i32
    %dma_start3A = arith.constant 0 : i32
    %dma_start3A_7 = arith.constant 0 : i32
    %dma_start3A_8 = tpu.memref_slice %arg7[%dma_start3A, %dma_start3A_7] : memref<4x80xi32, #tpu.memory_space<vmem>> -> memref<1x80xi32, #tpu.memory_space<vmem>>
    %dma_start3A_9 = tpu.memref_squeeze %dma_start3A_8 : memref<1x80xi32, #tpu.memory_space<vmem>> -> memref<80xi32, #tpu.memory_space<vmem>>
    %dma_start3A_10 = tpu.memref_slice %arg3[%multiple_of3A] : memref<320000xi32, #tpu.memory_space<hbm>> -> memref<80xi32, #tpu.memory_space<hbm>>
    %dma_start3A_11 = arith.constant 0 : i32
    %dma_start3A_12 = tpu.memref_slice %arg7[%dma_start3A, %dma_start3A_11] : memref<4x80xi32, #tpu.memory_space<vmem>> -> memref<1x80xi32, #tpu.memory_space<vmem>>
    %dma_start3A_13 = tpu.memref_squeeze %dma_start3A_12 : memref<1x80xi32, #tpu.memory_space<vmem>> -> memref<80xi32, #tpu.memory_space<vmem>>
    %dma_start3A_14 = tpu.memref_slice %arg3[%multiple_of3A] : memref<320000xi32, #tpu.memory_space<hbm>> -> memref<80xi32, #tpu.memory_space<hbm>>
    tpu.enqueue_dma source(%dma_start3A_14 : memref<80xi32, #tpu.memory_space<hbm>>) target(%dma_start3A_13 : memref<80xi32, #tpu.memory_space<vmem>>) target_semaphore(%arg15 : memref<!tpu.dma_semaphore, #tpu.memory_space<semaphore_mem>>)
    %dma_start3A_15 = arith.constant 0 : i32
    %dma_start3A_16 = arith.constant 0 : i32
    %dma_start3A_17 = tpu.memref_slice %arg8[%dma_start3A_15, %dma_start3A_16] : memref<4x80xi32, #tpu.memory_space<vmem>> -> memref<1x80xi32, #tpu.memory_space<vmem>>
    %dma_start3A_18 = tpu.memref_squeeze %dma_start3A_17 : memref<1x80xi32, #tpu.memory_space<vmem>> -> memref<80xi32, #tpu.memory_space<vmem>>
    %dma_start3A_19 = tpu.memref_slice %arg4[%multiple_of3A] : memref<320000xi32, #tpu.memory_space<hbm>> -> memref<80xi32, #tpu.memory_space<hbm>>
    %dma_start3A_20 = arith.constant 0 : i32
    %dma_start3A_21 = tpu.memref_slice %arg8[%dma_start3A_15, %dma_start3A_20] : memref<4x80xi32, #tpu.memory_space<vmem>> -> memref<1x80xi32, #tpu.memory_space<vmem>>
    %dma_start3A_22 = tpu.memref_squeeze %dma_start3A_21 : memref<1x80xi32, #tpu.memory_space<vmem>> -> memref<80xi32, #tpu.memory_space<vmem>>
    %dma_start3A_23 = tpu.memref_slice %arg4[%multiple_of3A] : memref<320000xi32, #tpu.memory_space<hbm>> -> memref<80xi32, #tpu.memory_space<hbm>>
    tpu.enqueue_dma source(%dma_start3A_23 : memref<80xi32, #tpu.memory_space<hbm>>) target(%dma_start3A_22 : memref<80xi32, #tpu.memory_space<vmem>>) target_semaphore(%arg15 : memref<!tpu.dma_semaphore, #tpu.memory_space<semaphore_mem>>)
    %add3A_24 = arith.constant 80 : i32
    %add3A_25 = arith.addi %add3A, %add3A_24 : i32
    %multiple_of3A_26 = tpu.assume_multiple %add3A_25, 8 : i32
    %dma_start3A_27 = arith.constant 1 : i32
    %dma_start3A_28 = arith.constant 0 : i32
    %dma_start3A_29 = tpu.memref_slice %arg7[%dma_start3A_27, %dma_start3A_28] : memref<4x80xi32, #tpu.memory_space<vmem>> -> memref<1x80xi32, #tpu.memory_space<vmem>>
    %dma_start3A_30 = tpu.memref_squeeze %dma_start3A_29 : memref<1x80xi32, #tpu.memory_space<vmem>> -> memref<80xi32, #tpu.memory_space<vmem>>
    %dma_start3A_31 = tpu.memref_slice %arg3[%multiple_of3A_26] : memref<320000xi32, #tpu.memory_space<hbm>> -> memref<80xi32, #tpu.memory_space<hbm>>
    %dma_start3A_32 = arith.constant 0 : i32
    %dma_start3A_33 = tpu.memref_slice %arg7[%dma_start3A_27, %dma_start3A_32] : memref<4x80xi32, #tpu.memory_space<vmem>> -> memref<1x80xi32, #tpu.memory_space<vmem>>
    %dma_start3A_34 = tpu.memref_squeeze %dma_start3A_33 : memref<1x80xi32, #tpu.memory_space<vmem>> -> memref<80xi32, #tpu.memory_space<vmem>>
    %dma_start3A_35 = tpu.memref_slice %arg3[%multiple_of3A_26] : memref<320000xi32, #tpu.memory_space<hbm>> -> memref<80xi32, #tpu.memory_space<hbm>>
    tpu.enqueue_dma source(%dma_start3A_35 : memref<80xi32, #tpu.memory_space<hbm>>) target(%dma_start3A_34 : memref<80xi32, #tpu.memory_space<vmem>>) target_semaphore(%arg16 : memref<!tpu.dma_semaphore, #tpu.memory_space<semaphore_mem>>)
    %dma_start3A_36 = arith.constant 1 : i32
    %dma_start3A_37 = arith.constant 0 : i32
    %dma_start3A_38 = tpu.memref_slice %arg8[%dma_start3A_36, %dma_start3A_37] : memref<4x80xi32, #tpu.memory_space<vmem>> -> memref<1x80xi32, #tpu.memory_space<vmem>>
    %dma_start3A_39 = tpu.memref_squeeze %dma_start3A_38 : memref<1x80xi32, #tpu.memory_space<vmem>> -> memref<80xi32, #tpu.memory_space<vmem>>
    %dma_start3A_40 = tpu.memref_slice %arg4[%multiple_of3A_26] : memref<320000xi32, #tpu.memory_space<hbm>> -> memref<80xi32, #tpu.memory_space<hbm>>
    %dma_start3A_41 = arith.constant 0 : i32
    %dma_start3A_42 = tpu.memref_slice %arg8[%dma_start3A_36, %dma_start3A_41] : memref<4x80xi32, #tpu.memory_space<vmem>> -> memref<1x80xi32, #tpu.memory_space<vmem>>
    %dma_start3A_43 = tpu.memref_squeeze %dma_start3A_42 : memref<1x80xi32, #tpu.memory_space<vmem>> -> memref<80xi32, #tpu.memory_space<vmem>>
    %dma_start3A_44 = tpu.memref_slice %arg4[%multiple_of3A_26] : memref<320000xi32, #tpu.memory_space<hbm>> -> memref<80xi32, #tpu.memory_space<hbm>>
    tpu.enqueue_dma source(%dma_start3A_44 : memref<80xi32, #tpu.memory_space<hbm>>) target(%dma_start3A_43 : memref<80xi32, #tpu.memory_space<vmem>>) target_semaphore(%arg16 : memref<!tpu.dma_semaphore, #tpu.memory_space<semaphore_mem>>)
    %dma_wait3A = arith.constant 0 : i32
    %dma_wait3A_45 = arith.constant 0 : i32
    %dma_wait3A_46 = tpu.memref_slice %arg7[%dma_wait3A, %dma_wait3A_45] : memref<4x80xi32, #tpu.memory_space<vmem>> -> memref<1x80xi32, #tpu.memory_space<vmem>>
    %dma_wait3A_47 = tpu.memref_squeeze %dma_wait3A_46 : memref<1x80xi32, #tpu.memory_space<vmem>> -> memref<80xi32, #tpu.memory_space<vmem>>
    %dma_wait3A_48 = tpu.memref_slice %arg3[%add3A] : memref<320000xi32, #tpu.memory_space<hbm>> -> memref<80xi32, #tpu.memory_space<hbm>>
    %dma_wait3A_49 = arith.constant 0 : i32
    %dma_wait3A_50 = tpu.memref_slice %arg7[%dma_wait3A, %dma_wait3A_49] : memref<4x80xi32, #tpu.memory_space<vmem>> -> memref<1x80xi32, #tpu.memory_space<vmem>>
    %dma_wait3A_51 = tpu.memref_squeeze %dma_wait3A_50 : memref<1x80xi32, #tpu.memory_space<vmem>> -> memref<80xi32, #tpu.memory_space<vmem>>
    %dma_wait3A_52 = tpu.memref_slice %arg3[%add3A] : memref<320000xi32, #tpu.memory_space<hbm>> -> memref<80xi32, #tpu.memory_space<hbm>>
    tpu.wait_dma2 semaphore(%arg15 : memref<!tpu.dma_semaphore, #tpu.memory_space<semaphore_mem>>) src(%dma_wait3A_52 : memref<80xi32, #tpu.memory_space<hbm>>) dst(%dma_wait3A_51 : memref<80xi32, #tpu.memory_space<vmem>>)
    %dma_wait3A_53 = arith.constant 0 : i32
    %dma_wait3A_54 = arith.constant 0 : i32
    %dma_wait3A_55 = tpu.memref_slice %arg8[%dma_wait3A_53, %dma_wait3A_54] : memref<4x80xi32, #tpu.memory_space<vmem>> -> memref<1x80xi32, #tpu.memory_space<vmem>>
    %dma_wait3A_56 = tpu.memref_squeeze %dma_wait3A_55 : memref<1x80xi32, #tpu.memory_space<vmem>> -> memref<80xi32, #tpu.memory_space<vmem>>
    %dma_wait3A_57 = tpu.memref_slice %arg4[%add3A] : memref<320000xi32, #tpu.memory_space<hbm>> -> memref<80xi32, #tpu.memory_space<hbm>>
    %dma_wait3A_58 = arith.constant 0 : i32
    %dma_wait3A_59 = tpu.memref_slice %arg8[%dma_wait3A_53, %dma_wait3A_58] : memref<4x80xi32, #tpu.memory_space<vmem>> -> memref<1x80xi32, #tpu.memory_space<vmem>>
    %dma_wait3A_60 = tpu.memref_squeeze %dma_wait3A_59 : memref<1x80xi32, #tpu.memory_space<vmem>> -> memref<80xi32, #tpu.memory_space<vmem>>
    %dma_wait3A_61 = tpu.memref_slice %arg4[%add3A] : memref<320000xi32, #tpu.memory_space<hbm>> -> memref<80xi32, #tpu.memory_space<hbm>>
    tpu.wait_dma2 semaphore(%arg15 : memref<!tpu.dma_semaphore, #tpu.memory_space<semaphore_mem>>) src(%dma_wait3A_61 : memref<80xi32, #tpu.memory_space<hbm>>) dst(%dma_wait3A_60 : memref<80xi32, #tpu.memory_space<vmem>>)
    %dma_start3A_62 = arith.constant 0 : i32
    %dma_start3A_63 = arith.constant 0 : i32
    %dma_start3A_64 = arith.constant 0 : i32
    %dma_start3A_65 = arith.constant 0 : i32
    %dma_start3A_66 = tpu.memref_slice %arg9[%dma_start3A_63, %dma_start3A_64, %dma_start3A_65] : memref<4x80x128xf32, #tpu.memory_space<vmem>> -> memref<1x80x128xf32, #tpu.memory_space<vmem>>
    %dma_start3A_67 = tpu.memref_squeeze %dma_start3A_66 : memref<1x80x128xf32, #tpu.memory_space<vmem>> -> memref<80x128xf32, #tpu.memory_space<vmem>>
    %dma_start3A_68 = arith.constant 0 : i32
    %dma_start3A_69 = tpu.memref_slice %arg7[%dma_start3A_62, %dma_start3A_68] : memref<4x80xi32, #tpu.memory_space<vmem>> -> memref<1x80xi32, #tpu.memory_space<vmem>>
    %dma_start3A_70 = tpu.memref_squeeze %dma_start3A_69 : memref<1x80xi32, #tpu.memory_space<vmem>> -> memref<80xi32, #tpu.memory_space<vmem>>
    %dma_start3A_71 = arith.constant 0 : i32
    %dma_start3A_72 = arith.constant 0 : i32
    %dma_start3A_73 = tpu.memref_slice %arg2[%dma_start3A_71, %dma_start3A_72] : memref<10000x128xf32, #tpu.memory_space<hbm>> -> memref<10000x128xf32, #tpu.memory_space<hbm>>
    tpu.enqueue_indirect_dma source(%dma_start3A_73 : memref<10000x128xf32, #tpu.memory_space<hbm>>) target(%dma_start3A_67 : memref<80x128xf32, #tpu.memory_space<vmem>>) offsets(%dma_start3A_70 : memref<80xi32, #tpu.memory_space<vmem>>) semaphore(%arg11 : memref<!tpu.dma_semaphore, #tpu.memory_space<semaphore_mem>>)
    %add3A_74 = arith.constant 160 : i32
    %add3A_75 = arith.addi %add3A, %add3A_74 : i32
    %multiple_of3A_76 = tpu.assume_multiple %add3A_75, 8 : i32
    %dma_start3A_77 = arith.constant 2 : i32
    %dma_start3A_78 = arith.constant 0 : i32
    %dma_start3A_79 = tpu.memref_slice %arg7[%dma_start3A_77, %dma_start3A_78] : memref<4x80xi32, #tpu.memory_space<vmem>> -> memref<1x80xi32, #tpu.memory_space<vmem>>
    %dma_start3A_80 = tpu.memref_squeeze %dma_start3A_79 : memref<1x80xi32, #tpu.memory_space<vmem>> -> memref<80xi32, #tpu.memory_space<vmem>>
    %dma_start3A_81 = tpu.memref_slice %arg3[%multiple_of3A_76] : memref<320000xi32, #tpu.memory_space<hbm>> -> memref<80xi32, #tpu.memory_space<hbm>>
    %dma_start3A_82 = arith.constant 0 : i32
    %dma_start3A_83 = tpu.memref_slice %arg7[%dma_start3A_77, %dma_start3A_82] : memref<4x80xi32, #tpu.memory_space<vmem>> -> memref<1x80xi32, #tpu.memory_space<vmem>>
    %dma_start3A_84 = tpu.memref_squeeze %dma_start3A_83 : memref<1x80xi32, #tpu.memory_space<vmem>> -> memref<80xi32, #tpu.memory_space<vmem>>
    %dma_start3A_85 = tpu.memref_slice %arg3[%multiple_of3A_76] : memref<320000xi32, #tpu.memory_space<hbm>> -> memref<80xi32, #tpu.memory_space<hbm>>
    tpu.enqueue_dma source(%dma_start3A_85 : memref<80xi32, #tpu.memory_space<hbm>>) target(%dma_start3A_84 : memref<80xi32, #tpu.memory_space<vmem>>) target_semaphore(%arg17 : memref<!tpu.dma_semaphore, #tpu.memory_space<semaphore_mem>>)
    %dma_start3A_86 = arith.constant 2 : i32
    %dma_start3A_87 = arith.constant 0 : i32
    %dma_start3A_88 = tpu.memref_slice %arg8[%dma_start3A_86, %dma_start3A_87] : memref<4x80xi32, #tpu.memory_space<vmem>> -> memref<1x80xi32, #tpu.memory_space<vmem>>
    %dma_start3A_89 = tpu.memref_squeeze %dma_start3A_88 : memref<1x80xi32, #tpu.memory_space<vmem>> -> memref<80xi32, #tpu.memory_space<vmem>>
    %dma_start3A_90 = tpu.memref_slice %arg4[%multiple_of3A_76] : memref<320000xi32, #tpu.memory_space<hbm>> -> memref<80xi32, #tpu.memory_space<hbm>>
    %dma_start3A_91 = arith.constant 0 : i32
    %dma_start3A_92 = tpu.memref_slice %arg8[%dma_start3A_86, %dma_start3A_91] : memref<4x80xi32, #tpu.memory_space<vmem>> -> memref<1x80xi32, #tpu.memory_space<vmem>>
    %dma_start3A_93 = tpu.memref_squeeze %dma_start3A_92 : memref<1x80xi32, #tpu.memory_space<vmem>> -> memref<80xi32, #tpu.memory_space<vmem>>
    %dma_start3A_94 = tpu.memref_slice %arg4[%multiple_of3A_76] : memref<320000xi32, #tpu.memory_space<hbm>> -> memref<80xi32, #tpu.memory_space<hbm>>
    tpu.enqueue_dma source(%dma_start3A_94 : memref<80xi32, #tpu.memory_space<hbm>>) target(%dma_start3A_93 : memref<80xi32, #tpu.memory_space<vmem>>) target_semaphore(%arg17 : memref<!tpu.dma_semaphore, #tpu.memory_space<semaphore_mem>>)
    %dma_wait3A_95 = arith.constant 1 : i32
    %dma_wait3A_96 = arith.constant 0 : i32
    %dma_wait3A_97 = tpu.memref_slice %arg7[%dma_wait3A_95, %dma_wait3A_96] : memref<4x80xi32, #tpu.memory_space<vmem>> -> memref<1x80xi32, #tpu.memory_space<vmem>>
    %dma_wait3A_98 = tpu.memref_squeeze %dma_wait3A_97 : memref<1x80xi32, #tpu.memory_space<vmem>> -> memref<80xi32, #tpu.memory_space<vmem>>
    %dma_wait3A_99 = tpu.memref_slice %arg3[%add3A] : memref<320000xi32, #tpu.memory_space<hbm>> -> memref<80xi32, #tpu.memory_space<hbm>>
    %dma_wait3A_100 = arith.constant 0 : i32
    %dma_wait3A_101 = tpu.memref_slice %arg7[%dma_wait3A_95, %dma_wait3A_100] : memref<4x80xi32, #tpu.memory_space<vmem>> -> memref<1x80xi32, #tpu.memory_space<vmem>>
    %dma_wait3A_102 = tpu.memref_squeeze %dma_wait3A_101 : memref<1x80xi32, #tpu.memory_space<vmem>> -> memref<80xi32, #tpu.memory_space<vmem>>
    %dma_wait3A_103 = tpu.memref_slice %arg3[%add3A] : memref<320000xi32, #tpu.memory_space<hbm>> -> memref<80xi32, #tpu.memory_space<hbm>>
    tpu.wait_dma2 semaphore(%arg16 : memref<!tpu.dma_semaphore, #tpu.memory_space<semaphore_mem>>) src(%dma_wait3A_103 : memref<80xi32, #tpu.memory_space<hbm>>) dst(%dma_wait3A_102 : memref<80xi32, #tpu.memory_space<vmem>>)
    %dma_wait3A_104 = arith.constant 1 : i32
    %dma_wait3A_105 = arith.constant 0 : i32
    %dma_wait3A_106 = tpu.memref_slice %arg8[%dma_wait3A_104, %dma_wait3A_105] : memref<4x80xi32, #tpu.memory_space<vmem>> -> memref<1x80xi32, #tpu.memory_space<vmem>>
    %dma_wait3A_107 = tpu.memref_squeeze %dma_wait3A_106 : memref<1x80xi32, #tpu.memory_space<vmem>> -> memref<80xi32, #tpu.memory_space<vmem>>
    %dma_wait3A_108 = tpu.memref_slice %arg4[%add3A] : memref<320000xi32, #tpu.memory_space<hbm>> -> memref<80xi32, #tpu.memory_space<hbm>>
    %dma_wait3A_109 = arith.constant 0 : i32
    %dma_wait3A_110 = tpu.memref_slice %arg8[%dma_wait3A_104, %dma_wait3A_109] : memref<4x80xi32, #tpu.memory_space<vmem>> -> memref<1x80xi32, #tpu.memory_space<vmem>>
    %dma_wait3A_111 = tpu.memref_squeeze %dma_wait3A_110 : memref<1x80xi32, #tpu.memory_space<vmem>> -> memref<80xi32, #tpu.memory_space<vmem>>
    %dma_wait3A_112 = tpu.memref_slice %arg4[%add3A] : memref<320000xi32, #tpu.memory_space<hbm>> -> memref<80xi32, #tpu.memory_space<hbm>>
    tpu.wait_dma2 semaphore(%arg16 : memref<!tpu.dma_semaphore, #tpu.memory_space<semaphore_mem>>) src(%dma_wait3A_112 : memref<80xi32, #tpu.memory_space<hbm>>) dst(%dma_wait3A_111 : memref<80xi32, #tpu.memory_space<vmem>>)
    %dma_start3A_113 = arith.constant 1 : i32
    %dma_start3A_114 = arith.constant 1 : i32
    %dma_start3A_115 = arith.constant 0 : i32
    %dma_start3A_116 = arith.constant 0 : i32
    %dma_start3A_117 = tpu.memref_slice %arg9[%dma_start3A_114, %dma_start3A_115, %dma_start3A_116] : memref<4x80x128xf32, #tpu.memory_space<vmem>> -> memref<1x80x128xf32, #tpu.memory_space<vmem>>
    %dma_start3A_118 = tpu.memref_squeeze %dma_start3A_117 : memref<1x80x128xf32, #tpu.memory_space<vmem>> -> memref<80x128xf32, #tpu.memory_space<vmem>>
    %dma_start3A_119 = arith.constant 0 : i32
    %dma_start3A_120 = tpu.memref_slice %arg7[%dma_start3A_113, %dma_start3A_119] : memref<4x80xi32, #tpu.memory_space<vmem>> -> memref<1x80xi32, #tpu.memory_space<vmem>>
    %dma_start3A_121 = tpu.memref_squeeze %dma_start3A_120 : memref<1x80xi32, #tpu.memory_space<vmem>> -> memref<80xi32, #tpu.memory_space<vmem>>
    %dma_start3A_122 = arith.constant 0 : i32
    %dma_start3A_123 = arith.constant 0 : i32
    %dma_start3A_124 = tpu.memref_slice %arg2[%dma_start3A_122, %dma_start3A_123] : memref<10000x128xf32, #tpu.memory_space<hbm>> -> memref<10000x128xf32, #tpu.memory_space<hbm>>
    tpu.enqueue_indirect_dma source(%dma_start3A_124 : memref<10000x128xf32, #tpu.memory_space<hbm>>) target(%dma_start3A_118 : memref<80x128xf32, #tpu.memory_space<vmem>>) offsets(%dma_start3A_121 : memref<80xi32, #tpu.memory_space<vmem>>) semaphore(%arg12 : memref<!tpu.dma_semaphore, #tpu.memory_space<semaphore_mem>>)
    %dma_wait3A_125 = arith.constant 0 : i32
    %dma_wait3A_126 = arith.constant 0 : i32
    %dma_wait3A_127 = arith.constant 0 : i32
    %dma_wait3A_128 = arith.constant 0 : i32
    %dma_wait3A_129 = tpu.memref_slice %arg9[%dma_wait3A_126, %dma_wait3A_127, %dma_wait3A_128] : memref<4x80x128xf32, #tpu.memory_space<vmem>> -> memref<1x80x128xf32, #tpu.memory_space<vmem>>
    %dma_wait3A_130 = tpu.memref_squeeze %dma_wait3A_129 : memref<1x80x128xf32, #tpu.memory_space<vmem>> -> memref<80x128xf32, #tpu.memory_space<vmem>>
    %dma_wait3A_131 = arith.constant 0 : i32
    %dma_wait3A_132 = tpu.memref_slice %arg7[%dma_wait3A_125, %dma_wait3A_131] : memref<4x80xi32, #tpu.memory_space<vmem>> -> memref<1x80xi32, #tpu.memory_space<vmem>>
    %dma_wait3A_133 = tpu.memref_squeeze %dma_wait3A_132 : memref<1x80xi32, #tpu.memory_space<vmem>> -> memref<80xi32, #tpu.memory_space<vmem>>
    %dma_wait3A_134 = arith.constant 0 : i32
    %dma_wait3A_135 = arith.constant 0 : i32
    %dma_wait3A_136 = tpu.memref_slice %arg2[%dma_wait3A_134, %dma_wait3A_135] : memref<10000x128xf32, #tpu.memory_space<hbm>> -> memref<10000x128xf32, #tpu.memory_space<hbm>>
    tpu.wait_indirect_dma semaphore(%arg11 : memref<!tpu.dma_semaphore, #tpu.memory_space<semaphore_mem>>) src(%dma_wait3A_136 : memref<10000x128xf32, #tpu.memory_space<hbm>>) dst(%dma_wait3A_130 : memref<80x128xf32, #tpu.memory_space<vmem>>)
    %dma_start3A_137 = arith.constant 0 : i32
    %dma_start3A_138 = arith.constant 0 : i32
    %dma_start3A_139 = arith.constant 0 : i32
    %dma_start3A_140 = arith.constant 0 : i32
    %dma_start3A_141 = tpu.memref_slice %arg9[%dma_start3A_137, %dma_start3A_139, %dma_start3A_140] : memref<4x80x128xf32, #tpu.memory_space<vmem>> -> memref<1x80x128xf32, #tpu.memory_space<vmem>>
    %dma_start3A_142 = tpu.memref_squeeze %dma_start3A_141 : memref<1x80x128xf32, #tpu.memory_space<vmem>> -> memref<80x128xf32, #tpu.memory_space<vmem>>
    %dma_start3A_143 = arith.constant 0 : i32
    %dma_start3A_144 = tpu.memref_slice %arg8[%dma_start3A_138, %dma_start3A_143] : memref<4x80xi32, #tpu.memory_space<vmem>> -> memref<1x80xi32, #tpu.memory_space<vmem>>
    %dma_start3A_145 = tpu.memref_squeeze %dma_start3A_144 : memref<1x80xi32, #tpu.memory_space<vmem>> -> memref<80xi32, #tpu.memory_space<vmem>>
    %dma_start3A_146 = arith.constant 0 : i32
    %dma_start3A_147 = arith.constant 0 : i32
    %dma_start3A_148 = tpu.memref_slice %arg10[%dma_start3A_146, %dma_start3A_147] : memref<10112x128xf32, #tpu.memory_space<vmem_shared>> -> memref<10112x128xf32, #tpu.memory_space<vmem_shared>>
    tpu.enqueue_indirect_dma source(%dma_start3A_142 : memref<80x128xf32, #tpu.memory_space<vmem>>) target(%dma_start3A_148 : memref<10112x128xf32, #tpu.memory_space<vmem_shared>>) offsets(%dma_start3A_145 : memref<80xi32, #tpu.memory_space<vmem>>) semaphore(%arg19 : memref<!tpu.dma_semaphore, #tpu.memory_space<semaphore_mem>>) {add = true}
    %add3A_149 = arith.constant 240 : i32
    %add3A_150 = arith.addi %add3A, %add3A_149 : i32
    %multiple_of3A_151 = tpu.assume_multiple %add3A_150, 8 : i32
    %dma_start3A_152 = arith.constant 3 : i32
    %dma_start3A_153 = arith.constant 0 : i32
    %dma_start3A_154 = tpu.memref_slice %arg7[%dma_start3A_152, %dma_start3A_153] : memref<4x80xi32, #tpu.memory_space<vmem>> -> memref<1x80xi32, #tpu.memory_space<vmem>>
    %dma_start3A_155 = tpu.memref_squeeze %dma_start3A_154 : memref<1x80xi32, #tpu.memory_space<vmem>> -> memref<80xi32, #tpu.memory_space<vmem>>
    %dma_start3A_156 = tpu.memref_slice %arg3[%multiple_of3A_151] : memref<320000xi32, #tpu.memory_space<hbm>> -> memref<80xi32, #tpu.memory_space<hbm>>
    %dma_start3A_157 = arith.constant 0 : i32
    %dma_start3A_158 = tpu.memref_slice %arg7[%dma_start3A_152, %dma_start3A_157] : memref<4x80xi32, #tpu.memory_space<vmem>> -> memref<1x80xi32, #tpu.memory_space<vmem>>
    %dma_start3A_159 = tpu.memref_squeeze %dma_start3A_158 : memref<1x80xi32, #tpu.memory_space<vmem>> -> memref<80xi32, #tpu.memory_space<vmem>>
    %dma_start3A_160 = tpu.memref_slice %arg3[%multiple_of3A_151] : memref<320000xi32, #tpu.memory_space<hbm>> -> memref<80xi32, #tpu.memory_space<hbm>>
    tpu.enqueue_dma source(%dma_start3A_160 : memref<80xi32, #tpu.memory_space<hbm>>) target(%dma_start3A_159 : memref<80xi32, #tpu.memory_space<vmem>>) target_semaphore(%arg18 : memref<!tpu.dma_semaphore, #tpu.memory_space<semaphore_mem>>)
    %dma_start3A_161 = arith.constant 3 : i32
    %dma_start3A_162 = arith.constant 0 : i32
    %dma_start3A_163 = tpu.memref_slice %arg8[%dma_start3A_161, %dma_start3A_162] : memref<4x80xi32, #tpu.memory_space<vmem>> -> memref<1x80xi32, #tpu.memory_space<vmem>>
    %dma_start3A_164 = tpu.memref_squeeze %dma_start3A_163 : memref<1x80xi32, #tpu.memory_space<vmem>> -> memref<80xi32, #tpu.memory_space<vmem>>
    %dma_start3A_165 = tpu.memref_slice %arg4[%multiple_of3A_151] : memref<320000xi32, #tpu.memory_space<hbm>> -> memref<80xi32, #tpu.memory_space<hbm>>
    %dma_start3A_166 = arith.constant 0 : i32
    %dma_start3A_167 = tpu.memref_slice %arg8[%dma_start3A_161, %dma_start3A_166] : memref<4x80xi32, #tpu.memory_space<vmem>> -> memref<1x80xi32, #tpu.memory_space<vmem>>
    %dma_start3A_168 = tpu.memref_squeeze %dma_start3A_167 : memref<1x80xi32, #tpu.memory_space<vmem>> -> memref<80xi32, #tpu.memory_space<vmem>>
    %dma_start3A_169 = tpu.memref_slice %arg4[%multiple_of3A_151] : memref<320000xi32, #tpu.memory_space<hbm>> -> memref<80xi32, #tpu.memory_space<hbm>>
    tpu.enqueue_dma source(%dma_start3A_169 : memref<80xi32, #tpu.memory_space<hbm>>) target(%dma_start3A_168 : memref<80xi32, #tpu.memory_space<vmem>>) target_semaphore(%arg18 : memref<!tpu.dma_semaphore, #tpu.memory_space<semaphore_mem>>)
    %dma_wait3A_170 = arith.constant 2 : i32
    %dma_wait3A_171 = arith.constant 0 : i32
    %dma_wait3A_172 = tpu.memref_slice %arg7[%dma_wait3A_170, %dma_wait3A_171] : memref<4x80xi32, #tpu.memory_space<vmem>> -> memref<1x80xi32, #tpu.memory_space<vmem>>
    %dma_wait3A_173 = tpu.memref_squeeze %dma_wait3A_172 : memref<1x80xi32, #tpu.memory_space<vmem>> -> memref<80xi32, #tpu.memory_space<vmem>>
    %dma_wait3A_174 = tpu.memref_slice %arg3[%add3A] : memref<320000xi32, #tpu.memory_space<hbm>> -> memref<80xi32, #tpu.memory_space<hbm>>
    %dma_wait3A_175 = arith.constant 0 : i32
    %dma_wait3A_176 = tpu.memref_slice %arg7[%dma_wait3A_170, %dma_wait3A_175] : memref<4x80xi32, #tpu.memory_space<vmem>> -> memref<1x80xi32, #tpu.memory_space<vmem>>
    %dma_wait3A_177 = tpu.memref_squeeze %dma_wait3A_176 : memref<1x80xi32, #tpu.memory_space<vmem>> -> memref<80xi32, #tpu.memory_space<vmem>>
    %dma_wait3A_178 = tpu.memref_slice %arg3[%add3A] : memref<320000xi32, #tpu.memory_space<hbm>> -> memref<80xi32, #tpu.memory_space<hbm>>
    tpu.wait_dma2 semaphore(%arg17 : memref<!tpu.dma_semaphore, #tpu.memory_space<semaphore_mem>>) src(%dma_wait3A_178 : memref<80xi32, #tpu.memory_space<hbm>>) dst(%dma_wait3A_177 : memref<80xi32, #tpu.memory_space<vmem>>)
    %dma_wait3A_179 = arith.constant 2 : i32
    %dma_wait3A_180 = arith.constant 0 : i32
    %dma_wait3A_181 = tpu.memref_slice %arg8[%dma_wait3A_179, %dma_wait3A_180] : memref<4x80xi32, #tpu.memory_space<vmem>> -> memref<1x80xi32, #tpu.memory_space<vmem>>
    %dma_wait3A_182 = tpu.memref_squeeze %dma_wait3A_181 : memref<1x80xi32, #tpu.memory_space<vmem>> -> memref<80xi32, #tpu.memory_space<vmem>>
    %dma_wait3A_183 = tpu.memref_slice %arg4[%add3A] : memref<320000xi32, #tpu.memory_space<hbm>> -> memref<80xi32, #tpu.memory_space<hbm>>
    %dma_wait3A_184 = arith.constant 0 : i32
    %dma_wait3A_185 = tpu.memref_slice %arg8[%dma_wait3A_179, %dma_wait3A_184] : memref<4x80xi32, #tpu.memory_space<vmem>> -> memref<1x80xi32, #tpu.memory_space<vmem>>
    %dma_wait3A_186 = tpu.memref_squeeze %dma_wait3A_185 : memref<1x80xi32, #tpu.memory_space<vmem>> -> memref<80xi32, #tpu.memory_space<vmem>>
    %dma_wait3A_187 = tpu.memref_slice %arg4[%add3A] : memref<320000xi32, #tpu.memory_space<hbm>> -> memref<80xi32, #tpu.memory_space<hbm>>
    tpu.wait_dma2 semaphore(%arg17 : memref<!tpu.dma_semaphore, #tpu.memory_space<semaphore_mem>>) src(%dma_wait3A_187 : memref<80xi32, #tpu.memory_space<hbm>>) dst(%dma_wait3A_186 : memref<80xi32, #tpu.memory_space<vmem>>)
    %dma_start3A_188 = arith.constant 2 : i32
    %dma_start3A_189 = arith.constant 2 : i32
    %dma_start3A_190 = arith.constant 0 : i32
    %dma_start3A_191 = arith.constant 0 : i32
    %dma_start3A_192 = tpu.memref_slice %arg9[%dma_start3A_189, %dma_start3A_190, %dma_start3A_191] : memref<4x80x128xf32, #tpu.memory_space<vmem>> -> memref<1x80x128xf32, #tpu.memory_space<vmem>>
    %dma_start3A_193 = tpu.memref_squeeze %dma_start3A_192 : memref<1x80x128xf32, #tpu.memory_space<vmem>> -> memref<80x128xf32, #tpu.memory_space<vmem>>
    %dma_start3A_194 = arith.constant 0 : i32
    %dma_start3A_195 = tpu.memref_slice %arg7[%dma_start3A_188, %dma_start3A_194] : memref<4x80xi32, #tpu.memory_space<vmem>> -> memref<1x80xi32, #tpu.memory_space<vmem>>
    %dma_start3A_196 = tpu.memref_squeeze %dma_start3A_195 : memref<1x80xi32, #tpu.memory_space<vmem>> -> memref<80xi32, #tpu.memory_space<vmem>>
    %dma_start3A_197 = arith.constant 0 : i32
    %dma_start3A_198 = arith.constant 0 : i32
    %dma_start3A_199 = tpu.memref_slice %arg2[%dma_start3A_197, %dma_start3A_198] : memref<10000x128xf32, #tpu.memory_space<hbm>> -> memref<10000x128xf32, #tpu.memory_space<hbm>>
    tpu.enqueue_indirect_dma source(%dma_start3A_199 : memref<10000x128xf32, #tpu.memory_space<hbm>>) target(%dma_start3A_193 : memref<80x128xf32, #tpu.memory_space<vmem>>) offsets(%dma_start3A_196 : memref<80xi32, #tpu.memory_space<vmem>>) semaphore(%arg13 : memref<!tpu.dma_semaphore, #tpu.memory_space<semaphore_mem>>)
    %dma_wait3A_200 = arith.constant 1 : i32
    %dma_wait3A_201 = arith.constant 1 : i32
    %dma_wait3A_202 = arith.constant 0 : i32
    %dma_wait3A_203 = arith.constant 0 : i32
    %dma_wait3A_204 = tpu.memref_slice %arg9[%dma_wait3A_201, %dma_wait3A_202, %dma_wait3A_203] : memref<4x80x128xf32, #tpu.memory_space<vmem>> -> memref<1x80x128xf32, #tpu.memory_space<vmem>>
    %dma_wait3A_205 = tpu.memref_squeeze %dma_wait3A_204 : memref<1x80x128xf32, #tpu.memory_space<vmem>> -> memref<80x128xf32, #tpu.memory_space<vmem>>
    %dma_wait3A_206 = arith.constant 0 : i32
    %dma_wait3A_207 = tpu.memref_slice %arg7[%dma_wait3A_200, %dma_wait3A_206] : memref<4x80xi32, #tpu.memory_space<vmem>> -> memref<1x80xi32, #tpu.memory_space<vmem>>
    %dma_wait3A_208 = tpu.memref_squeeze %dma_wait3A_207 : memref<1x80xi32, #tpu.memory_space<vmem>> -> memref<80xi32, #tpu.memory_space<vmem>>
    %dma_wait3A_209 = arith.constant 0 : i32
    %dma_wait3A_210 = arith.constant 0 : i32
    %dma_wait3A_211 = tpu.memref_slice %arg2[%dma_wait3A_209, %dma_wait3A_210] : memref<10000x128xf32, #tpu.memory_space<hbm>> -> memref<10000x128xf32, #tpu.memory_space<hbm>>
    tpu.wait_indirect_dma semaphore(%arg12 : memref<!tpu.dma_semaphore, #tpu.memory_space<semaphore_mem>>) src(%dma_wait3A_211 : memref<10000x128xf32, #tpu.memory_space<hbm>>) dst(%dma_wait3A_205 : memref<80x128xf32, #tpu.memory_space<vmem>>)
    %dma_start3A_212 = arith.constant 1 : i32
    %dma_start3A_213 = arith.constant 1 : i32
    %dma_start3A_214 = arith.constant 0 : i32
    %dma_start3A_215 = arith.constant 0 : i32
    %dma_start3A_216 = tpu.memref_slice %arg9[%dma_start3A_212, %dma_start3A_214, %dma_start3A_215] : memref<4x80x128xf32, #tpu.memory_space<vmem>> -> memref<1x80x128xf32, #tpu.memory_space<vmem>>
    %dma_start3A_217 = tpu.memref_squeeze %dma_start3A_216 : memref<1x80x128xf32, #tpu.memory_space<vmem>> -> memref<80x128xf32, #tpu.memory_space<vmem>>
    %dma_start3A_218 = arith.constant 0 : i32
    %dma_start3A_219 = tpu.memref_slice %arg8[%dma_start3A_213, %dma_start3A_218] : memref<4x80xi32, #tpu.memory_space<vmem>> -> memref<1x80xi32, #tpu.memory_space<vmem>>
    %dma_start3A_220 = tpu.memref_squeeze %dma_start3A_219 : memref<1x80xi32, #tpu.memory_space<vmem>> -> memref<80xi32, #tpu.memory_space<vmem>>
    %dma_start3A_221 = arith.constant 0 : i32
    %dma_start3A_222 = arith.constant 0 : i32
    %dma_start3A_223 = tpu.memref_slice %arg10[%dma_start3A_221, %dma_start3A_222] : memref<10112x128xf32, #tpu.memory_space<vmem_shared>> -> memref<10112x128xf32, #tpu.memory_space<vmem_shared>>
    tpu.enqueue_indirect_dma source(%dma_start3A_217 : memref<80x128xf32, #tpu.memory_space<vmem>>) target(%dma_start3A_223 : memref<10112x128xf32, #tpu.memory_space<vmem_shared>>) offsets(%dma_start3A_220 : memref<80xi32, #tpu.memory_space<vmem>>) semaphore(%arg20 : memref<!tpu.dma_semaphore, #tpu.memory_space<semaphore_mem>>) {add = true}
    %scan3A = arith.constant 0 : i32
    %scan3A_224 = arith.constant 0 : i32
    %scan3A_225 = arith.constant 30 : i32
    %scan3A_226 = arith.addi %scan3A_224, %scan3A_225 : i32
    %scan3A_227 = arith.constant 1 : i32
    scf.for %scan3A_446 = %scan3A_224 to %scan3A_226 step %scan3A_227  : i32 {
      %mul3A_447 = arith.constant 4 : i32
      %mul3A_448 = arith.muli %scan3A_446, %mul3A_447 : i32
      %add3A_449 = arith.constant 2 : i32
      %add3A_450 = arith.addi %add3A_449, %mul3A_448 : i32
      %add3A_451 = arith.constant 0 : i32
      %add3A_452 = arith.addi %add3A_450, %add3A_451 : i32
      %dma_wait3A_453 = arith.constant 0 : i32
      %dma_wait3A_454 = arith.constant 0 : i32
      %dma_wait3A_455 = arith.constant 0 : i32
      %dma_wait3A_456 = arith.constant 0 : i32
      %dma_wait3A_457 = tpu.memref_slice %arg9[%dma_wait3A_453, %dma_wait3A_455, %dma_wait3A_456] : memref<4x80x128xf32, #tpu.memory_space<vmem>> -> memref<1x80x128xf32, #tpu.memory_space<vmem>>
      %dma_wait3A_458 = tpu.memref_squeeze %dma_wait3A_457 : memref<1x80x128xf32, #tpu.memory_space<vmem>> -> memref<80x128xf32, #tpu.memory_space<vmem>>
      %dma_wait3A_459 = arith.constant 0 : i32
      %dma_wait3A_460 = tpu.memref_slice %arg8[%dma_wait3A_454, %dma_wait3A_459] : memref<4x80xi32, #tpu.memory_space<vmem>> -> memref<1x80xi32, #tpu.memory_space<vmem>>
      %dma_wait3A_461 = tpu.memref_squeeze %dma_wait3A_460 : memref<1x80xi32, #tpu.memory_space<vmem>> -> memref<80xi32, #tpu.memory_space<vmem>>
      %dma_wait3A_462 = arith.constant 0 : i32
      %dma_wait3A_463 = arith.constant 0 : i32
      %dma_wait3A_464 = tpu.memref_slice %arg10[%dma_wait3A_462, %dma_wait3A_463] : memref<10112x128xf32, #tpu.memory_space<vmem_shared>> -> memref<10112x128xf32, #tpu.memory_space<vmem_shared>>
      tpu.wait_indirect_dma semaphore(%arg19 : memref<!tpu.dma_semaphore, #tpu.memory_space<semaphore_mem>>) src(%dma_wait3A_458 : memref<80x128xf32, #tpu.memory_space<vmem>>) dst(%dma_wait3A_464 : memref<10112x128xf32, #tpu.memory_space<vmem_shared>>)
      %add3A_465 = arith.constant 2 : i32
      %add3A_466 = arith.addi %add3A_452, %add3A_465 : i32
      %mul3A_467 = arith.constant 80 : i32
      %mul3A_468 = arith.muli %add3A_466, %mul3A_467 : i32
      %add3A_469 = arith.addi %add3A, %mul3A_468 : i32
      %multiple_of3A_470 = tpu.assume_multiple %add3A_469, 8 : i32
      %dma_start3A_471 = arith.constant 0 : i32
      %dma_start3A_472 = arith.constant 0 : i32
      %dma_start3A_473 = tpu.memref_slice %arg7[%dma_start3A_471, %dma_start3A_472] : memref<4x80xi32, #tpu.memory_space<vmem>> -> memref<1x80xi32, #tpu.memory_space<vmem>>
      %dma_start3A_474 = tpu.memref_squeeze %dma_start3A_473 : memref<1x80xi32, #tpu.memory_space<vmem>> -> memref<80xi32, #tpu.memory_space<vmem>>
      %dma_start3A_475 = tpu.memref_slice %arg3[%multiple_of3A_470] : memref<320000xi32, #tpu.memory_space<hbm>> -> memref<80xi32, #tpu.memory_space<hbm>>
      %dma_start3A_476 = arith.constant 0 : i32
      %dma_start3A_477 = tpu.memref_slice %arg7[%dma_start3A_471, %dma_start3A_476] : memref<4x80xi32, #tpu.memory_space<vmem>> -> memref<1x80xi32, #tpu.memory_space<vmem>>
      %dma_start3A_478 = tpu.memref_squeeze %dma_start3A_477 : memref<1x80xi32, #tpu.memory_space<vmem>> -> memref<80xi32, #tpu.memory_space<vmem>>
      %dma_start3A_479 = tpu.memref_slice %arg3[%multiple_of3A_470] : memref<320000xi32, #tpu.memory_space<hbm>> -> memref<80xi32, #tpu.memory_space<hbm>>
      tpu.enqueue_dma source(%dma_start3A_479 : memref<80xi32, #tpu.memory_space<hbm>>) target(%dma_start3A_478 : memref<80xi32, #tpu.memory_space<vmem>>) target_semaphore(%arg15 : memref<!tpu.dma_semaphore, #tpu.memory_space<semaphore_mem>>)
      %dma_start3A_480 = arith.constant 0 : i32
      %dma_start3A_481 = arith.constant 0 : i32
      %dma_start3A_482 = tpu.memref_slice %arg8[%dma_start3A_480, %dma_start3A_481] : memref<4x80xi32, #tpu.memory_space<vmem>> -> memref<1x80xi32, #tpu.memory_space<vmem>>
      %dma_start3A_483 = tpu.memref_squeeze %dma_start3A_482 : memref<1x80xi32, #tpu.memory_space<vmem>> -> memref<80xi32, #tpu.memory_space<vmem>>
      %dma_start3A_484 = tpu.memref_slice %arg4[%multiple_of3A_470] : memref<320000xi32, #tpu.memory_space<hbm>> -> memref<80xi32, #tpu.memory_space<hbm>>
      %dma_start3A_485 = arith.constant 0 : i32
      %dma_start3A_486 = tpu.memref_slice %arg8[%dma_start3A_480, %dma_start3A_485] : memref<4x80xi32, #tpu.memory_space<vmem>> -> memref<1x80xi32, #tpu.memory_space<vmem>>
      %dma_start3A_487 = tpu.memref_squeeze %dma_start3A_486 : memref<1x80xi32, #tpu.memory_space<vmem>> -> memref<80xi32, #tpu.memory_space<vmem>>
      %dma_start3A_488 = tpu.memref_slice %arg4[%multiple_of3A_470] : memref<320000xi32, #tpu.memory_space<hbm>> -> memref<80xi32, #tpu.memory_space<hbm>>
      tpu.enqueue_dma source(%dma_start3A_488 : memref<80xi32, #tpu.memory_space<hbm>>) target(%dma_start3A_487 : memref<80xi32, #tpu.memory_space<vmem>>) target_semaphore(%arg15 : memref<!tpu.dma_semaphore, #tpu.memory_space<semaphore_mem>>)
      %dma_wait3A_489 = arith.constant 3 : i32
      %dma_wait3A_490 = arith.constant 0 : i32
      %dma_wait3A_491 = tpu.memref_slice %arg7[%dma_wait3A_489, %dma_wait3A_490] : memref<4x80xi32, #tpu.memory_space<vmem>> -> memref<1x80xi32, #tpu.memory_space<vmem>>
      %dma_wait3A_492 = tpu.memref_squeeze %dma_wait3A_491 : memref<1x80xi32, #tpu.memory_space<vmem>> -> memref<80xi32, #tpu.memory_space<vmem>>
      %dma_wait3A_493 = tpu.memref_slice %arg3[%add3A] : memref<320000xi32, #tpu.memory_space<hbm>> -> memref<80xi32, #tpu.memory_space<hbm>>
      %dma_wait3A_494 = arith.constant 0 : i32
      %dma_wait3A_495 = tpu.memref_slice %arg7[%dma_wait3A_489, %dma_wait3A_494] : memref<4x80xi32, #tpu.memory_space<vmem>> -> memref<1x80xi32, #tpu.memory_space<vmem>>
      %dma_wait3A_496 = tpu.memref_squeeze %dma_wait3A_495 : memref<1x80xi32, #tpu.memory_space<vmem>> -> memref<80xi32, #tpu.memory_space<vmem>>
      %dma_wait3A_497 = tpu.memref_slice %arg3[%add3A] : memref<320000xi32, #tpu.memory_space<hbm>> -> memref<80xi32, #tpu.memory_space<hbm>>
      tpu.wait_dma2 semaphore(%arg18 : memref<!tpu.dma_semaphore, #tpu.memory_space<semaphore_mem>>) src(%dma_wait3A_497 : memref<80xi32, #tpu.memory_space<hbm>>) dst(%dma_wait3A_496 : memref<80xi32, #tpu.memory_space<vmem>>)
      %dma_wait3A_498 = arith.constant 3 : i32
      %dma_wait3A_499 = arith.constant 0 : i32
      %dma_wait3A_500 = tpu.memref_slice %arg8[%dma_wait3A_498, %dma_wait3A_499] : memref<4x80xi32, #tpu.memory_space<vmem>> -> memref<1x80xi32, #tpu.memory_space<vmem>>
      %dma_wait3A_501 = tpu.memref_squeeze %dma_wait3A_500 : memref<1x80xi32, #tpu.memory_space<vmem>> -> memref<80xi32, #tpu.memory_space<vmem>>
      %dma_wait3A_502 = tpu.memref_slice %arg4[%add3A] : memref<320000xi32, #tpu.memory_space<hbm>> -> memref<80xi32, #tpu.memory_space<hbm>>
      %dma_wait3A_503 = arith.constant 0 : i32
      %dma_wait3A_504 = tpu.memref_slice %arg8[%dma_wait3A_498, %dma_wait3A_503] : memref<4x80xi32, #tpu.memory_space<vmem>> -> memref<1x80xi32, #tpu.memory_space<vmem>>
      %dma_wait3A_505 = tpu.memref_squeeze %dma_wait3A_504 : memref<1x80xi32, #tpu.memory_space<vmem>> -> memref<80xi32, #tpu.memory_space<vmem>>
      %dma_wait3A_506 = tpu.memref_slice %arg4[%add3A] : memref<320000xi32, #tpu.memory_space<hbm>> -> memref<80xi32, #tpu.memory_space<hbm>>
      tpu.wait_dma2 semaphore(%arg18 : memref<!tpu.dma_semaphore, #tpu.memory_space<semaphore_mem>>) src(%dma_wait3A_506 : memref<80xi32, #tpu.memory_space<hbm>>) dst(%dma_wait3A_505 : memref<80xi32, #tpu.memory_space<vmem>>)
      %dma_start3A_507 = arith.constant 3 : i32
      %dma_start3A_508 = arith.constant 3 : i32
      %dma_start3A_509 = arith.constant 0 : i32
      %dma_start3A_510 = arith.constant 0 : i32
      %dma_start3A_511 = tpu.memref_slice %arg9[%dma_start3A_508, %dma_start3A_509, %dma_start3A_510] : memref<4x80x128xf32, #tpu.memory_space<vmem>> -> memref<1x80x128xf32, #tpu.memory_space<vmem>>
      %dma_start3A_512 = tpu.memref_squeeze %dma_start3A_511 : memref<1x80x128xf32, #tpu.memory_space<vmem>> -> memref<80x128xf32, #tpu.memory_space<vmem>>
      %dma_start3A_513 = arith.constant 0 : i32
      %dma_start3A_514 = tpu.memref_slice %arg7[%dma_start3A_507, %dma_start3A_513] : memref<4x80xi32, #tpu.memory_space<vmem>> -> memref<1x80xi32, #tpu.memory_space<vmem>>
      %dma_start3A_515 = tpu.memref_squeeze %dma_start3A_514 : memref<1x80xi32, #tpu.memory_space<vmem>> -> memref<80xi32, #tpu.memory_space<vmem>>
      %dma_start3A_516 = arith.constant 0 : i32
      %dma_start3A_517 = arith.constant 0 : i32
      %dma_start3A_518 = tpu.memref_slice %arg2[%dma_start3A_516, %dma_start3A_517] : memref<10000x128xf32, #tpu.memory_space<hbm>> -> memref<10000x128xf32, #tpu.memory_space<hbm>>
      tpu.enqueue_indirect_dma source(%dma_start3A_518 : memref<10000x128xf32, #tpu.memory_space<hbm>>) target(%dma_start3A_512 : memref<80x128xf32, #tpu.memory_space<vmem>>) offsets(%dma_start3A_515 : memref<80xi32, #tpu.memory_space<vmem>>) semaphore(%arg14 : memref<!tpu.dma_semaphore, #tpu.memory_space<semaphore_mem>>)
      %dma_wait3A_519 = arith.constant 2 : i32
      %dma_wait3A_520 = arith.constant 2 : i32
      %dma_wait3A_521 = arith.constant 0 : i32
      %dma_wait3A_522 = arith.constant 0 : i32
      %dma_wait3A_523 = tpu.memref_slice %arg9[%dma_wait3A_520, %dma_wait3A_521, %dma_wait3A_522] : memref<4x80x128xf32, #tpu.memory_space<vmem>> -> memref<1x80x128xf32, #tpu.memory_space<vmem>>
      %dma_wait3A_524 = tpu.memref_squeeze %dma_wait3A_523 : memref<1x80x128xf32, #tpu.memory_space<vmem>> -> memref<80x128xf32, #tpu.memory_space<vmem>>
      %dma_wait3A_525 = arith.constant 0 : i32
      %dma_wait3A_526 = tpu.memref_slice %arg7[%dma_wait3A_519, %dma_wait3A_525] : memref<4x80xi32, #tpu.memory_space<vmem>> -> memref<1x80xi32, #tpu.memory_space<vmem>>
      %dma_wait3A_527 = tpu.memref_squeeze %dma_wait3A_526 : memref<1x80xi32, #tpu.memory_space<vmem>> -> memref<80xi32, #tpu.memory_space<vmem>>
      %dma_wait3A_528 = arith.constant 0 : i32
      %dma_wait3A_529 = arith.constant 0 : i32
      %dma_wait3A_530 = tpu.memref_slice %arg2[%dma_wait3A_528, %dma_wait3A_529] : memref<10000x128xf32, #tpu.memory_space<hbm>> -> memref<10000x128xf32, #tpu.memory_space<hbm>>
      tpu.wait_indirect_dma semaphore(%arg13 : memref<!tpu.dma_semaphore, #tpu.memory_space<semaphore_mem>>) src(%dma_wait3A_530 : memref<10000x128xf32, #tpu.memory_space<hbm>>) dst(%dma_wait3A_524 : memref<80x128xf32, #tpu.memory_space<vmem>>)
      %dma_start3A_531 = arith.constant 2 : i32
      %dma_start3A_532 = arith.constant 2 : i32
      %dma_start3A_533 = arith.constant 0 : i32
      %dma_start3A_534 = arith.constant 0 : i32
      %dma_start3A_535 = tpu.memref_slice %arg9[%dma_start3A_531, %dma_start3A_533, %dma_start3A_534] : memref<4x80x128xf32, #tpu.memory_space<vmem>> -> memref<1x80x128xf32, #tpu.memory_space<vmem>>
      %dma_start3A_536 = tpu.memref_squeeze %dma_start3A_535 : memref<1x80x128xf32, #tpu.memory_space<vmem>> -> memref<80x128xf32, #tpu.memory_space<vmem>>
      %dma_start3A_537 = arith.constant 0 : i32
      %dma_start3A_538 = tpu.memref_slice %arg8[%dma_start3A_532, %dma_start3A_537] : memref<4x80xi32, #tpu.memory_space<vmem>> -> memref<1x80xi32, #tpu.memory_space<vmem>>
      %dma_start3A_539 = tpu.memref_squeeze %dma_start3A_538 : memref<1x80xi32, #tpu.memory_space<vmem>> -> memref<80xi32, #tpu.memory_space<vmem>>
      %dma_start3A_540 = arith.constant 0 : i32
      %dma_start3A_541 = arith.constant 0 : i32
      %dma_start3A_542 = tpu.memref_slice %arg10[%dma_start3A_540, %dma_start3A_541] : memref<10112x128xf32, #tpu.memory_space<vmem_shared>> -> memref<10112x128xf32, #tpu.memory_space<vmem_shared>>
      tpu.enqueue_indirect_dma source(%dma_start3A_536 : memref<80x128xf32, #tpu.memory_space<vmem>>) target(%dma_start3A_542 : memref<10112x128xf32, #tpu.memory_space<vmem_shared>>) offsets(%dma_start3A_539 : memref<80xi32, #tpu.memory_space<vmem>>) semaphore(%arg21 : memref<!tpu.dma_semaphore, #tpu.memory_space<semaphore_mem>>) {add = true}
      %add3A_543 = arith.constant 1 : i32
      %add3A_544 = arith.addi %add3A_450, %add3A_543 : i32
      %dma_wait3A_545 = arith.constant 1 : i32
      %dma_wait3A_546 = arith.constant 1 : i32
      %dma_wait3A_547 = arith.constant 0 : i32
      %dma_wait3A_548 = arith.constant 0 : i32
      %dma_wait3A_549 = tpu.memref_slice %arg9[%dma_wait3A_545, %dma_wait3A_547, %dma_wait3A_548] : memref<4x80x128xf32, #tpu.memory_space<vmem>> -> memref<1x80x128xf32, #tpu.memory_space<vmem>>
      %dma_wait3A_550 = tpu.memref_squeeze %dma_wait3A_549 : memref<1x80x128xf32, #tpu.memory_space<vmem>> -> memref<80x128xf32, #tpu.memory_space<vmem>>
      %dma_wait3A_551 = arith.constant 0 : i32
      %dma_wait3A_552 = tpu.memref_slice %arg8[%dma_wait3A_546, %dma_wait3A_551] : memref<4x80xi32, #tpu.memory_space<vmem>> -> memref<1x80xi32, #tpu.memory_space<vmem>>
      %dma_wait3A_553 = tpu.memref_squeeze %dma_wait3A_552 : memref<1x80xi32, #tpu.memory_space<vmem>> -> memref<80xi32, #tpu.memory_space<vmem>>
      %dma_wait3A_554 = arith.constant 0 : i32
      %dma_wait3A_555 = arith.constant 0 : i32
      %dma_wait3A_556 = tpu.memref_slice %arg10[%dma_wait3A_554, %dma_wait3A_555] : memref<10112x128xf32, #tpu.memory_space<vmem_shared>> -> memref<10112x128xf32, #tpu.memory_space<vmem_shared>>
      tpu.wait_indirect_dma semaphore(%arg20 : memref<!tpu.dma_semaphore, #tpu.memory_space<semaphore_mem>>) src(%dma_wait3A_550 : memref<80x128xf32, #tpu.memory_space<vmem>>) dst(%dma_wait3A_556 : memref<10112x128xf32, #tpu.memory_space<vmem_shared>>)
      %add3A_557 = arith.constant 2 : i32
      %add3A_558 = arith.addi %add3A_544, %add3A_557 : i32
      %mul3A_559 = arith.constant 80 : i32
      %mul3A_560 = arith.muli %add3A_558, %mul3A_559 : i32
      %add3A_561 = arith.addi %add3A, %mul3A_560 : i32
      %multiple_of3A_562 = tpu.assume_multiple %add3A_561, 8 : i32
      %dma_start3A_563 = arith.constant 1 : i32
      %dma_start3A_564 = arith.constant 0 : i32
      %dma_start3A_565 = tpu.memref_slice %arg7[%dma_start3A_563, %dma_start3A_564] : memref<4x80xi32, #tpu.memory_space<vmem>> -> memref<1x80xi32, #tpu.memory_space<vmem>>
      %dma_start3A_566 = tpu.memref_squeeze %dma_start3A_565 : memref<1x80xi32, #tpu.memory_space<vmem>> -> memref<80xi32, #tpu.memory_space<vmem>>
      %dma_start3A_567 = tpu.memref_slice %arg3[%multiple_of3A_562] : memref<320000xi32, #tpu.memory_space<hbm>> -> memref<80xi32, #tpu.memory_space<hbm>>
      %dma_start3A_568 = arith.constant 0 : i32
      %dma_start3A_569 = tpu.memref_slice %arg7[%dma_start3A_563, %dma_start3A_568] : memref<4x80xi32, #tpu.memory_space<vmem>> -> memref<1x80xi32, #tpu.memory_space<vmem>>
      %dma_start3A_570 = tpu.memref_squeeze %dma_start3A_569 : memref<1x80xi32, #tpu.memory_space<vmem>> -> memref<80xi32, #tpu.memory_space<vmem>>
      %dma_start3A_571 = tpu.memref_slice %arg3[%multiple_of3A_562] : memref<320000xi32, #tpu.memory_space<hbm>> -> memref<80xi32, #tpu.memory_space<hbm>>
      tpu.enqueue_dma source(%dma_start3A_571 : memref<80xi32, #tpu.memory_space<hbm>>) target(%dma_start3A_570 : memref<80xi32, #tpu.memory_space<vmem>>) target_semaphore(%arg16 : memref<!tpu.dma_semaphore, #tpu.memory_space<semaphore_mem>>)
      %dma_start3A_572 = arith.constant 1 : i32
      %dma_start3A_573 = arith.constant 0 : i32
      %dma_start3A_574 = tpu.memref_slice %arg8[%dma_start3A_572, %dma_start3A_573] : memref<4x80xi32, #tpu.memory_space<vmem>> -> memref<1x80xi32, #tpu.memory_space<vmem>>
      %dma_start3A_575 = tpu.memref_squeeze %dma_start3A_574 : memref<1x80xi32, #tpu.memory_space<vmem>> -> memref<80xi32, #tpu.memory_space<vmem>>
      %dma_start3A_576 = tpu.memref_slice %arg4[%multiple_of3A_562] : memref<320000xi32, #tpu.memory_space<hbm>> -> memref<80xi32, #tpu.memory_space<hbm>>
      %dma_start3A_577 = arith.constant 0 : i32
      %dma_start3A_578 = tpu.memref_slice %arg8[%dma_start3A_572, %dma_start3A_577] : memref<4x80xi32, #tpu.memory_space<vmem>> -> memref<1x80xi32, #tpu.memory_space<vmem>>
      %dma_start3A_579 = tpu.memref_squeeze %dma_start3A_578 : memref<1x80xi32, #tpu.memory_space<vmem>> -> memref<80xi32, #tpu.memory_space<vmem>>
      %dma_start3A_580 = tpu.memref_slice %arg4[%multiple_of3A_562] : memref<320000xi32, #tpu.memory_space<hbm>> -> memref<80xi32, #tpu.memory_space<hbm>>
      tpu.enqueue_dma source(%dma_start3A_580 : memref<80xi32, #tpu.memory_space<hbm>>) target(%dma_start3A_579 : memref<80xi32, #tpu.memory_space<vmem>>) target_semaphore(%arg16 : memref<!tpu.dma_semaphore, #tpu.memory_space<semaphore_mem>>)
      %dma_wait3A_581 = arith.constant 0 : i32
      %dma_wait3A_582 = arith.constant 0 : i32
      %dma_wait3A_583 = tpu.memref_slice %arg7[%dma_wait3A_581, %dma_wait3A_582] : memref<4x80xi32, #tpu.memory_space<vmem>> -> memref<1x80xi32, #tpu.memory_space<vmem>>
      %dma_wait3A_584 = tpu.memref_squeeze %dma_wait3A_583 : memref<1x80xi32, #tpu.memory_space<vmem>> -> memref<80xi32, #tpu.memory_space<vmem>>
      %dma_wait3A_585 = tpu.memref_slice %arg3[%add3A] : memref<320000xi32, #tpu.memory_space<hbm>> -> memref<80xi32, #tpu.memory_space<hbm>>
      %dma_wait3A_586 = arith.constant 0 : i32
      %dma_wait3A_587 = tpu.memref_slice %arg7[%dma_wait3A_581, %dma_wait3A_586] : memref<4x80xi32, #tpu.memory_space<vmem>> -> memref<1x80xi32, #tpu.memory_space<vmem>>
      %dma_wait3A_588 = tpu.memref_squeeze %dma_wait3A_587 : memref<1x80xi32, #tpu.memory_space<vmem>> -> memref<80xi32, #tpu.memory_space<vmem>>
      %dma_wait3A_589 = tpu.memref_slice %arg3[%add3A] : memref<320000xi32, #tpu.memory_space<hbm>> -> memref<80xi32, #tpu.memory_space<hbm>>
      tpu.wait_dma2 semaphore(%arg15 : memref<!tpu.dma_semaphore, #tpu.memory_space<semaphore_mem>>) src(%dma_wait3A_589 : memref<80xi32, #tpu.memory_space<hbm>>) dst(%dma_wait3A_588 : memref<80xi32, #tpu.memory_space<vmem>>)
      %dma_wait3A_590 = arith.constant 0 : i32
      %dma_wait3A_591 = arith.constant 0 : i32
      %dma_wait3A_592 = tpu.memref_slice %arg8[%dma_wait3A_590, %dma_wait3A_591] : memref<4x80xi32, #tpu.memory_space<vmem>> -> memref<1x80xi32, #tpu.memory_space<vmem>>
      %dma_wait3A_593 = tpu.memref_squeeze %dma_wait3A_592 : memref<1x80xi32, #tpu.memory_space<vmem>> -> memref<80xi32, #tpu.memory_space<vmem>>
      %dma_wait3A_594 = tpu.memref_slice %arg4[%add3A] : memref<320000xi32, #tpu.memory_space<hbm>> -> memref<80xi32, #tpu.memory_space<hbm>>
      %dma_wait3A_595 = arith.constant 0 : i32
      %dma_wait3A_596 = tpu.memref_slice %arg8[%dma_wait3A_590, %dma_wait3A_595] : memref<4x80xi32, #tpu.memory_space<vmem>> -> memref<1x80xi32, #tpu.memory_space<vmem>>
      %dma_wait3A_597 = tpu.memref_squeeze %dma_wait3A_596 : memref<1x80xi32, #tpu.memory_space<vmem>> -> memref<80xi32, #tpu.memory_space<vmem>>
      %dma_wait3A_598 = tpu.memref_slice %arg4[%add3A] : memref<320000xi32, #tpu.memory_space<hbm>> -> memref<80xi32, #tpu.memory_space<hbm>>
      tpu.wait_dma2 semaphore(%arg15 : memref<!tpu.dma_semaphore, #tpu.memory_space<semaphore_mem>>) src(%dma_wait3A_598 : memref<80xi32, #tpu.memory_space<hbm>>) dst(%dma_wait3A_597 : memref<80xi32, #tpu.memory_space<vmem>>)
      %dma_start3A_599 = arith.constant 0 : i32
      %dma_start3A_600 = arith.constant 0 : i32
      %dma_start3A_601 = arith.constant 0 : i32
      %dma_start3A_602 = arith.constant 0 : i32
      %dma_start3A_603 = tpu.memref_slice %arg9[%dma_start3A_600, %dma_start3A_601, %dma_start3A_602] : memref<4x80x128xf32, #tpu.memory_space<vmem>> -> memref<1x80x128xf32, #tpu.memory_space<vmem>>
      %dma_start3A_604 = tpu.memref_squeeze %dma_start3A_603 : memref<1x80x128xf32, #tpu.memory_space<vmem>> -> memref<80x128xf32, #tpu.memory_space<vmem>>
      %dma_start3A_605 = arith.constant 0 : i32
      %dma_start3A_606 = tpu.memref_slice %arg7[%dma_start3A_599, %dma_start3A_605] : memref<4x80xi32, #tpu.memory_space<vmem>> -> memref<1x80xi32, #tpu.memory_space<vmem>>
      %dma_start3A_607 = tpu.memref_squeeze %dma_start3A_606 : memref<1x80xi32, #tpu.memory_space<vmem>> -> memref<80xi32, #tpu.memory_space<vmem>>
      %dma_start3A_608 = arith.constant 0 : i32
      %dma_start3A_609 = arith.constant 0 : i32
      %dma_start3A_610 = tpu.memref_slice %arg2[%dma_start3A_608, %dma_start3A_609] : memref<10000x128xf32, #tpu.memory_space<hbm>> -> memref<10000x128xf32, #tpu.memory_space<hbm>>
      tpu.enqueue_indirect_dma source(%dma_start3A_610 : memref<10000x128xf32, #tpu.memory_space<hbm>>) target(%dma_start3A_604 : memref<80x128xf32, #tpu.memory_space<vmem>>) offsets(%dma_start3A_607 : memref<80xi32, #tpu.memory_space<vmem>>) semaphore(%arg11 : memref<!tpu.dma_semaphore, #tpu.memory_space<semaphore_mem>>)
      %dma_wait3A_611 = arith.constant 3 : i32
      %dma_wait3A_612 = arith.constant 3 : i32
      %dma_wait3A_613 = arith.constant 0 : i32
      %dma_wait3A_614 = arith.constant 0 : i32
      %dma_wait3A_615 = tpu.memref_slice %arg9[%dma_wait3A_612, %dma_wait3A_613, %dma_wait3A_614] : memref<4x80x128xf32, #tpu.memory_space<vmem>> -> memref<1x80x128xf32, #tpu.memory_space<vmem>>
      %dma_wait3A_616 = tpu.memref_squeeze %dma_wait3A_615 : memref<1x80x128xf32, #tpu.memory_space<vmem>> -> memref<80x128xf32, #tpu.memory_space<vmem>>
      %dma_wait3A_617 = arith.constant 0 : i32
      %dma_wait3A_618 = tpu.memref_slice %arg7[%dma_wait3A_611, %dma_wait3A_617] : memref<4x80xi32, #tpu.memory_space<vmem>> -> memref<1x80xi32, #tpu.memory_space<vmem>>
      %dma_wait3A_619 = tpu.memref_squeeze %dma_wait3A_618 : memref<1x80xi32, #tpu.memory_space<vmem>> -> memref<80xi32, #tpu.memory_space<vmem>>
      %dma_wait3A_620 = arith.constant 0 : i32
      %dma_wait3A_621 = arith.constant 0 : i32
      %dma_wait3A_622 = tpu.memref_slice %arg2[%dma_wait3A_620, %dma_wait3A_621] : memref<10000x128xf32, #tpu.memory_space<hbm>> -> memref<10000x128xf32, #tpu.memory_space<hbm>>
      tpu.wait_indirect_dma semaphore(%arg14 : memref<!tpu.dma_semaphore, #tpu.memory_space<semaphore_mem>>) src(%dma_wait3A_622 : memref<10000x128xf32, #tpu.memory_space<hbm>>) dst(%dma_wait3A_616 : memref<80x128xf32, #tpu.memory_space<vmem>>)
      %dma_start3A_623 = arith.constant 3 : i32
      %dma_start3A_624 = arith.constant 3 : i32
      %dma_start3A_625 = arith.constant 0 : i32
      %dma_start3A_626 = arith.constant 0 : i32
      %dma_start3A_627 = tpu.memref_slice %arg9[%dma_start3A_623, %dma_start3A_625, %dma_start3A_626] : memref<4x80x128xf32, #tpu.memory_space<vmem>> -> memref<1x80x128xf32, #tpu.memory_space<vmem>>
      %dma_start3A_628 = tpu.memref_squeeze %dma_start3A_627 : memref<1x80x128xf32, #tpu.memory_space<vmem>> -> memref<80x128xf32, #tpu.memory_space<vmem>>
      %dma_start3A_629 = arith.constant 0 : i32
      %dma_start3A_630 = tpu.memref_slice %arg8[%dma_start3A_624, %dma_start3A_629] : memref<4x80xi32, #tpu.memory_space<vmem>> -> memref<1x80xi32, #tpu.memory_space<vmem>>
      %dma_start3A_631 = tpu.memref_squeeze %dma_start3A_630 : memref<1x80xi32, #tpu.memory_space<vmem>> -> memref<80xi32, #tpu.memory_space<vmem>>
      %dma_start3A_632 = arith.constant 0 : i32
      %dma_start3A_633 = arith.constant 0 : i32
      %dma_start3A_634 = tpu.memref_slice %arg10[%dma_start3A_632, %dma_start3A_633] : memref<10112x128xf32, #tpu.memory_space<vmem_shared>> -> memref<10112x128xf32, #tpu.memory_space<vmem_shared>>
      tpu.enqueue_indirect_dma source(%dma_start3A_628 : memref<80x128xf32, #tpu.memory_space<vmem>>) target(%dma_start3A_634 : memref<10112x128xf32, #tpu.memory_space<vmem_shared>>) offsets(%dma_start3A_631 : memref<80xi32, #tpu.memory_space<vmem>>) semaphore(%arg22 : memref<!tpu.dma_semaphore, #tpu.memory_space<semaphore_mem>>) {add = true}
      %add3A_635 = arith.constant 2 : i32
      %add3A_636 = arith.addi %add3A_450, %add3A_635 : i32
      %dma_wait3A_637 = arith.constant 2 : i32
      %dma_wait3A_638 = arith.constant 2 : i32
      %dma_wait3A_639 = arith.constant 0 : i32
      %dma_wait3A_640 = arith.constant 0 : i32
      %dma_wait3A_641 = tpu.memref_slice %arg9[%dma_wait3A_637, %dma_wait3A_639, %dma_wait3A_640] : memref<4x80x128xf32, #tpu.memory_space<vmem>> -> memref<1x80x128xf32, #tpu.memory_space<vmem>>
      %dma_wait3A_642 = tpu.memref_squeeze %dma_wait3A_641 : memref<1x80x128xf32, #tpu.memory_space<vmem>> -> memref<80x128xf32, #tpu.memory_space<vmem>>
      %dma_wait3A_643 = arith.constant 0 : i32
      %dma_wait3A_644 = tpu.memref_slice %arg8[%dma_wait3A_638, %dma_wait3A_643] : memref<4x80xi32, #tpu.memory_space<vmem>> -> memref<1x80xi32, #tpu.memory_space<vmem>>
      %dma_wait3A_645 = tpu.memref_squeeze %dma_wait3A_644 : memref<1x80xi32, #tpu.memory_space<vmem>> -> memref<80xi32, #tpu.memory_space<vmem>>
      %dma_wait3A_646 = arith.constant 0 : i32
      %dma_wait3A_647 = arith.constant 0 : i32
      %dma_wait3A_648 = tpu.memref_slice %arg10[%dma_wait3A_646, %dma_wait3A_647] : memref<10112x128xf32, #tpu.memory_space<vmem_shared>> -> memref<10112x128xf32, #tpu.memory_space<vmem_shared>>
      tpu.wait_indirect_dma semaphore(%arg21 : memref<!tpu.dma_semaphore, #tpu.memory_space<semaphore_mem>>) src(%dma_wait3A_642 : memref<80x128xf32, #tpu.memory_space<vmem>>) dst(%dma_wait3A_648 : memref<10112x128xf32, #tpu.memory_space<vmem_shared>>)
      %add3A_649 = arith.constant 2 : i32
      %add3A_650 = arith.addi %add3A_636, %add3A_649 : i32
      %mul3A_651 = arith.constant 80 : i32
      %mul3A_652 = arith.muli %add3A_650, %mul3A_651 : i32
      %add3A_653 = arith.addi %add3A, %mul3A_652 : i32
      %multiple_of3A_654 = tpu.assume_multiple %add3A_653, 8 : i32
      %dma_start3A_655 = arith.constant 2 : i32
      %dma_start3A_656 = arith.constant 0 : i32
      %dma_start3A_657 = tpu.memref_slice %arg7[%dma_start3A_655, %dma_start3A_656] : memref<4x80xi32, #tpu.memory_space<vmem>> -> memref<1x80xi32, #tpu.memory_space<vmem>>
      %dma_start3A_658 = tpu.memref_squeeze %dma_start3A_657 : memref<1x80xi32, #tpu.memory_space<vmem>> -> memref<80xi32, #tpu.memory_space<vmem>>
      %dma_start3A_659 = tpu.memref_slice %arg3[%multiple_of3A_654] : memref<320000xi32, #tpu.memory_space<hbm>> -> memref<80xi32, #tpu.memory_space<hbm>>
      %dma_start3A_660 = arith.constant 0 : i32
      %dma_start3A_661 = tpu.memref_slice %arg7[%dma_start3A_655, %dma_start3A_660] : memref<4x80xi32, #tpu.memory_space<vmem>> -> memref<1x80xi32, #tpu.memory_space<vmem>>
      %dma_start3A_662 = tpu.memref_squeeze %dma_start3A_661 : memref<1x80xi32, #tpu.memory_space<vmem>> -> memref<80xi32, #tpu.memory_space<vmem>>
      %dma_start3A_663 = tpu.memref_slice %arg3[%multiple_of3A_654] : memref<320000xi32, #tpu.memory_space<hbm>> -> memref<80xi32, #tpu.memory_space<hbm>>
      tpu.enqueue_dma source(%dma_start3A_663 : memref<80xi32, #tpu.memory_space<hbm>>) target(%dma_start3A_662 : memref<80xi32, #tpu.memory_space<vmem>>) target_semaphore(%arg17 : memref<!tpu.dma_semaphore, #tpu.memory_space<semaphore_mem>>)
      %dma_start3A_664 = arith.constant 2 : i32
      %dma_start3A_665 = arith.constant 0 : i32
      %dma_start3A_666 = tpu.memref_slice %arg8[%dma_start3A_664, %dma_start3A_665] : memref<4x80xi32, #tpu.memory_space<vmem>> -> memref<1x80xi32, #tpu.memory_space<vmem>>
      %dma_start3A_667 = tpu.memref_squeeze %dma_start3A_666 : memref<1x80xi32, #tpu.memory_space<vmem>> -> memref<80xi32, #tpu.memory_space<vmem>>
      %dma_start3A_668 = tpu.memref_slice %arg4[%multiple_of3A_654] : memref<320000xi32, #tpu.memory_space<hbm>> -> memref<80xi32, #tpu.memory_space<hbm>>
      %dma_start3A_669 = arith.constant 0 : i32
      %dma_start3A_670 = tpu.memref_slice %arg8[%dma_start3A_664, %dma_start3A_669] : memref<4x80xi32, #tpu.memory_space<vmem>> -> memref<1x80xi32, #tpu.memory_space<vmem>>
      %dma_start3A_671 = tpu.memref_squeeze %dma_start3A_670 : memref<1x80xi32, #tpu.memory_space<vmem>> -> memref<80xi32, #tpu.memory_space<vmem>>
      %dma_start3A_672 = tpu.memref_slice %arg4[%multiple_of3A_654] : memref<320000xi32, #tpu.memory_space<hbm>> -> memref<80xi32, #tpu.memory_space<hbm>>
      tpu.enqueue_dma source(%dma_start3A_672 : memref<80xi32, #tpu.memory_space<hbm>>) target(%dma_start3A_671 : memref<80xi32, #tpu.memory_space<vmem>>) target_semaphore(%arg17 : memref<!tpu.dma_semaphore, #tpu.memory_space<semaphore_mem>>)
      %dma_wait3A_673 = arith.constant 1 : i32
      %dma_wait3A_674 = arith.constant 0 : i32
      %dma_wait3A_675 = tpu.memref_slice %arg7[%dma_wait3A_673, %dma_wait3A_674] : memref<4x80xi32, #tpu.memory_space<vmem>> -> memref<1x80xi32, #tpu.memory_space<vmem>>
      %dma_wait3A_676 = tpu.memref_squeeze %dma_wait3A_675 : memref<1x80xi32, #tpu.memory_space<vmem>> -> memref<80xi32, #tpu.memory_space<vmem>>
      %dma_wait3A_677 = tpu.memref_slice %arg3[%add3A] : memref<320000xi32, #tpu.memory_space<hbm>> -> memref<80xi32, #tpu.memory_space<hbm>>
      %dma_wait3A_678 = arith.constant 0 : i32
      %dma_wait3A_679 = tpu.memref_slice %arg7[%dma_wait3A_673, %dma_wait3A_678] : memref<4x80xi32, #tpu.memory_space<vmem>> -> memref<1x80xi32, #tpu.memory_space<vmem>>
      %dma_wait3A_680 = tpu.memref_squeeze %dma_wait3A_679 : memref<1x80xi32, #tpu.memory_space<vmem>> -> memref<80xi32, #tpu.memory_space<vmem>>
      %dma_wait3A_681 = tpu.memref_slice %arg3[%add3A] : memref<320000xi32, #tpu.memory_space<hbm>> -> memref<80xi32, #tpu.memory_space<hbm>>
      tpu.wait_dma2 semaphore(%arg16 : memref<!tpu.dma_semaphore, #tpu.memory_space<semaphore_mem>>) src(%dma_wait3A_681 : memref<80xi32, #tpu.memory_space<hbm>>) dst(%dma_wait3A_680 : memref<80xi32, #tpu.memory_space<vmem>>)
      %dma_wait3A_682 = arith.constant 1 : i32
      %dma_wait3A_683 = arith.constant 0 : i32
      %dma_wait3A_684 = tpu.memref_slice %arg8[%dma_wait3A_682, %dma_wait3A_683] : memref<4x80xi32, #tpu.memory_space<vmem>> -> memref<1x80xi32, #tpu.memory_space<vmem>>
      %dma_wait3A_685 = tpu.memref_squeeze %dma_wait3A_684 : memref<1x80xi32, #tpu.memory_space<vmem>> -> memref<80xi32, #tpu.memory_space<vmem>>
      %dma_wait3A_686 = tpu.memref_slice %arg4[%add3A] : memref<320000xi32, #tpu.memory_space<hbm>> -> memref<80xi32, #tpu.memory_space<hbm>>
      %dma_wait3A_687 = arith.constant 0 : i32
      %dma_wait3A_688 = tpu.memref_slice %arg8[%dma_wait3A_682, %dma_wait3A_687] : memref<4x80xi32, #tpu.memory_space<vmem>> -> memref<1x80xi32, #tpu.memory_space<vmem>>
      %dma_wait3A_689 = tpu.memref_squeeze %dma_wait3A_688 : memref<1x80xi32, #tpu.memory_space<vmem>> -> memref<80xi32, #tpu.memory_space<vmem>>
      %dma_wait3A_690 = tpu.memref_slice %arg4[%add3A] : memref<320000xi32, #tpu.memory_space<hbm>> -> memref<80xi32, #tpu.memory_space<hbm>>
      tpu.wait_dma2 semaphore(%arg16 : memref<!tpu.dma_semaphore, #tpu.memory_space<semaphore_mem>>) src(%dma_wait3A_690 : memref<80xi32, #tpu.memory_space<hbm>>) dst(%dma_wait3A_689 : memref<80xi32, #tpu.memory_space<vmem>>)
      %dma_start3A_691 = arith.constant 1 : i32
      %dma_start3A_692 = arith.constant 1 : i32
      %dma_start3A_693 = arith.constant 0 : i32
      %dma_start3A_694 = arith.constant 0 : i32
      %dma_start3A_695 = tpu.memref_slice %arg9[%dma_start3A_692, %dma_start3A_693, %dma_start3A_694] : memref<4x80x128xf32, #tpu.memory_space<vmem>> -> memref<1x80x128xf32, #tpu.memory_space<vmem>>
      %dma_start3A_696 = tpu.memref_squeeze %dma_start3A_695 : memref<1x80x128xf32, #tpu.memory_space<vmem>> -> memref<80x128xf32, #tpu.memory_space<vmem>>
      %dma_start3A_697 = arith.constant 0 : i32
      %dma_start3A_698 = tpu.memref_slice %arg7[%dma_start3A_691, %dma_start3A_697] : memref<4x80xi32, #tpu.memory_space<vmem>> -> memref<1x80xi32, #tpu.memory_space<vmem>>
      %dma_start3A_699 = tpu.memref_squeeze %dma_start3A_698 : memref<1x80xi32, #tpu.memory_space<vmem>> -> memref<80xi32, #tpu.memory_space<vmem>>
      %dma_start3A_700 = arith.constant 0 : i32
      %dma_start3A_701 = arith.constant 0 : i32
      %dma_start3A_702 = tpu.memref_slice %arg2[%dma_start3A_700, %dma_start3A_701] : memref<10000x128xf32, #tpu.memory_space<hbm>> -> memref<10000x128xf32, #tpu.memory_space<hbm>>
      tpu.enqueue_indirect_dma source(%dma_start3A_702 : memref<10000x128xf32, #tpu.memory_space<hbm>>) target(%dma_start3A_696 : memref<80x128xf32, #tpu.memory_space<vmem>>) offsets(%dma_start3A_699 : memref<80xi32, #tpu.memory_space<vmem>>) semaphore(%arg12 : memref<!tpu.dma_semaphore, #tpu.memory_space<semaphore_mem>>)
      %dma_wait3A_703 = arith.constant 0 : i32
      %dma_wait3A_704 = arith.constant 0 : i32
      %dma_wait3A_705 = arith.constant 0 : i32
      %dma_wait3A_706 = arith.constant 0 : i32
      %dma_wait3A_707 = tpu.memref_slice %arg9[%dma_wait3A_704, %dma_wait3A_705, %dma_wait3A_706] : memref<4x80x128xf32, #tpu.memory_space<vmem>> -> memref<1x80x128xf32, #tpu.memory_space<vmem>>
      %dma_wait3A_708 = tpu.memref_squeeze %dma_wait3A_707 : memref<1x80x128xf32, #tpu.memory_space<vmem>> -> memref<80x128xf32, #tpu.memory_space<vmem>>
      %dma_wait3A_709 = arith.constant 0 : i32
      %dma_wait3A_710 = tpu.memref_slice %arg7[%dma_wait3A_703, %dma_wait3A_709] : memref<4x80xi32, #tpu.memory_space<vmem>> -> memref<1x80xi32, #tpu.memory_space<vmem>>
      %dma_wait3A_711 = tpu.memref_squeeze %dma_wait3A_710 : memref<1x80xi32, #tpu.memory_space<vmem>> -> memref<80xi32, #tpu.memory_space<vmem>>
      %dma_wait3A_712 = arith.constant 0 : i32
      %dma_wait3A_713 = arith.constant 0 : i32
      %dma_wait3A_714 = tpu.memref_slice %arg2[%dma_wait3A_712, %dma_wait3A_713] : memref<10000x128xf32, #tpu.memory_space<hbm>> -> memref<10000x128xf32, #tpu.memory_space<hbm>>
      tpu.wait_indirect_dma semaphore(%arg11 : memref<!tpu.dma_semaphore, #tpu.memory_space<semaphore_mem>>) src(%dma_wait3A_714 : memref<10000x128xf32, #tpu.memory_space<hbm>>) dst(%dma_wait3A_708 : memref<80x128xf32, #tpu.memory_space<vmem>>)
      %dma_start3A_715 = arith.constant 0 : i32
      %dma_start3A_716 = arith.constant 0 : i32
      %dma_start3A_717 = arith.constant 0 : i32
      %dma_start3A_718 = arith.constant 0 : i32
      %dma_start3A_719 = tpu.memref_slice %arg9[%dma_start3A_715, %dma_start3A_717, %dma_start3A_718] : memref<4x80x128xf32, #tpu.memory_space<vmem>> -> memref<1x80x128xf32, #tpu.memory_space<vmem>>
      %dma_start3A_720 = tpu.memref_squeeze %dma_start3A_719 : memref<1x80x128xf32, #tpu.memory_space<vmem>> -> memref<80x128xf32, #tpu.memory_space<vmem>>
      %dma_start3A_721 = arith.constant 0 : i32
      %dma_start3A_722 = tpu.memref_slice %arg8[%dma_start3A_716, %dma_start3A_721] : memref<4x80xi32, #tpu.memory_space<vmem>> -> memref<1x80xi32, #tpu.memory_space<vmem>>
      %dma_start3A_723 = tpu.memref_squeeze %dma_start3A_722 : memref<1x80xi32, #tpu.memory_space<vmem>> -> memref<80xi32, #tpu.memory_space<vmem>>
      %dma_start3A_724 = arith.constant 0 : i32
      %dma_start3A_725 = arith.constant 0 : i32
      %dma_start3A_726 = tpu.memref_slice %arg10[%dma_start3A_724, %dma_start3A_725] : memref<10112x128xf32, #tpu.memory_space<vmem_shared>> -> memref<10112x128xf32, #tpu.memory_space<vmem_shared>>
      tpu.enqueue_indirect_dma source(%dma_start3A_720 : memref<80x128xf32, #tpu.memory_space<vmem>>) target(%dma_start3A_726 : memref<10112x128xf32, #tpu.memory_space<vmem_shared>>) offsets(%dma_start3A_723 : memref<80xi32, #tpu.memory_space<vmem>>) semaphore(%arg19 : memref<!tpu.dma_semaphore, #tpu.memory_space<semaphore_mem>>) {add = true}
      %add3A_727 = arith.constant 3 : i32
      %add3A_728 = arith.addi %add3A_450, %add3A_727 : i32
      %dma_wait3A_729 = arith.constant 3 : i32
      %dma_wait3A_730 = arith.constant 3 : i32
      %dma_wait3A_731 = arith.constant 0 : i32
      %dma_wait3A_732 = arith.constant 0 : i32
      %dma_wait3A_733 = tpu.memref_slice %arg9[%dma_wait3A_729, %dma_wait3A_731, %dma_wait3A_732] : memref<4x80x128xf32, #tpu.memory_space<vmem>> -> memref<1x80x128xf32, #tpu.memory_space<vmem>>
      %dma_wait3A_734 = tpu.memref_squeeze %dma_wait3A_733 : memref<1x80x128xf32, #tpu.memory_space<vmem>> -> memref<80x128xf32, #tpu.memory_space<vmem>>
      %dma_wait3A_735 = arith.constant 0 : i32
      %dma_wait3A_736 = tpu.memref_slice %arg8[%dma_wait3A_730, %dma_wait3A_735] : memref<4x80xi32, #tpu.memory_space<vmem>> -> memref<1x80xi32, #tpu.memory_space<vmem>>
      %dma_wait3A_737 = tpu.memref_squeeze %dma_wait3A_736 : memref<1x80xi32, #tpu.memory_space<vmem>> -> memref<80xi32, #tpu.memory_space<vmem>>
      %dma_wait3A_738 = arith.constant 0 : i32
      %dma_wait3A_739 = arith.constant 0 : i32
      %dma_wait3A_740 = tpu.memref_slice %arg10[%dma_wait3A_738, %dma_wait3A_739] : memref<10112x128xf32, #tpu.memory_space<vmem_shared>> -> memref<10112x128xf32, #tpu.memory_space<vmem_shared>>
      tpu.wait_indirect_dma semaphore(%arg22 : memref<!tpu.dma_semaphore, #tpu.memory_space<semaphore_mem>>) src(%dma_wait3A_734 : memref<80x128xf32, #tpu.memory_space<vmem>>) dst(%dma_wait3A_740 : memref<10112x128xf32, #tpu.memory_space<vmem_shared>>)
      %add3A_741 = arith.constant 2 : i32
      %add3A_742 = arith.addi %add3A_728, %add3A_741 : i32
      %mul3A_743 = arith.constant 80 : i32
      %mul3A_744 = arith.muli %add3A_742, %mul3A_743 : i32
      %add3A_745 = arith.addi %add3A, %mul3A_744 : i32
      %multiple_of3A_746 = tpu.assume_multiple %add3A_745, 8 : i32
      %dma_start3A_747 = arith.constant 3 : i32
      %dma_start3A_748 = arith.constant 0 : i32
      %dma_start3A_749 = tpu.memref_slice %arg7[%dma_start3A_747, %dma_start3A_748] : memref<4x80xi32, #tpu.memory_space<vmem>> -> memref<1x80xi32, #tpu.memory_space<vmem>>
      %dma_start3A_750 = tpu.memref_squeeze %dma_start3A_749 : memref<1x80xi32, #tpu.memory_space<vmem>> -> memref<80xi32, #tpu.memory_space<vmem>>
      %dma_start3A_751 = tpu.memref_slice %arg3[%multiple_of3A_746] : memref<320000xi32, #tpu.memory_space<hbm>> -> memref<80xi32, #tpu.memory_space<hbm>>
      %dma_start3A_752 = arith.constant 0 : i32
      %dma_start3A_753 = tpu.memref_slice %arg7[%dma_start3A_747, %dma_start3A_752] : memref<4x80xi32, #tpu.memory_space<vmem>> -> memref<1x80xi32, #tpu.memory_space<vmem>>
      %dma_start3A_754 = tpu.memref_squeeze %dma_start3A_753 : memref<1x80xi32, #tpu.memory_space<vmem>> -> memref<80xi32, #tpu.memory_space<vmem>>
      %dma_start3A_755 = tpu.memref_slice %arg3[%multiple_of3A_746] : memref<320000xi32, #tpu.memory_space<hbm>> -> memref<80xi32, #tpu.memory_space<hbm>>
      tpu.enqueue_dma source(%dma_start3A_755 : memref<80xi32, #tpu.memory_space<hbm>>) target(%dma_start3A_754 : memref<80xi32, #tpu.memory_space<vmem>>) target_semaphore(%arg18 : memref<!tpu.dma_semaphore, #tpu.memory_space<semaphore_mem>>)
      %dma_start3A_756 = arith.constant 3 : i32
      %dma_start3A_757 = arith.constant 0 : i32
      %dma_start3A_758 = tpu.memref_slice %arg8[%dma_start3A_756, %dma_start3A_757] : memref<4x80xi32, #tpu.memory_space<vmem>> -> memref<1x80xi32, #tpu.memory_space<vmem>>
      %dma_start3A_759 = tpu.memref_squeeze %dma_start3A_758 : memref<1x80xi32, #tpu.memory_space<vmem>> -> memref<80xi32, #tpu.memory_space<vmem>>
      %dma_start3A_760 = tpu.memref_slice %arg4[%multiple_of3A_746] : memref<320000xi32, #tpu.memory_space<hbm>> -> memref<80xi32, #tpu.memory_space<hbm>>
      %dma_start3A_761 = arith.constant 0 : i32
      %dma_start3A_762 = tpu.memref_slice %arg8[%dma_start3A_756, %dma_start3A_761] : memref<4x80xi32, #tpu.memory_space<vmem>> -> memref<1x80xi32, #tpu.memory_space<vmem>>
      %dma_start3A_763 = tpu.memref_squeeze %dma_start3A_762 : memref<1x80xi32, #tpu.memory_space<vmem>> -> memref<80xi32, #tpu.memory_space<vmem>>
      %dma_start3A_764 = tpu.memref_slice %arg4[%multiple_of3A_746] : memref<320000xi32, #tpu.memory_space<hbm>> -> memref<80xi32, #tpu.memory_space<hbm>>
      tpu.enqueue_dma source(%dma_start3A_764 : memref<80xi32, #tpu.memory_space<hbm>>) target(%dma_start3A_763 : memref<80xi32, #tpu.memory_space<vmem>>) target_semaphore(%arg18 : memref<!tpu.dma_semaphore, #tpu.memory_space<semaphore_mem>>)
      %dma_wait3A_765 = arith.constant 2 : i32
      %dma_wait3A_766 = arith.constant 0 : i32
      %dma_wait3A_767 = tpu.memref_slice %arg7[%dma_wait3A_765, %dma_wait3A_766] : memref<4x80xi32, #tpu.memory_space<vmem>> -> memref<1x80xi32, #tpu.memory_space<vmem>>
      %dma_wait3A_768 = tpu.memref_squeeze %dma_wait3A_767 : memref<1x80xi32, #tpu.memory_space<vmem>> -> memref<80xi32, #tpu.memory_space<vmem>>
      %dma_wait3A_769 = tpu.memref_slice %arg3[%add3A] : memref<320000xi32, #tpu.memory_space<hbm>> -> memref<80xi32, #tpu.memory_space<hbm>>
      %dma_wait3A_770 = arith.constant 0 : i32
      %dma_wait3A_771 = tpu.memref_slice %arg7[%dma_wait3A_765, %dma_wait3A_770] : memref<4x80xi32, #tpu.memory_space<vmem>> -> memref<1x80xi32, #tpu.memory_space<vmem>>
      %dma_wait3A_772 = tpu.memref_squeeze %dma_wait3A_771 : memref<1x80xi32, #tpu.memory_space<vmem>> -> memref<80xi32, #tpu.memory_space<vmem>>
      %dma_wait3A_773 = tpu.memref_slice %arg3[%add3A] : memref<320000xi32, #tpu.memory_space<hbm>> -> memref<80xi32, #tpu.memory_space<hbm>>
      tpu.wait_dma2 semaphore(%arg17 : memref<!tpu.dma_semaphore, #tpu.memory_space<semaphore_mem>>) src(%dma_wait3A_773 : memref<80xi32, #tpu.memory_space<hbm>>) dst(%dma_wait3A_772 : memref<80xi32, #tpu.memory_space<vmem>>)
      %dma_wait3A_774 = arith.constant 2 : i32
      %dma_wait3A_775 = arith.constant 0 : i32
      %dma_wait3A_776 = tpu.memref_slice %arg8[%dma_wait3A_774, %dma_wait3A_775] : memref<4x80xi32, #tpu.memory_space<vmem>> -> memref<1x80xi32, #tpu.memory_space<vmem>>
      %dma_wait3A_777 = tpu.memref_squeeze %dma_wait3A_776 : memref<1x80xi32, #tpu.memory_space<vmem>> -> memref<80xi32, #tpu.memory_space<vmem>>
      %dma_wait3A_778 = tpu.memref_slice %arg4[%add3A] : memref<320000xi32, #tpu.memory_space<hbm>> -> memref<80xi32, #tpu.memory_space<hbm>>
      %dma_wait3A_779 = arith.constant 0 : i32
      %dma_wait3A_780 = tpu.memref_slice %arg8[%dma_wait3A_774, %dma_wait3A_779] : memref<4x80xi32, #tpu.memory_space<vmem>> -> memref<1x80xi32, #tpu.memory_space<vmem>>
      %dma_wait3A_781 = tpu.memref_squeeze %dma_wait3A_780 : memref<1x80xi32, #tpu.memory_space<vmem>> -> memref<80xi32, #tpu.memory_space<vmem>>
      %dma_wait3A_782 = tpu.memref_slice %arg4[%add3A] : memref<320000xi32, #tpu.memory_space<hbm>> -> memref<80xi32, #tpu.memory_space<hbm>>
      tpu.wait_dma2 semaphore(%arg17 : memref<!tpu.dma_semaphore, #tpu.memory_space<semaphore_mem>>) src(%dma_wait3A_782 : memref<80xi32, #tpu.memory_space<hbm>>) dst(%dma_wait3A_781 : memref<80xi32, #tpu.memory_space<vmem>>)
      %dma_start3A_783 = arith.constant 2 : i32
      %dma_start3A_784 = arith.constant 2 : i32
      %dma_start3A_785 = arith.constant 0 : i32
      %dma_start3A_786 = arith.constant 0 : i32
      %dma_start3A_787 = tpu.memref_slice %arg9[%dma_start3A_784, %dma_start3A_785, %dma_start3A_786] : memref<4x80x128xf32, #tpu.memory_space<vmem>> -> memref<1x80x128xf32, #tpu.memory_space<vmem>>
      %dma_start3A_788 = tpu.memref_squeeze %dma_start3A_787 : memref<1x80x128xf32, #tpu.memory_space<vmem>> -> memref<80x128xf32, #tpu.memory_space<vmem>>
      %dma_start3A_789 = arith.constant 0 : i32
      %dma_start3A_790 = tpu.memref_slice %arg7[%dma_start3A_783, %dma_start3A_789] : memref<4x80xi32, #tpu.memory_space<vmem>> -> memref<1x80xi32, #tpu.memory_space<vmem>>
      %dma_start3A_791 = tpu.memref_squeeze %dma_start3A_790 : memref<1x80xi32, #tpu.memory_space<vmem>> -> memref<80xi32, #tpu.memory_space<vmem>>
      %dma_start3A_792 = arith.constant 0 : i32
      %dma_start3A_793 = arith.constant 0 : i32
      %dma_start3A_794 = tpu.memref_slice %arg2[%dma_start3A_792, %dma_start3A_793] : memref<10000x128xf32, #tpu.memory_space<hbm>> -> memref<10000x128xf32, #tpu.memory_space<hbm>>
      tpu.enqueue_indirect_dma source(%dma_start3A_794 : memref<10000x128xf32, #tpu.memory_space<hbm>>) target(%dma_start3A_788 : memref<80x128xf32, #tpu.memory_space<vmem>>) offsets(%dma_start3A_791 : memref<80xi32, #tpu.memory_space<vmem>>) semaphore(%arg13 : memref<!tpu.dma_semaphore, #tpu.memory_space<semaphore_mem>>)
      %dma_wait3A_795 = arith.constant 1 : i32
      %dma_wait3A_796 = arith.constant 1 : i32
      %dma_wait3A_797 = arith.constant 0 : i32
      %dma_wait3A_798 = arith.constant 0 : i32
      %dma_wait3A_799 = tpu.memref_slice %arg9[%dma_wait3A_796, %dma_wait3A_797, %dma_wait3A_798] : memref<4x80x128xf32, #tpu.memory_space<vmem>> -> memref<1x80x128xf32, #tpu.memory_space<vmem>>
      %dma_wait3A_800 = tpu.memref_squeeze %dma_wait3A_799 : memref<1x80x128xf32, #tpu.memory_space<vmem>> -> memref<80x128xf32, #tpu.memory_space<vmem>>
      %dma_wait3A_801 = arith.constant 0 : i32
      %dma_wait3A_802 = tpu.memref_slice %arg7[%dma_wait3A_795, %dma_wait3A_801] : memref<4x80xi32, #tpu.memory_space<vmem>> -> memref<1x80xi32, #tpu.memory_space<vmem>>
      %dma_wait3A_803 = tpu.memref_squeeze %dma_wait3A_802 : memref<1x80xi32, #tpu.memory_space<vmem>> -> memref<80xi32, #tpu.memory_space<vmem>>
      %dma_wait3A_804 = arith.constant 0 : i32
      %dma_wait3A_805 = arith.constant 0 : i32
      %dma_wait3A_806 = tpu.memref_slice %arg2[%dma_wait3A_804, %dma_wait3A_805] : memref<10000x128xf32, #tpu.memory_space<hbm>> -> memref<10000x128xf32, #tpu.memory_space<hbm>>
      tpu.wait_indirect_dma semaphore(%arg12 : memref<!tpu.dma_semaphore, #tpu.memory_space<semaphore_mem>>) src(%dma_wait3A_806 : memref<10000x128xf32, #tpu.memory_space<hbm>>) dst(%dma_wait3A_800 : memref<80x128xf32, #tpu.memory_space<vmem>>)
      %dma_start3A_807 = arith.constant 1 : i32
      %dma_start3A_808 = arith.constant 1 : i32
      %dma_start3A_809 = arith.constant 0 : i32
      %dma_start3A_810 = arith.constant 0 : i32
      %dma_start3A_811 = tpu.memref_slice %arg9[%dma_start3A_807, %dma_start3A_809, %dma_start3A_810] : memref<4x80x128xf32, #tpu.memory_space<vmem>> -> memref<1x80x128xf32, #tpu.memory_space<vmem>>
      %dma_start3A_812 = tpu.memref_squeeze %dma_start3A_811 : memref<1x80x128xf32, #tpu.memory_space<vmem>> -> memref<80x128xf32, #tpu.memory_space<vmem>>
      %dma_start3A_813 = arith.constant 0 : i32
      %dma_start3A_814 = tpu.memref_slice %arg8[%dma_start3A_808, %dma_start3A_813] : memref<4x80xi32, #tpu.memory_space<vmem>> -> memref<1x80xi32, #tpu.memory_space<vmem>>
      %dma_start3A_815 = tpu.memref_squeeze %dma_start3A_814 : memref<1x80xi32, #tpu.memory_space<vmem>> -> memref<80xi32, #tpu.memory_space<vmem>>
      %dma_start3A_816 = arith.constant 0 : i32
      %dma_start3A_817 = arith.constant 0 : i32
      %dma_start3A_818 = tpu.memref_slice %arg10[%dma_start3A_816, %dma_start3A_817] : memref<10112x128xf32, #tpu.memory_space<vmem_shared>> -> memref<10112x128xf32, #tpu.memory_space<vmem_shared>>
      tpu.enqueue_indirect_dma source(%dma_start3A_812 : memref<80x128xf32, #tpu.memory_space<vmem>>) target(%dma_start3A_818 : memref<10112x128xf32, #tpu.memory_space<vmem_shared>>) offsets(%dma_start3A_815 : memref<80xi32, #tpu.memory_space<vmem>>) semaphore(%arg20 : memref<!tpu.dma_semaphore, #tpu.memory_space<semaphore_mem>>) {add = true}
    }
    %scan3A_228 = arith.constant 30 : i32
    %dma_wait3A_229 = arith.constant 0 : i32
    %dma_wait3A_230 = arith.constant 0 : i32
    %dma_wait3A_231 = arith.constant 0 : i32
    %dma_wait3A_232 = arith.constant 0 : i32
    %dma_wait3A_233 = tpu.memref_slice %arg9[%dma_wait3A_229, %dma_wait3A_231, %dma_wait3A_232] : memref<4x80x128xf32, #tpu.memory_space<vmem>> -> memref<1x80x128xf32, #tpu.memory_space<vmem>>
    %dma_wait3A_234 = tpu.memref_squeeze %dma_wait3A_233 : memref<1x80x128xf32, #tpu.memory_space<vmem>> -> memref<80x128xf32, #tpu.memory_space<vmem>>
    %dma_wait3A_235 = arith.constant 0 : i32
    %dma_wait3A_236 = tpu.memref_slice %arg8[%dma_wait3A_230, %dma_wait3A_235] : memref<4x80xi32, #tpu.memory_space<vmem>> -> memref<1x80xi32, #tpu.memory_space<vmem>>
    %dma_wait3A_237 = tpu.memref_squeeze %dma_wait3A_236 : memref<1x80xi32, #tpu.memory_space<vmem>> -> memref<80xi32, #tpu.memory_space<vmem>>
    %dma_wait3A_238 = arith.constant 0 : i32
    %dma_wait3A_239 = arith.constant 0 : i32
    %dma_wait3A_240 = tpu.memref_slice %arg10[%dma_wait3A_238, %dma_wait3A_239] : memref<10112x128xf32, #tpu.memory_space<vmem_shared>> -> memref<10112x128xf32, #tpu.memory_space<vmem_shared>>
    tpu.wait_indirect_dma semaphore(%arg19 : memref<!tpu.dma_semaphore, #tpu.memory_space<semaphore_mem>>) src(%dma_wait3A_234 : memref<80x128xf32, #tpu.memory_space<vmem>>) dst(%dma_wait3A_240 : memref<10112x128xf32, #tpu.memory_space<vmem_shared>>)
    %add3A_241 = arith.constant 9920 : i32
    %add3A_242 = arith.addi %add3A, %add3A_241 : i32
    %multiple_of3A_243 = tpu.assume_multiple %add3A_242, 8 : i32
    %dma_start3A_244 = arith.constant 0 : i32
    %dma_start3A_245 = arith.constant 0 : i32
    %dma_start3A_246 = tpu.memref_slice %arg7[%dma_start3A_244, %dma_start3A_245] : memref<4x80xi32, #tpu.memory_space<vmem>> -> memref<1x80xi32, #tpu.memory_space<vmem>>
    %dma_start3A_247 = tpu.memref_squeeze %dma_start3A_246 : memref<1x80xi32, #tpu.memory_space<vmem>> -> memref<80xi32, #tpu.memory_space<vmem>>
    %dma_start3A_248 = tpu.memref_slice %arg3[%multiple_of3A_243] : memref<320000xi32, #tpu.memory_space<hbm>> -> memref<80xi32, #tpu.memory_space<hbm>>
    %dma_start3A_249 = arith.constant 0 : i32
    %dma_start3A_250 = tpu.memref_slice %arg7[%dma_start3A_244, %dma_start3A_249] : memref<4x80xi32, #tpu.memory_space<vmem>> -> memref<1x80xi32, #tpu.memory_space<vmem>>
    %dma_start3A_251 = tpu.memref_squeeze %dma_start3A_250 : memref<1x80xi32, #tpu.memory_space<vmem>> -> memref<80xi32, #tpu.memory_space<vmem>>
    %dma_start3A_252 = tpu.memref_slice %arg3[%multiple_of3A_243] : memref<320000xi32, #tpu.memory_space<hbm>> -> memref<80xi32, #tpu.memory_space<hbm>>
    tpu.enqueue_dma source(%dma_start3A_252 : memref<80xi32, #tpu.memory_space<hbm>>) target(%dma_start3A_251 : memref<80xi32, #tpu.memory_space<vmem>>) target_semaphore(%arg15 : memref<!tpu.dma_semaphore, #tpu.memory_space<semaphore_mem>>)
    %dma_start3A_253 = arith.constant 0 : i32
    %dma_start3A_254 = arith.constant 0 : i32
    %dma_start3A_255 = tpu.memref_slice %arg8[%dma_start3A_253, %dma_start3A_254] : memref<4x80xi32, #tpu.memory_space<vmem>> -> memref<1x80xi32, #tpu.memory_space<vmem>>
    %dma_start3A_256 = tpu.memref_squeeze %dma_start3A_255 : memref<1x80xi32, #tpu.memory_space<vmem>> -> memref<80xi32, #tpu.memory_space<vmem>>
    %dma_start3A_257 = tpu.memref_slice %arg4[%multiple_of3A_243] : memref<320000xi32, #tpu.memory_space<hbm>> -> memref<80xi32, #tpu.memory_space<hbm>>
    %dma_start3A_258 = arith.constant 0 : i32
    %dma_start3A_259 = tpu.memref_slice %arg8[%dma_start3A_253, %dma_start3A_258] : memref<4x80xi32, #tpu.memory_space<vmem>> -> memref<1x80xi32, #tpu.memory_space<vmem>>
    %dma_start3A_260 = tpu.memref_squeeze %dma_start3A_259 : memref<1x80xi32, #tpu.memory_space<vmem>> -> memref<80xi32, #tpu.memory_space<vmem>>
    %dma_start3A_261 = tpu.memref_slice %arg4[%multiple_of3A_243] : memref<320000xi32, #tpu.memory_space<hbm>> -> memref<80xi32, #tpu.memory_space<hbm>>
    tpu.enqueue_dma source(%dma_start3A_261 : memref<80xi32, #tpu.memory_space<hbm>>) target(%dma_start3A_260 : memref<80xi32, #tpu.memory_space<vmem>>) target_semaphore(%arg15 : memref<!tpu.dma_semaphore, #tpu.memory_space<semaphore_mem>>)
    %dma_wait3A_262 = arith.constant 3 : i32
    %dma_wait3A_263 = arith.constant 0 : i32
    %dma_wait3A_264 = tpu.memref_slice %arg7[%dma_wait3A_262, %dma_wait3A_263] : memref<4x80xi32, #tpu.memory_space<vmem>> -> memref<1x80xi32, #tpu.memory_space<vmem>>
    %dma_wait3A_265 = tpu.memref_squeeze %dma_wait3A_264 : memref<1x80xi32, #tpu.memory_space<vmem>> -> memref<80xi32, #tpu.memory_space<vmem>>
    %dma_wait3A_266 = tpu.memref_slice %arg3[%add3A] : memref<320000xi32, #tpu.memory_space<hbm>> -> memref<80xi32, #tpu.memory_space<hbm>>
    %dma_wait3A_267 = arith.constant 0 : i32
    %dma_wait3A_268 = tpu.memref_slice %arg7[%dma_wait3A_262, %dma_wait3A_267] : memref<4x80xi32, #tpu.memory_space<vmem>> -> memref<1x80xi32, #tpu.memory_space<vmem>>
    %dma_wait3A_269 = tpu.memref_squeeze %dma_wait3A_268 : memref<1x80xi32, #tpu.memory_space<vmem>> -> memref<80xi32, #tpu.memory_space<vmem>>
    %dma_wait3A_270 = tpu.memref_slice %arg3[%add3A] : memref<320000xi32, #tpu.memory_space<hbm>> -> memref<80xi32, #tpu.memory_space<hbm>>
    tpu.wait_dma2 semaphore(%arg18 : memref<!tpu.dma_semaphore, #tpu.memory_space<semaphore_mem>>) src(%dma_wait3A_270 : memref<80xi32, #tpu.memory_space<hbm>>) dst(%dma_wait3A_269 : memref<80xi32, #tpu.memory_space<vmem>>)
    %dma_wait3A_271 = arith.constant 3 : i32
    %dma_wait3A_272 = arith.constant 0 : i32
    %dma_wait3A_273 = tpu.memref_slice %arg8[%dma_wait3A_271, %dma_wait3A_272] : memref<4x80xi32, #tpu.memory_space<vmem>> -> memref<1x80xi32, #tpu.memory_space<vmem>>
    %dma_wait3A_274 = tpu.memref_squeeze %dma_wait3A_273 : memref<1x80xi32, #tpu.memory_space<vmem>> -> memref<80xi32, #tpu.memory_space<vmem>>
    %dma_wait3A_275 = tpu.memref_slice %arg4[%add3A] : memref<320000xi32, #tpu.memory_space<hbm>> -> memref<80xi32, #tpu.memory_space<hbm>>
    %dma_wait3A_276 = arith.constant 0 : i32
    %dma_wait3A_277 = tpu.memref_slice %arg8[%dma_wait3A_271, %dma_wait3A_276] : memref<4x80xi32, #tpu.memory_space<vmem>> -> memref<1x80xi32, #tpu.memory_space<vmem>>
    %dma_wait3A_278 = tpu.memref_squeeze %dma_wait3A_277 : memref<1x80xi32, #tpu.memory_space<vmem>> -> memref<80xi32, #tpu.memory_space<vmem>>
    %dma_wait3A_279 = tpu.memref_slice %arg4[%add3A] : memref<320000xi32, #tpu.memory_space<hbm>> -> memref<80xi32, #tpu.memory_space<hbm>>
    tpu.wait_dma2 semaphore(%arg18 : memref<!tpu.dma_semaphore, #tpu.memory_space<semaphore_mem>>) src(%dma_wait3A_279 : memref<80xi32, #tpu.memory_space<hbm>>) dst(%dma_wait3A_278 : memref<80xi32, #tpu.memory_space<vmem>>)
    %dma_start3A_280 = arith.constant 3 : i32
    %dma_start3A_281 = arith.constant 3 : i32
    %dma_start3A_282 = arith.constant 0 : i32
    %dma_start3A_283 = arith.constant 0 : i32
    %dma_start3A_284 = tpu.memref_slice %arg9[%dma_start3A_281, %dma_start3A_282, %dma_start3A_283] : memref<4x80x128xf32, #tpu.memory_space<vmem>> -> memref<1x80x128xf32, #tpu.memory_space<vmem>>
    %dma_start3A_285 = tpu.memref_squeeze %dma_start3A_284 : memref<1x80x128xf32, #tpu.memory_space<vmem>> -> memref<80x128xf32, #tpu.memory_space<vmem>>
    %dma_start3A_286 = arith.constant 0 : i32
    %dma_start3A_287 = tpu.memref_slice %arg7[%dma_start3A_280, %dma_start3A_286] : memref<4x80xi32, #tpu.memory_space<vmem>> -> memref<1x80xi32, #tpu.memory_space<vmem>>
    %dma_start3A_288 = tpu.memref_squeeze %dma_start3A_287 : memref<1x80xi32, #tpu.memory_space<vmem>> -> memref<80xi32, #tpu.memory_space<vmem>>
    %dma_start3A_289 = arith.constant 0 : i32
    %dma_start3A_290 = arith.constant 0 : i32
    %dma_start3A_291 = tpu.memref_slice %arg2[%dma_start3A_289, %dma_start3A_290] : memref<10000x128xf32, #tpu.memory_space<hbm>> -> memref<10000x128xf32, #tpu.memory_space<hbm>>
    tpu.enqueue_indirect_dma source(%dma_start3A_291 : memref<10000x128xf32, #tpu.memory_space<hbm>>) target(%dma_start3A_285 : memref<80x128xf32, #tpu.memory_space<vmem>>) offsets(%dma_start3A_288 : memref<80xi32, #tpu.memory_space<vmem>>) semaphore(%arg14 : memref<!tpu.dma_semaphore, #tpu.memory_space<semaphore_mem>>)
    %dma_wait3A_292 = arith.constant 2 : i32
    %dma_wait3A_293 = arith.constant 2 : i32
    %dma_wait3A_294 = arith.constant 0 : i32
    %dma_wait3A_295 = arith.constant 0 : i32
    %dma_wait3A_296 = tpu.memref_slice %arg9[%dma_wait3A_293, %dma_wait3A_294, %dma_wait3A_295] : memref<4x80x128xf32, #tpu.memory_space<vmem>> -> memref<1x80x128xf32, #tpu.memory_space<vmem>>
    %dma_wait3A_297 = tpu.memref_squeeze %dma_wait3A_296 : memref<1x80x128xf32, #tpu.memory_space<vmem>> -> memref<80x128xf32, #tpu.memory_space<vmem>>
    %dma_wait3A_298 = arith.constant 0 : i32
    %dma_wait3A_299 = tpu.memref_slice %arg7[%dma_wait3A_292, %dma_wait3A_298] : memref<4x80xi32, #tpu.memory_space<vmem>> -> memref<1x80xi32, #tpu.memory_space<vmem>>
    %dma_wait3A_300 = tpu.memref_squeeze %dma_wait3A_299 : memref<1x80xi32, #tpu.memory_space<vmem>> -> memref<80xi32, #tpu.memory_space<vmem>>
    %dma_wait3A_301 = arith.constant 0 : i32
    %dma_wait3A_302 = arith.constant 0 : i32
    %dma_wait3A_303 = tpu.memref_slice %arg2[%dma_wait3A_301, %dma_wait3A_302] : memref<10000x128xf32, #tpu.memory_space<hbm>> -> memref<10000x128xf32, #tpu.memory_space<hbm>>
    tpu.wait_indirect_dma semaphore(%arg13 : memref<!tpu.dma_semaphore, #tpu.memory_space<semaphore_mem>>) src(%dma_wait3A_303 : memref<10000x128xf32, #tpu.memory_space<hbm>>) dst(%dma_wait3A_297 : memref<80x128xf32, #tpu.memory_space<vmem>>)
    %dma_start3A_304 = arith.constant 2 : i32
    %dma_start3A_305 = arith.constant 2 : i32
    %dma_start3A_306 = arith.constant 0 : i32
    %dma_start3A_307 = arith.constant 0 : i32
    %dma_start3A_308 = tpu.memref_slice %arg9[%dma_start3A_304, %dma_start3A_306, %dma_start3A_307] : memref<4x80x128xf32, #tpu.memory_space<vmem>> -> memref<1x80x128xf32, #tpu.memory_space<vmem>>
    %dma_start3A_309 = tpu.memref_squeeze %dma_start3A_308 : memref<1x80x128xf32, #tpu.memory_space<vmem>> -> memref<80x128xf32, #tpu.memory_space<vmem>>
    %dma_start3A_310 = arith.constant 0 : i32
    %dma_start3A_311 = tpu.memref_slice %arg8[%dma_start3A_305, %dma_start3A_310] : memref<4x80xi32, #tpu.memory_space<vmem>> -> memref<1x80xi32, #tpu.memory_space<vmem>>
    %dma_start3A_312 = tpu.memref_squeeze %dma_start3A_311 : memref<1x80xi32, #tpu.memory_space<vmem>> -> memref<80xi32, #tpu.memory_space<vmem>>
    %dma_start3A_313 = arith.constant 0 : i32
    %dma_start3A_314 = arith.constant 0 : i32
    %dma_start3A_315 = tpu.memref_slice %arg10[%dma_start3A_313, %dma_start3A_314] : memref<10112x128xf32, #tpu.memory_space<vmem_shared>> -> memref<10112x128xf32, #tpu.memory_space<vmem_shared>>
    tpu.enqueue_indirect_dma source(%dma_start3A_309 : memref<80x128xf32, #tpu.memory_space<vmem>>) target(%dma_start3A_315 : memref<10112x128xf32, #tpu.memory_space<vmem_shared>>) offsets(%dma_start3A_312 : memref<80xi32, #tpu.memory_space<vmem>>) semaphore(%arg21 : memref<!tpu.dma_semaphore, #tpu.memory_space<semaphore_mem>>) {add = true}
    %dma_wait3A_316 = arith.constant 1 : i32
    %dma_wait3A_317 = arith.constant 1 : i32
    %dma_wait3A_318 = arith.constant 0 : i32
    %dma_wait3A_319 = arith.constant 0 : i32
    %dma_wait3A_320 = tpu.memref_slice %arg9[%dma_wait3A_316, %dma_wait3A_318, %dma_wait3A_319] : memref<4x80x128xf32, #tpu.memory_space<vmem>> -> memref<1x80x128xf32, #tpu.memory_space<vmem>>
    %dma_wait3A_321 = tpu.memref_squeeze %dma_wait3A_320 : memref<1x80x128xf32, #tpu.memory_space<vmem>> -> memref<80x128xf32, #tpu.memory_space<vmem>>
    %dma_wait3A_322 = arith.constant 0 : i32
    %dma_wait3A_323 = tpu.memref_slice %arg8[%dma_wait3A_317, %dma_wait3A_322] : memref<4x80xi32, #tpu.memory_space<vmem>> -> memref<1x80xi32, #tpu.memory_space<vmem>>
    %dma_wait3A_324 = tpu.memref_squeeze %dma_wait3A_323 : memref<1x80xi32, #tpu.memory_space<vmem>> -> memref<80xi32, #tpu.memory_space<vmem>>
    %dma_wait3A_325 = arith.constant 0 : i32
    %dma_wait3A_326 = arith.constant 0 : i32
    %dma_wait3A_327 = tpu.memref_slice %arg10[%dma_wait3A_325, %dma_wait3A_326] : memref<10112x128xf32, #tpu.memory_space<vmem_shared>> -> memref<10112x128xf32, #tpu.memory_space<vmem_shared>>
    tpu.wait_indirect_dma semaphore(%arg20 : memref<!tpu.dma_semaphore, #tpu.memory_space<semaphore_mem>>) src(%dma_wait3A_321 : memref<80x128xf32, #tpu.memory_space<vmem>>) dst(%dma_wait3A_327 : memref<10112x128xf32, #tpu.memory_space<vmem_shared>>)
    %dma_wait3A_328 = arith.constant 0 : i32
    %dma_wait3A_329 = arith.constant 0 : i32
    %dma_wait3A_330 = tpu.memref_slice %arg7[%dma_wait3A_328, %dma_wait3A_329] : memref<4x80xi32, #tpu.memory_space<vmem>> -> memref<1x80xi32, #tpu.memory_space<vmem>>
    %dma_wait3A_331 = tpu.memref_squeeze %dma_wait3A_330 : memref<1x80xi32, #tpu.memory_space<vmem>> -> memref<80xi32, #tpu.memory_space<vmem>>
    %dma_wait3A_332 = tpu.memref_slice %arg3[%add3A] : memref<320000xi32, #tpu.memory_space<hbm>> -> memref<80xi32, #tpu.memory_space<hbm>>
    %dma_wait3A_333 = arith.constant 0 : i32
    %dma_wait3A_334 = tpu.memref_slice %arg7[%dma_wait3A_328, %dma_wait3A_333] : memref<4x80xi32, #tpu.memory_space<vmem>> -> memref<1x80xi32, #tpu.memory_space<vmem>>
    %dma_wait3A_335 = tpu.memref_squeeze %dma_wait3A_334 : memref<1x80xi32, #tpu.memory_space<vmem>> -> memref<80xi32, #tpu.memory_space<vmem>>
    %dma_wait3A_336 = tpu.memref_slice %arg3[%add3A] : memref<320000xi32, #tpu.memory_space<hbm>> -> memref<80xi32, #tpu.memory_space<hbm>>
    tpu.wait_dma2 semaphore(%arg15 : memref<!tpu.dma_semaphore, #tpu.memory_space<semaphore_mem>>) src(%dma_wait3A_336 : memref<80xi32, #tpu.memory_space<hbm>>) dst(%dma_wait3A_335 : memref<80xi32, #tpu.memory_space<vmem>>)
    %dma_wait3A_337 = arith.constant 0 : i32
    %dma_wait3A_338 = arith.constant 0 : i32
    %dma_wait3A_339 = tpu.memref_slice %arg8[%dma_wait3A_337, %dma_wait3A_338] : memref<4x80xi32, #tpu.memory_space<vmem>> -> memref<1x80xi32, #tpu.memory_space<vmem>>
    %dma_wait3A_340 = tpu.memref_squeeze %dma_wait3A_339 : memref<1x80xi32, #tpu.memory_space<vmem>> -> memref<80xi32, #tpu.memory_space<vmem>>
    %dma_wait3A_341 = tpu.memref_slice %arg4[%add3A] : memref<320000xi32, #tpu.memory_space<hbm>> -> memref<80xi32, #tpu.memory_space<hbm>>
    %dma_wait3A_342 = arith.constant 0 : i32
    %dma_wait3A_343 = tpu.memref_slice %arg8[%dma_wait3A_337, %dma_wait3A_342] : memref<4x80xi32, #tpu.memory_space<vmem>> -> memref<1x80xi32, #tpu.memory_space<vmem>>
    %dma_wait3A_344 = tpu.memref_squeeze %dma_wait3A_343 : memref<1x80xi32, #tpu.memory_space<vmem>> -> memref<80xi32, #tpu.memory_space<vmem>>
    %dma_wait3A_345 = tpu.memref_slice %arg4[%add3A] : memref<320000xi32, #tpu.memory_space<hbm>> -> memref<80xi32, #tpu.memory_space<hbm>>
    tpu.wait_dma2 semaphore(%arg15 : memref<!tpu.dma_semaphore, #tpu.memory_space<semaphore_mem>>) src(%dma_wait3A_345 : memref<80xi32, #tpu.memory_space<hbm>>) dst(%dma_wait3A_344 : memref<80xi32, #tpu.memory_space<vmem>>)
    %dma_start3A_346 = arith.constant 0 : i32
    %dma_start3A_347 = arith.constant 0 : i32
    %dma_start3A_348 = arith.constant 0 : i32
    %dma_start3A_349 = arith.constant 0 : i32
    %dma_start3A_350 = tpu.memref_slice %arg9[%dma_start3A_347, %dma_start3A_348, %dma_start3A_349] : memref<4x80x128xf32, #tpu.memory_space<vmem>> -> memref<1x80x128xf32, #tpu.memory_space<vmem>>
    %dma_start3A_351 = tpu.memref_squeeze %dma_start3A_350 : memref<1x80x128xf32, #tpu.memory_space<vmem>> -> memref<80x128xf32, #tpu.memory_space<vmem>>
    %dma_start3A_352 = arith.constant 0 : i32
    %dma_start3A_353 = tpu.memref_slice %arg7[%dma_start3A_346, %dma_start3A_352] : memref<4x80xi32, #tpu.memory_space<vmem>> -> memref<1x80xi32, #tpu.memory_space<vmem>>
    %dma_start3A_354 = tpu.memref_squeeze %dma_start3A_353 : memref<1x80xi32, #tpu.memory_space<vmem>> -> memref<80xi32, #tpu.memory_space<vmem>>
    %dma_start3A_355 = arith.constant 0 : i32
    %dma_start3A_356 = arith.constant 0 : i32
    %dma_start3A_357 = tpu.memref_slice %arg2[%dma_start3A_355, %dma_start3A_356] : memref<10000x128xf32, #tpu.memory_space<hbm>> -> memref<10000x128xf32, #tpu.memory_space<hbm>>
    tpu.enqueue_indirect_dma source(%dma_start3A_357 : memref<10000x128xf32, #tpu.memory_space<hbm>>) target(%dma_start3A_351 : memref<80x128xf32, #tpu.memory_space<vmem>>) offsets(%dma_start3A_354 : memref<80xi32, #tpu.memory_space<vmem>>) semaphore(%arg11 : memref<!tpu.dma_semaphore, #tpu.memory_space<semaphore_mem>>)
    %dma_wait3A_358 = arith.constant 3 : i32
    %dma_wait3A_359 = arith.constant 3 : i32
    %dma_wait3A_360 = arith.constant 0 : i32
    %dma_wait3A_361 = arith.constant 0 : i32
    %dma_wait3A_362 = tpu.memref_slice %arg9[%dma_wait3A_359, %dma_wait3A_360, %dma_wait3A_361] : memref<4x80x128xf32, #tpu.memory_space<vmem>> -> memref<1x80x128xf32, #tpu.memory_space<vmem>>
    %dma_wait3A_363 = tpu.memref_squeeze %dma_wait3A_362 : memref<1x80x128xf32, #tpu.memory_space<vmem>> -> memref<80x128xf32, #tpu.memory_space<vmem>>
    %dma_wait3A_364 = arith.constant 0 : i32
    %dma_wait3A_365 = tpu.memref_slice %arg7[%dma_wait3A_358, %dma_wait3A_364] : memref<4x80xi32, #tpu.memory_space<vmem>> -> memref<1x80xi32, #tpu.memory_space<vmem>>
    %dma_wait3A_366 = tpu.memref_squeeze %dma_wait3A_365 : memref<1x80xi32, #tpu.memory_space<vmem>> -> memref<80xi32, #tpu.memory_space<vmem>>
    %dma_wait3A_367 = arith.constant 0 : i32
    %dma_wait3A_368 = arith.constant 0 : i32
    %dma_wait3A_369 = tpu.memref_slice %arg2[%dma_wait3A_367, %dma_wait3A_368] : memref<10000x128xf32, #tpu.memory_space<hbm>> -> memref<10000x128xf32, #tpu.memory_space<hbm>>
    tpu.wait_indirect_dma semaphore(%arg14 : memref<!tpu.dma_semaphore, #tpu.memory_space<semaphore_mem>>) src(%dma_wait3A_369 : memref<10000x128xf32, #tpu.memory_space<hbm>>) dst(%dma_wait3A_363 : memref<80x128xf32, #tpu.memory_space<vmem>>)
    %dma_start3A_370 = arith.constant 3 : i32
    %dma_start3A_371 = arith.constant 3 : i32
    %dma_start3A_372 = arith.constant 0 : i32
    %dma_start3A_373 = arith.constant 0 : i32
    %dma_start3A_374 = tpu.memref_slice %arg9[%dma_start3A_370, %dma_start3A_372, %dma_start3A_373] : memref<4x80x128xf32, #tpu.memory_space<vmem>> -> memref<1x80x128xf32, #tpu.memory_space<vmem>>
    %dma_start3A_375 = tpu.memref_squeeze %dma_start3A_374 : memref<1x80x128xf32, #tpu.memory_space<vmem>> -> memref<80x128xf32, #tpu.memory_space<vmem>>
    %dma_start3A_376 = arith.constant 0 : i32
    %dma_start3A_377 = tpu.memref_slice %arg8[%dma_start3A_371, %dma_start3A_376] : memref<4x80xi32, #tpu.memory_space<vmem>> -> memref<1x80xi32, #tpu.memory_space<vmem>>
    %dma_start3A_378 = tpu.memref_squeeze %dma_start3A_377 : memref<1x80xi32, #tpu.memory_space<vmem>> -> memref<80xi32, #tpu.memory_space<vmem>>
    %dma_start3A_379 = arith.constant 0 : i32
    %dma_start3A_380 = arith.constant 0 : i32
    %dma_start3A_381 = tpu.memref_slice %arg10[%dma_start3A_379, %dma_start3A_380] : memref<10112x128xf32, #tpu.memory_space<vmem_shared>> -> memref<10112x128xf32, #tpu.memory_space<vmem_shared>>
    tpu.enqueue_indirect_dma source(%dma_start3A_375 : memref<80x128xf32, #tpu.memory_space<vmem>>) target(%dma_start3A_381 : memref<10112x128xf32, #tpu.memory_space<vmem_shared>>) offsets(%dma_start3A_378 : memref<80xi32, #tpu.memory_space<vmem>>) semaphore(%arg22 : memref<!tpu.dma_semaphore, #tpu.memory_space<semaphore_mem>>) {add = true}
    %dma_wait3A_382 = arith.constant 2 : i32
    %dma_wait3A_383 = arith.constant 2 : i32
    %dma_wait3A_384 = arith.constant 0 : i32
    %dma_wait3A_385 = arith.constant 0 : i32
    %dma_wait3A_386 = tpu.memref_slice %arg9[%dma_wait3A_382, %dma_wait3A_384, %dma_wait3A_385] : memref<4x80x128xf32, #tpu.memory_space<vmem>> -> memref<1x80x128xf32, #tpu.memory_space<vmem>>
    %dma_wait3A_387 = tpu.memref_squeeze %dma_wait3A_386 : memref<1x80x128xf32, #tpu.memory_space<vmem>> -> memref<80x128xf32, #tpu.memory_space<vmem>>
    %dma_wait3A_388 = arith.constant 0 : i32
    %dma_wait3A_389 = tpu.memref_slice %arg8[%dma_wait3A_383, %dma_wait3A_388] : memref<4x80xi32, #tpu.memory_space<vmem>> -> memref<1x80xi32, #tpu.memory_space<vmem>>
    %dma_wait3A_390 = tpu.memref_squeeze %dma_wait3A_389 : memref<1x80xi32, #tpu.memory_space<vmem>> -> memref<80xi32, #tpu.memory_space<vmem>>
    %dma_wait3A_391 = arith.constant 0 : i32
    %dma_wait3A_392 = arith.constant 0 : i32
    %dma_wait3A_393 = tpu.memref_slice %arg10[%dma_wait3A_391, %dma_wait3A_392] : memref<10112x128xf32, #tpu.memory_space<vmem_shared>> -> memref<10112x128xf32, #tpu.memory_space<vmem_shared>>
    tpu.wait_indirect_dma semaphore(%arg21 : memref<!tpu.dma_semaphore, #tpu.memory_space<semaphore_mem>>) src(%dma_wait3A_387 : memref<80x128xf32, #tpu.memory_space<vmem>>) dst(%dma_wait3A_393 : memref<10112x128xf32, #tpu.memory_space<vmem_shared>>)
    %dma_wait3A_394 = arith.constant 0 : i32
    %dma_wait3A_395 = arith.constant 0 : i32
    %dma_wait3A_396 = arith.constant 0 : i32
    %dma_wait3A_397 = arith.constant 0 : i32
    %dma_wait3A_398 = tpu.memref_slice %arg9[%dma_wait3A_395, %dma_wait3A_396, %dma_wait3A_397] : memref<4x80x128xf32, #tpu.memory_space<vmem>> -> memref<1x80x128xf32, #tpu.memory_space<vmem>>
    %dma_wait3A_399 = tpu.memref_squeeze %dma_wait3A_398 : memref<1x80x128xf32, #tpu.memory_space<vmem>> -> memref<80x128xf32, #tpu.memory_space<vmem>>
    %dma_wait3A_400 = arith.constant 0 : i32
    %dma_wait3A_401 = tpu.memref_slice %arg7[%dma_wait3A_394, %dma_wait3A_400] : memref<4x80xi32, #tpu.memory_space<vmem>> -> memref<1x80xi32, #tpu.memory_space<vmem>>
    %dma_wait3A_402 = tpu.memref_squeeze %dma_wait3A_401 : memref<1x80xi32, #tpu.memory_space<vmem>> -> memref<80xi32, #tpu.memory_space<vmem>>
    %dma_wait3A_403 = arith.constant 0 : i32
    %dma_wait3A_404 = arith.constant 0 : i32
    %dma_wait3A_405 = tpu.memref_slice %arg2[%dma_wait3A_403, %dma_wait3A_404] : memref<10000x128xf32, #tpu.memory_space<hbm>> -> memref<10000x128xf32, #tpu.memory_space<hbm>>
    tpu.wait_indirect_dma semaphore(%arg11 : memref<!tpu.dma_semaphore, #tpu.memory_space<semaphore_mem>>) src(%dma_wait3A_405 : memref<10000x128xf32, #tpu.memory_space<hbm>>) dst(%dma_wait3A_399 : memref<80x128xf32, #tpu.memory_space<vmem>>)
    %dma_start3A_406 = arith.constant 0 : i32
    %dma_start3A_407 = arith.constant 0 : i32
    %dma_start3A_408 = arith.constant 0 : i32
    %dma_start3A_409 = arith.constant 0 : i32
    %dma_start3A_410 = tpu.memref_slice %arg9[%dma_start3A_406, %dma_start3A_408, %dma_start3A_409] : memref<4x80x128xf32, #tpu.memory_space<vmem>> -> memref<1x80x128xf32, #tpu.memory_space<vmem>>
    %dma_start3A_411 = tpu.memref_squeeze %dma_start3A_410 : memref<1x80x128xf32, #tpu.memory_space<vmem>> -> memref<80x128xf32, #tpu.memory_space<vmem>>
    %dma_start3A_412 = arith.constant 0 : i32
    %dma_start3A_413 = tpu.memref_slice %arg8[%dma_start3A_407, %dma_start3A_412] : memref<4x80xi32, #tpu.memory_space<vmem>> -> memref<1x80xi32, #tpu.memory_space<vmem>>
    %dma_start3A_414 = tpu.memref_squeeze %dma_start3A_413 : memref<1x80xi32, #tpu.memory_space<vmem>> -> memref<80xi32, #tpu.memory_space<vmem>>
    %dma_start3A_415 = arith.constant 0 : i32
    %dma_start3A_416 = arith.constant 0 : i32
    %dma_start3A_417 = tpu.memref_slice %arg10[%dma_start3A_415, %dma_start3A_416] : memref<10112x128xf32, #tpu.memory_space<vmem_shared>> -> memref<10112x128xf32, #tpu.memory_space<vmem_shared>>
    tpu.enqueue_indirect_dma source(%dma_start3A_411 : memref<80x128xf32, #tpu.memory_space<vmem>>) target(%dma_start3A_417 : memref<10112x128xf32, #tpu.memory_space<vmem_shared>>) offsets(%dma_start3A_414 : memref<80xi32, #tpu.memory_space<vmem>>) semaphore(%arg19 : memref<!tpu.dma_semaphore, #tpu.memory_space<semaphore_mem>>) {add = true}
    %dma_wait3A_418 = arith.constant 3 : i32
    %dma_wait3A_419 = arith.constant 3 : i32
    %dma_wait3A_420 = arith.constant 0 : i32
    %dma_wait3A_421 = arith.constant 0 : i32
    %dma_wait3A_422 = tpu.memref_slice %arg9[%dma_wait3A_418, %dma_wait3A_420, %dma_wait3A_421] : memref<4x80x128xf32, #tpu.memory_space<vmem>> -> memref<1x80x128xf32, #tpu.memory_space<vmem>>
    %dma_wait3A_423 = tpu.memref_squeeze %dma_wait3A_422 : memref<1x80x128xf32, #tpu.memory_space<vmem>> -> memref<80x128xf32, #tpu.memory_space<vmem>>
    %dma_wait3A_424 = arith.constant 0 : i32
    %dma_wait3A_425 = tpu.memref_slice %arg8[%dma_wait3A_419, %dma_wait3A_424] : memref<4x80xi32, #tpu.memory_space<vmem>> -> memref<1x80xi32, #tpu.memory_space<vmem>>
    %dma_wait3A_426 = tpu.memref_squeeze %dma_wait3A_425 : memref<1x80xi32, #tpu.memory_space<vmem>> -> memref<80xi32, #tpu.memory_space<vmem>>
    %dma_wait3A_427 = arith.constant 0 : i32
    %dma_wait3A_428 = arith.constant 0 : i32
    %dma_wait3A_429 = tpu.memref_slice %arg10[%dma_wait3A_427, %dma_wait3A_428] : memref<10112x128xf32, #tpu.memory_space<vmem_shared>> -> memref<10112x128xf32, #tpu.memory_space<vmem_shared>>
    tpu.wait_indirect_dma semaphore(%arg22 : memref<!tpu.dma_semaphore, #tpu.memory_space<semaphore_mem>>) src(%dma_wait3A_423 : memref<80x128xf32, #tpu.memory_space<vmem>>) dst(%dma_wait3A_429 : memref<10112x128xf32, #tpu.memory_space<vmem_shared>>)
    %dma_wait3A_430 = arith.constant 0 : i32
    %dma_wait3A_431 = arith.constant 0 : i32
    %dma_wait3A_432 = arith.constant 0 : i32
    %dma_wait3A_433 = arith.constant 0 : i32
    %dma_wait3A_434 = tpu.memref_slice %arg9[%dma_wait3A_430, %dma_wait3A_432, %dma_wait3A_433] : memref<4x80x128xf32, #tpu.memory_space<vmem>> -> memref<1x80x128xf32, #tpu.memory_space<vmem>>
    %dma_wait3A_435 = tpu.memref_squeeze %dma_wait3A_434 : memref<1x80x128xf32, #tpu.memory_space<vmem>> -> memref<80x128xf32, #tpu.memory_space<vmem>>
    %dma_wait3A_436 = arith.constant 0 : i32
    %dma_wait3A_437 = tpu.memref_slice %arg8[%dma_wait3A_431, %dma_wait3A_436] : memref<4x80xi32, #tpu.memory_space<vmem>> -> memref<1x80xi32, #tpu.memory_space<vmem>>
    %dma_wait3A_438 = tpu.memref_squeeze %dma_wait3A_437 : memref<1x80xi32, #tpu.memory_space<vmem>> -> memref<80xi32, #tpu.memory_space<vmem>>
    %dma_wait3A_439 = arith.constant 0 : i32
    %dma_wait3A_440 = arith.constant 0 : i32
    %dma_wait3A_441 = tpu.memref_slice %arg10[%dma_wait3A_439, %dma_wait3A_440] : memref<10112x128xf32, #tpu.memory_space<vmem_shared>> -> memref<10112x128xf32, #tpu.memory_space<vmem_shared>>
    tpu.wait_indirect_dma semaphore(%arg19 : memref<!tpu.dma_semaphore, #tpu.memory_space<semaphore_mem>>) src(%dma_wait3A_435 : memref<80x128xf32, #tpu.memory_space<vmem>>) dst(%dma_wait3A_441 : memref<10112x128xf32, #tpu.memory_space<vmem_shared>>)
    %barrier3A_442 = arith.constant 0 : index
    tpu.barrier barrier_id(%barrier3A_442)
    %mul3A_443 = arith.constant 10112 : i32
    %mul3A_444 = arith.muli %arg0, %mul3A_443 : i32
    %add3A_445 = arith.addi %mul3A_444, %mul3A_0 : i32
    "tpu.region"() ({
      %run_scoped3A = tpu.sem_alloc : memref<!tpu.dma_semaphore, #tpu.memory_space<semaphore_mem>>
      %dma_start3A_446 = arith.constant 0 : i32
      %dma_start3A_447 = tpu.memref_slice %arg6[%add3A_445, %dma_start3A_446] : memref<20224x128xf32, #tpu.memory_space<hbm>> -> memref<632x128xf32, #tpu.memory_space<hbm>>
      %dma_start3A_448 = arith.constant 0 : i32
      %dma_start3A_449 = tpu.memref_slice %arg10[%mul3A_0, %dma_start3A_448] : memref<10112x128xf32, #tpu.memory_space<vmem_shared>> -> memref<632x128xf32, #tpu.memory_space<vmem_shared>>
      tpu.enqueue_dma source(%dma_start3A_449 : memref<632x128xf32, #tpu.memory_space<vmem_shared>>) target(%dma_start3A_447 : memref<632x128xf32, #tpu.memory_space<hbm>>) target_semaphore(%run_scoped3A : memref<!tpu.dma_semaphore, #tpu.memory_space<semaphore_mem>>)
      %dma_wait3A_450 = arith.constant 0 : i32
      %dma_wait3A_451 = tpu.memref_slice %arg6[%add3A_445, %dma_wait3A_450] : memref<20224x128xf32, #tpu.memory_space<hbm>> -> memref<632x128xf32, #tpu.memory_space<hbm>>
      %dma_wait3A_452 = arith.constant 0 : i32
      %dma_wait3A_453 = tpu.memref_slice %arg10[%mul3A_0, %dma_wait3A_452] : memref<10112x128xf32, #tpu.memory_space<vmem_shared>> -> memref<632x128xf32, #tpu.memory_space<vmem_shared>>
      tpu.wait_dma2 semaphore(%run_scoped3A : memref<!tpu.dma_semaphore, #tpu.memory_space<semaphore_mem>>) src(%dma_wait3A_453 : memref<632x128xf32, #tpu.memory_space<vmem_shared>>) dst(%dma_wait3A_451 : memref<632x128xf32, #tpu.memory_space<hbm>>)
      tpu.yield
    }) : () -> ()
    return
  }
}

module attributes {stable_mosaic.version = 14 : i64} {
  func.func @_tc1a_body(%arg0: i32, %arg1: memref<5000x128xf32, #tpu.memory_space<vmem>>, %arg2: memref<128x128xf32, #tpu.memory_space<vmem>>, %arg3: memref<5000x128xf32, #tpu.memory_space<vmem>>) attributes {dimension_semantics = [#tpu.dimension_semantics<arbitrary>], iteration_bounds = array<i64: 2>, scalar_prefetch = 0 : i64, scratch_operands = 0 : i64, tpu.core_type = #tpu.core_type<tc>, window_params = [{transform_indices = @transform_0, window_bounds = array<i64: 5000, 128>}, {pipeline_mode = #tpu.pipeline_mode<synchronous>, transform_indices = @transform_1, window_bounds = array<i64: 128, 128>}, {transform_indices = @transform_2, window_bounds = array<i64: 5000, 128>}]} {
    %get3A = arith.constant 0 : index
    %get3A_0 = arith.constant 0 : index
    %get3A_1 = vector.load %arg1[%get3A, %get3A_0] : memref<5000x128xf32, #tpu.memory_space<vmem>>, vector<5000x128xf32>
    %get3A_2 = arith.constant 0 : index
    %get3A_3 = arith.constant 0 : index
    %get3A_4 = vector.load %arg2[%get3A_2, %get3A_3] : memref<128x128xf32, #tpu.memory_space<vmem>>, vector<128x128xf32>
    %dot_general3A = arith.constant dense<0.000000e+00> : vector<5000x128xf32>
    %dot_general3A_5 = tpu.matmul %get3A_1, %get3A_4, %dot_general3A {dimension_numbers = #tpu.dot_dimension_numbers<[1], [0], [0], [1], [0, 0, 1, 1], [], []>, transpose_lhs_hint = false} : vector<5000x128xf32>, vector<128x128xf32>, vector<5000x128xf32> -> vector<5000x128xf32>
    %swap3A = arith.constant 0 : index
    %swap3A_6 = arith.constant 0 : index
    %swap3A_7 = vector.load %arg3[%swap3A, %swap3A_6] : memref<5000x128xf32, #tpu.memory_space<vmem>>, vector<5000x128xf32>
    tpu.vector_store %arg3[%swap3A, %swap3A_6], %dot_general3A_5 {strides = array<i32>} : memref<5000x128xf32, #tpu.memory_space<vmem>>, vector<5000x128xf32>,
    return
  }
  func.func @transform_0(%arg0: i32) -> (i32, i32) {
    %c0_i32 = arith.constant 0 : i32
    %c0_i32_0 = arith.constant 0 : i32
    return %arg0, %c0_i32 : i32, i32
  }
  func.func @transform_1(%arg0: i32) -> (i32, i32) {
    %c0_i32 = arith.constant 0 : i32
    %c0_i32_0 = arith.constant 0 : i32
    %c0_i32_1 = arith.constant 0 : i32
    return %c0_i32, %c0_i32_0 : i32, i32
  }
  func.func @transform_2(%arg0: i32) -> (i32, i32) {
    %c0_i32 = arith.constant 0 : i32
    %c0_i32_0 = arith.constant 0 : i32
    return %arg0, %c0_i32 : i32, i32
  }
}

module attributes {stable_mosaic.version = 14 : i64} {
  func.func @_tc1b_body(%arg0: i32, %arg1: memref<5000x1xf32, #tpu.memory_space<vmem>>, %arg2: memref<5000x1xf32, #tpu.memory_space<vmem>>, %arg3: memref<5000x128xf32, #tpu.memory_space<vmem>>, %arg4: memref<5000x1xf32, #tpu.memory_space<vmem>>, %arg5: memref<5000x128xf32, #tpu.memory_space<vmem>>) attributes {dimension_semantics = [#tpu.dimension_semantics<arbitrary>], iteration_bounds = array<i64: 2>, scalar_prefetch = 0 : i64, scratch_operands = 0 : i64, tpu.core_type = #tpu.core_type<tc>, window_params = [{transform_indices = @transform_0, window_bounds = array<i64: 5000, 1>}, {transform_indices = @transform_1, window_bounds = array<i64: 5000, 1>}, {transform_indices = @transform_2, window_bounds = array<i64: 5000, 128>}, {transform_indices = @transform_3, window_bounds = array<i64: 5000, 1>}, {transform_indices = @transform_4, window_bounds = array<i64: 5000, 128>}]} {
    %get3A = arith.constant 0 : index
    %get3A_0 = arith.constant 0 : index
    %get3A_1 = vector.load %arg1[%get3A, %get3A_0] : memref<5000x1xf32, #tpu.memory_space<vmem>>, vector<5000x1xf32>
    %get3A_2 = arith.constant 0 : index
    %get3A_3 = arith.constant 0 : index
    %get3A_4 = vector.load %arg2[%get3A_2, %get3A_3] : memref<5000x1xf32, #tpu.memory_space<vmem>>, vector<5000x1xf32>
    %add3A = arith.addf %get3A_1, %get3A_4 : vector<5000x1xf32>
    %add3A_5 = arith.constant 1.000000e+00 : f32
    %add3A_6 = vector.broadcast %add3A_5 : f32 to vector<5000x1xf32>
    %add3A_7 = arith.addf %add3A, %add3A_6 : vector<5000x1xf32>
    %rsqrt3A = math.rsqrt %add3A_7 : vector<5000x1xf32>
    %swap3A = arith.constant 0 : index
    %swap3A_8 = arith.constant 0 : index
    %swap3A_9 = vector.load %arg4[%swap3A, %swap3A_8] : memref<5000x1xf32, #tpu.memory_space<vmem>>, vector<5000x1xf32>
    tpu.vector_store %arg4[%swap3A, %swap3A_8], %rsqrt3A {strides = array<i32>} : memref<5000x1xf32, #tpu.memory_space<vmem>>, vector<5000x1xf32>,
    %get3A_10 = arith.constant 0 : index
    %get3A_11 = arith.constant 0 : index
    %get3A_12 = vector.load %arg3[%get3A_10, %get3A_11] : memref<5000x128xf32, #tpu.memory_space<vmem>>, vector<5000x128xf32>
    %mul3A = vector.broadcast %rsqrt3A : vector<5000x1xf32> to vector<5000x128xf32>
    %mul3A_13 = arith.mulf %get3A_12, %mul3A : vector<5000x128xf32>
    %swap3A_14 = arith.constant 0 : index
    %swap3A_15 = arith.constant 0 : index
    %swap3A_16 = vector.load %arg5[%swap3A_14, %swap3A_15] : memref<5000x128xf32, #tpu.memory_space<vmem>>, vector<5000x128xf32>
    tpu.vector_store %arg5[%swap3A_14, %swap3A_15], %mul3A_13 {strides = array<i32>} : memref<5000x128xf32, #tpu.memory_space<vmem>>, vector<5000x128xf32>,
    return
  }
  func.func @transform_0(%arg0: i32) -> (i32, i32) {
    %c0_i32 = arith.constant 0 : i32
    %c0_i32_0 = arith.constant 0 : i32
    return %arg0, %c0_i32 : i32, i32
  }
  func.func @transform_1(%arg0: i32) -> (i32, i32) {
    %c0_i32 = arith.constant 0 : i32
    %c0_i32_0 = arith.constant 0 : i32
    return %arg0, %c0_i32 : i32, i32
  }
  func.func @transform_2(%arg0: i32) -> (i32, i32) {
    %c0_i32 = arith.constant 0 : i32
    %c0_i32_0 = arith.constant 0 : i32
    return %arg0, %c0_i32 : i32, i32
  }
  func.func @transform_3(%arg0: i32) -> (i32, i32) {
    %c0_i32 = arith.constant 0 : i32
    %c0_i32_0 = arith.constant 0 : i32
    return %arg0, %c0_i32 : i32, i32
  }
  func.func @transform_4(%arg0: i32) -> (i32, i32) {
    %c0_i32 = arith.constant 0 : i32
    %c0_i32_0 = arith.constant 0 : i32
    return %arg0, %c0_i32 : i32, i32
  }
}

module attributes {stable_mosaic.version = 14 : i64} {
  func.func @_tc2_body(%arg0: i32, %arg1: memref<5000x128xf32, #tpu.memory_space<vmem>>, %arg2: memref<5000x128xf32, #tpu.memory_space<vmem>>, %arg3: memref<5000x128xf32, #tpu.memory_space<vmem>>, %arg4: memref<5000x1xf32, #tpu.memory_space<vmem>>, %arg5: memref<1x128xf32, #tpu.memory_space<vmem>>, %arg6: memref<128x128xf32, #tpu.memory_space<vmem>>, %arg7: memref<5000x128xf32, #tpu.memory_space<vmem>>) attributes {dimension_semantics = [#tpu.dimension_semantics<arbitrary>], iteration_bounds = array<i64: 2>, scalar_prefetch = 0 : i64, scratch_operands = 0 : i64, tpu.core_type = #tpu.core_type<tc>, window_params = [{transform_indices = @transform_0, window_bounds = array<i64: 5000, 128>}, {transform_indices = @transform_1, window_bounds = array<i64: 5000, 128>}, {transform_indices = @transform_2, window_bounds = array<i64: 5000, 128>}, {transform_indices = @transform_3, window_bounds = array<i64: 5000, 1>}, {pipeline_mode = #tpu.pipeline_mode<synchronous>, transform_indices = @transform_4, window_bounds = array<i64: 1, 128>}, {pipeline_mode = #tpu.pipeline_mode<synchronous>, transform_indices = @transform_5, window_bounds = array<i64: 128, 128>}, {transform_indices = @transform_6, window_bounds = array<i64: 5000, 128>}]} {
    %get3A = arith.constant 0 : index
    %get3A_0 = arith.constant 0 : index
    %get3A_1 = vector.load %arg1[%get3A, %get3A_0] : memref<5000x128xf32, #tpu.memory_space<vmem>>, vector<5000x128xf32>
    %get3A_2 = arith.constant 0 : index
    %get3A_3 = arith.constant 0 : index
    %get3A_4 = vector.load %arg2[%get3A_2, %get3A_3] : memref<5000x128xf32, #tpu.memory_space<vmem>>, vector<5000x128xf32>
    %add3A = arith.addf %get3A_1, %get3A_4 : vector<5000x128xf32>
    %get3A_5 = arith.constant 0 : index
    %get3A_6 = arith.constant 0 : index
    %get3A_7 = vector.load %arg3[%get3A_5, %get3A_6] : memref<5000x128xf32, #tpu.memory_space<vmem>>, vector<5000x128xf32>
    %add3A_8 = arith.addf %add3A, %get3A_7 : vector<5000x128xf32>
    %get3A_9 = arith.constant 0 : index
    %get3A_10 = arith.constant 0 : index
    %get3A_11 = vector.load %arg4[%get3A_9, %get3A_10] : memref<5000x1xf32, #tpu.memory_space<vmem>>, vector<5000x1xf32>
    %mul3A = vector.broadcast %get3A_11 : vector<5000x1xf32> to vector<5000x128xf32>
    %mul3A_12 = arith.mulf %add3A_8, %mul3A : vector<5000x128xf32>
    %get3A_13 = arith.constant 0 : index
    %get3A_14 = arith.constant 0 : index
    %get3A_15 = vector.load %arg5[%get3A_13, %get3A_14] : memref<1x128xf32, #tpu.memory_space<vmem>>, vector<1x128xf32>
    %add3A_16 = vector.broadcast %get3A_15 : vector<1x128xf32> to vector<5000x128xf32>
    %add3A_17 = arith.addf %mul3A_12, %add3A_16 : vector<5000x128xf32>
    %max3A = arith.constant 0.000000e+00 : f32
    %max3A_18 = vector.broadcast %max3A : f32 to vector<5000x128xf32>
    %max3A_19 = arith.maximumf %add3A_17, %max3A_18 : vector<5000x128xf32>
    %get3A_20 = arith.constant 0 : index
    %get3A_21 = arith.constant 0 : index
    %get3A_22 = vector.load %arg6[%get3A_20, %get3A_21] : memref<128x128xf32, #tpu.memory_space<vmem>>, vector<128x128xf32>
    %dot_general3A = arith.constant dense<0.000000e+00> : vector<5000x128xf32>
    %dot_general3A_23 = tpu.matmul %max3A_19, %get3A_22, %dot_general3A {dimension_numbers = #tpu.dot_dimension_numbers<[1], [0], [0], [1], [0, 0, 1, 1], [], []>, transpose_lhs_hint = false} : vector<5000x128xf32>, vector<128x128xf32>, vector<5000x128xf32> -> vector<5000x128xf32>
    %get3A_24 = arith.constant 0 : index
    %get3A_25 = arith.constant 0 : index
    %get3A_26 = vector.load %arg4[%get3A_24, %get3A_25] : memref<5000x1xf32, #tpu.memory_space<vmem>>, vector<5000x1xf32>
    %mul3A_27 = vector.broadcast %get3A_26 : vector<5000x1xf32> to vector<5000x128xf32>
    %mul3A_28 = arith.mulf %dot_general3A_23, %mul3A_27 : vector<5000x128xf32>
    %swap3A = arith.constant 0 : index
    %swap3A_29 = arith.constant 0 : index
    %swap3A_30 = vector.load %arg7[%swap3A, %swap3A_29] : memref<5000x128xf32, #tpu.memory_space<vmem>>, vector<5000x128xf32>
    tpu.vector_store %arg7[%swap3A, %swap3A_29], %mul3A_28 {strides = array<i32>} : memref<5000x128xf32, #tpu.memory_space<vmem>>, vector<5000x128xf32>,
    return
  }
  func.func @transform_0(%arg0: i32) -> (i32, i32) {
    %c0_i32 = arith.constant 0 : i32
    %c0_i32_0 = arith.constant 0 : i32
    return %arg0, %c0_i32 : i32, i32
  }
  func.func @transform_1(%arg0: i32) -> (i32, i32) {
    %c0_i32 = arith.constant 0 : i32
    %c0_i32_0 = arith.constant 0 : i32
    return %arg0, %c0_i32 : i32, i32
  }
  func.func @transform_2(%arg0: i32) -> (i32, i32) {
    %c0_i32 = arith.constant 0 : i32
    %c0_i32_0 = arith.constant 0 : i32
    return %arg0, %c0_i32 : i32, i32
  }
  func.func @transform_3(%arg0: i32) -> (i32, i32) {
    %c0_i32 = arith.constant 0 : i32
    %c0_i32_0 = arith.constant 0 : i32
    return %arg0, %c0_i32 : i32, i32
  }
  func.func @transform_4(%arg0: i32) -> (i32, i32) {
    %c0_i32 = arith.constant 0 : i32
    %c0_i32_0 = arith.constant 0 : i32
    %c0_i32_1 = arith.constant 0 : i32
    return %c0_i32, %c0_i32_0 : i32, i32
  }
  func.func @transform_5(%arg0: i32) -> (i32, i32) {
    %c0_i32 = arith.constant 0 : i32
    %c0_i32_0 = arith.constant 0 : i32
    %c0_i32_1 = arith.constant 0 : i32
    return %c0_i32, %c0_i32_0 : i32, i32
  }
  func.func @transform_6(%arg0: i32) -> (i32, i32) {
    %c0_i32 = arith.constant 0 : i32
    %c0_i32_0 = arith.constant 0 : i32
    return %arg0, %c0_i32 : i32, i32
  }
}

module attributes {stable_mosaic.version = 14 : i64} {
  func.func @_tc3_body(%arg0: i32, %arg1: memref<5000x128xf32, #tpu.memory_space<vmem>>, %arg2: memref<5000x128xf32, #tpu.memory_space<vmem>>, %arg3: memref<5000x128xf32, #tpu.memory_space<vmem>>, %arg4: memref<5000x1xf32, #tpu.memory_space<vmem>>, %arg5: memref<1x128xf32, #tpu.memory_space<vmem>>, %arg6: memref<128x40xf32, #tpu.memory_space<vmem>>, %arg7: memref<1x40xf32, #tpu.memory_space<vmem>>, %arg8: memref<5000x40xf32, #tpu.memory_space<vmem>>) attributes {dimension_semantics = [#tpu.dimension_semantics<arbitrary>], iteration_bounds = array<i64: 2>, scalar_prefetch = 0 : i64, scratch_operands = 0 : i64, tpu.core_type = #tpu.core_type<tc>, window_params = [{transform_indices = @transform_0, window_bounds = array<i64: 5000, 128>}, {transform_indices = @transform_1, window_bounds = array<i64: 5000, 128>}, {transform_indices = @transform_2, window_bounds = array<i64: 5000, 128>}, {transform_indices = @transform_3, window_bounds = array<i64: 5000, 1>}, {pipeline_mode = #tpu.pipeline_mode<synchronous>, transform_indices = @transform_4, window_bounds = array<i64: 1, 128>}, {pipeline_mode = #tpu.pipeline_mode<synchronous>, transform_indices = @transform_5, window_bounds = array<i64: 128, 40>}, {pipeline_mode = #tpu.pipeline_mode<synchronous>, transform_indices = @transform_6, window_bounds = array<i64: 1, 40>}, {transform_indices = @transform_7, window_bounds = array<i64: 5000, 40>}]} {
    %get3A = arith.constant 0 : index
    %get3A_0 = arith.constant 0 : index
    %get3A_1 = vector.load %arg1[%get3A, %get3A_0] : memref<5000x128xf32, #tpu.memory_space<vmem>>, vector<5000x128xf32>
    %get3A_2 = arith.constant 0 : index
    %get3A_3 = arith.constant 0 : index
    %get3A_4 = vector.load %arg2[%get3A_2, %get3A_3] : memref<5000x128xf32, #tpu.memory_space<vmem>>, vector<5000x128xf32>
    %add3A = arith.addf %get3A_1, %get3A_4 : vector<5000x128xf32>
    %get3A_5 = arith.constant 0 : index
    %get3A_6 = arith.constant 0 : index
    %get3A_7 = vector.load %arg3[%get3A_5, %get3A_6] : memref<5000x128xf32, #tpu.memory_space<vmem>>, vector<5000x128xf32>
    %add3A_8 = arith.addf %add3A, %get3A_7 : vector<5000x128xf32>
    %get3A_9 = arith.constant 0 : index
    %get3A_10 = arith.constant 0 : index
    %get3A_11 = vector.load %arg4[%get3A_9, %get3A_10] : memref<5000x1xf32, #tpu.memory_space<vmem>>, vector<5000x1xf32>
    %mul3A = vector.broadcast %get3A_11 : vector<5000x1xf32> to vector<5000x128xf32>
    %mul3A_12 = arith.mulf %add3A_8, %mul3A : vector<5000x128xf32>
    %get3A_13 = arith.constant 0 : index
    %get3A_14 = arith.constant 0 : index
    %get3A_15 = vector.load %arg5[%get3A_13, %get3A_14] : memref<1x128xf32, #tpu.memory_space<vmem>>, vector<1x128xf32>
    %add3A_16 = vector.broadcast %get3A_15 : vector<1x128xf32> to vector<5000x128xf32>
    %add3A_17 = arith.addf %mul3A_12, %add3A_16 : vector<5000x128xf32>
    %max3A = arith.constant 0.000000e+00 : f32
    %max3A_18 = vector.broadcast %max3A : f32 to vector<5000x128xf32>
    %max3A_19 = arith.maximumf %add3A_17, %max3A_18 : vector<5000x128xf32>
    %get3A_20 = arith.constant 0 : index
    %get3A_21 = arith.constant 0 : index
    %get3A_22 = vector.load %arg6[%get3A_20, %get3A_21] : memref<128x40xf32, #tpu.memory_space<vmem>>, vector<128x40xf32>
    %dot_general3A = arith.constant dense<0.000000e+00> : vector<5000x40xf32>
    %dot_general3A_23 = tpu.matmul %max3A_19, %get3A_22, %dot_general3A {dimension_numbers = #tpu.dot_dimension_numbers<[1], [0], [0], [1], [0, 0, 1, 1], [], []>, transpose_lhs_hint = false} : vector<5000x128xf32>, vector<128x40xf32>, vector<5000x40xf32> -> vector<5000x40xf32>
    %get3A_24 = arith.constant 0 : index
    %get3A_25 = arith.constant 0 : index
    %get3A_26 = vector.load %arg7[%get3A_24, %get3A_25] : memref<1x40xf32, #tpu.memory_space<vmem>>, vector<1x40xf32>
    %add3A_27 = vector.broadcast %get3A_26 : vector<1x40xf32> to vector<5000x40xf32>
    %add3A_28 = arith.addf %dot_general3A_23, %add3A_27 : vector<5000x40xf32>
    %reduce_max3A = arith.constant dense<0xFF800000> : vector<5000xf32>
    %reduce_max3A_29 = vector.multi_reduction <maximumf>, %add3A_28, %reduce_max3A [1] : vector<5000x40xf32> to vector<5000xf32>
    %broadcast_in_dim3A = vector.shape_cast %reduce_max3A_29 : vector<5000xf32> to vector<5000x1xf32>
    %sub3A = vector.broadcast %broadcast_in_dim3A : vector<5000x1xf32> to vector<5000x40xf32>
    %sub3A_30 = arith.subf %add3A_28, %sub3A : vector<5000x40xf32>
    %exp3A = math.exp %sub3A_30 : vector<5000x40xf32>
    %reduce_sum3A = arith.constant dense<0.000000e+00> : vector<5000xf32>
    %reduce_sum3A_31 = vector.multi_reduction <add>, %exp3A, %reduce_sum3A [1] : vector<5000x40xf32> to vector<5000xf32>
    %broadcast_in_dim3A_32 = vector.shape_cast %reduce_sum3A_31 : vector<5000xf32> to vector<5000x1xf32>
    %log3A = math.log %broadcast_in_dim3A_32 : vector<5000x1xf32>
    %sub3A_33 = vector.broadcast %log3A : vector<5000x1xf32> to vector<5000x40xf32>
    %sub3A_34 = arith.subf %sub3A_30, %sub3A_33 : vector<5000x40xf32>
    %swap3A = arith.constant 0 : index
    %swap3A_35 = arith.constant 0 : index
    %swap3A_36 = vector.load %arg8[%swap3A, %swap3A_35] : memref<5000x40xf32, #tpu.memory_space<vmem>>, vector<5000x40xf32>
    tpu.vector_store %arg8[%swap3A, %swap3A_35], %sub3A_34 {strides = array<i32>} : memref<5000x40xf32, #tpu.memory_space<vmem>>, vector<5000x40xf32>,
    return
  }
  func.func @transform_0(%arg0: i32) -> (i32, i32) {
    %c0_i32 = arith.constant 0 : i32
    %c0_i32_0 = arith.constant 0 : i32
    return %arg0, %c0_i32 : i32, i32
  }
  func.func @transform_1(%arg0: i32) -> (i32, i32) {
    %c0_i32 = arith.constant 0 : i32
    %c0_i32_0 = arith.constant 0 : i32
    return %arg0, %c0_i32 : i32, i32
  }
  func.func @transform_2(%arg0: i32) -> (i32, i32) {
    %c0_i32 = arith.constant 0 : i32
    %c0_i32_0 = arith.constant 0 : i32
    return %arg0, %c0_i32 : i32, i32
  }
  func.func @transform_3(%arg0: i32) -> (i32, i32) {
    %c0_i32 = arith.constant 0 : i32
    %c0_i32_0 = arith.constant 0 : i32
    return %arg0, %c0_i32 : i32, i32
  }
  func.func @transform_4(%arg0: i32) -> (i32, i32) {
    %c0_i32 = arith.constant 0 : i32
    %c0_i32_0 = arith.constant 0 : i32
    %c0_i32_1 = arith.constant 0 : i32
    return %c0_i32, %c0_i32_0 : i32, i32
  }
  func.func @transform_5(%arg0: i32) -> (i32, i32) {
    %c0_i32 = arith.constant 0 : i32
    %c0_i32_0 = arith.constant 0 : i32
    %c0_i32_1 = arith.constant 0 : i32
    return %c0_i32, %c0_i32_0 : i32, i32
  }
  func.func @transform_6(%arg0: i32) -> (i32, i32) {
    %c0_i32 = arith.constant 0 : i32
    %c0_i32_0 = arith.constant 0 : i32
    %c0_i32_1 = arith.constant 0 : i32
    return %c0_i32, %c0_i32_0 : i32, i32
  }
  func.func @transform_7(%arg0: i32) -> (i32, i32) {
    %c0_i32 = arith.constant 0 : i32
    %c0_i32_0 = arith.constant 0 : i32
    return %arg0, %c0_i32 : i32, i32
  }
}

</mosaic_0001>

<sc_bundles>
// kernel: kernel.12.cloned.1.call-start
scs
__scs_entry_jumppad:
0x0: {  	(pc) =	sbr.rel $0x88, $3  }
0x1: {  	(tag) =	ssettag $0x0;
	lr =	simm.s32 $0x1  }
0x2: {  	[smem:$0x3F99] =	sst lr;
	_ =	strace $0xD0000000  }
0x3: {  	_ = 	snop  }
0x4: {  	_ = 	snop  }
0x5: {  	_ = 	snop  }
0x6: {  	_ = 	snop  }
0x7: {  	_ = 	snop  }
__scs_overlays_trampoline_lowered:
0x8: {  	[smem:$0x3FA8] =	sst s0  }
0x9: {  	[smem:$0x3FA9] =	sst s1  }
0xa: {  	[smem:$0x3FAA] =	sst s2  }
0xb: {  	[smem:$0x3FAB] =	sst s3  }
0xc: {  	[smem:$0x3FAC] =	sst s4  }
0xd: {  	[smem:$0x3FAD] =	sst s5  }
0xe: {  	[smem:$0x3FAE] =	sst s6  }
0xf: {  	[smem:$0x3FAF] =	sst s7  }
0x10: {  	[smem:$0x3FB0] =	sst s8  }
0x11: {  	[smem:$0x3FB1] =	sst s9;
	s0 =	simm.s32 @!p0 $0x0  }
0x12: {  	s1 =	sld [smem:$0x3F97];
	s0 =	simm.s32 @p0 $0x1  }
0x13: {  	[smem:$0x3FB2] =	sst s0;
	s0 =	simm.s32 @!p1 $0x0  }
0x14: {  	s2 =	sld [smem:$0x3F96];
	s0 =	simm.s32 @p1 $0x1  }
0x15: {  	[smem:$0x3FB3] =	sst s0;
	s0 =	simm.s32 @!p2 $0x0  }
0x16: {  	s3 =	sld [smem:$0x3FDB];
	s0 =	simm.s32 @p2 $0x1  }
0x17: {  	s4 =	simm.s32 $0x1BF5;
	[smem:$0x3FB5] =	sst s0  }
0x18: {  	s0 =	sld [smem:$0x3F98];
	_ =	swait.ge [sflag:s4], $0x0  }
0x19: {  	s7 =	sld [smem:$0x3F99]  }
0x1a: {  	s8 =	sadd.s32 $0xFFFFE003, lr  }
0x1b: {  	s9 =	sadd.s32 $0xFFFFFEF7, lr;
	s5 =	simm.s32 $0xFFFFFFFF;
	p2 =	slt.u32 s8, $0xFFFFF086  }
0x1c: {  	p1 =	slt.u32 s9, $0xF7A;
	s5 =	simm.s32 @!p2 $0x0  }
0x1d: {  	s5 =	simm.s32 @p1 $0x1;
	p0 =	seq.s32 s7, s2  }
0x1e: {  	s7 =	smul.u32 @!p0 $0xF7A, s2;
	p2 =	seq.s32 @!p0 s5, $0x0  }
0x1f: {  	s9 =	smul.u32 $0xF7A, s1;
	s8 =	simm.s32 @!p0 $0x1BF5;
	p2 =	por !p2, p0  }
0x20: {  	[sflag:s8] =	ssyncset.s32 @!p0 $0xFFFFF086;
	s6 =	sadd.s32 @!p0 s3, s7;
	s7 =	simm.s32 @!p0 $0x108  }
0x21: {  	s3 =	sadd.s32 s3, s9;
	s6 =	sadd.s32 @!p0 $0x88, s6;
	s7 =	simm.s32 @p2 $0x1082  }
0x22: {  	[simem:s7], [sflag:s8] =	dma.local @!p0 [hbm:s6], $0xF7A  }
0x23: {  	s9 =	sor.u32 $0xD0000000, s2;
	s6 =	simm.s32 $0x108;
	_ =	swait.ge @!p0 [sflag:s8], $0x0  }
0x24: {  	s3 =	sadd.s32 $0x88, s3;
	s6 =	simm.s32 @!p1 $0x1082;
	[sflag:s4] =	ssyncset.s32 $0xFFFFF086  }
0x25: {  	[simem:s6], [sflag:s4] =	dma.local [hbm:s3], $0xF7A  }
0x26: {  	[smem:$0x3F99] =	sst s1;
	(tag) =	ssettag s2;
	_ =	strace s9  }
0x27: {  	s1 =	sld [smem:$0x3FA9]  }
0x28: {  	s2 =	sld [smem:$0x3FAA]  }
0x29: {  	s4 =	sld [smem:$0x3FAC]  }
0x2a: {  	p0 =	seq.s32 s5, $0x0;
	s5 =	sld [smem:$0x3FAD]  }
0x2b: {  	s6 =	sld [smem:$0x3FAE]  }
0x2c: {  	s7 =	sld [smem:$0x3FAF]  }
0x2d: {  	s3 =	simm.s32 $0x108;
	s8 =	sld [smem:$0x3FB0]  }
0x2e: {  	s3 =	simm.s32 @!p0 $0x1082;
	s9 =	sld [smem:$0x3FB1]  }
0x2f: {  	lr =	sadd.s32 s0, s3;
	s0 =	sld [smem:$0x3FA8]  }
0x30: {  	s3 =	sld [smem:$0x3FAB]  }
0x31: {  	[smem:$0x3FB4] =	sst s10  }
0x32: {  	s10 =	sld [smem:$0x3FB2];
	_ =	sdelay $0x3  }
0x33: {  	p0 =	seq.s32 s10, $0x1;
	s10 =	sld [smem:$0x3FB4];
	_ =	sdelay $0x3  }
0x34: {  	[smem:$0x3FB4] =	sst s10  }
0x35: {  	s10 =	sld [smem:$0x3FB3];
	_ =	sdelay $0x3  }
0x36: {  	p1 =	seq.s32 s10, $0x1;
	s10 =	sld [smem:$0x3FB4];
	_ =	sdelay $0x3  }
0x37: {  	[smem:$0x3FB4] =	sst s10  }
0x38: {  	s10 =	sld [smem:$0x3FB5]  }
0x39: {  	_ = 	snop;
	(pc) =	sbr.ind lr, $3  }
0x3a: {  	_ = 	snop  }
0x3b: {  	_ = 	snop  }
0x3c: {  	p2 =	seq.s32 s10, $0x1;
	s10 =	sld [smem:$0x3FB4]  }
0x3d: {  	_ =	shalt  }
0x3e: {  	_ =	shalt  }
0x3f: {  	_ =	shalt  }
0x40: {  	_ =	shalt  }
0x41: {  	_ =	shalt  }
0x42: {  	_ =	shalt  }
0x43: {  	_ =	shalt  }
0x44: {  	_ =	shalt  }
0x45: {  	_ =	shalt  }
0x46: {  	_ =	shalt  }
0x47: {  	_ =	shalt  }
0x48: {  	_ =	shalt  }
0x49: {  	_ =	shalt  }
0x4a: {  	_ =	shalt  }
0x4b: {  	_ =	shalt  }
0x4c: {  	_ =	shalt  }
0x4d: {  	_ =	shalt  }
0x4e: {  	_ =	shalt  }
0x4f: {  	_ =	shalt  }
0x50: {  	_ =	shalt  }
0x51: {  	_ =	shalt  }
0x52: {  	_ =	shalt  }
0x53: {  	_ =	shalt  }
0x54: {  	_ =	shalt  }
0x55: {  	_ =	shalt  }
0x56: {  	_ =	shalt  }
0x57: {  	_ =	shalt  }
0x58: {  	_ =	shalt  }
0x59: {  	_ =	shalt  }
0x5a: {  	_ =	shalt  }
0x5b: {  	_ =	shalt  }
0x5c: {  	_ =	shalt  }
0x5d: {  	_ =	shalt  }
0x5e: {  	_ =	shalt  }
0x5f: {  	_ =	shalt  }
0x60: {  	_ =	shalt  }
0x61: {  	_ =	shalt  }
0x62: {  	_ =	shalt  }
0x63: {  	_ =	shalt  }
0x64: {  	_ =	shalt  }
0x65: {  	_ =	shalt  }
0x66: {  	_ =	shalt  }
0x67: {  	_ =	shalt  }
0x68: {  	_ =	shalt  }
0x69: {  	_ =	shalt  }
0x6a: {  	_ =	shalt  }
0x6b: {  	_ =	shalt  }
0x6c: {  	_ =	shalt  }
0x6d: {  	_ =	shalt  }
0x6e: {  	_ =	shalt  }
0x6f: {  	_ =	shalt  }
0x70: {  	_ =	shalt  }
0x71: {  	_ =	shalt  }
0x72: {  	_ =	shalt  }
0x73: {  	_ =	shalt  }
0x74: {  	_ =	shalt  }
0x75: {  	_ =	shalt  }
0x76: {  	_ =	shalt  }
0x77: {  	_ =	shalt  }
0x78: {  	_ =	shalt  }
0x79: {  	_ =	shalt  }
0x7a: {  	_ =	shalt  }
0x7b: {  	_ =	shalt  }
0x7c: {  	_ =	shalt  }
0x7d: {  	_ =	shalt  }
0x7e: {  	_ =	shalt  }
0x7f: {  	_ =	shalt  }
0x80: {  	_ =	shalt  }
0x81: {  	_ =	shalt  }
0x82: {  	_ =	shalt  }
0x83: {  	_ =	shalt  }
0x84: {  	_ =	shalt  }
0x85: {  	_ =	shalt  }
0x86: {  	_ =	shalt  }
0x87: {  	_ =	shalt  }
.Lfunc_end0:
.L_simem_size_0:
called_computation.1_lowered:
.L_overlay_start_0:
0x88: {  	s2 =	sld [smem:$0x3FD9]  }
0x89: {  	s3 =	sld [smem:$0x3FFE];
	_ =	sdelay $0x1  }
0x8a: {  	s1 =	srdreg.scid  }
0x8b: {  	s0 =	sand.u32 $0x1, s1  }
0x8c: {  	s17 =	sshll.u32 s0, $0xA;
	s2 =	sadd.s32 s3, s2  }
0x8d: {  	s2 =	sadd.s32 s2, s17  }
0x8e: {  	[smem:$0x3FC0] =	sst s2  }
0x8f: {  	_ = 	snop  }
0x90: {  	s2 =	sld [smem:$0x3FD0];
	(tm) =	ssettm $0x1  }
0x91: {  	s18 =	sld [smem:$0x3FFB];
	_ =	sdelay $0x3  }
0x92: {  	_ =	strace s18  }
0x93: {  	s3 =	sld [smem:$0x3FFC];
	_ =	sdelay $0x3  }
0x94: {  	_ =	strace s3  }
0x95: {  	s3 =	sld [smem:$0x3FFD];
	_ =	sdelay $0x3  }
0x96: {  	_ =	strace s3  }
0x97: {  	_ =	strace $0x8FFFFFFF  }
0x98: {  	s19 =	sld [smem:$0x3FDB];
	_ =	sdelay $0x1  }
0x99: {  	s4 =	simm.s32 $_scs_section_size  }
0x9a: {  	s5 =	simm.s32 $_size__tile_overlayer_lowered;
	s6 =	simm.s32 $_tile_overlayer_lowered  }
0x9b: {  	s22 =	simm.s32 $0x1BFF;
	s21 =	sshll.u32 s6, $0x1;
	s3 =	sadd.s32 s4, s19  }
0x9c: {  	s7 =	simm.s32 $0x0;
	s20 =	sshll.u32 s5, $0x1;
	s5 =	sadd.s32 s21, s3  }
0x9d: {  	[timem:s7], [sflag:s22] =	dma.local [hbm:s5], s20  }
0x9e: {  	_ =	swait.ge [sflag:s22], s20  }
0x9f: {  	s4 =	ssub.s32 $0x0, s20;
	[sflag:s22] =	ssyncset.done $0x0  }
0xa0: {  	[sflag:s22] =	ssyncadd.s32 s4;
	_ =	sdelay $0x1  }
0xa1: {  	s23 =	simm.s32 $0x1B8B  }
0xa2: {  	_ =	swait.ge [sflag:s23], $0x1  }
0xa3: {  	[sflag:s23] =	ssyncset.done $0x0  }
0xa4: {  	s25 =	simm.s32 $0x1B8E;
	s24 =	sld [smem:$0x3FFE];
	[sflag:s23] =	ssyncadd.s32 $0xFFFFFFFF  }
0xa5: {  	s26 =	simm.s32 $execute0_lowered;
	[smem:$0x3FD2] =	sst s25  }
0xa6: {  	s5 =	sshll.u32 s26, $0x1;
	_ =	strace $0x80000049;
	[dreg:$0x1] =	wrdreg $0xFFFFFFFF  }
0xa7: {  	s28 =	simm.s32 $_size_execute0_lowered;
	s3 =	sadd.s32 s3, s5;
	[dreg:$0x0] =	wrdreg $0x0  }
0xa8: {  	s5 =	sshll.u32 s28, $0x1;
	[dreg:$0x2] =	wrdreg s3  }
0xa9: {  	[dreg:$0x3] =	wrdreg s5  }
0xaa: {  	[dreg:$0x4] =	wrdreg $0xC0  }
0xab: {  	_ =	task [dreg:s7], $0x5FFFF  }
0xac: {  	[dreg:$0x1] =	wrdreg $0xFFFFFFFF  }
0xad: {  	[dreg:$0x0] =	wrdreg $0x60  }
0xae: {  	[dreg:$0x2] =	wrdreg s24  }
0xaf: {  	[dreg:$0x3] =	wrdreg s2  }
0xb0: {  	[dreg:$0x4] =	wrdreg $0xA4000  }
0xb1: {  	[dreg:$0x5] =	wrdreg $0x9  }
0xb2: {  	_ =	task.clear_ibuf [dreg:s7], $0x6FFFF;
	_ =	strace $0x90000049  }
0xb3: {  	s29 =	simm.s32 $0x9;
	_ =	strace $0x8000004B  }
0xb4: {  	_ =	swait.ge [sflag:s29], $0x1  }
0xb5: {  	[sflag:s29] =	ssyncadd.s32 $0xFFFFFFFF  }
0xb6: {  	_ =	strace $0x9000004B  }
0xb7: {  	_ =	sfence  }
0xb8: {  	s30 =	sld [smem:$0x0];
	_ =	sdelay $0x2  }
0xb9: {  	s31 =	sshll.u32 s1, $0xD;
	s1 =	sshrl.u32 s1, $0x2  }
0xba: {  	s3 =	sand.u32 $0x4000, s31;
	s1 =	sadd.s32 s1, s30  }
0xbb: {  	s0 =	sor.u32 s3, s0;
	s1 =	sshll.u32 s1, $0x11  }
0xbc: {  	s0 =	sor.u32 s1, s0  }
0xbd: {  	s0 =	sadd.s32 $0x8F2B, s0  }
0xbe: {  	[sflag:s0] =	ssyncadd.remote.s32 $0x1  }
0xbf: {  	_ =	sfence.sel $0xFFFF  }
0xc0: {  	[dreg:$0x0] =	wrdreg $0xFFFFFFFF;
	(pc) =	sbr.abs _section_cstart, $3  }
0xc1: {  	[dreg:$0x1] =	wrdreg $0xFFFFFFFF  }
0xc2: {  	_ =	task.clear_ibuf [dreg:s7], $0x2FFFF;
	_ =	strace $0x9FFFFFFF  }
0xc3: {  	(tm) =	ssettm $0x7FFFFFFF  }
tec
execute0_lowered:
.L_overlay_start_1:
0x0: {  	(tag) =	ssettag $0x1  }
0x1: {  	s0 =	rddreg [dreg:$0x0]  }
0x2: {  	s24 =	rddreg [dreg:$0x1]  }
0x3: {  	s3 =	rddreg [dreg:$0x2];
	s4 =	simm.s32 $0x0  }
0x4: {  	s1 =	srdreg.scid;
	s6 =	stileid.u32;
	s28 =	simm.s32 $0x5  }
0x5: {  	s29 =	simm.s32 $0x50;
	[smem:$0x7FF] =	sst s4;
	s2 =	smul.u32 $0x2780, s6  }
0x6: {  	s1 =	sand.u32 $0x1, s1;
	s5 =	sadd.s32 $0xD600, s0;
	s15 =	smul.u32 $0x2710, s6  }
0x7: {  	s26 =	sadd.s32 $0x3800, s0;
	s9 =	sadd.s32 $0x5BA00, s0;
	s10 =	smul.u32 $0x4F000, s6  }
0x8: {  	s18 =	sshll.u32 s6, $0x6;
	_ =	strace $0x8000004A;
	s7 =	smul.u32 $0x27800, s1  }
0x9: {  	s8 =	smul.u32 $0x27100, s1;
	[dreg:$0xa] =	wrdreg s9;
	s1 =	ssub.s32 $0x2, s1  }
0xa: {  	s6 =	sor.u32 $0x1C0D, s18;
	s16 =	sshrl.u32 s1, $0x1;
	s17 =	sshrl.u32 s10, $0x2  }
0xb: {  	s10 =	simm.s32 $0x100;
	[dreg:$0xc] =	wrdreg s6;
	s2 =	sadd.s32 s2, s7  }
0xc: {  	s19 =	sadd.s32 s17, s3;
	s0 =	sadd.s32 s2, s0;
	s2 =	sadd.s32 s15, s8  }
0xd: {  	s1 =	ssub.s32 s1, s16;
	[dreg:$0xb] =	wrdreg s19;
	s9 =	sshrl.u32 s2, $0x3  }
0xe: {  	s11 =	sadd.s32 $0x230, s2;
	s16 =	sadd.s32 $0x1E0, s2;
	s0 =	sadd.s32 $0x5E200, s0  }
0xf: {  	s19 =	sadd.s32 $0x190, s2;
	s20 =	sadd.s32 s24, s9;
	[dreg:$0x17] =	wrdreg s0  }
0x10: {  	s21 =	sadd.s32 s26, s9;
	s22 =	sadd.s32 $0xA, s9;
	[dreg:$0xd] =	wrdreg s20  }
0x11: {  	s23 =	sadd.s32 $0x14, s9;
	[dreg:$0xe] =	wrdreg s21;
	s25 =	sadd.s32 s24, s22  }
0x12: {  	s8 =	sadd.s32 $0x1E, s9;
	s7 =	sadd.s32 s26, s22;
	[dreg:$0xf] =	wrdreg s25  }
0x13: {  	s13 =	sshrl.u32 s11, $0x3;
	s30 =	sadd.s32 s24, s23;
	[dreg:$0x10] =	wrdreg s7  }
0x14: {  	s14 =	sadd.s32 $0x4D8, s9;
	s31 =	sadd.s32 s26, s23;
	[dreg:$0x11] =	wrdreg s30  }
0x15: {  	s17 =	sshrl.u32 s16, $0x3;
	s12 =	sadd.s32 s24, s8;
	[dreg:$0x12] =	wrdreg s31  }
0x16: {  	s16 =	simm.s32 $0x8;
	s15 =	sadd.s32 s13, s26;
	[dreg:$0x13] =	wrdreg s12  }
0x17: {  	s9 =	simm.s32 $0xC;
	s18 =	sadd.s32 s17, s26;
	[dreg:$0x4] =	wrdreg s15  }
0x18: {  	s0 =	simm.s32 $0x0;
	s22 =	sadd.s32 s24, s14;
	[dreg:$0x6] =	wrdreg s18  }
0x19: {  	s20 =	sadd.s32 s17, s24;
	s21 =	sshrl.u32 s19, $0x3;
	[dreg:$0x15] =	wrdreg s22  }
0x1a: {  	s19 =	simm.s32 $0xA;
	s7 =	sadd.s32 s26, s8;
	[dreg:$0x7] =	wrdreg s20  }
0x1b: {  	s23 =	sadd.s32 s21, s26;
	s8 =	sadd.s32 s26, s14;
	[dreg:$0x14] =	wrdreg s7  }
0x1c: {  	s25 =	sadd.s32 s21, s24;
	s30 =	smax.u32 s1, $0x1;
	[dreg:$0x16] =	wrdreg s8  }
0x1d: {  	s31 =	sadd.s32 $0x140, s2;
	s22 =	simm.s32 $0xD;
	[dreg:$0x8] =	wrdreg s23  }
0x1e: {  	s2 =	simm.s32 $0x6;
	s12 =	simm.s32 $0x7;
	[dreg:$0x18] =	wrdreg s30  }
0x1f: {  	s15 =	simm.s32 $0x2;
	s18 =	simm.s32 $0x3;
	[dreg:$0x9] =	wrdreg s25  }
0x20: {  	s20 =	simm.s32 $0x4;
	s7 =	sadd.s32 s13, s24;
	[dreg:$0x19] =	wrdreg s31  }
0x21: {  	s21 =	simm.s32 $0xB;
	s25 =	simm.s32 $0x80;
	[dreg:$0x5] =	wrdreg s7  }
.LBB2_1:
0x22: {  	[dreg:$0x1a] =	wrdreg s0  }
0x23: {  	s1 =	rddreg [dreg:$0xb]  }
0x24: {  	s8 =	rddreg [dreg:$0xa];
	s7 =	sshrl.u32 s1, $0x3  }
0x25: {  	[dreg:$0x1b] =	wrdreg s7  }
0x26: {  	[spmem:s7], [sflag:s6] =	dma.local [hbm:s8], $0x2780  }
0x27: {  	_ =	swait.ge [sflag:s22], $0x2780  }
0x28: {  	[sflag:s22] =	ssyncset.done $0x0  }
0x29: {  	[sflag:s22] =	ssyncadd.s32 $0xFFFFD880  }
0x2a: {  	[bflag:$0x0] =	sbarrier.arrive $0xFFFF  }
0x2b: {  	s11 =	rddreg [dreg:$0xd]  }
0x2c: {  	[tilespmem:s4], [sflag:$0x5] =	stream.linear.gather [hbm4b:s11+s4], $0x50, $0x38;
	[tilespmem:$0x1E000] =	vst v63  }
0x2d: {  	s23 =	simm.s32 $0x200;
	s13 =	rddreg [dreg:$0xe]  }
0x2e: {  	[tilespmem:s23], [sflag:$0x5] =	stream.linear.gather [hbm4b:s13+s4], $0x50, $0x38;
	[tilespmem:$0x1E000] =	vst v63  }
0x2f: {  	s14 =	rddreg [dreg:$0xf]  }
0x30: {  	[tilespmem:s25], [sflag:$0x6] =	stream.linear.gather [hbm4b:s14+s4], $0x50, $0x38;
	[tilespmem:$0x1E000] =	vst v63  }
0x31: {  	s0 =	simm.s32 $0x280;
	s17 =	rddreg [dreg:$0x10]  }
0x32: {  	[tilespmem:s0], [sflag:$0x6] =	stream.linear.gather [hbm4b:s17+s4], $0x50, $0x38;
	[tilespmem:$0x1E000] =	vst v63  }
0x33: {  	_ =	swait.ge [sflag:s28], $0x50  }
0x34: {  	[sflag:s28] =	ssyncset.done $0x0  }
0x35: {  	[sflag:s28] =	ssyncadd.s32 $0xFFFFFFB0  }
0x36: {  	_ =	swait.ge [sflag:s28], $0x50  }
0x37: {  	[sflag:s28] =	ssyncset.done $0x0  }
0x38: {  	s7 =	simm.s32 $0x400;
	[sflag:s28] =	ssyncadd.s32 $0xFFFFFFB0  }
0x39: {  	[tilespmem:s7], [sflag:$0x1] =	stream.indirect.gather [hbm4b:s5+s29], $0x80, s4, s29, $0xb8;
	[tilespmem:$0x1E000] =	vst v63  }
0x3a: {  	s22 =	rddreg [dreg:$0x11]  }
0x3b: {  	[tilespmem:s10], [sflag:$0x7] =	stream.linear.gather [hbm4b:s22+s4], $0x50, $0x38;
	[tilespmem:$0x1E000] =	vst v63  }
0x3c: {  	s11 =	simm.s32 $0x300;
	s30 =	rddreg [dreg:$0x12]  }
0x3d: {  	[tilespmem:s11], [sflag:$0x7] =	stream.linear.gather [hbm4b:s30+s4], $0x50, $0x38;
	[tilespmem:$0x1E000] =	vst v63  }
0x3e: {  	_ =	swait.ge [sflag:s2], $0x50  }
0x3f: {  	[sflag:s2] =	ssyncset.done $0x0  }
0x40: {  	[sflag:s2] =	ssyncadd.s32 $0xFFFFFFB0  }
0x41: {  	_ =	swait.ge [sflag:s2], $0x50  }
0x42: {  	[sflag:s2] =	ssyncset.done $0x0  }
0x43: {  	s13 =	simm.s32 $0x2C00;
	s17 =	simm.s32 $0x1;
	[sflag:s2] =	ssyncadd.s32 $0xFFFFFFB0  }
0x44: {  	[tilespmem:s13], [sflag:$0x2] =	stream.indirect.gather [hbm4b:s5+s29], $0x80, s25, s29, $0xb8;
	[tilespmem:$0x1E000] =	vst v63  }
0x45: {  	_ =	swait.ge [sflag:s17], $0x2800  }
0x46: {  	[sflag:s17] =	ssyncset.done $0x0  }
0x47: {  	[sflag:s17] =	ssyncadd.s32 $0xFFFFD800  }
0x48: {  	[spmem:s3] =	stream.indirect.scatter.add.f32 [tilespmem:s7], [sflag:$0x9], $0x80, s23, s29, $0xb8;
	[tilespmem:$0x1E000] =	vst v63  }
0x49: {  	s8 =	simm.s32 $0x180;
	s6 =	rddreg [dreg:$0x13]  }
0x4a: {  	[tilespmem:s8], [sflag:$0x8] =	stream.linear.gather [hbm4b:s6+s4], $0x50, $0x38;
	[tilespmem:$0x1E000] =	vst v63  }
0x4b: {  	s30 =	simm.s32 $0x380;
	s14 =	rddreg [dreg:$0x14]  }
0x4c: {  	[tilespmem:s30], [sflag:$0x8] =	stream.linear.gather [hbm4b:s14+s4], $0x50, $0x38;
	[tilespmem:$0x1E000] =	vst v63  }
0x4d: {  	_ =	swait.ge [sflag:s12], $0x50  }
0x4e: {  	[sflag:s12] =	ssyncset.done $0x0  }
0x4f: {  	[sflag:s12] =	ssyncadd.s32 $0xFFFFFFB0  }
0x50: {  	_ =	swait.ge [sflag:s12], $0x50  }
0x51: {  	[sflag:s12] =	ssyncset.done $0x0  }
0x52: {  	s14 =	simm.s32 $0x5400;
	[sflag:s12] =	ssyncadd.s32 $0xFFFFFFB0  }
0x53: {  	[tilespmem:s14], [sflag:$0x3] =	stream.indirect.gather [hbm4b:s5+s29], $0x80, s10, s29, $0xb8;
	[tilespmem:$0x1E000] =	vst v63  }
0x54: {  	_ =	swait.ge [sflag:s15], $0x2800  }
0x55: {  	[sflag:s15] =	ssyncset.done $0x0  }
0x56: {  	s22 =	simm.s32 $0x9;
	[sflag:s15] =	ssyncadd.s32 $0xFFFFD800  }
0x57: {  	[spmem:s3] =	stream.indirect.scatter.add.f32 [tilespmem:s13], [sflag:$0xA], $0x80, s0, s29, $0xb8;
	[tilespmem:$0x1E000] =	vst v63  }
0x58: {  	_ =	swait.ge [sflag:s22], $0x2800  }
0x59: {  	s6 =	rddreg [dreg:$0x19]  }
0x5a: {  	[sflag:s22] =	ssyncset.done $0x0;
	s1 =	sshrl.u32 s6, $0x3  }
0x5b: {  	[sflag:s22] =	ssyncadd.s32 $0xFFFFD800;
	s22 =	sadd.s32 s24, s1  }
0x5c: {  	[tilespmem:s4], [sflag:$0x5] =	stream.linear.gather [hbm4b:s22+s4], $0x50, $0x38;
	[tilespmem:$0x1E000] =	vst v63  }
0x5d: {  	s1 =	sadd.s32 s26, s1  }
0x5e: {  	[tilespmem:s23], [sflag:$0x5] =	stream.linear.gather [hbm4b:s1+s4], $0x50, $0x38;
	[tilespmem:$0x1E000] =	vst v63  }
0x5f: {  	_ =	swait.ge [sflag:s16], $0x50  }
0x60: {  	[sflag:s16] =	ssyncset.done $0x0  }
0x61: {  	[sflag:s16] =	ssyncadd.s32 $0xFFFFFFB0  }
0x62: {  	_ =	swait.ge [sflag:s16], $0x50  }
0x63: {  	[sflag:s16] =	ssyncset.done $0x0  }
0x64: {  	s31 =	simm.s32 $0x7C00;
	[sflag:s16] =	ssyncadd.s32 $0xFFFFFFB0  }
0x65: {  	[tilespmem:s31], [sflag:$0x4] =	stream.indirect.gather [hbm4b:s5+s29], $0x80, s8, s29, $0xb8;
	[tilespmem:$0x1E000] =	vst v63  }
0x66: {  	_ =	swait.ge [sflag:s18], $0x2800  }
0x67: {  	[sflag:s18] =	ssyncset.done $0x0  }
0x68: {  	[sflag:s18] =	ssyncadd.s32 $0xFFFFD800  }
0x69: {  	[spmem:s3] =	stream.indirect.scatter.add.f32 [tilespmem:s14], [sflag:$0xB], $0x80, s11, s29, $0xb8;
	[tilespmem:$0x1E000] =	vst v63  }
0x6a: {  	_ =	swait.ge [sflag:s19], $0x2800  }
0x6b: {  	s1 =	rddreg [dreg:$0x9];
	[sflag:s19] =	ssyncset.done $0x0  }
0x6c: {  	s22 =	rddreg [dreg:$0x8];
	[sflag:s19] =	ssyncadd.s32 $0xFFFFD800;
	s1 =	sadd.s32 $0x0, s1  }
0x6d: {  	[tilespmem:s25], [sflag:$0x6] =	stream.linear.gather [hbm4b:s1+s4], $0x50, $0x38;
	[tilespmem:$0x1E000] =	vst v63  }
0x6e: {  	s22 =	sadd.s32 $0x0, s22  }
0x6f: {  	[tilespmem:s0], [sflag:$0x6] =	stream.linear.gather [hbm4b:s22+s4], $0x50, $0x38;
	[tilespmem:$0x1E000] =	vst v63  }
0x70: {  	_ =	swait.ge [sflag:s28], $0x50  }
0x71: {  	[sflag:s28] =	ssyncset.done $0x0  }
0x72: {  	[sflag:s28] =	ssyncadd.s32 $0xFFFFFFB0  }
0x73: {  	_ =	swait.ge [sflag:s28], $0x50  }
0x74: {  	[sflag:s28] =	ssyncset.done $0x0  }
0x75: {  	[sflag:s28] =	ssyncadd.s32 $0xFFFFFFB0  }
0x76: {  	[tilespmem:s7], [sflag:$0x1] =	stream.indirect.gather [hbm4b:s5+s29], $0x80, s4, s29, $0xb8;
	[tilespmem:$0x1E000] =	vst v63  }
0x77: {  	_ =	swait.ge [sflag:s20], $0x2800  }
0x78: {  	[sflag:s20] =	ssyncset.done $0x0  }
0x79: {  	[sflag:s20] =	ssyncadd.s32 $0xFFFFD800  }
0x7a: {  	[spmem:s3] =	stream.indirect.scatter.add.f32 [tilespmem:s31], [sflag:$0xC], $0x80, s30, s29, $0xb8;
	[tilespmem:$0x1E000] =	vst v63  }
0x7b: {  	_ =	swait.ge [sflag:s21], $0x2800  }
0x7c: {  	s22 =	rddreg [dreg:$0x7];
	[sflag:s21] =	ssyncset.done $0x0  }
0x7d: {  	s0 =	rddreg [dreg:$0x6];
	[sflag:s21] =	ssyncadd.s32 $0xFFFFD800;
	s1 =	sadd.s32 $0x0, s22  }
0x7e: {  	[tilespmem:s10], [sflag:$0x7] =	stream.linear.gather [hbm4b:s1+s4], $0x50, $0x38;
	[tilespmem:$0x1E000] =	vst v63  }
0x7f: {  	s0 =	sadd.s32 $0x0, s0  }
0x80: {  	[tilespmem:s11], [sflag:$0x7] =	stream.linear.gather [hbm4b:s0+s4], $0x50, $0x38;
	[tilespmem:$0x1E000] =	vst v63  }
0x81: {  	_ =	swait.ge [sflag:s2], $0x50  }
0x82: {  	[sflag:s2] =	ssyncset.done $0x0  }
0x83: {  	[sflag:s2] =	ssyncadd.s32 $0xFFFFFFB0  }
0x84: {  	_ =	swait.ge [sflag:s2], $0x50  }
0x85: {  	[sflag:s2] =	ssyncset.done $0x0  }
0x86: {  	[sflag:s2] =	ssyncadd.s32 $0xFFFFFFB0  }
0x87: {  	[tilespmem:s13], [sflag:$0x2] =	stream.indirect.gather [hbm4b:s5+s29], $0x80, s25, s29, $0xb8;
	[tilespmem:$0x1E000] =	vst v63  }
0x88: {  	_ =	swait.ge [sflag:s17], $0x2800  }
0x89: {  	[sflag:s17] =	ssyncset.done $0x0  }
0x8a: {  	[sflag:s17] =	ssyncadd.s32 $0xFFFFD800  }
0x8b: {  	[spmem:s3] =	stream.indirect.scatter.add.f32 [tilespmem:s7], [sflag:$0x9], $0x80, s23, s29, $0xb8;
	[tilespmem:$0x1E000] =	vst v63  }
0x8c: {  	_ =	swait.ge [sflag:s9], $0x2800  }
0x8d: {  	s22 =	rddreg [dreg:$0x5];
	[sflag:s9] =	ssyncset.done $0x0  }
0x8e: {  	s23 =	rddreg [dreg:$0x4];
	[sflag:s9] =	ssyncadd.s32 $0xFFFFD800;
	s1 =	sadd.s32 $0x0, s22  }
0x8f: {  	[tilespmem:s8], [sflag:$0x8] =	stream.linear.gather [hbm4b:s1+s4], $0x50, $0x38;
	[tilespmem:$0x1E000] =	vst v63  }
0x90: {  	s25 =	sadd.s32 $0x0, s23  }
0x91: {  	[tilespmem:s30], [sflag:$0x8] =	stream.linear.gather [hbm4b:s25+s4], $0x50, $0x38;
	[tilespmem:$0x1E000] =	vst v63  }
0x92: {  	_ =	swait.ge [sflag:s12], $0x50  }
0x93: {  	[sflag:s12] =	ssyncset.done $0x0  }
0x94: {  	[sflag:s12] =	ssyncadd.s32 $0xFFFFFFB0  }
0x95: {  	_ =	swait.ge [sflag:s12], $0x50  }
0x96: {  	[sflag:s12] =	ssyncset.done $0x0  }
0x97: {  	[sflag:s12] =	ssyncadd.s32 $0xFFFFFFB0  }
0x98: {  	[tilespmem:s14], [sflag:$0x3] =	stream.indirect.gather [hbm4b:s5+s29], $0x80, s10, s29, $0xb8;
	[tilespmem:$0x1E000] =	vst v63  }
0x99: {  	_ =	swait.ge [sflag:s15], $0x2800  }
0x9a: {  	s31 =	simm.s32 $0x80;
	s23 =	simm.s32 $0x28;
	[sflag:s15] =	ssyncset.done $0x0  }
0x9b: {  	s22 =	sadd.s32 $0x140, s6;
	s10 =	simm.s32 $0x100;
	[sflag:s15] =	ssyncadd.s32 $0xFFFFD800  }
.LBB2_2:
0x9c: {  	s7 =	simm.s32 $0x280;
	s17 =	simm.s32 $0x2C00;
	s0 =	simm.s32 $0x9  }
0x9d: {  	[spmem:s3] =	stream.indirect.scatter.add.f32 [tilespmem:s17], [sflag:$0xA], $0x80, s7, s29, $0xb8;
	[tilespmem:$0x1E000] =	vst v63  }
0x9e: {  	_ =	swait.ge [sflag:s0], $0x2800  }
0x9f: {  	s6 =	sshrl.u32 s22, $0x3;
	[sflag:s0] =	ssyncset.done $0x0  }
0xa0: {  	s15 =	sadd.s32 s24, s6;
	[sflag:s0] =	ssyncadd.s32 $0xFFFFD800  }
0xa1: {  	[tilespmem:s4], [sflag:$0x5] =	stream.linear.gather [hbm4b:s15+s4], $0x50, $0x38;
	[tilespmem:$0x1E000] =	vst v63  }
0xa2: {  	s30 =	simm.s32 $0x200;
	s6 =	sadd.s32 s26, s6  }
0xa3: {  	[tilespmem:s30], [sflag:$0x5] =	stream.linear.gather [hbm4b:s6+s4], $0x50, $0x38;
	[tilespmem:$0x1E000] =	vst v63  }
0xa4: {  	_ =	swait.ge [sflag:s16], $0x50  }
0xa5: {  	[sflag:s16] =	ssyncset.done $0x0  }
0xa6: {  	[sflag:s16] =	ssyncadd.s32 $0xFFFFFFB0  }
0xa7: {  	_ =	swait.ge [sflag:s16], $0x50  }
0xa8: {  	[sflag:s16] =	ssyncset.done $0x0  }
0xa9: {  	s8 =	simm.s32 $0x180;
	s11 =	simm.s32 $0x7C00;
	[sflag:s16] =	ssyncadd.s32 $0xFFFFFFB0  }
0xaa: {  	[tilespmem:s11], [sflag:$0x4] =	stream.indirect.gather [hbm4b:s5+s29], $0x80, s8, s29, $0xb8;
	[tilespmem:$0x1E000] =	vst v63  }
0xab: {  	_ =	swait.ge [sflag:s18], $0x2800  }
0xac: {  	[sflag:s18] =	ssyncset.done $0x0  }
0xad: {  	s13 =	simm.s32 $0x300;
	s15 =	simm.s32 $0x5400;
	[sflag:s18] =	ssyncadd.s32 $0xFFFFD800  }
0xae: {  	[spmem:s3] =	stream.indirect.scatter.add.f32 [tilespmem:s15], [sflag:$0xB], $0x80, s13, s29, $0xb8;
	[tilespmem:$0x1E000] =	vst v63  }
0xaf: {  	s1 =	smov.u32 s23;
	_ =	swait.ge [sflag:s19], $0x2800  }
0xb0: {  	s25 =	smov.u32 s24;
	s24 =	rddreg [dreg:$0x9];
	[sflag:s19] =	ssyncset.done $0x0  }
0xb1: {  	s0 =	rddreg [dreg:$0x8];
	[sflag:s19] =	ssyncadd.s32 $0xFFFFD800;
	s6 =	sadd.s32 s1, s24  }
0xb2: {  	[tilespmem:s31], [sflag:$0x6] =	stream.linear.gather [hbm4b:s6+s4], $0x50, $0x38;
	[tilespmem:$0x1E000] =	vst v63  }
0xb3: {  	s14 =	sadd.s32 s1, s0  }
0xb4: {  	[tilespmem:s7], [sflag:$0x6] =	stream.linear.gather [hbm4b:s14+s4], $0x50, $0x38;
	[tilespmem:$0x1E000] =	vst v63  }
0xb5: {  	_ =	swait.ge [sflag:s28], $0x50  }
0xb6: {  	[sflag:s28] =	ssyncset.done $0x0  }
0xb7: {  	[sflag:s28] =	ssyncadd.s32 $0xFFFFFFB0  }
0xb8: {  	_ =	swait.ge [sflag:s28], $0x50  }
0xb9: {  	[sflag:s28] =	ssyncset.done $0x0  }
0xba: {  	s7 =	simm.s32 $0x400;
	[sflag:s28] =	ssyncadd.s32 $0xFFFFFFB0  }
0xbb: {  	[tilespmem:s7], [sflag:$0x1] =	stream.indirect.gather [hbm4b:s5+s29], $0x80, s4, s29, $0xb8;
	[tilespmem:$0x1E000] =	vst v63  }
0xbc: {  	_ =	swait.ge [sflag:s20], $0x2800  }
0xbd: {  	[sflag:s20] =	ssyncset.done $0x0  }
0xbe: {  	s14 =	simm.s32 $0x380;
	[sflag:s20] =	ssyncadd.s32 $0xFFFFD800  }
0xbf: {  	[spmem:s3] =	stream.indirect.scatter.add.f32 [tilespmem:s11], [sflag:$0xC], $0x80, s14, s29, $0xb8;
	[tilespmem:$0x1E000] =	vst v63  }
0xc0: {  	_ =	swait.ge [sflag:s21], $0x2800  }
0xc1: {  	s24 =	rddreg [dreg:$0x7];
	[sflag:s21] =	ssyncset.done $0x0  }
0xc2: {  	s11 =	rddreg [dreg:$0x6];
	[sflag:s21] =	ssyncadd.s32 $0xFFFFD800;
	s6 =	sadd.s32 s1, s24  }
0xc3: {  	[tilespmem:s10], [sflag:$0x7] =	stream.linear.gather [hbm4b:s6+s4], $0x50, $0x38;
	[tilespmem:$0x1E000] =	vst v63  }
0xc4: {  	s24 =	sadd.s32 s1, s11  }
0xc5: {  	[tilespmem:s13], [sflag:$0x7] =	stream.linear.gather [hbm4b:s24+s4], $0x50, $0x38;
	[tilespmem:$0x1E000] =	vst v63  }
0xc6: {  	_ =	swait.ge [sflag:s2], $0x50  }
0xc7: {  	[sflag:s2] =	ssyncset.done $0x0  }
0xc8: {  	[sflag:s2] =	ssyncadd.s32 $0xFFFFFFB0  }
0xc9: {  	_ =	swait.ge [sflag:s2], $0x50  }
0xca: {  	[sflag:s2] =	ssyncset.done $0x0  }
0xcb: {  	[sflag:s2] =	ssyncadd.s32 $0xFFFFFFB0  }
0xcc: {  	[tilespmem:s17], [sflag:$0x2] =	stream.indirect.gather [hbm4b:s5+s29], $0x80, s31, s29, $0xb8;
	[tilespmem:$0x1E000] =	vst v63  }
0xcd: {  	s17 =	simm.s32 $0x1  }
0xce: {  	_ =	swait.ge [sflag:s17], $0x2800  }
0xcf: {  	[sflag:s17] =	ssyncset.done $0x0  }
0xd0: {  	[sflag:s17] =	ssyncadd.s32 $0xFFFFD800  }
0xd1: {  	[spmem:s3] =	stream.indirect.scatter.add.f32 [tilespmem:s7], [sflag:$0x9], $0x80, s30, s29, $0xb8;
	[tilespmem:$0x1E000] =	vst v63  }
0xd2: {  	_ =	swait.ge [sflag:s9], $0x2800  }
0xd3: {  	s24 =	rddreg [dreg:$0x5];
	[sflag:s9] =	ssyncset.done $0x0  }
0xd4: {  	s30 =	rddreg [dreg:$0x4];
	[sflag:s9] =	ssyncadd.s32 $0xFFFFD800;
	s6 =	sadd.s32 s1, s24  }
0xd5: {  	[tilespmem:s8], [sflag:$0x8] =	stream.linear.gather [hbm4b:s6+s4], $0x50, $0x38;
	[tilespmem:$0x1E000] =	vst v63  }
0xd6: {  	s1 =	sadd.s32 s1, s30  }
0xd7: {  	[tilespmem:s14], [sflag:$0x8] =	stream.linear.gather [hbm4b:s1+s4], $0x50, $0x38;
	[tilespmem:$0x1E000] =	vst v63  }
0xd8: {  	_ =	swait.ge [sflag:s12], $0x50  }
0xd9: {  	[sflag:s12] =	ssyncset.done $0x0  }
0xda: {  	[sflag:s12] =	ssyncadd.s32 $0xFFFFFFB0  }
0xdb: {  	_ =	swait.ge [sflag:s12], $0x50  }
0xdc: {  	[sflag:s12] =	ssyncset.done $0x0  }
0xdd: {  	p0 =	sne.s32 s23, $0x488;
	[sflag:s12] =	ssyncadd.s32 $0xFFFFFFB0  }
0xde: {  	[tilespmem:s15], [sflag:$0x3] =	stream.indirect.gather [hbm4b:s5+s29], $0x80, s10, s29, $0xb8;
	[tilespmem:$0x1E000] =	vst v63  }
.Ltmp0:
0xdf: {  	s23 =	sadd.s32 $0x28, s23;
	(pc) =	sbr.rel @p0 .LBB2_2-.Ltmp0, $4  }
0xe0: {  	s22 =	sadd.s32 $0x140, s22;
	s0 =	simm.s32 $0x280;
	s15 =	simm.s32 $0x2  }
0xe1: {  	s11 =	simm.s32 $0x300;
	s13 =	simm.s32 $0x2C00;
	_ =	swait.ge [sflag:s15], $0x2800  }
0xe2: {  	s7 =	simm.s32 $0x180;
	s24 =	smov.u32 s25;
	[sflag:s15] =	ssyncset.done $0x0  }
0xe3: {  	s8 =	simm.s32 $0x380;
	s14 =	simm.s32 $0x5400;
	[sflag:s15] =	ssyncadd.s32 $0xFFFFD800  }
0xe4: {  	[spmem:s3] =	stream.indirect.scatter.add.f32 [tilespmem:s13], [sflag:$0xA], $0x80, s0, s29, $0xb8;
	[tilespmem:$0x1E000] =	vst v63  }
0xe5: {  	s10 =	simm.s32 $0x9  }
0xe6: {  	_ =	swait.ge [sflag:s10], $0x2800  }
0xe7: {  	[sflag:s10] =	ssyncset.done $0x0  }
0xe8: {  	s1 =	rddreg [dreg:$0x15];
	[sflag:s10] =	ssyncadd.s32 $0xFFFFD800  }
0xe9: {  	[tilespmem:s4], [sflag:$0x5] =	stream.linear.gather [hbm4b:s1+s4], $0x50, $0x38;
	[tilespmem:$0x1E000] =	vst v63  }
0xea: {  	s6 =	simm.s32 $0x200;
	s0 =	rddreg [dreg:$0x16]  }
0xeb: {  	[tilespmem:s6], [sflag:$0x5] =	stream.linear.gather [hbm4b:s0+s4], $0x50, $0x38;
	[tilespmem:$0x1E000] =	vst v63  }
0xec: {  	_ =	swait.ge [sflag:s16], $0x50  }
0xed: {  	[sflag:s16] =	ssyncset.done $0x0  }
0xee: {  	[sflag:s16] =	ssyncadd.s32 $0xFFFFFFB0  }
0xef: {  	_ =	swait.ge [sflag:s16], $0x50  }
0xf0: {  	[sflag:s16] =	ssyncset.done $0x0  }
0xf1: {  	s13 =	simm.s32 $0x7C00;
	[sflag:s16] =	ssyncadd.s32 $0xFFFFFFB0  }
0xf2: {  	[tilespmem:s13], [sflag:$0x4] =	stream.indirect.gather [hbm4b:s5+s29], $0x80, s7, s29, $0xb8;
	[tilespmem:$0x1E000] =	vst v63  }
0xf3: {  	_ =	swait.ge [sflag:s18], $0x2800  }
0xf4: {  	[sflag:s18] =	ssyncset.done $0x0  }
0xf5: {  	[sflag:s18] =	ssyncadd.s32 $0xFFFFD800  }
0xf6: {  	[spmem:s3] =	stream.indirect.scatter.add.f32 [tilespmem:s14], [sflag:$0xB], $0x80, s11, s29, $0xb8;
	[tilespmem:$0x1E000] =	vst v63  }
0xf7: {  	_ =	swait.ge [sflag:s19], $0x2800  }
0xf8: {  	[sflag:s19] =	ssyncset.done $0x0  }
0xf9: {  	[sflag:s19] =	ssyncadd.s32 $0xFFFFD800  }
0xfa: {  	_ =	swait.ge [sflag:s28], $0x50  }
0xfb: {  	[sflag:s28] =	ssyncset.done $0x0  }
0xfc: {  	[sflag:s28] =	ssyncadd.s32 $0xFFFFFFB0  }
0xfd: {  	_ =	swait.ge [sflag:s28], $0x50  }
0xfe: {  	[sflag:s28] =	ssyncset.done $0x0  }
0xff: {  	s17 =	simm.s32 $0x400;
	[sflag:s28] =	ssyncadd.s32 $0xFFFFFFB0  }
0x100: {  	[tilespmem:s17], [sflag:$0x1] =	stream.indirect.gather [hbm4b:s5+s29], $0x80, s4, s29, $0xb8;
	[tilespmem:$0x1E000] =	vst v63  }
0x101: {  	_ =	swait.ge [sflag:s20], $0x2800  }
0x102: {  	[sflag:s20] =	ssyncset.done $0x0  }
0x103: {  	[sflag:s20] =	ssyncadd.s32 $0xFFFFD800  }
0x104: {  	[spmem:s3] =	stream.indirect.scatter.add.f32 [tilespmem:s13], [sflag:$0xC], $0x80, s8, s29, $0xb8;
	[tilespmem:$0x1E000] =	vst v63  }
0x105: {  	_ =	swait.ge [sflag:s21], $0x2800  }
0x106: {  	[sflag:s21] =	ssyncset.done $0x0  }
0x107: {  	s22 =	simm.s32 $0x1;
	[sflag:s21] =	ssyncadd.s32 $0xFFFFD800  }
0x108: {  	_ =	swait.ge [sflag:s22], $0x2800  }
0x109: {  	[sflag:s22] =	ssyncset.done $0x0  }
0x10a: {  	[sflag:s22] =	ssyncadd.s32 $0xFFFFD800  }
0x10b: {  	[spmem:s3] =	stream.indirect.scatter.add.f32 [tilespmem:s17], [sflag:$0x9], $0x80, s6, s29, $0xb8;
	[tilespmem:$0x1E000] =	vst v63  }
0x10c: {  	_ =	swait.ge [sflag:s9], $0x2800  }
0x10d: {  	[sflag:s9] =	ssyncset.done $0x0  }
0x10e: {  	[sflag:s9] =	ssyncadd.s32 $0xFFFFD800  }
0x10f: {  	_ =	swait.ge [sflag:s10], $0x2800  }
0x110: {  	[sflag:s10] =	ssyncset.done $0x0  }
0x111: {  	[sflag:s10] =	ssyncadd.s32 $0xFFFFD800  }
0x112: {  	[bflag:$0x0] =	sbarrier.arrive $0xFFFF  }
0x113: {  	s6 =	rddreg [dreg:$0xc]  }
0x114: {  	s23 =	rddreg [dreg:$0x17]  }
0x115: {  	s22 =	simm.s32 $0xD;
	s25 =	rddreg [dreg:$0x1b]  }
0x116: {  	[hbm:s23], [sflag:s6] =	dma.local [spmem:s25], $0x2780  }
0x117: {  	_ =	swait.ge [sflag:s22], $0x2780  }
0x118: {  	s30 =	rddreg [dreg:$0x1a]  }
0x119: {  	s31 =	rddreg [dreg:$0x18];
	s0 =	sadd.s32 $0x1, s30  }
0x11a: {  	p0 =	sne.s32 s0, s31  }
.Ltmp1:
0x11b: {  	_ = 	snop;
	(pc) =	sbr.rel @p0 .LBB2_1-.Ltmp1, $3  }
0x11c: {  	_ =	sdelay $0x1  }
0x11d: {  	[sflag:s22] =	ssyncset.done $0x0  }
0x11e: {  	s10 =	simm.s32 $0x100;
	s25 =	simm.s32 $0x80;
	[sflag:s22] =	ssyncadd.s32 $0xFFFFD880  }
0x11f: {  	_ =	sfence.sel $0x180000  }
0x120: {  	[bflag:$0x0] =	sbarrier.arrive $0xFFFF  }
0x121: {  	_ =	strace $0x9000004A  }
0x122: {  	s0 =	stileid.u32;
	[bflag:$0x2] =	sbarrier.arrive $0xFFFF  }
0x123: {  	p0 =	sne.s32 s0, $0x0;
	s0 =	rddreg [dreg:$0x3]  }
0x124: {  	s0 =	sadd.s32 @!p0 $0x100000, s0  }
0x125: {  	[sflag:s0] =	ssyncadd.tile.s32 @!p0 $0x1;
	_ =	shalt  }
.Lfunc_end2:
_tile_overlayer_lowered:
.L_overlay_start_2:
0x126: {  	(tag) =	ssettag $0x2  }
0x127: {  	s0 =	rddreg [dreg:$0x0];
	s2 =	stileid.u32  }
0x128: {  	s1 =	rddreg [dreg:$0x1];
	p0 =	sne.s32 s2, $0x0  }
0x129: {  	s3 =	rddreg [dreg:$0x2];
	[bflag:$0x3] =	sbarrier.arrive $0xFFFF;
	s2 =	simm.s32 @!p0 $0x1C0D  }
0x12a: {  	[timem:s3], [sflag:s2] =	dma.local @!p0 [hbm:s0], s1  }
0x12b: {  	s0 =	simm.s32 @!p0 $0xD  }
0x12c: {  	_ =	swait.ge @!p0 [sflag:s0], s1  }
0x12d: {  	s1 =	ssub.s32 @!p0 $0x0, s1;
	[sflag:s0] =	ssyncset.done @!p0 $0x0  }
0x12e: {  	[sflag:s0] =	ssyncadd.s32 @!p0 s1  }
0x12f: {  	[bflag:$0x3] =	sbarrier.arrive $0xFFFF  }
0x130: {  	_ =	shalt  }

// kernel: kernel.15.cloned.1.call-start
scs
__scs_entry_jumppad:
0x0: {  	(pc) =	sbr.rel $0x88, $3  }
0x1: {  	(tag) =	ssettag $0x0;
	lr =	simm.s32 $0x1  }
0x2: {  	[smem:$0x3F99] =	sst lr;
	_ =	strace $0xD0000000  }
0x3: {  	_ = 	snop  }
0x4: {  	_ = 	snop  }
0x5: {  	_ = 	snop  }
0x6: {  	_ = 	snop  }
0x7: {  	_ = 	snop  }
__scs_overlays_trampoline_lowered:
0x8: {  	[smem:$0x3FA8] =	sst s0  }
0x9: {  	[smem:$0x3FA9] =	sst s1  }
0xa: {  	[smem:$0x3FAA] =	sst s2  }
0xb: {  	[smem:$0x3FAB] =	sst s3  }
0xc: {  	[smem:$0x3FAC] =	sst s4  }
0xd: {  	[smem:$0x3FAD] =	sst s5  }
0xe: {  	[smem:$0x3FAE] =	sst s6  }
0xf: {  	[smem:$0x3FAF] =	sst s7  }
0x10: {  	[smem:$0x3FB0] =	sst s8  }
0x11: {  	[smem:$0x3FB1] =	sst s9;
	s0 =	simm.s32 @!p0 $0x0  }
0x12: {  	s1 =	sld [smem:$0x3F97];
	s0 =	simm.s32 @p0 $0x1  }
0x13: {  	[smem:$0x3FB2] =	sst s0;
	s0 =	simm.s32 @!p1 $0x0  }
0x14: {  	s2 =	sld [smem:$0x3F96];
	s0 =	simm.s32 @p1 $0x1  }
0x15: {  	[smem:$0x3FB3] =	sst s0;
	s0 =	simm.s32 @!p2 $0x0  }
0x16: {  	s3 =	sld [smem:$0x3FDB];
	s0 =	simm.s32 @p2 $0x1  }
0x17: {  	s4 =	simm.s32 $0x1BF5;
	[smem:$0x3FB5] =	sst s0  }
0x18: {  	s0 =	sld [smem:$0x3F98];
	_ =	swait.ge [sflag:s4], $0x0  }
0x19: {  	s7 =	sld [smem:$0x3F99]  }
0x1a: {  	s8 =	sadd.s32 $0xFFFFE003, lr  }
0x1b: {  	s9 =	sadd.s32 $0xFFFFFEF7, lr;
	s5 =	simm.s32 $0xFFFFFFFF;
	p2 =	slt.u32 s8, $0xFFFFF086  }
0x1c: {  	p1 =	slt.u32 s9, $0xF7A;
	s5 =	simm.s32 @!p2 $0x0  }
0x1d: {  	s5 =	simm.s32 @p1 $0x1;
	p0 =	seq.s32 s7, s2  }
0x1e: {  	s7 =	smul.u32 @!p0 $0xF7A, s2;
	p2 =	seq.s32 @!p0 s5, $0x0  }
0x1f: {  	s9 =	smul.u32 $0xF7A, s1;
	s8 =	simm.s32 @!p0 $0x1BF5;
	p2 =	por !p2, p0  }
0x20: {  	[sflag:s8] =	ssyncset.s32 @!p0 $0xFFFFF086;
	s6 =	sadd.s32 @!p0 s3, s7;
	s7 =	simm.s32 @!p0 $0x108  }
0x21: {  	s3 =	sadd.s32 s3, s9;
	s6 =	sadd.s32 @!p0 $0x88, s6;
	s7 =	simm.s32 @p2 $0x1082  }
0x22: {  	[simem:s7], [sflag:s8] =	dma.local @!p0 [hbm:s6], $0xF7A  }
0x23: {  	s9 =	sor.u32 $0xD0000000, s2;
	s6 =	simm.s32 $0x108;
	_ =	swait.ge @!p0 [sflag:s8], $0x0  }
0x24: {  	s3 =	sadd.s32 $0x88, s3;
	s6 =	simm.s32 @!p1 $0x1082;
	[sflag:s4] =	ssyncset.s32 $0xFFFFF086  }
0x25: {  	[simem:s6], [sflag:s4] =	dma.local [hbm:s3], $0xF7A  }
0x26: {  	[smem:$0x3F99] =	sst s1;
	(tag) =	ssettag s2;
	_ =	strace s9  }
0x27: {  	s1 =	sld [smem:$0x3FA9]  }
0x28: {  	s2 =	sld [smem:$0x3FAA]  }
0x29: {  	s4 =	sld [smem:$0x3FAC]  }
0x2a: {  	p0 =	seq.s32 s5, $0x0;
	s5 =	sld [smem:$0x3FAD]  }
0x2b: {  	s6 =	sld [smem:$0x3FAE]  }
0x2c: {  	s7 =	sld [smem:$0x3FAF]  }
0x2d: {  	s3 =	simm.s32 $0x108;
	s8 =	sld [smem:$0x3FB0]  }
0x2e: {  	s3 =	simm.s32 @!p0 $0x1082;
	s9 =	sld [smem:$0x3FB1]  }
0x2f: {  	lr =	sadd.s32 s0, s3;
	s0 =	sld [smem:$0x3FA8]  }
0x30: {  	s3 =	sld [smem:$0x3FAB]  }
0x31: {  	[smem:$0x3FB4] =	sst s10  }
0x32: {  	s10 =	sld [smem:$0x3FB2];
	_ =	sdelay $0x3  }
0x33: {  	p0 =	seq.s32 s10, $0x1;
	s10 =	sld [smem:$0x3FB4];
	_ =	sdelay $0x3  }
0x34: {  	[smem:$0x3FB4] =	sst s10  }
0x35: {  	s10 =	sld [smem:$0x3FB3];
	_ =	sdelay $0x3  }
0x36: {  	p1 =	seq.s32 s10, $0x1;
	s10 =	sld [smem:$0x3FB4];
	_ =	sdelay $0x3  }
0x37: {  	[smem:$0x3FB4] =	sst s10  }
0x38: {  	s10 =	sld [smem:$0x3FB5]  }
0x39: {  	_ = 	snop;
	(pc) =	sbr.ind lr, $3  }
0x3a: {  	_ = 	snop  }
0x3b: {  	_ = 	snop  }
0x3c: {  	p2 =	seq.s32 s10, $0x1;
	s10 =	sld [smem:$0x3FB4]  }
0x3d: {  	_ =	shalt  }
0x3e: {  	_ =	shalt  }
0x3f: {  	_ =	shalt  }
0x40: {  	_ =	shalt  }
0x41: {  	_ =	shalt  }
0x42: {  	_ =	shalt  }
0x43: {  	_ =	shalt  }
0x44: {  	_ =	shalt  }
0x45: {  	_ =	shalt  }
0x46: {  	_ =	shalt  }
0x47: {  	_ =	shalt  }
0x48: {  	_ =	shalt  }
0x49: {  	_ =	shalt  }
0x4a: {  	_ =	shalt  }
0x4b: {  	_ =	shalt  }
0x4c: {  	_ =	shalt  }
0x4d: {  	_ =	shalt  }
0x4e: {  	_ =	shalt  }
0x4f: {  	_ =	shalt  }
0x50: {  	_ =	shalt  }
0x51: {  	_ =	shalt  }
0x52: {  	_ =	shalt  }
0x53: {  	_ =	shalt  }
0x54: {  	_ =	shalt  }
0x55: {  	_ =	shalt  }
0x56: {  	_ =	shalt  }
0x57: {  	_ =	shalt  }
0x58: {  	_ =	shalt  }
0x59: {  	_ =	shalt  }
0x5a: {  	_ =	shalt  }
0x5b: {  	_ =	shalt  }
0x5c: {  	_ =	shalt  }
0x5d: {  	_ =	shalt  }
0x5e: {  	_ =	shalt  }
0x5f: {  	_ =	shalt  }
0x60: {  	_ =	shalt  }
0x61: {  	_ =	shalt  }
0x62: {  	_ =	shalt  }
0x63: {  	_ =	shalt  }
0x64: {  	_ =	shalt  }
0x65: {  	_ =	shalt  }
0x66: {  	_ =	shalt  }
0x67: {  	_ =	shalt  }
0x68: {  	_ =	shalt  }
0x69: {  	_ =	shalt  }
0x6a: {  	_ =	shalt  }
0x6b: {  	_ =	shalt  }
0x6c: {  	_ =	shalt  }
0x6d: {  	_ =	shalt  }
0x6e: {  	_ =	shalt  }
0x6f: {  	_ =	shalt  }
0x70: {  	_ =	shalt  }
0x71: {  	_ =	shalt  }
0x72: {  	_ =	shalt  }
0x73: {  	_ =	shalt  }
0x74: {  	_ =	shalt  }
0x75: {  	_ =	shalt  }
0x76: {  	_ =	shalt  }
0x77: {  	_ =	shalt  }
0x78: {  	_ =	shalt  }
0x79: {  	_ =	shalt  }
0x7a: {  	_ =	shalt  }
0x7b: {  	_ =	shalt  }
0x7c: {  	_ =	shalt  }
0x7d: {  	_ =	shalt  }
0x7e: {  	_ =	shalt  }
0x7f: {  	_ =	shalt  }
0x80: {  	_ =	shalt  }
0x81: {  	_ =	shalt  }
0x82: {  	_ =	shalt  }
0x83: {  	_ =	shalt  }
0x84: {  	_ =	shalt  }
0x85: {  	_ =	shalt  }
0x86: {  	_ =	shalt  }
0x87: {  	_ =	shalt  }
.Lfunc_end0:
.L_simem_size_0:
called_computation.2_lowered:
.L_overlay_start_0:
0x88: {  	s2 =	sld [smem:$0x3FD9]  }
0x89: {  	s3 =	sld [smem:$0x3FFE];
	_ =	sdelay $0x1  }
0x8a: {  	s1 =	srdreg.scid  }
0x8b: {  	s0 =	sand.u32 $0x1, s1  }
0x8c: {  	s17 =	sshll.u32 s0, $0xA;
	s2 =	sadd.s32 s3, s2  }
0x8d: {  	s2 =	sadd.s32 s2, s17  }
0x8e: {  	[smem:$0x3FC0] =	sst s2  }
0x8f: {  	_ = 	snop  }
0x90: {  	s2 =	sld [smem:$0x3FD0];
	(tm) =	ssettm $0x1  }
0x91: {  	s18 =	sld [smem:$0x3FFB];
	_ =	sdelay $0x3  }
0x92: {  	_ =	strace s18  }
0x93: {  	s3 =	sld [smem:$0x3FFC];
	_ =	sdelay $0x3  }
0x94: {  	_ =	strace s3  }
0x95: {  	s3 =	sld [smem:$0x3FFD];
	_ =	sdelay $0x3  }
0x96: {  	_ =	strace s3  }
0x97: {  	_ =	strace $0x8FFFFFFF  }
0x98: {  	s19 =	sld [smem:$0x3FDB];
	_ =	sdelay $0x1  }
0x99: {  	s4 =	simm.s32 $_scs_section_size  }
0x9a: {  	s5 =	simm.s32 $_size__tile_overlayer_lowered;
	s6 =	simm.s32 $_tile_overlayer_lowered  }
0x9b: {  	s22 =	simm.s32 $0x1BFF;
	s21 =	sshll.u32 s6, $0x1;
	s3 =	sadd.s32 s4, s19  }
0x9c: {  	s7 =	simm.s32 $0x0;
	s20 =	sshll.u32 s5, $0x1;
	s5 =	sadd.s32 s21, s3  }
0x9d: {  	[timem:s7], [sflag:s22] =	dma.local [hbm:s5], s20  }
0x9e: {  	_ =	swait.ge [sflag:s22], s20  }
0x9f: {  	s4 =	ssub.s32 $0x0, s20;
	[sflag:s22] =	ssyncset.done $0x0  }
0xa0: {  	[sflag:s22] =	ssyncadd.s32 s4;
	_ =	sdelay $0x1  }
0xa1: {  	s23 =	simm.s32 $0x1B8B  }
0xa2: {  	_ =	swait.ge [sflag:s23], $0x1  }
0xa3: {  	[sflag:s23] =	ssyncset.done $0x0  }
0xa4: {  	s25 =	simm.s32 $0x1B8E;
	s24 =	sld [smem:$0x3FFE];
	[sflag:s23] =	ssyncadd.s32 $0xFFFFFFFF  }
0xa5: {  	s26 =	simm.s32 $execute0_lowered;
	[smem:$0x3FD2] =	sst s25  }
0xa6: {  	s5 =	sshll.u32 s26, $0x1;
	_ =	strace $0x8000004C;
	[dreg:$0x1] =	wrdreg $0xFFFFFFFF  }
0xa7: {  	s28 =	simm.s32 $_size_execute0_lowered;
	s3 =	sadd.s32 s3, s5;
	[dreg:$0x0] =	wrdreg $0x0  }
0xa8: {  	s5 =	sshll.u32 s28, $0x1;
	[dreg:$0x2] =	wrdreg s3  }
0xa9: {  	[dreg:$0x3] =	wrdreg s5  }
0xaa: {  	[dreg:$0x4] =	wrdreg $0xC0  }
0xab: {  	_ =	task [dreg:s7], $0x5FFFF  }
0xac: {  	[dreg:$0x1] =	wrdreg $0xFFFFFFFF  }
0xad: {  	[dreg:$0x0] =	wrdreg $0x60  }
0xae: {  	[dreg:$0x2] =	wrdreg s24  }
0xaf: {  	[dreg:$0x3] =	wrdreg s2  }
0xb0: {  	[dreg:$0x4] =	wrdreg $0xA4000  }
0xb1: {  	[dreg:$0x5] =	wrdreg $0x9  }
0xb2: {  	_ =	task.clear_ibuf [dreg:s7], $0x6FFFF;
	_ =	strace $0x9000004C  }
0xb3: {  	s29 =	simm.s32 $0x9;
	_ =	strace $0x8000004E  }
0xb4: {  	_ =	swait.ge [sflag:s29], $0x1  }
0xb5: {  	[sflag:s29] =	ssyncadd.s32 $0xFFFFFFFF  }
0xb6: {  	_ =	strace $0x9000004E  }
0xb7: {  	_ =	sfence  }
0xb8: {  	s30 =	sld [smem:$0x0];
	_ =	sdelay $0x2  }
0xb9: {  	s31 =	sshll.u32 s1, $0xD;
	s1 =	sshrl.u32 s1, $0x2  }
0xba: {  	s3 =	sand.u32 $0x4000, s31;
	s1 =	sadd.s32 s1, s30  }
0xbb: {  	s0 =	sor.u32 s3, s0;
	s1 =	sshll.u32 s1, $0x11  }
0xbc: {  	s0 =	sor.u32 s1, s0  }
0xbd: {  	s0 =	sadd.s32 $0x8F2B, s0  }
0xbe: {  	[sflag:s0] =	ssyncadd.remote.s32 $0x1  }
0xbf: {  	_ =	sfence.sel $0xFFFF  }
0xc0: {  	[dreg:$0x0] =	wrdreg $0xFFFFFFFF;
	(pc) =	sbr.abs _section_cstart, $3  }
0xc1: {  	[dreg:$0x1] =	wrdreg $0xFFFFFFFF  }
0xc2: {  	_ =	task.clear_ibuf [dreg:s7], $0x2FFFF;
	_ =	strace $0x9FFFFFFF  }
0xc3: {  	(tm) =	ssettm $0x7FFFFFFF  }
tec
execute0_lowered:
.L_overlay_start_1:
0x0: {  	(tag) =	ssettag $0x1  }
0x1: {  	s0 =	rddreg [dreg:$0x0]  }
0x2: {  	s24 =	rddreg [dreg:$0x1]  }
0x3: {  	s3 =	rddreg [dreg:$0x2];
	s4 =	simm.s32 $0x0  }
0x4: {  	s1 =	srdreg.scid;
	s6 =	stileid.u32;
	s28 =	simm.s32 $0x5  }
0x5: {  	s29 =	simm.s32 $0x50;
	[smem:$0x7FF] =	sst s4;
	s2 =	smul.u32 $0x2780, s6  }
0x6: {  	s1 =	sand.u32 $0x1, s1;
	s5 =	sadd.s32 $0xD600, s0;
	s15 =	smul.u32 $0x2710, s6  }
0x7: {  	s26 =	sadd.s32 $0x3800, s0;
	s9 =	sadd.s32 $0x5BA00, s0;
	s10 =	smul.u32 $0x4F000, s6  }
0x8: {  	s18 =	sshll.u32 s6, $0x6;
	_ =	strace $0x8000004D;
	s7 =	smul.u32 $0x27800, s1  }
0x9: {  	s8 =	smul.u32 $0x27100, s1;
	[dreg:$0xa] =	wrdreg s9;
	s1 =	ssub.s32 $0x2, s1  }
0xa: {  	s6 =	sor.u32 $0x1C0D, s18;
	s16 =	sshrl.u32 s1, $0x1;
	s17 =	sshrl.u32 s10, $0x2  }
0xb: {  	s10 =	simm.s32 $0x100;
	[dreg:$0xc] =	wrdreg s6;
	s2 =	sadd.s32 s2, s7  }
0xc: {  	s19 =	sadd.s32 s17, s3;
	s0 =	sadd.s32 s2, s0;
	s2 =	sadd.s32 s15, s8  }
0xd: {  	s1 =	ssub.s32 s1, s16;
	[dreg:$0xb] =	wrdreg s19;
	s9 =	sshrl.u32 s2, $0x3  }
0xe: {  	s11 =	sadd.s32 $0x230, s2;
	s16 =	sadd.s32 $0x1E0, s2;
	s0 =	sadd.s32 $0x5E200, s0  }
0xf: {  	s19 =	sadd.s32 $0x190, s2;
	s20 =	sadd.s32 s24, s9;
	[dreg:$0x17] =	wrdreg s0  }
0x10: {  	s21 =	sadd.s32 s26, s9;
	s22 =	sadd.s32 $0xA, s9;
	[dreg:$0xd] =	wrdreg s20  }
0x11: {  	s23 =	sadd.s32 $0x14, s9;
	[dreg:$0xe] =	wrdreg s21;
	s25 =	sadd.s32 s24, s22  }
0x12: {  	s8 =	sadd.s32 $0x1E, s9;
	s7 =	sadd.s32 s26, s22;
	[dreg:$0xf] =	wrdreg s25  }
0x13: {  	s13 =	sshrl.u32 s11, $0x3;
	s30 =	sadd.s32 s24, s23;
	[dreg:$0x10] =	wrdreg s7  }
0x14: {  	s14 =	sadd.s32 $0x4D8, s9;
	s31 =	sadd.s32 s26, s23;
	[dreg:$0x11] =	wrdreg s30  }
0x15: {  	s17 =	sshrl.u32 s16, $0x3;
	s12 =	sadd.s32 s24, s8;
	[dreg:$0x12] =	wrdreg s31  }
0x16: {  	s16 =	simm.s32 $0x8;
	s15 =	sadd.s32 s13, s26;
	[dreg:$0x13] =	wrdreg s12  }
0x17: {  	s9 =	simm.s32 $0xC;
	s18 =	sadd.s32 s17, s26;
	[dreg:$0x4] =	wrdreg s15  }
0x18: {  	s0 =	simm.s32 $0x0;
	s22 =	sadd.s32 s24, s14;
	[dreg:$0x6] =	wrdreg s18  }
0x19: {  	s20 =	sadd.s32 s17, s24;
	s21 =	sshrl.u32 s19, $0x3;
	[dreg:$0x15] =	wrdreg s22  }
0x1a: {  	s19 =	simm.s32 $0xA;
	s7 =	sadd.s32 s26, s8;
	[dreg:$0x7] =	wrdreg s20  }
0x1b: {  	s23 =	sadd.s32 s21, s26;
	s8 =	sadd.s32 s26, s14;
	[dreg:$0x14] =	wrdreg s7  }
0x1c: {  	s25 =	sadd.s32 s21, s24;
	s30 =	smax.u32 s1, $0x1;
	[dreg:$0x16] =	wrdreg s8  }
0x1d: {  	s31 =	sadd.s32 $0x140, s2;
	s22 =	simm.s32 $0xD;
	[dreg:$0x8] =	wrdreg s23  }
0x1e: {  	s2 =	simm.s32 $0x6;
	s12 =	simm.s32 $0x7;
	[dreg:$0x18] =	wrdreg s30  }
0x1f: {  	s15 =	simm.s32 $0x2;
	s18 =	simm.s32 $0x3;
	[dreg:$0x9] =	wrdreg s25  }
0x20: {  	s20 =	simm.s32 $0x4;
	s7 =	sadd.s32 s13, s24;
	[dreg:$0x19] =	wrdreg s31  }
0x21: {  	s21 =	simm.s32 $0xB;
	s25 =	simm.s32 $0x80;
	[dreg:$0x5] =	wrdreg s7  }
.LBB2_1:
0x22: {  	[dreg:$0x1a] =	wrdreg s0  }
0x23: {  	s1 =	rddreg [dreg:$0xb]  }
0x24: {  	s8 =	rddreg [dreg:$0xa];
	s7 =	sshrl.u32 s1, $0x3  }
0x25: {  	[dreg:$0x1b] =	wrdreg s7  }
0x26: {  	[spmem:s7], [sflag:s6] =	dma.local [hbm:s8], $0x2780  }
0x27: {  	_ =	swait.ge [sflag:s22], $0x2780  }
0x28: {  	[sflag:s22] =	ssyncset.done $0x0  }
0x29: {  	[sflag:s22] =	ssyncadd.s32 $0xFFFFD880  }
0x2a: {  	[bflag:$0x0] =	sbarrier.arrive $0xFFFF  }
0x2b: {  	s11 =	rddreg [dreg:$0xd]  }
0x2c: {  	[tilespmem:s4], [sflag:$0x5] =	stream.linear.gather [hbm4b:s11+s4], $0x50, $0x38;
	[tilespmem:$0x1E000] =	vst v63  }
0x2d: {  	s23 =	simm.s32 $0x200;
	s13 =	rddreg [dreg:$0xe]  }
0x2e: {  	[tilespmem:s23], [sflag:$0x5] =	stream.linear.gather [hbm4b:s13+s4], $0x50, $0x38;
	[tilespmem:$0x1E000] =	vst v63  }
0x2f: {  	s14 =	rddreg [dreg:$0xf]  }
0x30: {  	[tilespmem:s25], [sflag:$0x6] =	stream.linear.gather [hbm4b:s14+s4], $0x50, $0x38;
	[tilespmem:$0x1E000] =	vst v63  }
0x31: {  	s0 =	simm.s32 $0x280;
	s17 =	rddreg [dreg:$0x10]  }
0x32: {  	[tilespmem:s0], [sflag:$0x6] =	stream.linear.gather [hbm4b:s17+s4], $0x50, $0x38;
	[tilespmem:$0x1E000] =	vst v63  }
0x33: {  	_ =	swait.ge [sflag:s28], $0x50  }
0x34: {  	[sflag:s28] =	ssyncset.done $0x0  }
0x35: {  	[sflag:s28] =	ssyncadd.s32 $0xFFFFFFB0  }
0x36: {  	_ =	swait.ge [sflag:s28], $0x50  }
0x37: {  	[sflag:s28] =	ssyncset.done $0x0  }
0x38: {  	s7 =	simm.s32 $0x400;
	[sflag:s28] =	ssyncadd.s32 $0xFFFFFFB0  }
0x39: {  	[tilespmem:s7], [sflag:$0x1] =	stream.indirect.gather [hbm4b:s5+s29], $0x80, s4, s29, $0xb8;
	[tilespmem:$0x1E000] =	vst v63  }
0x3a: {  	s22 =	rddreg [dreg:$0x11]  }
0x3b: {  	[tilespmem:s10], [sflag:$0x7] =	stream.linear.gather [hbm4b:s22+s4], $0x50, $0x38;
	[tilespmem:$0x1E000] =	vst v63  }
0x3c: {  	s11 =	simm.s32 $0x300;
	s30 =	rddreg [dreg:$0x12]  }
0x3d: {  	[tilespmem:s11], [sflag:$0x7] =	stream.linear.gather [hbm4b:s30+s4], $0x50, $0x38;
	[tilespmem:$0x1E000] =	vst v63  }
0x3e: {  	_ =	swait.ge [sflag:s2], $0x50  }
0x3f: {  	[sflag:s2] =	ssyncset.done $0x0  }
0x40: {  	[sflag:s2] =	ssyncadd.s32 $0xFFFFFFB0  }
0x41: {  	_ =	swait.ge [sflag:s2], $0x50  }
0x42: {  	[sflag:s2] =	ssyncset.done $0x0  }
0x43: {  	s13 =	simm.s32 $0x2C00;
	s17 =	simm.s32 $0x1;
	[sflag:s2] =	ssyncadd.s32 $0xFFFFFFB0  }
0x44: {  	[tilespmem:s13], [sflag:$0x2] =	stream.indirect.gather [hbm4b:s5+s29], $0x80, s25, s29, $0xb8;
	[tilespmem:$0x1E000] =	vst v63  }
0x45: {  	_ =	swait.ge [sflag:s17], $0x2800  }
0x46: {  	[sflag:s17] =	ssyncset.done $0x0  }
0x47: {  	[sflag:s17] =	ssyncadd.s32 $0xFFFFD800  }
0x48: {  	[spmem:s3] =	stream.indirect.scatter.add.f32 [tilespmem:s7], [sflag:$0x9], $0x80, s23, s29, $0xb8;
	[tilespmem:$0x1E000] =	vst v63  }
0x49: {  	s8 =	simm.s32 $0x180;
	s6 =	rddreg [dreg:$0x13]  }
0x4a: {  	[tilespmem:s8], [sflag:$0x8] =	stream.linear.gather [hbm4b:s6+s4], $0x50, $0x38;
	[tilespmem:$0x1E000] =	vst v63  }
0x4b: {  	s30 =	simm.s32 $0x380;
	s14 =	rddreg [dreg:$0x14]  }
0x4c: {  	[tilespmem:s30], [sflag:$0x8] =	stream.linear.gather [hbm4b:s14+s4], $0x50, $0x38;
	[tilespmem:$0x1E000] =	vst v63  }
0x4d: {  	_ =	swait.ge [sflag:s12], $0x50  }
0x4e: {  	[sflag:s12] =	ssyncset.done $0x0  }
0x4f: {  	[sflag:s12] =	ssyncadd.s32 $0xFFFFFFB0  }
0x50: {  	_ =	swait.ge [sflag:s12], $0x50  }
0x51: {  	[sflag:s12] =	ssyncset.done $0x0  }
0x52: {  	s14 =	simm.s32 $0x5400;
	[sflag:s12] =	ssyncadd.s32 $0xFFFFFFB0  }
0x53: {  	[tilespmem:s14], [sflag:$0x3] =	stream.indirect.gather [hbm4b:s5+s29], $0x80, s10, s29, $0xb8;
	[tilespmem:$0x1E000] =	vst v63  }
0x54: {  	_ =	swait.ge [sflag:s15], $0x2800  }
0x55: {  	[sflag:s15] =	ssyncset.done $0x0  }
0x56: {  	s22 =	simm.s32 $0x9;
	[sflag:s15] =	ssyncadd.s32 $0xFFFFD800  }
0x57: {  	[spmem:s3] =	stream.indirect.scatter.add.f32 [tilespmem:s13], [sflag:$0xA], $0x80, s0, s29, $0xb8;
	[tilespmem:$0x1E000] =	vst v63  }
0x58: {  	_ =	swait.ge [sflag:s22], $0x2800  }
0x59: {  	s6 =	rddreg [dreg:$0x19]  }
0x5a: {  	[sflag:s22] =	ssyncset.done $0x0;
	s1 =	sshrl.u32 s6, $0x3  }
0x5b: {  	[sflag:s22] =	ssyncadd.s32 $0xFFFFD800;
	s22 =	sadd.s32 s24, s1  }
0x5c: {  	[tilespmem:s4], [sflag:$0x5] =	stream.linear.gather [hbm4b:s22+s4], $0x50, $0x38;
	[tilespmem:$0x1E000] =	vst v63  }
0x5d: {  	s1 =	sadd.s32 s26, s1  }
0x5e: {  	[tilespmem:s23], [sflag:$0x5] =	stream.linear.gather [hbm4b:s1+s4], $0x50, $0x38;
	[tilespmem:$0x1E000] =	vst v63  }
0x5f: {  	_ =	swait.ge [sflag:s16], $0x50  }
0x60: {  	[sflag:s16] =	ssyncset.done $0x0  }
0x61: {  	[sflag:s16] =	ssyncadd.s32 $0xFFFFFFB0  }
0x62: {  	_ =	swait.ge [sflag:s16], $0x50  }
0x63: {  	[sflag:s16] =	ssyncset.done $0x0  }
0x64: {  	s31 =	simm.s32 $0x7C00;
	[sflag:s16] =	ssyncadd.s32 $0xFFFFFFB0  }
0x65: {  	[tilespmem:s31], [sflag:$0x4] =	stream.indirect.gather [hbm4b:s5+s29], $0x80, s8, s29, $0xb8;
	[tilespmem:$0x1E000] =	vst v63  }
0x66: {  	_ =	swait.ge [sflag:s18], $0x2800  }
0x67: {  	[sflag:s18] =	ssyncset.done $0x0  }
0x68: {  	[sflag:s18] =	ssyncadd.s32 $0xFFFFD800  }
0x69: {  	[spmem:s3] =	stream.indirect.scatter.add.f32 [tilespmem:s14], [sflag:$0xB], $0x80, s11, s29, $0xb8;
	[tilespmem:$0x1E000] =	vst v63  }
0x6a: {  	_ =	swait.ge [sflag:s19], $0x2800  }
0x6b: {  	s1 =	rddreg [dreg:$0x9];
	[sflag:s19] =	ssyncset.done $0x0  }
0x6c: {  	s22 =	rddreg [dreg:$0x8];
	[sflag:s19] =	ssyncadd.s32 $0xFFFFD800;
	s1 =	sadd.s32 $0x0, s1  }
0x6d: {  	[tilespmem:s25], [sflag:$0x6] =	stream.linear.gather [hbm4b:s1+s4], $0x50, $0x38;
	[tilespmem:$0x1E000] =	vst v63  }
0x6e: {  	s22 =	sadd.s32 $0x0, s22  }
0x6f: {  	[tilespmem:s0], [sflag:$0x6] =	stream.linear.gather [hbm4b:s22+s4], $0x50, $0x38;
	[tilespmem:$0x1E000] =	vst v63  }
0x70: {  	_ =	swait.ge [sflag:s28], $0x50  }
0x71: {  	[sflag:s28] =	ssyncset.done $0x0  }
0x72: {  	[sflag:s28] =	ssyncadd.s32 $0xFFFFFFB0  }
0x73: {  	_ =	swait.ge [sflag:s28], $0x50  }
0x74: {  	[sflag:s28] =	ssyncset.done $0x0  }
0x75: {  	[sflag:s28] =	ssyncadd.s32 $0xFFFFFFB0  }
0x76: {  	[tilespmem:s7], [sflag:$0x1] =	stream.indirect.gather [hbm4b:s5+s29], $0x80, s4, s29, $0xb8;
	[tilespmem:$0x1E000] =	vst v63  }
0x77: {  	_ =	swait.ge [sflag:s20], $0x2800  }
0x78: {  	[sflag:s20] =	ssyncset.done $0x0  }
0x79: {  	[sflag:s20] =	ssyncadd.s32 $0xFFFFD800  }
0x7a: {  	[spmem:s3] =	stream.indirect.scatter.add.f32 [tilespmem:s31], [sflag:$0xC], $0x80, s30, s29, $0xb8;
	[tilespmem:$0x1E000] =	vst v63  }
0x7b: {  	_ =	swait.ge [sflag:s21], $0x2800  }
0x7c: {  	s22 =	rddreg [dreg:$0x7];
	[sflag:s21] =	ssyncset.done $0x0  }
0x7d: {  	s0 =	rddreg [dreg:$0x6];
	[sflag:s21] =	ssyncadd.s32 $0xFFFFD800;
	s1 =	sadd.s32 $0x0, s22  }
0x7e: {  	[tilespmem:s10], [sflag:$0x7] =	stream.linear.gather [hbm4b:s1+s4], $0x50, $0x38;
	[tilespmem:$0x1E000] =	vst v63  }
0x7f: {  	s0 =	sadd.s32 $0x0, s0  }
0x80: {  	[tilespmem:s11], [sflag:$0x7] =	stream.linear.gather [hbm4b:s0+s4], $0x50, $0x38;
	[tilespmem:$0x1E000] =	vst v63  }
0x81: {  	_ =	swait.ge [sflag:s2], $0x50  }
0x82: {  	[sflag:s2] =	ssyncset.done $0x0  }
0x83: {  	[sflag:s2] =	ssyncadd.s32 $0xFFFFFFB0  }
0x84: {  	_ =	swait.ge [sflag:s2], $0x50  }
0x85: {  	[sflag:s2] =	ssyncset.done $0x0  }
0x86: {  	[sflag:s2] =	ssyncadd.s32 $0xFFFFFFB0  }
0x87: {  	[tilespmem:s13], [sflag:$0x2] =	stream.indirect.gather [hbm4b:s5+s29], $0x80, s25, s29, $0xb8;
	[tilespmem:$0x1E000] =	vst v63  }
0x88: {  	_ =	swait.ge [sflag:s17], $0x2800  }
0x89: {  	[sflag:s17] =	ssyncset.done $0x0  }
0x8a: {  	[sflag:s17] =	ssyncadd.s32 $0xFFFFD800  }
0x8b: {  	[spmem:s3] =	stream.indirect.scatter.add.f32 [tilespmem:s7], [sflag:$0x9], $0x80, s23, s29, $0xb8;
	[tilespmem:$0x1E000] =	vst v63  }
0x8c: {  	_ =	swait.ge [sflag:s9], $0x2800  }
0x8d: {  	s22 =	rddreg [dreg:$0x5];
	[sflag:s9] =	ssyncset.done $0x0  }
0x8e: {  	s23 =	rddreg [dreg:$0x4];
	[sflag:s9] =	ssyncadd.s32 $0xFFFFD800;
	s1 =	sadd.s32 $0x0, s22  }
0x8f: {  	[tilespmem:s8], [sflag:$0x8] =	stream.linear.gather [hbm4b:s1+s4], $0x50, $0x38;
	[tilespmem:$0x1E000] =	vst v63  }
0x90: {  	s25 =	sadd.s32 $0x0, s23  }
0x91: {  	[tilespmem:s30], [sflag:$0x8] =	stream.linear.gather [hbm4b:s25+s4], $0x50, $0x38;
	[tilespmem:$0x1E000] =	vst v63  }
0x92: {  	_ =	swait.ge [sflag:s12], $0x50  }
0x93: {  	[sflag:s12] =	ssyncset.done $0x0  }
0x94: {  	[sflag:s12] =	ssyncadd.s32 $0xFFFFFFB0  }
0x95: {  	_ =	swait.ge [sflag:s12], $0x50  }
0x96: {  	[sflag:s12] =	ssyncset.done $0x0  }
0x97: {  	[sflag:s12] =	ssyncadd.s32 $0xFFFFFFB0  }
0x98: {  	[tilespmem:s14], [sflag:$0x3] =	stream.indirect.gather [hbm4b:s5+s29], $0x80, s10, s29, $0xb8;
	[tilespmem:$0x1E000] =	vst v63  }
0x99: {  	_ =	swait.ge [sflag:s15], $0x2800  }
0x9a: {  	s31 =	simm.s32 $0x80;
	s23 =	simm.s32 $0x28;
	[sflag:s15] =	ssyncset.done $0x0  }
0x9b: {  	s22 =	sadd.s32 $0x140, s6;
	s10 =	simm.s32 $0x100;
	[sflag:s15] =	ssyncadd.s32 $0xFFFFD800  }
.LBB2_2:
0x9c: {  	s7 =	simm.s32 $0x280;
	s17 =	simm.s32 $0x2C00;
	s0 =	simm.s32 $0x9  }
0x9d: {  	[spmem:s3] =	stream.indirect.scatter.add.f32 [tilespmem:s17], [sflag:$0xA], $0x80, s7, s29, $0xb8;
	[tilespmem:$0x1E000] =	vst v63  }
0x9e: {  	_ =	swait.ge [sflag:s0], $0x2800  }
0x9f: {  	s6 =	sshrl.u32 s22, $0x3;
	[sflag:s0] =	ssyncset.done $0x0  }
0xa0: {  	s15 =	sadd.s32 s24, s6;
	[sflag:s0] =	ssyncadd.s32 $0xFFFFD800  }
0xa1: {  	[tilespmem:s4], [sflag:$0x5] =	stream.linear.gather [hbm4b:s15+s4], $0x50, $0x38;
	[tilespmem:$0x1E000] =	vst v63  }
0xa2: {  	s30 =	simm.s32 $0x200;
	s6 =	sadd.s32 s26, s6  }
0xa3: {  	[tilespmem:s30], [sflag:$0x5] =	stream.linear.gather [hbm4b:s6+s4], $0x50, $0x38;
	[tilespmem:$0x1E000] =	vst v63  }
0xa4: {  	_ =	swait.ge [sflag:s16], $0x50  }
0xa5: {  	[sflag:s16] =	ssyncset.done $0x0  }
0xa6: {  	[sflag:s16] =	ssyncadd.s32 $0xFFFFFFB0  }
0xa7: {  	_ =	swait.ge [sflag:s16], $0x50  }
0xa8: {  	[sflag:s16] =	ssyncset.done $0x0  }
0xa9: {  	s8 =	simm.s32 $0x180;
	s11 =	simm.s32 $0x7C00;
	[sflag:s16] =	ssyncadd.s32 $0xFFFFFFB0  }
0xaa: {  	[tilespmem:s11], [sflag:$0x4] =	stream.indirect.gather [hbm4b:s5+s29], $0x80, s8, s29, $0xb8;
	[tilespmem:$0x1E000] =	vst v63  }
0xab: {  	_ =	swait.ge [sflag:s18], $0x2800  }
0xac: {  	[sflag:s18] =	ssyncset.done $0x0  }
0xad: {  	s13 =	simm.s32 $0x300;
	s15 =	simm.s32 $0x5400;
	[sflag:s18] =	ssyncadd.s32 $0xFFFFD800  }
0xae: {  	[spmem:s3] =	stream.indirect.scatter.add.f32 [tilespmem:s15], [sflag:$0xB], $0x80, s13, s29, $0xb8;
	[tilespmem:$0x1E000] =	vst v63  }
0xaf: {  	s1 =	smov.u32 s23;
	_ =	swait.ge [sflag:s19], $0x2800  }
0xb0: {  	s25 =	smov.u32 s24;
	s24 =	rddreg [dreg:$0x9];
	[sflag:s19] =	ssyncset.done $0x0  }
0xb1: {  	s0 =	rddreg [dreg:$0x8];
	[sflag:s19] =	ssyncadd.s32 $0xFFFFD800;
	s6 =	sadd.s32 s1, s24  }
0xb2: {  	[tilespmem:s31], [sflag:$0x6] =	stream.linear.gather [hbm4b:s6+s4], $0x50, $0x38;
	[tilespmem:$0x1E000] =	vst v63  }
0xb3: {  	s14 =	sadd.s32 s1, s0  }
0xb4: {  	[tilespmem:s7], [sflag:$0x6] =	stream.linear.gather [hbm4b:s14+s4], $0x50, $0x38;
	[tilespmem:$0x1E000] =	vst v63  }
0xb5: {  	_ =	swait.ge [sflag:s28], $0x50  }
0xb6: {  	[sflag:s28] =	ssyncset.done $0x0  }
0xb7: {  	[sflag:s28] =	ssyncadd.s32 $0xFFFFFFB0  }
0xb8: {  	_ =	swait.ge [sflag:s28], $0x50  }
0xb9: {  	[sflag:s28] =	ssyncset.done $0x0  }
0xba: {  	s7 =	simm.s32 $0x400;
	[sflag:s28] =	ssyncadd.s32 $0xFFFFFFB0  }
0xbb: {  	[tilespmem:s7], [sflag:$0x1] =	stream.indirect.gather [hbm4b:s5+s29], $0x80, s4, s29, $0xb8;
	[tilespmem:$0x1E000] =	vst v63  }
0xbc: {  	_ =	swait.ge [sflag:s20], $0x2800  }
0xbd: {  	[sflag:s20] =	ssyncset.done $0x0  }
0xbe: {  	s14 =	simm.s32 $0x380;
	[sflag:s20] =	ssyncadd.s32 $0xFFFFD800  }
0xbf: {  	[spmem:s3] =	stream.indirect.scatter.add.f32 [tilespmem:s11], [sflag:$0xC], $0x80, s14, s29, $0xb8;
	[tilespmem:$0x1E000] =	vst v63  }
0xc0: {  	_ =	swait.ge [sflag:s21], $0x2800  }
0xc1: {  	s24 =	rddreg [dreg:$0x7];
	[sflag:s21] =	ssyncset.done $0x0  }
0xc2: {  	s11 =	rddreg [dreg:$0x6];
	[sflag:s21] =	ssyncadd.s32 $0xFFFFD800;
	s6 =	sadd.s32 s1, s24  }
0xc3: {  	[tilespmem:s10], [sflag:$0x7] =	stream.linear.gather [hbm4b:s6+s4], $0x50, $0x38;
	[tilespmem:$0x1E000] =	vst v63  }
0xc4: {  	s24 =	sadd.s32 s1, s11  }
0xc5: {  	[tilespmem:s13], [sflag:$0x7] =	stream.linear.gather [hbm4b:s24+s4], $0x50, $0x38;
	[tilespmem:$0x1E000] =	vst v63  }
0xc6: {  	_ =	swait.ge [sflag:s2], $0x50  }
0xc7: {  	[sflag:s2] =	ssyncset.done $0x0  }
0xc8: {  	[sflag:s2] =	ssyncadd.s32 $0xFFFFFFB0  }
0xc9: {  	_ =	swait.ge [sflag:s2], $0x50  }
0xca: {  	[sflag:s2] =	ssyncset.done $0x0  }
0xcb: {  	[sflag:s2] =	ssyncadd.s32 $0xFFFFFFB0  }
0xcc: {  	[tilespmem:s17], [sflag:$0x2] =	stream.indirect.gather [hbm4b:s5+s29], $0x80, s31, s29, $0xb8;
	[tilespmem:$0x1E000] =	vst v63  }
0xcd: {  	s17 =	simm.s32 $0x1  }
0xce: {  	_ =	swait.ge [sflag:s17], $0x2800  }
0xcf: {  	[sflag:s17] =	ssyncset.done $0x0  }
0xd0: {  	[sflag:s17] =	ssyncadd.s32 $0xFFFFD800  }
0xd1: {  	[spmem:s3] =	stream.indirect.scatter.add.f32 [tilespmem:s7], [sflag:$0x9], $0x80, s30, s29, $0xb8;
	[tilespmem:$0x1E000] =	vst v63  }
0xd2: {  	_ =	swait.ge [sflag:s9], $0x2800  }
0xd3: {  	s24 =	rddreg [dreg:$0x5];
	[sflag:s9] =	ssyncset.done $0x0  }
0xd4: {  	s30 =	rddreg [dreg:$0x4];
	[sflag:s9] =	ssyncadd.s32 $0xFFFFD800;
	s6 =	sadd.s32 s1, s24  }
0xd5: {  	[tilespmem:s8], [sflag:$0x8] =	stream.linear.gather [hbm4b:s6+s4], $0x50, $0x38;
	[tilespmem:$0x1E000] =	vst v63  }
0xd6: {  	s1 =	sadd.s32 s1, s30  }
0xd7: {  	[tilespmem:s14], [sflag:$0x8] =	stream.linear.gather [hbm4b:s1+s4], $0x50, $0x38;
	[tilespmem:$0x1E000] =	vst v63  }
0xd8: {  	_ =	swait.ge [sflag:s12], $0x50  }
0xd9: {  	[sflag:s12] =	ssyncset.done $0x0  }
0xda: {  	[sflag:s12] =	ssyncadd.s32 $0xFFFFFFB0  }
0xdb: {  	_ =	swait.ge [sflag:s12], $0x50  }
0xdc: {  	[sflag:s12] =	ssyncset.done $0x0  }
0xdd: {  	p0 =	sne.s32 s23, $0x488;
	[sflag:s12] =	ssyncadd.s32 $0xFFFFFFB0  }
0xde: {  	[tilespmem:s15], [sflag:$0x3] =	stream.indirect.gather [hbm4b:s5+s29], $0x80, s10, s29, $0xb8;
	[tilespmem:$0x1E000] =	vst v63  }
.Ltmp0:
0xdf: {  	s23 =	sadd.s32 $0x28, s23;
	(pc) =	sbr.rel @p0 .LBB2_2-.Ltmp0, $4  }
0xe0: {  	s22 =	sadd.s32 $0x140, s22;
	s0 =	simm.s32 $0x280;
	s15 =	simm.s32 $0x2  }
0xe1: {  	s11 =	simm.s32 $0x300;
	s13 =	simm.s32 $0x2C00;
	_ =	swait.ge [sflag:s15], $0x2800  }
0xe2: {  	s7 =	simm.s32 $0x180;
	s24 =	smov.u32 s25;
	[sflag:s15] =	ssyncset.done $0x0  }
0xe3: {  	s8 =	simm.s32 $0x380;
	s14 =	simm.s32 $0x5400;
	[sflag:s15] =	ssyncadd.s32 $0xFFFFD800  }
0xe4: {  	[spmem:s3] =	stream.indirect.scatter.add.f32 [tilespmem:s13], [sflag:$0xA], $0x80, s0, s29, $0xb8;
	[tilespmem:$0x1E000] =	vst v63  }
0xe5: {  	s10 =	simm.s32 $0x9  }
0xe6: {  	_ =	swait.ge [sflag:s10], $0x2800  }
0xe7: {  	[sflag:s10] =	ssyncset.done $0x0  }
0xe8: {  	s1 =	rddreg [dreg:$0x15];
	[sflag:s10] =	ssyncadd.s32 $0xFFFFD800  }
0xe9: {  	[tilespmem:s4], [sflag:$0x5] =	stream.linear.gather [hbm4b:s1+s4], $0x50, $0x38;
	[tilespmem:$0x1E000] =	vst v63  }
0xea: {  	s6 =	simm.s32 $0x200;
	s0 =	rddreg [dreg:$0x16]  }
0xeb: {  	[tilespmem:s6], [sflag:$0x5] =	stream.linear.gather [hbm4b:s0+s4], $0x50, $0x38;
	[tilespmem:$0x1E000] =	vst v63  }
0xec: {  	_ =	swait.ge [sflag:s16], $0x50  }
0xed: {  	[sflag:s16] =	ssyncset.done $0x0  }
0xee: {  	[sflag:s16] =	ssyncadd.s32 $0xFFFFFFB0  }
0xef: {  	_ =	swait.ge [sflag:s16], $0x50  }
0xf0: {  	[sflag:s16] =	ssyncset.done $0x0  }
0xf1: {  	s13 =	simm.s32 $0x7C00;
	[sflag:s16] =	ssyncadd.s32 $0xFFFFFFB0  }
0xf2: {  	[tilespmem:s13], [sflag:$0x4] =	stream.indirect.gather [hbm4b:s5+s29], $0x80, s7, s29, $0xb8;
	[tilespmem:$0x1E000] =	vst v63  }
0xf3: {  	_ =	swait.ge [sflag:s18], $0x2800  }
0xf4: {  	[sflag:s18] =	ssyncset.done $0x0  }
0xf5: {  	[sflag:s18] =	ssyncadd.s32 $0xFFFFD800  }
0xf6: {  	[spmem:s3] =	stream.indirect.scatter.add.f32 [tilespmem:s14], [sflag:$0xB], $0x80, s11, s29, $0xb8;
	[tilespmem:$0x1E000] =	vst v63  }
0xf7: {  	_ =	swait.ge [sflag:s19], $0x2800  }
0xf8: {  	[sflag:s19] =	ssyncset.done $0x0  }
0xf9: {  	[sflag:s19] =	ssyncadd.s32 $0xFFFFD800  }
0xfa: {  	_ =	swait.ge [sflag:s28], $0x50  }
0xfb: {  	[sflag:s28] =	ssyncset.done $0x0  }
0xfc: {  	[sflag:s28] =	ssyncadd.s32 $0xFFFFFFB0  }
0xfd: {  	_ =	swait.ge [sflag:s28], $0x50  }
0xfe: {  	[sflag:s28] =	ssyncset.done $0x0  }
0xff: {  	s17 =	simm.s32 $0x400;
	[sflag:s28] =	ssyncadd.s32 $0xFFFFFFB0  }
0x100: {  	[tilespmem:s17], [sflag:$0x1] =	stream.indirect.gather [hbm4b:s5+s29], $0x80, s4, s29, $0xb8;
	[tilespmem:$0x1E000] =	vst v63  }
0x101: {  	_ =	swait.ge [sflag:s20], $0x2800  }
0x102: {  	[sflag:s20] =	ssyncset.done $0x0  }
0x103: {  	[sflag:s20] =	ssyncadd.s32 $0xFFFFD800  }
0x104: {  	[spmem:s3] =	stream.indirect.scatter.add.f32 [tilespmem:s13], [sflag:$0xC], $0x80, s8, s29, $0xb8;
	[tilespmem:$0x1E000] =	vst v63  }
0x105: {  	_ =	swait.ge [sflag:s21], $0x2800  }
0x106: {  	[sflag:s21] =	ssyncset.done $0x0  }
0x107: {  	s22 =	simm.s32 $0x1;
	[sflag:s21] =	ssyncadd.s32 $0xFFFFD800  }
0x108: {  	_ =	swait.ge [sflag:s22], $0x2800  }
0x109: {  	[sflag:s22] =	ssyncset.done $0x0  }
0x10a: {  	[sflag:s22] =	ssyncadd.s32 $0xFFFFD800  }
0x10b: {  	[spmem:s3] =	stream.indirect.scatter.add.f32 [tilespmem:s17], [sflag:$0x9], $0x80, s6, s29, $0xb8;
	[tilespmem:$0x1E000] =	vst v63  }
0x10c: {  	_ =	swait.ge [sflag:s9], $0x2800  }
0x10d: {  	[sflag:s9] =	ssyncset.done $0x0  }
0x10e: {  	[sflag:s9] =	ssyncadd.s32 $0xFFFFD800  }
0x10f: {  	_ =	swait.ge [sflag:s10], $0x2800  }
0x110: {  	[sflag:s10] =	ssyncset.done $0x0  }
0x111: {  	[sflag:s10] =	ssyncadd.s32 $0xFFFFD800  }
0x112: {  	[bflag:$0x0] =	sbarrier.arrive $0xFFFF  }
0x113: {  	s6 =	rddreg [dreg:$0xc]  }
0x114: {  	s23 =	rddreg [dreg:$0x17]  }
0x115: {  	s22 =	simm.s32 $0xD;
	s25 =	rddreg [dreg:$0x1b]  }
0x116: {  	[hbm:s23], [sflag:s6] =	dma.local [spmem:s25], $0x2780  }
0x117: {  	_ =	swait.ge [sflag:s22], $0x2780  }
0x118: {  	s30 =	rddreg [dreg:$0x1a]  }
0x119: {  	s31 =	rddreg [dreg:$0x18];
	s0 =	sadd.s32 $0x1, s30  }
0x11a: {  	p0 =	sne.s32 s0, s31  }
.Ltmp1:
0x11b: {  	_ = 	snop;
	(pc) =	sbr.rel @p0 .LBB2_1-.Ltmp1, $3  }
0x11c: {  	_ =	sdelay $0x1  }
0x11d: {  	[sflag:s22] =	ssyncset.done $0x0  }
0x11e: {  	s10 =	simm.s32 $0x100;
	s25 =	simm.s32 $0x80;
	[sflag:s22] =	ssyncadd.s32 $0xFFFFD880  }
0x11f: {  	_ =	sfence.sel $0x180000  }
0x120: {  	[bflag:$0x0] =	sbarrier.arrive $0xFFFF  }
0x121: {  	_ =	strace $0x9000004D  }
0x122: {  	s0 =	stileid.u32;
	[bflag:$0x2] =	sbarrier.arrive $0xFFFF  }
0x123: {  	p0 =	sne.s32 s0, $0x0;
	s0 =	rddreg [dreg:$0x3]  }
0x124: {  	s0 =	sadd.s32 @!p0 $0x100000, s0  }
0x125: {  	[sflag:s0] =	ssyncadd.tile.s32 @!p0 $0x1;
	_ =	shalt  }
.Lfunc_end2:
_tile_overlayer_lowered:
.L_overlay_start_2:
0x126: {  	(tag) =	ssettag $0x2  }
0x127: {  	s0 =	rddreg [dreg:$0x0];
	s2 =	stileid.u32  }
0x128: {  	s1 =	rddreg [dreg:$0x1];
	p0 =	sne.s32 s2, $0x0  }
0x129: {  	s3 =	rddreg [dreg:$0x2];
	[bflag:$0x3] =	sbarrier.arrive $0xFFFF;
	s2 =	simm.s32 @!p0 $0x1C0D  }
0x12a: {  	[timem:s3], [sflag:s2] =	dma.local @!p0 [hbm:s0], s1  }
0x12b: {  	s0 =	simm.s32 @!p0 $0xD  }
0x12c: {  	_ =	swait.ge @!p0 [sflag:s0], s1  }
0x12d: {  	s1 =	ssub.s32 @!p0 $0x0, s1;
	[sflag:s0] =	ssyncset.done @!p0 $0x0  }
0x12e: {  	[sflag:s0] =	ssyncadd.s32 @!p0 s1  }
0x12f: {  	[bflag:$0x3] =	sbarrier.arrive $0xFFFF  }
0x130: {  	_ =	shalt  }

// kernel: kernel.9.cloned.1.call-start
scs
__scs_entry_jumppad:
0x0: {  	(pc) =	sbr.rel $0x88, $3  }
0x1: {  	(tag) =	ssettag $0x0;
	lr =	simm.s32 $0x1  }
0x2: {  	[smem:$0x3F99] =	sst lr;
	_ =	strace $0xD0000000  }
0x3: {  	_ = 	snop  }
0x4: {  	_ = 	snop  }
0x5: {  	_ = 	snop  }
0x6: {  	_ = 	snop  }
0x7: {  	_ = 	snop  }
__scs_overlays_trampoline_lowered:
0x8: {  	[smem:$0x3FA8] =	sst s0  }
0x9: {  	[smem:$0x3FA9] =	sst s1  }
0xa: {  	[smem:$0x3FAA] =	sst s2  }
0xb: {  	[smem:$0x3FAB] =	sst s3  }
0xc: {  	[smem:$0x3FAC] =	sst s4  }
0xd: {  	[smem:$0x3FAD] =	sst s5  }
0xe: {  	[smem:$0x3FAE] =	sst s6  }
0xf: {  	[smem:$0x3FAF] =	sst s7  }
0x10: {  	[smem:$0x3FB0] =	sst s8  }
0x11: {  	[smem:$0x3FB1] =	sst s9;
	s0 =	simm.s32 @!p0 $0x0  }
0x12: {  	s1 =	sld [smem:$0x3F97];
	s0 =	simm.s32 @p0 $0x1  }
0x13: {  	[smem:$0x3FB2] =	sst s0;
	s0 =	simm.s32 @!p1 $0x0  }
0x14: {  	s2 =	sld [smem:$0x3F96];
	s0 =	simm.s32 @p1 $0x1  }
0x15: {  	[smem:$0x3FB3] =	sst s0;
	s0 =	simm.s32 @!p2 $0x0  }
0x16: {  	s3 =	sld [smem:$0x3FDB];
	s0 =	simm.s32 @p2 $0x1  }
0x17: {  	s4 =	simm.s32 $0x1BF5;
	[smem:$0x3FB5] =	sst s0  }
0x18: {  	s0 =	sld [smem:$0x3F98];
	_ =	swait.ge [sflag:s4], $0x0  }
0x19: {  	s7 =	sld [smem:$0x3F99]  }
0x1a: {  	s8 =	sadd.s32 $0xFFFFE003, lr  }
0x1b: {  	s9 =	sadd.s32 $0xFFFFFEF7, lr;
	s5 =	simm.s32 $0xFFFFFFFF;
	p2 =	slt.u32 s8, $0xFFFFF086  }
0x1c: {  	p1 =	slt.u32 s9, $0xF7A;
	s5 =	simm.s32 @!p2 $0x0  }
0x1d: {  	s5 =	simm.s32 @p1 $0x1;
	p0 =	seq.s32 s7, s2  }
0x1e: {  	s7 =	smul.u32 @!p0 $0xF7A, s2;
	p2 =	seq.s32 @!p0 s5, $0x0  }
0x1f: {  	s9 =	smul.u32 $0xF7A, s1;
	s8 =	simm.s32 @!p0 $0x1BF5;
	p2 =	por !p2, p0  }
0x20: {  	[sflag:s8] =	ssyncset.s32 @!p0 $0xFFFFF086;
	s6 =	sadd.s32 @!p0 s3, s7;
	s7 =	simm.s32 @!p0 $0x108  }
0x21: {  	s3 =	sadd.s32 s3, s9;
	s6 =	sadd.s32 @!p0 $0x88, s6;
	s7 =	simm.s32 @p2 $0x1082  }
0x22: {  	[simem:s7], [sflag:s8] =	dma.local @!p0 [hbm:s6], $0xF7A  }
0x23: {  	s9 =	sor.u32 $0xD0000000, s2;
	s6 =	simm.s32 $0x108;
	_ =	swait.ge @!p0 [sflag:s8], $0x0  }
0x24: {  	s3 =	sadd.s32 $0x88, s3;
	s6 =	simm.s32 @!p1 $0x1082;
	[sflag:s4] =	ssyncset.s32 $0xFFFFF086  }
0x25: {  	[simem:s6], [sflag:s4] =	dma.local [hbm:s3], $0xF7A  }
0x26: {  	[smem:$0x3F99] =	sst s1;
	(tag) =	ssettag s2;
	_ =	strace s9  }
0x27: {  	s1 =	sld [smem:$0x3FA9]  }
0x28: {  	s2 =	sld [smem:$0x3FAA]  }
0x29: {  	s4 =	sld [smem:$0x3FAC]  }
0x2a: {  	p0 =	seq.s32 s5, $0x0;
	s5 =	sld [smem:$0x3FAD]  }
0x2b: {  	s6 =	sld [smem:$0x3FAE]  }
0x2c: {  	s7 =	sld [smem:$0x3FAF]  }
0x2d: {  	s3 =	simm.s32 $0x108;
	s8 =	sld [smem:$0x3FB0]  }
0x2e: {  	s3 =	simm.s32 @!p0 $0x1082;
	s9 =	sld [smem:$0x3FB1]  }
0x2f: {  	lr =	sadd.s32 s0, s3;
	s0 =	sld [smem:$0x3FA8]  }
0x30: {  	s3 =	sld [smem:$0x3FAB]  }
0x31: {  	[smem:$0x3FB4] =	sst s10  }
0x32: {  	s10 =	sld [smem:$0x3FB2];
	_ =	sdelay $0x3  }
0x33: {  	p0 =	seq.s32 s10, $0x1;
	s10 =	sld [smem:$0x3FB4];
	_ =	sdelay $0x3  }
0x34: {  	[smem:$0x3FB4] =	sst s10  }
0x35: {  	s10 =	sld [smem:$0x3FB3];
	_ =	sdelay $0x3  }
0x36: {  	p1 =	seq.s32 s10, $0x1;
	s10 =	sld [smem:$0x3FB4];
	_ =	sdelay $0x3  }
0x37: {  	[smem:$0x3FB4] =	sst s10  }
0x38: {  	s10 =	sld [smem:$0x3FB5]  }
0x39: {  	_ = 	snop;
	(pc) =	sbr.ind lr, $3  }
0x3a: {  	_ = 	snop  }
0x3b: {  	_ = 	snop  }
0x3c: {  	p2 =	seq.s32 s10, $0x1;
	s10 =	sld [smem:$0x3FB4]  }
0x3d: {  	_ =	shalt  }
0x3e: {  	_ =	shalt  }
0x3f: {  	_ =	shalt  }
0x40: {  	_ =	shalt  }
0x41: {  	_ =	shalt  }
0x42: {  	_ =	shalt  }
0x43: {  	_ =	shalt  }
0x44: {  	_ =	shalt  }
0x45: {  	_ =	shalt  }
0x46: {  	_ =	shalt  }
0x47: {  	_ =	shalt  }
0x48: {  	_ =	shalt  }
0x49: {  	_ =	shalt  }
0x4a: {  	_ =	shalt  }
0x4b: {  	_ =	shalt  }
0x4c: {  	_ =	shalt  }
0x4d: {  	_ =	shalt  }
0x4e: {  	_ =	shalt  }
0x4f: {  	_ =	shalt  }
0x50: {  	_ =	shalt  }
0x51: {  	_ =	shalt  }
0x52: {  	_ =	shalt  }
0x53: {  	_ =	shalt  }
0x54: {  	_ =	shalt  }
0x55: {  	_ =	shalt  }
0x56: {  	_ =	shalt  }
0x57: {  	_ =	shalt  }
0x58: {  	_ =	shalt  }
0x59: {  	_ =	shalt  }
0x5a: {  	_ =	shalt  }
0x5b: {  	_ =	shalt  }
0x5c: {  	_ =	shalt  }
0x5d: {  	_ =	shalt  }
0x5e: {  	_ =	shalt  }
0x5f: {  	_ =	shalt  }
0x60: {  	_ =	shalt  }
0x61: {  	_ =	shalt  }
0x62: {  	_ =	shalt  }
0x63: {  	_ =	shalt  }
0x64: {  	_ =	shalt  }
0x65: {  	_ =	shalt  }
0x66: {  	_ =	shalt  }
0x67: {  	_ =	shalt  }
0x68: {  	_ =	shalt  }
0x69: {  	_ =	shalt  }
0x6a: {  	_ =	shalt  }
0x6b: {  	_ =	shalt  }
0x6c: {  	_ =	shalt  }
0x6d: {  	_ =	shalt  }
0x6e: {  	_ =	shalt  }
0x6f: {  	_ =	shalt  }
0x70: {  	_ =	shalt  }
0x71: {  	_ =	shalt  }
0x72: {  	_ =	shalt  }
0x73: {  	_ =	shalt  }
0x74: {  	_ =	shalt  }
0x75: {  	_ =	shalt  }
0x76: {  	_ =	shalt  }
0x77: {  	_ =	shalt  }
0x78: {  	_ =	shalt  }
0x79: {  	_ =	shalt  }
0x7a: {  	_ =	shalt  }
0x7b: {  	_ =	shalt  }
0x7c: {  	_ =	shalt  }
0x7d: {  	_ =	shalt  }
0x7e: {  	_ =	shalt  }
0x7f: {  	_ =	shalt  }
0x80: {  	_ =	shalt  }
0x81: {  	_ =	shalt  }
0x82: {  	_ =	shalt  }
0x83: {  	_ =	shalt  }
0x84: {  	_ =	shalt  }
0x85: {  	_ =	shalt  }
0x86: {  	_ =	shalt  }
0x87: {  	_ =	shalt  }
.Lfunc_end0:
.L_simem_size_0:
called_computation_lowered:
.L_overlay_start_0:
0x88: {  	s2 =	sld [smem:$0x3FD9]  }
0x89: {  	s3 =	sld [smem:$0x3FFE];
	_ =	sdelay $0x1  }
0x8a: {  	s1 =	srdreg.scid  }
0x8b: {  	s0 =	sand.u32 $0x1, s1  }
0x8c: {  	s16 =	sshll.u32 s0, $0xA;
	s2 =	sadd.s32 s3, s2  }
0x8d: {  	s2 =	sadd.s32 s2, s16  }
0x8e: {  	[smem:$0x3FC0] =	sst s2  }
0x8f: {  	_ = 	snop  }
0x90: {  	(tm) =	ssettm $0x1  }
0x91: {  	s17 =	sld [smem:$0x3FFB];
	_ =	sdelay $0x3  }
0x92: {  	_ =	strace s17  }
0x93: {  	s2 =	sld [smem:$0x3FFC];
	_ =	sdelay $0x3  }
0x94: {  	_ =	strace s2  }
0x95: {  	s2 =	sld [smem:$0x3FFD];
	_ =	sdelay $0x3  }
0x96: {  	_ =	strace s2  }
0x97: {  	_ =	strace $0x8FFFFFFF  }
0x98: {  	s18 =	sld [smem:$0x3FDB];
	_ =	sdelay $0x1  }
0x99: {  	s19 =	simm.s32 $_scs_section_size  }
0x9a: {  	s4 =	simm.s32 $_size__tile_overlayer_lowered;
	s5 =	simm.s32 $_tile_overlayer_lowered  }
0x9b: {  	s22 =	simm.s32 $0x1BFF;
	s21 =	sshll.u32 s5, $0x1;
	s2 =	sadd.s32 s19, s18  }
0x9c: {  	s6 =	simm.s32 $0x0;
	s20 =	sshll.u32 s4, $0x1;
	s4 =	sadd.s32 s21, s2  }
0x9d: {  	[timem:s6], [sflag:s22] =	dma.local [hbm:s4], s20  }
0x9e: {  	_ =	swait.ge [sflag:s22], s20  }
0x9f: {  	s3 =	ssub.s32 $0x0, s20;
	[sflag:s22] =	ssyncset.done $0x0  }
0xa0: {  	[sflag:s22] =	ssyncadd.s32 s3;
	_ =	sdelay $0x1  }
0xa1: {  	s23 =	simm.s32 $0x1B8B  }
0xa2: {  	_ =	swait.ge [sflag:s23], $0x1  }
0xa3: {  	[sflag:s23] =	ssyncset.done $0x0  }
0xa4: {  	s25 =	simm.s32 $0x1B8E;
	s24 =	sld [smem:$0x3FFE];
	[sflag:s23] =	ssyncadd.s32 $0xFFFFFFFF  }
0xa5: {  	s26 =	simm.s32 $execute0_lowered;
	[smem:$0x3FD2] =	sst s25  }
0xa6: {  	s4 =	sshll.u32 s26, $0x1;
	_ =	strace $0x80000046;
	[dreg:$0x1] =	wrdreg $0xFFFFFFFF  }
0xa7: {  	s28 =	simm.s32 $_size_execute0_lowered;
	s2 =	sadd.s32 s2, s4;
	[dreg:$0x0] =	wrdreg $0x0  }
0xa8: {  	s4 =	sshll.u32 s28, $0x1;
	[dreg:$0x2] =	wrdreg s2  }
0xa9: {  	[dreg:$0x3] =	wrdreg s4  }
0xaa: {  	[dreg:$0x4] =	wrdreg $0xC0  }
0xab: {  	_ =	task [dreg:s6], $0x5FFFF  }
0xac: {  	[dreg:$0x1] =	wrdreg $0xFFFFFFFF  }
0xad: {  	[dreg:$0x0] =	wrdreg $0x60  }
0xae: {  	[dreg:$0x2] =	wrdreg s24  }
0xaf: {  	[dreg:$0x3] =	wrdreg $0x2800  }
0xb0: {  	[dreg:$0x4] =	wrdreg $0x9  }
0xb1: {  	_ =	task.clear_ibuf [dreg:s6], $0x5FFFF;
	_ =	strace $0x90000046  }
0xb2: {  	s29 =	simm.s32 $0x9;
	_ =	strace $0x80000048  }
0xb3: {  	_ =	swait.ge [sflag:s29], $0x1  }
0xb4: {  	[sflag:s29] =	ssyncadd.s32 $0xFFFFFFFF  }
0xb5: {  	_ =	strace $0x90000048  }
0xb6: {  	_ =	sfence  }
0xb7: {  	s30 =	sld [smem:$0x0];
	_ =	sdelay $0x2  }
0xb8: {  	s31 =	sshll.u32 s1, $0xD;
	s1 =	sshrl.u32 s1, $0x2  }
0xb9: {  	s3 =	sand.u32 $0x4000, s31;
	s1 =	sadd.s32 s1, s30  }
0xba: {  	s0 =	sor.u32 s3, s0;
	s1 =	sshll.u32 s1, $0x11  }
0xbb: {  	s0 =	sor.u32 s1, s0  }
0xbc: {  	s0 =	sadd.s32 $0x8F2B, s0  }
0xbd: {  	[sflag:s0] =	ssyncadd.remote.s32 $0x1  }
0xbe: {  	_ =	sfence.sel $0xFFFF  }
0xbf: {  	[dreg:$0x0] =	wrdreg $0xFFFFFFFF;
	(pc) =	sbr.abs _section_cstart, $3  }
0xc0: {  	[dreg:$0x1] =	wrdreg $0xFFFFFFFF  }
0xc1: {  	_ =	task.clear_ibuf [dreg:s6], $0x2FFFF;
	_ =	strace $0x9FFFFFFF  }
0xc2: {  	(tm) =	ssettm $0x7FFFFFFF  }
0xc3: {  	_ =	shalt  }
tec
execute0_lowered:
.L_overlay_start_1:
0x0: {  	(tag) =	ssettag $0x1  }
0x1: {  	s0 =	rddreg [dreg:$0x0];
	s1 =	srdreg.scid  }
0x2: {  	s9 =	stileid.u32;
	s2 =	rddreg [dreg:$0x1];
	s3 =	simm.s32 $0x0  }
0x3: {  	s28 =	simm.s32 $0x2;
	s29 =	simm.s32 $0x3;
	s30 =	simm.s32 $0x4  }
0x4: {  	s31 =	simm.s32 $0x0;
	s1 =	sand.u32 $0x1, s1;
	s5 =	smul.u32 $0x280, s9  }
0x5: {  	[smem:$0x7FF] =	sst s3;
	s4 =	sadd.s32 $0x3800, s0;
	s8 =	smul.u32 $0x2710, s9  }
0x6: {  	s10 =	sadd.s32 $0xD800, s0;
	s17 =	sadd.s32 $0xD600, s0;
	s6 =	smul.u32 $0x2800, s1  }
0x7: {  	s7 =	smul.u32 $0x27100, s1;
	_ =	strace $0x80000047;
	[dreg:$0x3] =	wrdreg s10  }
0x8: {  	s19 =	sshll.u32 s9, $0x6;
	[dreg:$0x4] =	wrdreg s17;
	s1 =	ssub.s32 $0x2, s1  }
0x9: {  	s18 =	sshrl.u32 s1, $0x1;
	s6 =	sadd.s32 s5, s6;
	s17 =	sadd.s32 s8, s7  }
0xa: {  	s1 =	ssub.s32 s1, s18;
	s5 =	sadd.s32 s5, s2;
	s8 =	sor.u32 $0x1C05, s19  }
0xb: {  	s6 =	sshrl.u32 s6, $0x3;
	s7 =	sshrl.u32 s17, $0x3;
	s14 =	smax.u32 s1, $0x1  }
0xc: {  	s22 =	sadd.s32 $0x1E0, s17;
	s23 =	sadd.s32 $0x190, s17;
	s24 =	sadd.s32 $0xF0, s17  }
0xd: {  	s17 =	sadd.s32 $0x140, s17;
	s19 =	sshrl.u32 s5, $0x3;
	s0 =	sadd.s32 s6, s0  }
0xe: {  	s7 =	sadd.s32 s4, s7;
	s25 =	sshrl.u32 s23, $0x3;
	s26 =	sshrl.u32 s24, $0x3  }
0xf: {  	s23 =	simm.s32 $0x100;
	s24 =	simm.s32 $0x180;
	s20 =	sadd.s32 $0xA, s7  }
0x10: {  	s21 =	sadd.s32 $0x14, s7;
	s11 =	sadd.s32 $0x4CE, s7;
	s12 =	sadd.s32 $0x4D8, s7  }
0x11: {  	s13 =	sadd.s32 $0xDA00, s0;
	s0 =	sshrl.u32 s22, $0x3;
	s16 =	sadd.s32 s25, s4  }
0x12: {  	s18 =	sadd.s32 s26, s4;
	s22 =	simm.s32 $0x80;
	[dreg:$0x5] =	wrdreg s20  }
0x13: {  	s25 =	simm.s32 $0x1;
	s26 =	simm.s32 $0x50;
	[dreg:$0x6] =	wrdreg s21  }
0x14: {  	s15 =	sadd.s32 s0, s4;
	s20 =	simm.s32 $0x5;
	s21 =	simm.s32 $0x200  }
.LBB2_1:
0x15: {  	s0 =	rddreg [dreg:$0x4]  }
0x16: {  	[spmem:s19], [sflag:s8] =	dma.local [hbm:s0], $0x50  }
0x17: {  	_ =	swait.ge [sflag:s20], $0x50  }
0x18: {  	[sflag:s20] =	ssyncset.done $0x0  }
0x19: {  	s9 =	rddreg [dreg:$0x3];
	[sflag:s20] =	ssyncadd.s32 $0xFFFFFFB0  }
0x1a: {  	[tilespmem:s21], [sflag:$0x5] =	stream.linear.gather [hbm4b:s9+s3], $0x80, $0x38;
	[tilespmem:$0x500] =	vst v63  }
0x1b: {  	_ =	swait.ge [sflag:s20], $0x80  }
0x1c: {  	[sflag:s20] =	ssyncset.done $0x0  }
0x1d: {  	[sflag:s20] =	ssyncadd.s32 $0xFFFFFF80  }
0x1e: {  	[bflag:$0x0] =	sbarrier.arrive $0xFFFF  }
0x1f: {  	[tilespmem:s3], [sflag:$0x1] =	stream.linear.gather [hbm4b:s7+s3], $0x50, $0x38;
	[tilespmem:$0x500] =	vst v63  }
0x20: {  	s10 =	rddreg [dreg:$0x5]  }
0x21: {  	[tilespmem:s22], [sflag:$0x2] =	stream.linear.gather [hbm4b:s10+s3], $0x50, $0x38;
	[tilespmem:$0x500] =	vst v63  }
0x22: {  	s1 =	rddreg [dreg:$0x6]  }
0x23: {  	[tilespmem:s23], [sflag:$0x3] =	stream.linear.gather [hbm4b:s1+s3], $0x50, $0x38;
	[tilespmem:$0x500] =	vst v63  }
0x24: {  	s5 =	sadd.s32 $0x0, s18  }
0x25: {  	[tilespmem:s24], [sflag:$0x4] =	stream.linear.gather [hbm4b:s5+s3], $0x50, $0x38;
	[tilespmem:$0x500] =	vst v63  }
0x26: {  	_ =	swait.ge [sflag:s25], $0x50  }
0x27: {  	[sflag:s25] =	ssyncset.done $0x0  }
0x28: {  	[sflag:s25] =	ssyncadd.s32 $0xFFFFFFB0  }
0x29: {  	[spmem:s2] =	stream.indirect.scatter.add.f32 [tilespmem:s21], [sflag:$0x5], $0x1, s3, s26, $0xb8;
	[tilespmem:$0x500] =	vst v63  }
0x2a: {  	_ =	swait.ge [sflag:s20], $0x50  }
0x2b: {  	s6 =	sshrl.u32 s17, $0x3;
	[sflag:s20] =	ssyncset.done $0x0  }
0x2c: {  	s0 =	sadd.s32 s4, s6;
	[sflag:s20] =	ssyncadd.s32 $0xFFFFFFB0  }
0x2d: {  	[tilespmem:s3], [sflag:$0x1] =	stream.linear.gather [hbm4b:s0+s3], $0x50, $0x38;
	[tilespmem:$0x500] =	vst v63  }
0x2e: {  	_ =	swait.ge [sflag:s28], $0x50  }
0x2f: {  	[sflag:s28] =	ssyncset.done $0x0  }
0x30: {  	[sflag:s28] =	ssyncadd.s32 $0xFFFFFFB0  }
0x31: {  	[spmem:s2] =	stream.indirect.scatter.add.f32 [tilespmem:s21], [sflag:$0x5], $0x1, s22, s26, $0xb8;
	[tilespmem:$0x500] =	vst v63  }
0x32: {  	_ =	swait.ge [sflag:s20], $0x50  }
0x33: {  	[sflag:s20] =	ssyncset.done $0x0  }
0x34: {  	s9 =	sadd.s32 $0x0, s16;
	[sflag:s20] =	ssyncadd.s32 $0xFFFFFFB0  }
0x35: {  	[tilespmem:s22], [sflag:$0x2] =	stream.linear.gather [hbm4b:s9+s3], $0x50, $0x38;
	[tilespmem:$0x500] =	vst v63  }
0x36: {  	_ =	swait.ge [sflag:s29], $0x50  }
0x37: {  	[sflag:s29] =	ssyncset.done $0x0  }
0x38: {  	[sflag:s29] =	ssyncadd.s32 $0xFFFFFFB0  }
0x39: {  	[spmem:s2] =	stream.indirect.scatter.add.f32 [tilespmem:s21], [sflag:$0x5], $0x1, s23, s26, $0xb8;
	[tilespmem:$0x500] =	vst v63  }
0x3a: {  	_ =	swait.ge [sflag:s20], $0x50  }
0x3b: {  	[sflag:s20] =	ssyncset.done $0x0  }
0x3c: {  	s10 =	sadd.s32 $0x0, s15;
	[sflag:s20] =	ssyncadd.s32 $0xFFFFFFB0  }
0x3d: {  	[tilespmem:s23], [sflag:$0x3] =	stream.linear.gather [hbm4b:s10+s3], $0x50, $0x38;
	[tilespmem:$0x500] =	vst v63  }
0x3e: {  	_ =	swait.ge [sflag:s30], $0x50  }
0x3f: {  	[sflag:s30] =	ssyncset.done $0x0  }
0x40: {  	[sflag:s30] =	ssyncadd.s32 $0xFFFFFFB0  }
0x41: {  	[spmem:s2] =	stream.indirect.scatter.add.f32 [tilespmem:s21], [sflag:$0x5], $0x1, s24, s26, $0xb8;
	[tilespmem:$0x500] =	vst v63  }
0x42: {  	s1 =	simm.s32 $0x28;
	_ =	swait.ge [sflag:s20], $0x50  }
0x43: {  	s5 =	simm.s32 $0x50;
	s0 =	sadd.s32 $0x140, s17;
	[sflag:s20] =	ssyncset.done $0x0  }
.LBB2_2:
0x44: {  	s9 =	sadd.s32 s1, s18  }
0x45: {  	[sflag:s20] =	ssyncadd.s32 $0xFFFFFFB0;
	s10 =	smov.u32 s5;
	s6 =	sadd.s32 $0x28, s5  }
0x46: {  	[tilespmem:s24], [sflag:$0x4] =	stream.linear.gather [hbm4b:s9+s3], $0x50, $0x38;
	[tilespmem:$0x500] =	vst v63  }
0x47: {  	p0 =	sne.s32 s5, $0x488;
	_ =	swait.ge [sflag:s25], $0x50  }
0x48: {  	[sflag:s25] =	ssyncset.done $0x0  }
0x49: {  	[sflag:s25] =	ssyncadd.s32 $0xFFFFFFB0  }
0x4a: {  	[spmem:s2] =	stream.indirect.scatter.add.f32 [tilespmem:s21], [sflag:$0x5], $0x1, s3, s26, $0xb8;
	[tilespmem:$0x500] =	vst v63  }
0x4b: {  	_ =	swait.ge [sflag:s20], $0x50  }
0x4c: {  	s5 =	sshrl.u32 s0, $0x3;
	[sflag:s20] =	ssyncset.done $0x0  }
0x4d: {  	s5 =	sadd.s32 s4, s5;
	[sflag:s20] =	ssyncadd.s32 $0xFFFFFFB0  }
0x4e: {  	[tilespmem:s3], [sflag:$0x1] =	stream.linear.gather [hbm4b:s5+s3], $0x50, $0x38;
	[tilespmem:$0x500] =	vst v63  }
0x4f: {  	_ =	swait.ge [sflag:s28], $0x50  }
0x50: {  	[sflag:s28] =	ssyncset.done $0x0  }
0x51: {  	[sflag:s28] =	ssyncadd.s32 $0xFFFFFFB0  }
0x52: {  	[spmem:s2] =	stream.indirect.scatter.add.f32 [tilespmem:s21], [sflag:$0x5], $0x1, s22, s26, $0xb8;
	[tilespmem:$0x500] =	vst v63  }
0x53: {  	_ =	swait.ge [sflag:s20], $0x50  }
0x54: {  	[sflag:s20] =	ssyncset.done $0x0  }
0x55: {  	s5 =	sadd.s32 s1, s16;
	[sflag:s20] =	ssyncadd.s32 $0xFFFFFFB0  }
0x56: {  	[tilespmem:s22], [sflag:$0x2] =	stream.linear.gather [hbm4b:s5+s3], $0x50, $0x38;
	[tilespmem:$0x500] =	vst v63  }
0x57: {  	_ =	swait.ge [sflag:s29], $0x50  }
0x58: {  	[sflag:s29] =	ssyncset.done $0x0  }
0x59: {  	[sflag:s29] =	ssyncadd.s32 $0xFFFFFFB0  }
0x5a: {  	[spmem:s2] =	stream.indirect.scatter.add.f32 [tilespmem:s21], [sflag:$0x5], $0x1, s23, s26, $0xb8;
	[tilespmem:$0x500] =	vst v63  }
0x5b: {  	_ =	swait.ge [sflag:s20], $0x50  }
0x5c: {  	[sflag:s20] =	ssyncset.done $0x0  }
0x5d: {  	s5 =	sadd.s32 s1, s15;
	s1 =	smov.u32 s10;
	[sflag:s20] =	ssyncadd.s32 $0xFFFFFFB0  }
0x5e: {  	[tilespmem:s23], [sflag:$0x3] =	stream.linear.gather [hbm4b:s5+s3], $0x50, $0x38;
	[tilespmem:$0x500] =	vst v63  }
0x5f: {  	_ =	swait.ge [sflag:s30], $0x50  }
.Ltmp0:
0x60: {  	[sflag:s30] =	ssyncset.done $0x0;
	(pc) =	sbr.rel @p0 .LBB2_2-.Ltmp0, $4  }
0x61: {  	[sflag:s30] =	ssyncadd.s32 $0xFFFFFFB0  }
0x62: {  	[spmem:s2] =	stream.indirect.scatter.add.f32 [tilespmem:s21], [sflag:$0x5], $0x1, s24, s26, $0xb8;
	[tilespmem:$0x500] =	vst v63  }
0x63: {  	_ =	swait.ge [sflag:s20], $0x50  }
0x64: {  	s0 =	sadd.s32 $0x140, s0;
	s5 =	smov.u32 s6;
	[sflag:s20] =	ssyncset.done $0x0  }
0x65: {  	s5 =	sadd.s32 s1, s18;
	[sflag:s20] =	ssyncadd.s32 $0xFFFFFFB0  }
0x66: {  	[tilespmem:s24], [sflag:$0x4] =	stream.linear.gather [hbm4b:s5+s3], $0x50, $0x38;
	[tilespmem:$0x500] =	vst v63  }
0x67: {  	_ =	swait.ge [sflag:s25], $0x50  }
0x68: {  	[sflag:s25] =	ssyncset.done $0x0  }
0x69: {  	[sflag:s25] =	ssyncadd.s32 $0xFFFFFFB0  }
0x6a: {  	[spmem:s2] =	stream.indirect.scatter.add.f32 [tilespmem:s21], [sflag:$0x5], $0x1, s3, s26, $0xb8;
	[tilespmem:$0x500] =	vst v63  }
0x6b: {  	_ =	swait.ge [sflag:s20], $0x50  }
0x6c: {  	s0 =	sshrl.u32 s0, $0x3;
	[sflag:s20] =	ssyncset.done $0x0  }
0x6d: {  	s0 =	sadd.s32 s4, s0;
	[sflag:s20] =	ssyncadd.s32 $0xFFFFFFB0  }
0x6e: {  	[tilespmem:s3], [sflag:$0x1] =	stream.linear.gather [hbm4b:s0+s3], $0x50, $0x38;
	[tilespmem:$0x500] =	vst v63  }
0x6f: {  	_ =	swait.ge [sflag:s28], $0x50  }
0x70: {  	[sflag:s28] =	ssyncset.done $0x0  }
0x71: {  	[sflag:s28] =	ssyncadd.s32 $0xFFFFFFB0  }
0x72: {  	[spmem:s2] =	stream.indirect.scatter.add.f32 [tilespmem:s21], [sflag:$0x5], $0x1, s22, s26, $0xb8;
	[tilespmem:$0x500] =	vst v63  }
0x73: {  	_ =	swait.ge [sflag:s20], $0x50  }
0x74: {  	[sflag:s20] =	ssyncset.done $0x0  }
0x75: {  	s9 =	sadd.s32 s1, s16;
	[sflag:s20] =	ssyncadd.s32 $0xFFFFFFB0  }
0x76: {  	[tilespmem:s22], [sflag:$0x2] =	stream.linear.gather [hbm4b:s9+s3], $0x50, $0x38;
	[tilespmem:$0x500] =	vst v63  }
0x77: {  	_ =	swait.ge [sflag:s29], $0x50  }
0x78: {  	[sflag:s29] =	ssyncset.done $0x0  }
0x79: {  	[sflag:s29] =	ssyncadd.s32 $0xFFFFFFB0  }
0x7a: {  	[spmem:s2] =	stream.indirect.scatter.add.f32 [tilespmem:s21], [sflag:$0x5], $0x1, s23, s26, $0xb8;
	[tilespmem:$0x500] =	vst v63  }
0x7b: {  	_ =	swait.ge [sflag:s20], $0x50  }
0x7c: {  	[sflag:s20] =	ssyncset.done $0x0  }
0x7d: {  	s10 =	sadd.s32 s1, s15;
	[sflag:s20] =	ssyncadd.s32 $0xFFFFFFB0  }
0x7e: {  	[tilespmem:s23], [sflag:$0x3] =	stream.linear.gather [hbm4b:s10+s3], $0x50, $0x38;
	[tilespmem:$0x500] =	vst v63  }
0x7f: {  	_ =	swait.ge [sflag:s30], $0x50  }
0x80: {  	[sflag:s30] =	ssyncset.done $0x0  }
0x81: {  	[sflag:s30] =	ssyncadd.s32 $0xFFFFFFB0  }
0x82: {  	[spmem:s2] =	stream.indirect.scatter.add.f32 [tilespmem:s21], [sflag:$0x5], $0x1, s24, s26, $0xb8;
	[tilespmem:$0x500] =	vst v63  }
0x83: {  	_ =	swait.ge [sflag:s20], $0x50  }
0x84: {  	[sflag:s20] =	ssyncset.done $0x0  }
0x85: {  	[sflag:s20] =	ssyncadd.s32 $0xFFFFFFB0  }
0x86: {  	[tilespmem:s24], [sflag:$0x4] =	stream.linear.gather [hbm4b:s11+s3], $0x50, $0x38;
	[tilespmem:$0x500] =	vst v63  }
0x87: {  	_ =	swait.ge [sflag:s25], $0x50  }
0x88: {  	[sflag:s25] =	ssyncset.done $0x0  }
0x89: {  	[sflag:s25] =	ssyncadd.s32 $0xFFFFFFB0  }
0x8a: {  	[spmem:s2] =	stream.indirect.scatter.add.f32 [tilespmem:s21], [sflag:$0x5], $0x1, s3, s26, $0xb8;
	[tilespmem:$0x500] =	vst v63  }
0x8b: {  	_ =	swait.ge [sflag:s20], $0x50  }
0x8c: {  	[sflag:s20] =	ssyncset.done $0x0  }
0x8d: {  	[sflag:s20] =	ssyncadd.s32 $0xFFFFFFB0  }
0x8e: {  	[tilespmem:s3], [sflag:$0x1] =	stream.linear.gather [hbm4b:s12+s3], $0x50, $0x38;
	[tilespmem:$0x500] =	vst v63  }
0x8f: {  	_ =	swait.ge [sflag:s28], $0x50  }
0x90: {  	[sflag:s28] =	ssyncset.done $0x0  }
0x91: {  	[sflag:s28] =	ssyncadd.s32 $0xFFFFFFB0  }
0x92: {  	[spmem:s2] =	stream.indirect.scatter.add.f32 [tilespmem:s21], [sflag:$0x5], $0x1, s22, s26, $0xb8;
	[tilespmem:$0x500] =	vst v63  }
0x93: {  	_ =	swait.ge [sflag:s20], $0x50  }
0x94: {  	[sflag:s20] =	ssyncset.done $0x0  }
0x95: {  	[sflag:s20] =	ssyncadd.s32 $0xFFFFFFB0  }
0x96: {  	_ =	swait.ge [sflag:s29], $0x50  }
0x97: {  	[sflag:s29] =	ssyncset.done $0x0  }
0x98: {  	[sflag:s29] =	ssyncadd.s32 $0xFFFFFFB0  }
0x99: {  	[spmem:s2] =	stream.indirect.scatter.add.f32 [tilespmem:s21], [sflag:$0x5], $0x1, s23, s26, $0xb8;
	[tilespmem:$0x500] =	vst v63  }
0x9a: {  	_ =	swait.ge [sflag:s20], $0x50  }
0x9b: {  	[sflag:s20] =	ssyncset.done $0x0  }
0x9c: {  	[sflag:s20] =	ssyncadd.s32 $0xFFFFFFB0  }
0x9d: {  	_ =	swait.ge [sflag:s30], $0x50  }
0x9e: {  	[sflag:s30] =	ssyncset.done $0x0  }
0x9f: {  	[sflag:s30] =	ssyncadd.s32 $0xFFFFFFB0  }
0xa0: {  	[spmem:s2] =	stream.indirect.scatter.add.f32 [tilespmem:s21], [sflag:$0x5], $0x1, s24, s26, $0xb8;
	[tilespmem:$0x500] =	vst v63  }
0xa1: {  	_ =	swait.ge [sflag:s20], $0x50  }
0xa2: {  	[sflag:s20] =	ssyncset.done $0x0  }
0xa3: {  	[sflag:s20] =	ssyncadd.s32 $0xFFFFFFB0  }
0xa4: {  	_ =	swait.ge [sflag:s25], $0x50  }
0xa5: {  	[sflag:s25] =	ssyncset.done $0x0  }
0xa6: {  	[sflag:s25] =	ssyncadd.s32 $0xFFFFFFB0  }
0xa7: {  	[spmem:s2] =	stream.indirect.scatter.add.f32 [tilespmem:s21], [sflag:$0x5], $0x1, s3, s26, $0xb8;
	[tilespmem:$0x500] =	vst v63  }
0xa8: {  	_ =	swait.ge [sflag:s20], $0x50  }
0xa9: {  	s31 =	sadd.s32 $0x1, s31;
	[sflag:s20] =	ssyncset.done $0x0  }
0xaa: {  	p0 =	sne.s32 s31, s14;
	[sflag:s20] =	ssyncadd.s32 $0xFFFFFFB0  }
.Ltmp1:
0xab: {  	[bflag:$0x0] =	sbarrier.arrive $0xFFFF;
	(pc) =	sbr.rel @p0 .LBB2_1-.Ltmp1, $4  }
0xac: {  	[hbm:s13], [sflag:s8] =	dma.local [spmem:s19], $0x50  }
0xad: {  	_ =	swait.ge [sflag:s20], $0x50  }
0xae: {  	[sflag:s20] =	ssyncset.done $0x0  }
0xaf: {  	[sflag:s20] =	ssyncadd.s32 $0xFFFFFFB0  }
0xb0: {  	_ =	sfence.sel $0x180000  }
0xb1: {  	[bflag:$0x0] =	sbarrier.arrive $0xFFFF  }
0xb2: {  	_ =	strace $0x90000047  }
0xb3: {  	s0 =	stileid.u32;
	[bflag:$0x2] =	sbarrier.arrive $0xFFFF  }
0xb4: {  	p0 =	sne.s32 s0, $0x0;
	s0 =	rddreg [dreg:$0x2]  }
0xb5: {  	s0 =	sadd.s32 @!p0 $0x100000, s0  }
0xb6: {  	[sflag:s0] =	ssyncadd.tile.s32 @!p0 $0x1;
	_ =	shalt  }
.Lfunc_end2:
_tile_overlayer_lowered:
.L_overlay_start_2:
0xb7: {  	(tag) =	ssettag $0x2  }
0xb8: {  	s0 =	rddreg [dreg:$0x0];
	s2 =	stileid.u32  }
0xb9: {  	s1 =	rddreg [dreg:$0x1];
	p0 =	sne.s32 s2, $0x0  }
0xba: {  	s3 =	rddreg [dreg:$0x2];
	[bflag:$0x3] =	sbarrier.arrive $0xFFFF;
	s2 =	simm.s32 @!p0 $0x1C05  }
0xbb: {  	[timem:s3], [sflag:s2] =	dma.local @!p0 [hbm:s0], s1  }
0xbc: {  	s0 =	simm.s32 @!p0 $0x5  }
0xbd: {  	_ =	swait.ge @!p0 [sflag:s0], s1  }
0xbe: {  	s1 =	ssub.s32 @!p0 $0x0, s1;
	[sflag:s0] =	ssyncset.done @!p0 $0x0  }
0xbf: {  	[sflag:s0] =	ssyncadd.s32 @!p0 s1  }
0xc0: {  	[bflag:$0x3] =	sbarrier.arrive $0xFFFF  }
0xc1: {  	_ =	shalt  }

</sc_bundles>
